<compile_context>
chip_gen: v7x
topology: tpu7x:2x2x1
jax: 0.10.2.dev20260603
libtpu: 0.0.44.dev20260713+nightly
codegen_flags: <defaults>
</compile_context>

<pallas_src>
import jax
import jax.numpy as jnp
from jax import lax
from jax.experimental import pallas as pl
from jax.experimental.pallas import tpu as pltpu
from jax.experimental.pallas import tpu_sc as plsc

B, MAX_ATOM, N_FEAT = 64, 128, 64
NC, NS, LANES = 2, 16, 16
NW = NC * NS
MOLS_PER_W = B // NW
NCHUNK = MAX_ATOM // LANES
NFG = N_FEAT // LANES
BLANES = 2 * LANES
NBG = N_FEAT // BLANES

_NEG = -1e30


def _sc_body(x_hbm, l_hbm, n_hbm, out_hbm, l_v, x_v, o_v, nbr_v, m_v):
    cid = lax.axis_index("c")
    sid = lax.axis_index("s")
    wid = sid * NC + cid

    lane = jnp.arange(LANES, dtype=jnp.int32)
    cols = [lane + c * LANES for c in range(NCHUNK)]

    for m in range(MOLS_PER_W):
        b = wid * MOLS_PER_W + m
        pltpu.sync_copy(l_hbm.at[b], l_v)
        pltpu.sync_copy(x_hbm.at[b], x_v)
        pltpu.sync_copy(n_hbm.at[b], m_v)
        M = m_v[...][0]

        def row_body(i, carry, M=M):
            ir = i >> 1
            ic = (i & 1) * N_FEAT
            vs = [l_v[i, pl.ds(c * LANES, LANES)] for c in range(NCHUNK)]
            msks = [(vs[c] != 0.0) & (cols[c] < M) for c in range(NCHUNK)]
            pops = [plsc.all_reduce_population_count(msks[c])[0]
                    for c in range(NCHUNK)]
            off = 0
            for c in range(NCHUNK):
                plsc.store_compressed(nbr_v.at[pl.ds(off, LANES)], cols[c],
                                      mask=msks[c])
                off = off + pops[c]
            deg = off

            def quad_body(q, accs):
                jv = nbr_v[pl.ds(q * 4, LANES)]
                accs = list(accs)
                for k in range(4):
                    ok = q * 4 + k < deg
                    j = jnp.where(ok, jv[k], 0)
                    jr = j >> 1
                    jc = (j & 1) * N_FEAT
                    for g in range(NBG):
                        accs[g] = jnp.where(
                            ok,
                            jnp.maximum(
                                accs[g],
                                x_v[jr, pl.ds(jc + g * BLANES, BLANES)]),
                            accs[g])
                return tuple(accs)

            accs = tuple(jnp.full((BLANES,), _NEG, jnp.bfloat16)
                         for _ in range(NBG))
            accs = quad_body(0, accs)
            accs = quad_body(1, accs)
            accs = quad_body(2, accs)
            accs = lax.fori_loop(3, (deg + 3) // 4, quad_body, accs)

            has_nb = deg > 0
            for g in range(NBG):
                xg = x_v[ir, pl.ds(ic + g * BLANES, BLANES)]
                og = jnp.where(has_nb, accs[g], xg)
                o_v[ir, pl.ds(ic + g * BLANES, BLANES)] = og
            return carry

        def zero_body(i, carry):
            ir = i >> 1
            ic = (i & 1) * N_FEAT
            zeros = jnp.zeros((BLANES,), jnp.bfloat16)
            for g in range(NBG):
                o_v[ir, pl.ds(ic + g * BLANES, BLANES)] = zeros
            return carry

        lax.fori_loop(0, M, row_body, 0)
        lax.fori_loop(M, MAX_ATOM, zero_body, 0)
        pltpu.sync_copy(o_v, out_hbm.at[b])


@jax.jit
def kernel(node_features, original_laplacian, data_slice, lap_slice):
    del lap_slice
    natoms = jnp.broadcast_to(data_slice[:, :1], (B, LANES)).astype(jnp.int32)
    xbf = node_features.astype(jnp.bfloat16).reshape(
        B, MAX_ATOM // 2, 2 * N_FEAT)
    mesh = plsc.VectorSubcoreMesh(core_axis_name="c", subcore_axis_name="s")
    run = pl.kernel(
        _sc_body,
        out_type=jax.ShapeDtypeStruct((B, MAX_ATOM // 2, 2 * N_FEAT),
                                      jnp.bfloat16),
        mesh=mesh,
        compiler_params=pltpu.CompilerParams(needs_layout_passes=False),
        scratch_types=[
            pltpu.VMEM((MAX_ATOM, MAX_ATOM), jnp.float32),
            pltpu.VMEM((MAX_ATOM // 2, 2 * N_FEAT), jnp.bfloat16),
            pltpu.VMEM((MAX_ATOM // 2, 2 * N_FEAT), jnp.bfloat16),
            pltpu.VMEM((MAX_ATOM + LANES,), jnp.int32),
            pltpu.VMEM((LANES,), jnp.int32),
        ],
    )
    out = run(xbf, original_laplacian, natoms)
    return out.reshape(B, MAX_ATOM, N_FEAT).astype(jnp.float32)

# --- scband reference (transcript-rebuilt; emitter-appended) ---
"""Pipeline reference for scband-graph-pool-mol-89653147337353 (READ-ONLY COPY).

The authoritative reference and input builder live on the scoring server;
editing this copy changes nothing except your own understanding.
"""

import jax, jax.numpy as jnp
import numpy as np

B, MAX_ATOM, N_FEAT = 64, 128, 64

def setup_inputs(seed: int = 0) -> dict:
    key = jax.random.key(seed)
    k1, k2, k3, k4 = jax.random.split(key, 4)
    node_features = jax.random.normal(k1, (B, MAX_ATOM, N_FEAT), dtype=jnp.float32)
    # sparse symmetric adjacency pattern (~3% density) plus self-loops, like a molecular Laplacian
    mask = jax.random.bernoulli(k2, 0.03, (B, MAX_ATOM, MAX_ATOM))
    mask = mask | jnp.transpose(mask, (0, 2, 1))
    eye = jnp.eye(MAX_ATOM, dtype=bool)[None, :, :]
    nz = mask | eye
    vals = jax.random.normal(k3, (B, MAX_ATOM, MAX_ATOM), dtype=jnp.float32)
    original_laplacian = jnp.where(nz, vals + jnp.where(eye, 4.0, 0.0), 0.0)
    n_atoms = jax.random.randint(k4, (B,), 16, MAX_ATOM + 1)
    data_slice = jnp.stack([n_atoms, jnp.full((B,), N_FEAT, dtype=n_atoms.dtype)], axis=1).astype(jnp.int32)
    lap_slice = jnp.stack([n_atoms, n_atoms], axis=1).astype(jnp.int32)
    return {
        "node_features": node_features,
        "original_laplacian": original_laplacian,
        "data_slice": data_slice,
        "lap_slice": lap_slice,
    }

def _graph_pool_mol(node_features, original_laplacian, data_slice):
    max_atom = node_features.shape[1]
    def pool_one(x, L, M):
        # original: slice x to [M, n_feat] and L to [M, M]; for each row i of L,
        # pooled[i] = max over atoms j with L[i, j] != 0 of x[j], or x[i] if no nonzeros;
        # then pad back to max_atom rows with zeros.
        valid = jnp.arange(max_atom) < M
        adj = (L != 0) & valid[None, :] & valid[:, None]
        masked = jnp.where(adj[:, :, None], x[None, :, :], -1e30)
        pooled = jnp.max(masked, axis=1)
        has_nb = jnp.any(adj, axis=1)
        pooled = jnp.where(has_nb[:, None], pooled, x)
        pooled = jnp.where(valid[:, None], pooled, 0.0)
        return pooled
    return jax.vmap(pool_one)(node_features, original_laplacian, data_slice[:, 0])

def reference(node_features, original_laplacian, data_slice, lap_slice):
    # lap_slice duplicates data_slice[:, 0] info (L sliced to [M, M]); handled via the valid mask
    return _graph_pool_mol(node_features, original_laplacian, data_slice)

if __name__ == "__main__":
    import jax
    _d = setup_inputs()
    print(jax.jit(kernel)(*tuple(_d.values())))

</pallas_src>

<mosaic_0001>
#map = affine_map<(d0, d1) -> (0, 0, 0)>
#map1 = affine_map<(d0, d1) -> (0, 0)>
module attributes {stable_mosaic.version = 14 : i64} {
  func.func @_sc_body(%arg0: i32, %arg1: i32, %arg2: memref<64x64x128xbf16, #tpu.memory_space<hbm>>, %arg3: memref<64x128x128xf32, #tpu.memory_space<hbm>>, %arg4: memref<64x16xi32, #tpu.memory_space<hbm>>, %arg5: memref<64x64x128xbf16, #tpu.memory_space<hbm>>, %arg6: memref<128x128xf32, #tpu.memory_space<vmem>>, %arg7: memref<64x128xbf16, #tpu.memory_space<vmem>>, %arg8: memref<64x128xbf16, #tpu.memory_space<vmem>>, %arg9: memref<144xi32, #tpu.memory_space<vmem>>, %arg10: memref<16xi32, #tpu.memory_space<vmem>>) attributes {dimension_semantics = [#tpu.dimension_semantics<core_parallel>, #tpu.dimension_semantics<subcore_parallel>], iteration_bounds = array<i64: 2, 16>, scalar_prefetch = 0 : i64, scratch_operands = 5 : i64, tpu.core_type = #tpu.core_type<sc_vector_subcore>, window_params = [{transform_indices = #map}, {transform_indices = #map}, {transform_indices = #map1}, {transform_indices = #map}]} {
    %mul3A = arith.constant 2 : i32
    %mul3A_0 = arith.muli %arg1, %mul3A : i32
    %add3A = arith.addi %mul3A_0, %arg0 : i32
    %iota3A = tpu.iota {dimensions = array<i32: 0>} : vector<16xi32>
    %add3A_1 = arith.constant 0 : i32
    %add3A_2 = vector.broadcast %add3A_1 : i32 to vector<16xi32>
    %add3A_3 = arith.addi %iota3A, %add3A_2 : vector<16xi32>
    %add3A_4 = arith.constant 16 : i32
    %add3A_5 = vector.broadcast %add3A_4 : i32 to vector<16xi32>
    %add3A_6 = arith.addi %iota3A, %add3A_5 : vector<16xi32>
    %add3A_7 = arith.constant 32 : i32
    %add3A_8 = vector.broadcast %add3A_7 : i32 to vector<16xi32>
    %add3A_9 = arith.addi %iota3A, %add3A_8 : vector<16xi32>
    %add3A_10 = arith.constant 48 : i32
    %add3A_11 = vector.broadcast %add3A_10 : i32 to vector<16xi32>
    %add3A_12 = arith.addi %iota3A, %add3A_11 : vector<16xi32>
    %add3A_13 = arith.constant 64 : i32
    %add3A_14 = vector.broadcast %add3A_13 : i32 to vector<16xi32>
    %add3A_15 = arith.addi %iota3A, %add3A_14 : vector<16xi32>
    %add3A_16 = arith.constant 80 : i32
    %add3A_17 = vector.broadcast %add3A_16 : i32 to vector<16xi32>
    %add3A_18 = arith.addi %iota3A, %add3A_17 : vector<16xi32>
    %add3A_19 = arith.constant 96 : i32
    %add3A_20 = vector.broadcast %add3A_19 : i32 to vector<16xi32>
    %add3A_21 = arith.addi %iota3A, %add3A_20 : vector<16xi32>
    %add3A_22 = arith.constant 112 : i32
    %add3A_23 = vector.broadcast %add3A_22 : i32 to vector<16xi32>
    %add3A_24 = arith.addi %iota3A, %add3A_23 : vector<16xi32>
    %mul3A_25 = arith.constant 2 : i32
    %mul3A_26 = arith.muli %add3A, %mul3A_25 : i32
    %add3A_27 = arith.constant 0 : i32
    %add3A_28 = arith.addi %mul3A_26, %add3A_27 : i32
    "tpu.region"() ({
      %run_scoped3A = tpu.sem_alloc : memref<!tpu.dma_semaphore, #tpu.memory_space<semaphore_mem>>
      %dma_start3A = arith.constant 0 : i32
      %dma_start3A_77 = arith.constant 0 : i32
      %dma_start3A_78 = tpu.memref_slice %arg3[%add3A_28, %dma_start3A, %dma_start3A_77] : memref<64x128x128xf32, #tpu.memory_space<hbm>> -> memref<1x128x128xf32, #tpu.memory_space<hbm>>
      %dma_start3A_79 = tpu.memref_squeeze %dma_start3A_78 : memref<1x128x128xf32, #tpu.memory_space<hbm>> -> memref<128x128xf32, #tpu.memory_space<hbm>>
      %dma_start3A_80 = arith.constant 0 : i32
      %dma_start3A_81 = arith.constant 0 : i32
      %dma_start3A_82 = tpu.memref_slice %arg3[%add3A_28, %dma_start3A_80, %dma_start3A_81] : memref<64x128x128xf32, #tpu.memory_space<hbm>> -> memref<1x128x128xf32, #tpu.memory_space<hbm>>
      %dma_start3A_83 = tpu.memref_squeeze %dma_start3A_82 : memref<1x128x128xf32, #tpu.memory_space<hbm>> -> memref<128x128xf32, #tpu.memory_space<hbm>>
      tpu.enqueue_dma source(%dma_start3A_83 : memref<128x128xf32, #tpu.memory_space<hbm>>) target(%arg6 : memref<128x128xf32, #tpu.memory_space<vmem>>) target_semaphore(%run_scoped3A : memref<!tpu.dma_semaphore, #tpu.memory_space<semaphore_mem>>)
      %dma_wait3A = arith.constant 0 : i32
      %dma_wait3A_84 = arith.constant 0 : i32
      %dma_wait3A_85 = tpu.memref_slice %arg3[%add3A_28, %dma_wait3A, %dma_wait3A_84] : memref<64x128x128xf32, #tpu.memory_space<hbm>> -> memref<1x128x128xf32, #tpu.memory_space<hbm>>
      %dma_wait3A_86 = tpu.memref_squeeze %dma_wait3A_85 : memref<1x128x128xf32, #tpu.memory_space<hbm>> -> memref<128x128xf32, #tpu.memory_space<hbm>>
      %dma_wait3A_87 = arith.constant 0 : i32
      %dma_wait3A_88 = arith.constant 0 : i32
      %dma_wait3A_89 = tpu.memref_slice %arg3[%add3A_28, %dma_wait3A_87, %dma_wait3A_88] : memref<64x128x128xf32, #tpu.memory_space<hbm>> -> memref<1x128x128xf32, #tpu.memory_space<hbm>>
      %dma_wait3A_90 = tpu.memref_squeeze %dma_wait3A_89 : memref<1x128x128xf32, #tpu.memory_space<hbm>> -> memref<128x128xf32, #tpu.memory_space<hbm>>
      tpu.wait_dma2 semaphore(%run_scoped3A : memref<!tpu.dma_semaphore, #tpu.memory_space<semaphore_mem>>) src(%dma_wait3A_90 : memref<128x128xf32, #tpu.memory_space<hbm>>) dst(%arg6 : memref<128x128xf32, #tpu.memory_space<vmem>>)
      tpu.yield
    }) : () -> ()
    "tpu.region"() ({
      %run_scoped3A = tpu.sem_alloc : memref<!tpu.dma_semaphore, #tpu.memory_space<semaphore_mem>>
      %dma_start3A = arith.constant 0 : i32
      %dma_start3A_77 = arith.constant 0 : i32
      %dma_start3A_78 = tpu.memref_slice %arg2[%add3A_28, %dma_start3A, %dma_start3A_77] : memref<64x64x128xbf16, #tpu.memory_space<hbm>> -> memref<1x64x128xbf16, #tpu.memory_space<hbm>>
      %dma_start3A_79 = tpu.memref_squeeze %dma_start3A_78 : memref<1x64x128xbf16, #tpu.memory_space<hbm>> -> memref<64x128xbf16, #tpu.memory_space<hbm>>
      %dma_start3A_80 = arith.constant 0 : i32
      %dma_start3A_81 = arith.constant 0 : i32
      %dma_start3A_82 = tpu.memref_slice %arg2[%add3A_28, %dma_start3A_80, %dma_start3A_81] : memref<64x64x128xbf16, #tpu.memory_space<hbm>> -> memref<1x64x128xbf16, #tpu.memory_space<hbm>>
      %dma_start3A_83 = tpu.memref_squeeze %dma_start3A_82 : memref<1x64x128xbf16, #tpu.memory_space<hbm>> -> memref<64x128xbf16, #tpu.memory_space<hbm>>
      tpu.enqueue_dma source(%dma_start3A_83 : memref<64x128xbf16, #tpu.memory_space<hbm>>) target(%arg7 : memref<64x128xbf16, #tpu.memory_space<vmem>>) target_semaphore(%run_scoped3A : memref<!tpu.dma_semaphore, #tpu.memory_space<semaphore_mem>>)
      %dma_wait3A = arith.constant 0 : i32
      %dma_wait3A_84 = arith.constant 0 : i32
      %dma_wait3A_85 = tpu.memref_slice %arg2[%add3A_28, %dma_wait3A, %dma_wait3A_84] : memref<64x64x128xbf16, #tpu.memory_space<hbm>> -> memref<1x64x128xbf16, #tpu.memory_space<hbm>>
      %dma_wait3A_86 = tpu.memref_squeeze %dma_wait3A_85 : memref<1x64x128xbf16, #tpu.memory_space<hbm>> -> memref<64x128xbf16, #tpu.memory_space<hbm>>
      %dma_wait3A_87 = arith.constant 0 : i32
      %dma_wait3A_88 = arith.constant 0 : i32
      %dma_wait3A_89 = tpu.memref_slice %arg2[%add3A_28, %dma_wait3A_87, %dma_wait3A_88] : memref<64x64x128xbf16, #tpu.memory_space<hbm>> -> memref<1x64x128xbf16, #tpu.memory_space<hbm>>
      %dma_wait3A_90 = tpu.memref_squeeze %dma_wait3A_89 : memref<1x64x128xbf16, #tpu.memory_space<hbm>> -> memref<64x128xbf16, #tpu.memory_space<hbm>>
      tpu.wait_dma2 semaphore(%run_scoped3A : memref<!tpu.dma_semaphore, #tpu.memory_space<semaphore_mem>>) src(%dma_wait3A_90 : memref<64x128xbf16, #tpu.memory_space<hbm>>) dst(%arg7 : memref<64x128xbf16, #tpu.memory_space<vmem>>)
      tpu.yield
    }) : () -> ()
    "tpu.region"() ({
      %run_scoped3A = tpu.sem_alloc : memref<!tpu.dma_semaphore, #tpu.memory_space<semaphore_mem>>
      %dma_start3A = arith.constant 0 : i32
      %dma_start3A_77 = tpu.memref_slice %arg4[%add3A_28, %dma_start3A] : memref<64x16xi32, #tpu.memory_space<hbm>> -> memref<1x16xi32, #tpu.memory_space<hbm>>
      %dma_start3A_78 = tpu.memref_squeeze %dma_start3A_77 : memref<1x16xi32, #tpu.memory_space<hbm>> -> memref<16xi32, #tpu.memory_space<hbm>>
      %dma_start3A_79 = arith.constant 0 : i32
      %dma_start3A_80 = tpu.memref_slice %arg4[%add3A_28, %dma_start3A_79] : memref<64x16xi32, #tpu.memory_space<hbm>> -> memref<1x16xi32, #tpu.memory_space<hbm>>
      %dma_start3A_81 = tpu.memref_squeeze %dma_start3A_80 : memref<1x16xi32, #tpu.memory_space<hbm>> -> memref<16xi32, #tpu.memory_space<hbm>>
      tpu.enqueue_dma source(%dma_start3A_81 : memref<16xi32, #tpu.memory_space<hbm>>) target(%arg10 : memref<16xi32, #tpu.memory_space<vmem>>) target_semaphore(%run_scoped3A : memref<!tpu.dma_semaphore, #tpu.memory_space<semaphore_mem>>)
      %dma_wait3A = arith.constant 0 : i32
      %dma_wait3A_82 = tpu.memref_slice %arg4[%add3A_28, %dma_wait3A] : memref<64x16xi32, #tpu.memory_space<hbm>> -> memref<1x16xi32, #tpu.memory_space<hbm>>
      %dma_wait3A_83 = tpu.memref_squeeze %dma_wait3A_82 : memref<1x16xi32, #tpu.memory_space<hbm>> -> memref<16xi32, #tpu.memory_space<hbm>>
      %dma_wait3A_84 = arith.constant 0 : i32
      %dma_wait3A_85 = tpu.memref_slice %arg4[%add3A_28, %dma_wait3A_84] : memref<64x16xi32, #tpu.memory_space<hbm>> -> memref<1x16xi32, #tpu.memory_space<hbm>>
      %dma_wait3A_86 = tpu.memref_squeeze %dma_wait3A_85 : memref<1x16xi32, #tpu.memory_space<hbm>> -> memref<16xi32, #tpu.memory_space<hbm>>
      tpu.wait_dma2 semaphore(%run_scoped3A : memref<!tpu.dma_semaphore, #tpu.memory_space<semaphore_mem>>) src(%dma_wait3A_86 : memref<16xi32, #tpu.memory_space<hbm>>) dst(%arg10 : memref<16xi32, #tpu.memory_space<vmem>>)
      tpu.yield
    }) : () -> ()
    %get3A = arith.constant 0 : index
    %get3A_29 = tpu.vector_load %arg10[%get3A] {strides = array<i32>} : memref<16xi32, #tpu.memory_space<vmem>>, vector<16xi32>,
    %slice3A = vector.extract_strided_slice %get3A_29 {offsets = [0], sizes = [1], strides = [1]} : vector<16xi32> to vector<1xi32>
    %squeeze3A = vector.extract %slice3A[0] : i32 from vector<1xi32>
    %while3A = arith.constant 0 : i32
    %while3A_30 = arith.constant 0 : i32
    %while3A_31 = arith.subi %squeeze3A, %while3A_30 : i32
    %while3A_32 = arith.addi %while3A_30, %while3A_31 : i32
    %while3A_33 = arith.constant 1 : i32
    %while3A_34 = arith.divsi %while3A_31, %while3A_33 : i32
    %while3A_35 = arith.muli %while3A_34, %while3A_33 : i32
    %while3A_36 = arith.addi %while3A_30, %while3A_35 : i32
    %while3A_37 = arith.constant 1 : i32
    scf.for %while3A_77 = %while3A_30 to %while3A_36 step %while3A_37  : i32 {
      %shift_right_arithmetic3A = arith.constant 1 : i32
      %shift_right_arithmetic3A_78 = arith.shrsi %while3A_77, %shift_right_arithmetic3A : i32
      %and3A = arith.constant 1 : i32
      %and3A_79 = arith.andi %while3A_77, %and3A : i32
      %mul3A_80 = arith.constant 64 : i32
      %mul3A_81 = arith.muli %and3A_79, %mul3A_80 : i32
      %get3A_82 = arith.index_cast %while3A_77 : i32 to index
      %get3A_83 = arith.constant 0 : index
      %get3A_84 = tpu.vector_load %arg6[%get3A_82, %get3A_83] {strides = array<i32>} : memref<128x128xf32, #tpu.memory_space<vmem>>, vector<16xf32>,
      %get3A_85 = arith.index_cast %while3A_77 : i32 to index
      %get3A_86 = arith.constant 16 : index
      %get3A_87 = tpu.vector_load %arg6[%get3A_85, %get3A_86] {strides = array<i32>} : memref<128x128xf32, #tpu.memory_space<vmem>>, vector<16xf32>,
      %get3A_88 = arith.index_cast %while3A_77 : i32 to index
      %get3A_89 = arith.constant 32 : index
      %get3A_90 = tpu.vector_load %arg6[%get3A_88, %get3A_89] {strides = array<i32>} : memref<128x128xf32, #tpu.memory_space<vmem>>, vector<16xf32>,
      %get3A_91 = arith.index_cast %while3A_77 : i32 to index
      %get3A_92 = arith.constant 48 : index
      %get3A_93 = tpu.vector_load %arg6[%get3A_91, %get3A_92] {strides = array<i32>} : memref<128x128xf32, #tpu.memory_space<vmem>>, vector<16xf32>,
      %get3A_94 = arith.index_cast %while3A_77 : i32 to index
      %get3A_95 = arith.constant 64 : index
      %get3A_96 = tpu.vector_load %arg6[%get3A_94, %get3A_95] {strides = array<i32>} : memref<128x128xf32, #tpu.memory_space<vmem>>, vector<16xf32>,
      %get3A_97 = arith.index_cast %while3A_77 : i32 to index
      %get3A_98 = arith.constant 80 : index
      %get3A_99 = tpu.vector_load %arg6[%get3A_97, %get3A_98] {strides = array<i32>} : memref<128x128xf32, #tpu.memory_space<vmem>>, vector<16xf32>,
      %get3A_100 = arith.index_cast %while3A_77 : i32 to index
      %get3A_101 = arith.constant 96 : index
      %get3A_102 = tpu.vector_load %arg6[%get3A_100, %get3A_101] {strides = array<i32>} : memref<128x128xf32, #tpu.memory_space<vmem>>, vector<16xf32>,
      %get3A_103 = arith.index_cast %while3A_77 : i32 to index
      %get3A_104 = arith.constant 112 : index
      %get3A_105 = tpu.vector_load %arg6[%get3A_103, %get3A_104] {strides = array<i32>} : memref<128x128xf32, #tpu.memory_space<vmem>>, vector<16xf32>,
      %ne3A = arith.constant 0.000000e+00 : f32
      %ne3A_106 = vector.broadcast %ne3A : f32 to vector<16xf32>
      %ne3A_107 = arith.cmpf one, %get3A_84, %ne3A_106 : vector<16xf32>
      %lt3A = vector.broadcast %squeeze3A : i32 to vector<16xi32>
      %lt3A_108 = arith.cmpi slt, %add3A_3, %lt3A : vector<16xi32>
      %and3A_109 = arith.andi %ne3A_107, %lt3A_108 : vector<16xi1>
      %ne3A_110 = arith.constant 0.000000e+00 : f32
      %ne3A_111 = vector.broadcast %ne3A_110 : f32 to vector<16xf32>
      %ne3A_112 = arith.cmpf one, %get3A_87, %ne3A_111 : vector<16xf32>
      %lt3A_113 = vector.broadcast %squeeze3A : i32 to vector<16xi32>
      %lt3A_114 = arith.cmpi slt, %add3A_6, %lt3A_113 : vector<16xi32>
      %and3A_115 = arith.andi %ne3A_112, %lt3A_114 : vector<16xi1>
      %ne3A_116 = arith.constant 0.000000e+00 : f32
      %ne3A_117 = vector.broadcast %ne3A_116 : f32 to vector<16xf32>
      %ne3A_118 = arith.cmpf one, %get3A_90, %ne3A_117 : vector<16xf32>
      %lt3A_119 = vector.broadcast %squeeze3A : i32 to vector<16xi32>
      %lt3A_120 = arith.cmpi slt, %add3A_9, %lt3A_119 : vector<16xi32>
      %and3A_121 = arith.andi %ne3A_118, %lt3A_120 : vector<16xi1>
      %ne3A_122 = arith.constant 0.000000e+00 : f32
      %ne3A_123 = vector.broadcast %ne3A_122 : f32 to vector<16xf32>
      %ne3A_124 = arith.cmpf one, %get3A_93, %ne3A_123 : vector<16xf32>
      %lt3A_125 = vector.broadcast %squeeze3A : i32 to vector<16xi32>
      %lt3A_126 = arith.cmpi slt, %add3A_12, %lt3A_125 : vector<16xi32>
      %and3A_127 = arith.andi %ne3A_124, %lt3A_126 : vector<16xi1>
      %ne3A_128 = arith.constant 0.000000e+00 : f32
      %ne3A_129 = vector.broadcast %ne3A_128 : f32 to vector<16xf32>
      %ne3A_130 = arith.cmpf one, %get3A_96, %ne3A_129 : vector<16xf32>
      %lt3A_131 = vector.broadcast %squeeze3A : i32 to vector<16xi32>
      %lt3A_132 = arith.cmpi slt, %add3A_15, %lt3A_131 : vector<16xi32>
      %and3A_133 = arith.andi %ne3A_130, %lt3A_132 : vector<16xi1>
      %ne3A_134 = arith.constant 0.000000e+00 : f32
      %ne3A_135 = vector.broadcast %ne3A_134 : f32 to vector<16xf32>
      %ne3A_136 = arith.cmpf one, %get3A_99, %ne3A_135 : vector<16xf32>
      %lt3A_137 = vector.broadcast %squeeze3A : i32 to vector<16xi32>
      %lt3A_138 = arith.cmpi slt, %add3A_18, %lt3A_137 : vector<16xi32>
      %and3A_139 = arith.andi %ne3A_136, %lt3A_138 : vector<16xi1>
      %ne3A_140 = arith.constant 0.000000e+00 : f32
      %ne3A_141 = vector.broadcast %ne3A_140 : f32 to vector<16xf32>
      %ne3A_142 = arith.cmpf one, %get3A_102, %ne3A_141 : vector<16xf32>
      %lt3A_143 = vector.broadcast %squeeze3A : i32 to vector<16xi32>
      %lt3A_144 = arith.cmpi slt, %add3A_21, %lt3A_143 : vector<16xi32>
      %and3A_145 = arith.andi %ne3A_142, %lt3A_144 : vector<16xi1>
      %ne3A_146 = arith.constant 0.000000e+00 : f32
      %ne3A_147 = vector.broadcast %ne3A_146 : f32 to vector<16xf32>
      %ne3A_148 = arith.cmpf one, %get3A_105, %ne3A_147 : vector<16xf32>
      %lt3A_149 = vector.broadcast %squeeze3A : i32 to vector<16xi32>
      %lt3A_150 = arith.cmpi slt, %add3A_24, %lt3A_149 : vector<16xi32>
      %and3A_151 = arith.andi %ne3A_148, %lt3A_150 : vector<16xi1>
      %all_reduce_population_count3A = tpu.all_reduce %and3A_109 {dim = 0 : i64, kind = #tpu.reduction_kind<sum>} : vector<16xi1> -> vector<16xi32>
      %slice3A_152 = vector.extract_strided_slice %all_reduce_population_count3A {offsets = [0], sizes = [1], strides = [1]} : vector<16xi32> to vector<1xi32>
      %squeeze3A_153 = vector.extract %slice3A_152[0] : i32 from vector<1xi32>
      %all_reduce_population_count3A_154 = tpu.all_reduce %and3A_115 {dim = 0 : i64, kind = #tpu.reduction_kind<sum>} : vector<16xi1> -> vector<16xi32>
      %slice3A_155 = vector.extract_strided_slice %all_reduce_population_count3A_154 {offsets = [0], sizes = [1], strides = [1]} : vector<16xi32> to vector<1xi32>
      %squeeze3A_156 = vector.extract %slice3A_155[0] : i32 from vector<1xi32>
      %all_reduce_population_count3A_157 = tpu.all_reduce %and3A_121 {dim = 0 : i64, kind = #tpu.reduction_kind<sum>} : vector<16xi1> -> vector<16xi32>
      %slice3A_158 = vector.extract_strided_slice %all_reduce_population_count3A_157 {offsets = [0], sizes = [1], strides = [1]} : vector<16xi32> to vector<1xi32>
      %squeeze3A_159 = vector.extract %slice3A_158[0] : i32 from vector<1xi32>
      %all_reduce_population_count3A_160 = tpu.all_reduce %and3A_127 {dim = 0 : i64, kind = #tpu.reduction_kind<sum>} : vector<16xi1> -> vector<16xi32>
      %slice3A_161 = vector.extract_strided_slice %all_reduce_population_count3A_160 {offsets = [0], sizes = [1], strides = [1]} : vector<16xi32> to vector<1xi32>
      %squeeze3A_162 = vector.extract %slice3A_161[0] : i32 from vector<1xi32>
      %all_reduce_population_count3A_163 = tpu.all_reduce %and3A_133 {dim = 0 : i64, kind = #tpu.reduction_kind<sum>} : vector<16xi1> -> vector<16xi32>
      %slice3A_164 = vector.extract_strided_slice %all_reduce_population_count3A_163 {offsets = [0], sizes = [1], strides = [1]} : vector<16xi32> to vector<1xi32>
      %squeeze3A_165 = vector.extract %slice3A_164[0] : i32 from vector<1xi32>
      %all_reduce_population_count3A_166 = tpu.all_reduce %and3A_139 {dim = 0 : i64, kind = #tpu.reduction_kind<sum>} : vector<16xi1> -> vector<16xi32>
      %slice3A_167 = vector.extract_strided_slice %all_reduce_population_count3A_166 {offsets = [0], sizes = [1], strides = [1]} : vector<16xi32> to vector<1xi32>
      %squeeze3A_168 = vector.extract %slice3A_167[0] : i32 from vector<1xi32>
      %all_reduce_population_count3A_169 = tpu.all_reduce %and3A_145 {dim = 0 : i64, kind = #tpu.reduction_kind<sum>} : vector<16xi1> -> vector<16xi32>
      %slice3A_170 = vector.extract_strided_slice %all_reduce_population_count3A_169 {offsets = [0], sizes = [1], strides = [1]} : vector<16xi32> to vector<1xi32>
      %squeeze3A_171 = vector.extract %slice3A_170[0] : i32 from vector<1xi32>
      %all_reduce_population_count3A_172 = tpu.all_reduce %and3A_151 {dim = 0 : i64, kind = #tpu.reduction_kind<sum>} : vector<16xi1> -> vector<16xi32>
      %slice3A_173 = vector.extract_strided_slice %all_reduce_population_count3A_172 {offsets = [0], sizes = [1], strides = [1]} : vector<16xi32> to vector<1xi32>
      %squeeze3A_174 = vector.extract %slice3A_173[0] : i32 from vector<1xi32>
      %swap3A = arith.constant 0 : index
      %swap3A_175 = tpu.vector_load %arg9[%swap3A] masked %and3A_109 {strides = array<i32>} : memref<144xi32, #tpu.memory_space<vmem>>, vector<16xi32>, vector<16xi1>
      tpu.vector_store %arg9[%swap3A], %add3A_3 masked %and3A_109 {strides = array<i32>} : memref<144xi32, #tpu.memory_space<vmem>>, vector<16xi32>, vector<16xi1>
      %add3A_176 = arith.constant 0 : i32
      %add3A_177 = arith.addi %add3A_176, %squeeze3A_153 : i32
      %swap3A_178 = arith.index_cast %add3A_177 : i32 to index
      %swap3A_179 = tpu.vector_load %arg9[%swap3A_178] masked %and3A_115 {strides = array<i32>} : memref<144xi32, #tpu.memory_space<vmem>>, vector<16xi32>, vector<16xi1>
      tpu.vector_store %arg9[%swap3A_178], %add3A_6 masked %and3A_115 {strides = array<i32>} : memref<144xi32, #tpu.memory_space<vmem>>, vector<16xi32>, vector<16xi1>
      %add3A_180 = arith.addi %add3A_177, %squeeze3A_156 : i32
      %swap3A_181 = arith.index_cast %add3A_180 : i32 to index
      %swap3A_182 = tpu.vector_load %arg9[%swap3A_181] masked %and3A_121 {strides = array<i32>} : memref<144xi32, #tpu.memory_space<vmem>>, vector<16xi32>, vector<16xi1>
      tpu.vector_store %arg9[%swap3A_181], %add3A_9 masked %and3A_121 {strides = array<i32>} : memref<144xi32, #tpu.memory_space<vmem>>, vector<16xi32>, vector<16xi1>
      %add3A_183 = arith.addi %add3A_180, %squeeze3A_159 : i32
      %swap3A_184 = arith.index_cast %add3A_183 : i32 to index
      %swap3A_185 = tpu.vector_load %arg9[%swap3A_184] masked %and3A_127 {strides = array<i32>} : memref<144xi32, #tpu.memory_space<vmem>>, vector<16xi32>, vector<16xi1>
      tpu.vector_store %arg9[%swap3A_184], %add3A_12 masked %and3A_127 {strides = array<i32>} : memref<144xi32, #tpu.memory_space<vmem>>, vector<16xi32>, vector<16xi1>
      %add3A_186 = arith.addi %add3A_183, %squeeze3A_162 : i32
      %swap3A_187 = arith.index_cast %add3A_186 : i32 to index
      %swap3A_188 = tpu.vector_load %arg9[%swap3A_187] masked %and3A_133 {strides = array<i32>} : memref<144xi32, #tpu.memory_space<vmem>>, vector<16xi32>, vector<16xi1>
      tpu.vector_store %arg9[%swap3A_187], %add3A_15 masked %and3A_133 {strides = array<i32>} : memref<144xi32, #tpu.memory_space<vmem>>, vector<16xi32>, vector<16xi1>
      %add3A_189 = arith.addi %add3A_186, %squeeze3A_165 : i32
      %swap3A_190 = arith.index_cast %add3A_189 : i32 to index
      %swap3A_191 = tpu.vector_load %arg9[%swap3A_190] masked %and3A_139 {strides = array<i32>} : memref<144xi32, #tpu.memory_space<vmem>>, vector<16xi32>, vector<16xi1>
      tpu.vector_store %arg9[%swap3A_190], %add3A_18 masked %and3A_139 {strides = array<i32>} : memref<144xi32, #tpu.memory_space<vmem>>, vector<16xi32>, vector<16xi1>
      %add3A_192 = arith.addi %add3A_189, %squeeze3A_168 : i32
      %swap3A_193 = arith.index_cast %add3A_192 : i32 to index
      %swap3A_194 = tpu.vector_load %arg9[%swap3A_193] masked %and3A_145 {strides = array<i32>} : memref<144xi32, #tpu.memory_space<vmem>>, vector<16xi32>, vector<16xi1>
      tpu.vector_store %arg9[%swap3A_193], %add3A_21 masked %and3A_145 {strides = array<i32>} : memref<144xi32, #tpu.memory_space<vmem>>, vector<16xi32>, vector<16xi1>
      %add3A_195 = arith.addi %add3A_192, %squeeze3A_171 : i32
      %swap3A_196 = arith.index_cast %add3A_195 : i32 to index
      %swap3A_197 = tpu.vector_load %arg9[%swap3A_196] masked %and3A_151 {strides = array<i32>} : memref<144xi32, #tpu.memory_space<vmem>>, vector<16xi32>, vector<16xi1>
      tpu.vector_store %arg9[%swap3A_196], %add3A_24 masked %and3A_151 {strides = array<i32>} : memref<144xi32, #tpu.memory_space<vmem>>, vector<16xi32>, vector<16xi1>
      %add3A_198 = arith.addi %add3A_195, %squeeze3A_174 : i32
      %broadcast_in_dim3A = arith.constant -1.000260e+30 : bf16
      %broadcast_in_dim3A_199 = vector.broadcast %broadcast_in_dim3A : bf16 to vector<32xbf16>
      %broadcast_in_dim3A_200 = arith.constant -1.000260e+30 : bf16
      %broadcast_in_dim3A_201 = vector.broadcast %broadcast_in_dim3A_200 : bf16 to vector<32xbf16>
      %get3A_202 = arith.constant 0 : index
      %get3A_203 = tpu.vector_load %arg9[%get3A_202] {strides = array<i32>} : memref<144xi32, #tpu.memory_space<vmem>>, vector<16xi32>,
      %gt3A = arith.constant 0 : i32
      %gt3A_204 = arith.cmpi sgt, %add3A_198, %gt3A : i32
      %slice3A_205 = vector.extract_strided_slice %get3A_203 {offsets = [0], sizes = [1], strides = [1]} : vector<16xi32> to vector<1xi32>
      %squeeze3A_206 = vector.extract %slice3A_205[0] : i32 from vector<1xi32>
      %jit3A = arith.constant 0 : i32
      %select_n3A = arith.select %gt3A_204, %squeeze3A_206, %jit3A : i32
      %shift_right_arithmetic3A_207 = arith.constant 1 : i32
      %shift_right_arithmetic3A_208 = arith.shrsi %select_n3A, %shift_right_arithmetic3A_207 : i32
      %and3A_209 = arith.constant 1 : i32
      %and3A_210 = arith.andi %select_n3A, %and3A_209 : i32
      %mul3A_211 = arith.constant 64 : i32
      %mul3A_212 = arith.muli %and3A_210, %mul3A_211 : i32
      %add3A_213 = arith.constant 0 : i32
      %add3A_214 = arith.addi %mul3A_212, %add3A_213 : i32
      %get3A_215 = arith.index_cast %shift_right_arithmetic3A_208 : i32 to index
      %get3A_216 = arith.index_cast %add3A_214 : i32 to index
      %get3A_217 = tpu.vector_load %arg7[%get3A_215, %get3A_216] {strides = array<i32>} : memref<64x128xbf16, #tpu.memory_space<vmem>>, vector<32xbf16>,
      %max3A = arith.maximumf %broadcast_in_dim3A_199, %get3A_217 : vector<32xbf16>
      %select_n3A_218 = arith.select %gt3A_204, %max3A, %broadcast_in_dim3A_199 : vector<32xbf16>
      %add3A_219 = arith.constant 32 : i32
      %add3A_220 = arith.addi %mul3A_212, %add3A_219 : i32
      %get3A_221 = arith.index_cast %shift_right_arithmetic3A_208 : i32 to index
      %get3A_222 = arith.index_cast %add3A_220 : i32 to index
      %get3A_223 = tpu.vector_load %arg7[%get3A_221, %get3A_222] {strides = array<i32>} : memref<64x128xbf16, #tpu.memory_space<vmem>>, vector<32xbf16>,
      %max3A_224 = arith.maximumf %broadcast_in_dim3A_201, %get3A_223 : vector<32xbf16>
      %select_n3A_225 = arith.select %gt3A_204, %max3A_224, %broadcast_in_dim3A_201 : vector<32xbf16>
      %gt3A_226 = arith.constant 1 : i32
      %gt3A_227 = arith.cmpi sgt, %add3A_198, %gt3A_226 : i32
      %slice3A_228 = vector.extract_strided_slice %get3A_203 {offsets = [1], sizes = [1], strides = [1]} : vector<16xi32> to vector<1xi32>
      %squeeze3A_229 = vector.extract %slice3A_228[0] : i32 from vector<1xi32>
      %jit3A_230 = arith.constant 0 : i32
      %select_n3A_231 = arith.select %gt3A_227, %squeeze3A_229, %jit3A_230 : i32
      %shift_right_arithmetic3A_232 = arith.constant 1 : i32
      %shift_right_arithmetic3A_233 = arith.shrsi %select_n3A_231, %shift_right_arithmetic3A_232 : i32
      %and3A_234 = arith.constant 1 : i32
      %and3A_235 = arith.andi %select_n3A_231, %and3A_234 : i32
      %mul3A_236 = arith.constant 64 : i32
      %mul3A_237 = arith.muli %and3A_235, %mul3A_236 : i32
      %add3A_238 = arith.constant 0 : i32
      %add3A_239 = arith.addi %mul3A_237, %add3A_238 : i32
      %get3A_240 = arith.index_cast %shift_right_arithmetic3A_233 : i32 to index
      %get3A_241 = arith.index_cast %add3A_239 : i32 to index
      %get3A_242 = tpu.vector_load %arg7[%get3A_240, %get3A_241] {strides = array<i32>} : memref<64x128xbf16, #tpu.memory_space<vmem>>, vector<32xbf16>,
      %max3A_243 = arith.maximumf %select_n3A_218, %get3A_242 : vector<32xbf16>
      %select_n3A_244 = arith.select %gt3A_227, %max3A_243, %select_n3A_218 : vector<32xbf16>
      %add3A_245 = arith.constant 32 : i32
      %add3A_246 = arith.addi %mul3A_237, %add3A_245 : i32
      %get3A_247 = arith.index_cast %shift_right_arithmetic3A_233 : i32 to index
      %get3A_248 = arith.index_cast %add3A_246 : i32 to index
      %get3A_249 = tpu.vector_load %arg7[%get3A_247, %get3A_248] {strides = array<i32>} : memref<64x128xbf16, #tpu.memory_space<vmem>>, vector<32xbf16>,
      %max3A_250 = arith.maximumf %select_n3A_225, %get3A_249 : vector<32xbf16>
      %select_n3A_251 = arith.select %gt3A_227, %max3A_250, %select_n3A_225 : vector<32xbf16>
      %gt3A_252 = arith.constant 2 : i32
      %gt3A_253 = arith.cmpi sgt, %add3A_198, %gt3A_252 : i32
      %slice3A_254 = vector.extract_strided_slice %get3A_203 {offsets = [2], sizes = [1], strides = [1]} : vector<16xi32> to vector<1xi32>
      %squeeze3A_255 = vector.extract %slice3A_254[0] : i32 from vector<1xi32>
      %jit3A_256 = arith.constant 0 : i32
      %select_n3A_257 = arith.select %gt3A_253, %squeeze3A_255, %jit3A_256 : i32
      %shift_right_arithmetic3A_258 = arith.constant 1 : i32
      %shift_right_arithmetic3A_259 = arith.shrsi %select_n3A_257, %shift_right_arithmetic3A_258 : i32
      %and3A_260 = arith.constant 1 : i32
      %and3A_261 = arith.andi %select_n3A_257, %and3A_260 : i32
      %mul3A_262 = arith.constant 64 : i32
      %mul3A_263 = arith.muli %and3A_261, %mul3A_262 : i32
      %add3A_264 = arith.constant 0 : i32
      %add3A_265 = arith.addi %mul3A_263, %add3A_264 : i32
      %get3A_266 = arith.index_cast %shift_right_arithmetic3A_259 : i32 to index
      %get3A_267 = arith.index_cast %add3A_265 : i32 to index
      %get3A_268 = tpu.vector_load %arg7[%get3A_266, %get3A_267] {strides = array<i32>} : memref<64x128xbf16, #tpu.memory_space<vmem>>, vector<32xbf16>,
      %max3A_269 = arith.maximumf %select_n3A_244, %get3A_268 : vector<32xbf16>
      %select_n3A_270 = arith.select %gt3A_253, %max3A_269, %select_n3A_244 : vector<32xbf16>
      %add3A_271 = arith.constant 32 : i32
      %add3A_272 = arith.addi %mul3A_263, %add3A_271 : i32
      %get3A_273 = arith.index_cast %shift_right_arithmetic3A_259 : i32 to index
      %get3A_274 = arith.index_cast %add3A_272 : i32 to index
      %get3A_275 = tpu.vector_load %arg7[%get3A_273, %get3A_274] {strides = array<i32>} : memref<64x128xbf16, #tpu.memory_space<vmem>>, vector<32xbf16>,
      %max3A_276 = arith.maximumf %select_n3A_251, %get3A_275 : vector<32xbf16>
      %select_n3A_277 = arith.select %gt3A_253, %max3A_276, %select_n3A_251 : vector<32xbf16>
      %gt3A_278 = arith.constant 3 : i32
      %gt3A_279 = arith.cmpi sgt, %add3A_198, %gt3A_278 : i32
      %slice3A_280 = vector.extract_strided_slice %get3A_203 {offsets = [3], sizes = [1], strides = [1]} : vector<16xi32> to vector<1xi32>
      %squeeze3A_281 = vector.extract %slice3A_280[0] : i32 from vector<1xi32>
      %jit3A_282 = arith.constant 0 : i32
      %select_n3A_283 = arith.select %gt3A_279, %squeeze3A_281, %jit3A_282 : i32
      %shift_right_arithmetic3A_284 = arith.constant 1 : i32
      %shift_right_arithmetic3A_285 = arith.shrsi %select_n3A_283, %shift_right_arithmetic3A_284 : i32
      %and3A_286 = arith.constant 1 : i32
      %and3A_287 = arith.andi %select_n3A_283, %and3A_286 : i32
      %mul3A_288 = arith.constant 64 : i32
      %mul3A_289 = arith.muli %and3A_287, %mul3A_288 : i32
      %add3A_290 = arith.constant 0 : i32
      %add3A_291 = arith.addi %mul3A_289, %add3A_290 : i32
      %get3A_292 = arith.index_cast %shift_right_arithmetic3A_285 : i32 to index
      %get3A_293 = arith.index_cast %add3A_291 : i32 to index
      %get3A_294 = tpu.vector_load %arg7[%get3A_292, %get3A_293] {strides = array<i32>} : memref<64x128xbf16, #tpu.memory_space<vmem>>, vector<32xbf16>,
      %max3A_295 = arith.maximumf %select_n3A_270, %get3A_294 : vector<32xbf16>
      %select_n3A_296 = arith.select %gt3A_279, %max3A_295, %select_n3A_270 : vector<32xbf16>
      %add3A_297 = arith.constant 32 : i32
      %add3A_298 = arith.addi %mul3A_289, %add3A_297 : i32
      %get3A_299 = arith.index_cast %shift_right_arithmetic3A_285 : i32 to index
      %get3A_300 = arith.index_cast %add3A_298 : i32 to index
      %get3A_301 = tpu.vector_load %arg7[%get3A_299, %get3A_300] {strides = array<i32>} : memref<64x128xbf16, #tpu.memory_space<vmem>>, vector<32xbf16>,
      %max3A_302 = arith.maximumf %select_n3A_277, %get3A_301 : vector<32xbf16>
      %select_n3A_303 = arith.select %gt3A_279, %max3A_302, %select_n3A_277 : vector<32xbf16>
      %get3A_304 = arith.constant 4 : index
      %get3A_305 = tpu.vector_load %arg9[%get3A_304] {strides = array<i32>} : memref<144xi32, #tpu.memory_space<vmem>>, vector<16xi32>,
      %gt3A_306 = arith.constant 4 : i32
      %gt3A_307 = arith.cmpi sgt, %add3A_198, %gt3A_306 : i32
      %slice3A_308 = vector.extract_strided_slice %get3A_305 {offsets = [0], sizes = [1], strides = [1]} : vector<16xi32> to vector<1xi32>
      %squeeze3A_309 = vector.extract %slice3A_308[0] : i32 from vector<1xi32>
      %jit3A_310 = arith.constant 0 : i32
      %select_n3A_311 = arith.select %gt3A_307, %squeeze3A_309, %jit3A_310 : i32
      %shift_right_arithmetic3A_312 = arith.constant 1 : i32
      %shift_right_arithmetic3A_313 = arith.shrsi %select_n3A_311, %shift_right_arithmetic3A_312 : i32
      %and3A_314 = arith.constant 1 : i32
      %and3A_315 = arith.andi %select_n3A_311, %and3A_314 : i32
      %mul3A_316 = arith.constant 64 : i32
      %mul3A_317 = arith.muli %and3A_315, %mul3A_316 : i32
      %add3A_318 = arith.constant 0 : i32
      %add3A_319 = arith.addi %mul3A_317, %add3A_318 : i32
      %get3A_320 = arith.index_cast %shift_right_arithmetic3A_313 : i32 to index
      %get3A_321 = arith.index_cast %add3A_319 : i32 to index
      %get3A_322 = tpu.vector_load %arg7[%get3A_320, %get3A_321] {strides = array<i32>} : memref<64x128xbf16, #tpu.memory_space<vmem>>, vector<32xbf16>,
      %max3A_323 = arith.maximumf %select_n3A_296, %get3A_322 : vector<32xbf16>
      %select_n3A_324 = arith.select %gt3A_307, %max3A_323, %select_n3A_296 : vector<32xbf16>
      %add3A_325 = arith.constant 32 : i32
      %add3A_326 = arith.addi %mul3A_317, %add3A_325 : i32
      %get3A_327 = arith.index_cast %shift_right_arithmetic3A_313 : i32 to index
      %get3A_328 = arith.index_cast %add3A_326 : i32 to index
      %get3A_329 = tpu.vector_load %arg7[%get3A_327, %get3A_328] {strides = array<i32>} : memref<64x128xbf16, #tpu.memory_space<vmem>>, vector<32xbf16>,
      %max3A_330 = arith.maximumf %select_n3A_303, %get3A_329 : vector<32xbf16>
      %select_n3A_331 = arith.select %gt3A_307, %max3A_330, %select_n3A_303 : vector<32xbf16>
      %gt3A_332 = arith.constant 5 : i32
      %gt3A_333 = arith.cmpi sgt, %add3A_198, %gt3A_332 : i32
      %slice3A_334 = vector.extract_strided_slice %get3A_305 {offsets = [1], sizes = [1], strides = [1]} : vector<16xi32> to vector<1xi32>
      %squeeze3A_335 = vector.extract %slice3A_334[0] : i32 from vector<1xi32>
      %jit3A_336 = arith.constant 0 : i32
      %select_n3A_337 = arith.select %gt3A_333, %squeeze3A_335, %jit3A_336 : i32
      %shift_right_arithmetic3A_338 = arith.constant 1 : i32
      %shift_right_arithmetic3A_339 = arith.shrsi %select_n3A_337, %shift_right_arithmetic3A_338 : i32
      %and3A_340 = arith.constant 1 : i32
      %and3A_341 = arith.andi %select_n3A_337, %and3A_340 : i32
      %mul3A_342 = arith.constant 64 : i32
      %mul3A_343 = arith.muli %and3A_341, %mul3A_342 : i32
      %add3A_344 = arith.constant 0 : i32
      %add3A_345 = arith.addi %mul3A_343, %add3A_344 : i32
      %get3A_346 = arith.index_cast %shift_right_arithmetic3A_339 : i32 to index
      %get3A_347 = arith.index_cast %add3A_345 : i32 to index
      %get3A_348 = tpu.vector_load %arg7[%get3A_346, %get3A_347] {strides = array<i32>} : memref<64x128xbf16, #tpu.memory_space<vmem>>, vector<32xbf16>,
      %max3A_349 = arith.maximumf %select_n3A_324, %get3A_348 : vector<32xbf16>
      %select_n3A_350 = arith.select %gt3A_333, %max3A_349, %select_n3A_324 : vector<32xbf16>
      %add3A_351 = arith.constant 32 : i32
      %add3A_352 = arith.addi %mul3A_343, %add3A_351 : i32
      %get3A_353 = arith.index_cast %shift_right_arithmetic3A_339 : i32 to index
      %get3A_354 = arith.index_cast %add3A_352 : i32 to index
      %get3A_355 = tpu.vector_load %arg7[%get3A_353, %get3A_354] {strides = array<i32>} : memref<64x128xbf16, #tpu.memory_space<vmem>>, vector<32xbf16>,
      %max3A_356 = arith.maximumf %select_n3A_331, %get3A_355 : vector<32xbf16>
      %select_n3A_357 = arith.select %gt3A_333, %max3A_356, %select_n3A_331 : vector<32xbf16>
      %gt3A_358 = arith.constant 6 : i32
      %gt3A_359 = arith.cmpi sgt, %add3A_198, %gt3A_358 : i32
      %slice3A_360 = vector.extract_strided_slice %get3A_305 {offsets = [2], sizes = [1], strides = [1]} : vector<16xi32> to vector<1xi32>
      %squeeze3A_361 = vector.extract %slice3A_360[0] : i32 from vector<1xi32>
      %jit3A_362 = arith.constant 0 : i32
      %select_n3A_363 = arith.select %gt3A_359, %squeeze3A_361, %jit3A_362 : i32
      %shift_right_arithmetic3A_364 = arith.constant 1 : i32
      %shift_right_arithmetic3A_365 = arith.shrsi %select_n3A_363, %shift_right_arithmetic3A_364 : i32
      %and3A_366 = arith.constant 1 : i32
      %and3A_367 = arith.andi %select_n3A_363, %and3A_366 : i32
      %mul3A_368 = arith.constant 64 : i32
      %mul3A_369 = arith.muli %and3A_367, %mul3A_368 : i32
      %add3A_370 = arith.constant 0 : i32
      %add3A_371 = arith.addi %mul3A_369, %add3A_370 : i32
      %get3A_372 = arith.index_cast %shift_right_arithmetic3A_365 : i32 to index
      %get3A_373 = arith.index_cast %add3A_371 : i32 to index
      %get3A_374 = tpu.vector_load %arg7[%get3A_372, %get3A_373] {strides = array<i32>} : memref<64x128xbf16, #tpu.memory_space<vmem>>, vector<32xbf16>,
      %max3A_375 = arith.maximumf %select_n3A_350, %get3A_374 : vector<32xbf16>
      %select_n3A_376 = arith.select %gt3A_359, %max3A_375, %select_n3A_350 : vector<32xbf16>
      %add3A_377 = arith.constant 32 : i32
      %add3A_378 = arith.addi %mul3A_369, %add3A_377 : i32
      %get3A_379 = arith.index_cast %shift_right_arithmetic3A_365 : i32 to index
      %get3A_380 = arith.index_cast %add3A_378 : i32 to index
      %get3A_381 = tpu.vector_load %arg7[%get3A_379, %get3A_380] {strides = array<i32>} : memref<64x128xbf16, #tpu.memory_space<vmem>>, vector<32xbf16>,
      %max3A_382 = arith.maximumf %select_n3A_357, %get3A_381 : vector<32xbf16>
      %select_n3A_383 = arith.select %gt3A_359, %max3A_382, %select_n3A_357 : vector<32xbf16>
      %gt3A_384 = arith.constant 7 : i32
      %gt3A_385 = arith.cmpi sgt, %add3A_198, %gt3A_384 : i32
      %slice3A_386 = vector.extract_strided_slice %get3A_305 {offsets = [3], sizes = [1], strides = [1]} : vector<16xi32> to vector<1xi32>
      %squeeze3A_387 = vector.extract %slice3A_386[0] : i32 from vector<1xi32>
      %jit3A_388 = arith.constant 0 : i32
      %select_n3A_389 = arith.select %gt3A_385, %squeeze3A_387, %jit3A_388 : i32
      %shift_right_arithmetic3A_390 = arith.constant 1 : i32
      %shift_right_arithmetic3A_391 = arith.shrsi %select_n3A_389, %shift_right_arithmetic3A_390 : i32
      %and3A_392 = arith.constant 1 : i32
      %and3A_393 = arith.andi %select_n3A_389, %and3A_392 : i32
      %mul3A_394 = arith.constant 64 : i32
      %mul3A_395 = arith.muli %and3A_393, %mul3A_394 : i32
      %add3A_396 = arith.constant 0 : i32
      %add3A_397 = arith.addi %mul3A_395, %add3A_396 : i32
      %get3A_398 = arith.index_cast %shift_right_arithmetic3A_391 : i32 to index
      %get3A_399 = arith.index_cast %add3A_397 : i32 to index
      %get3A_400 = tpu.vector_load %arg7[%get3A_398, %get3A_399] {strides = array<i32>} : memref<64x128xbf16, #tpu.memory_space<vmem>>, vector<32xbf16>,
      %max3A_401 = arith.maximumf %select_n3A_376, %get3A_400 : vector<32xbf16>
      %select_n3A_402 = arith.select %gt3A_385, %max3A_401, %select_n3A_376 : vector<32xbf16>
      %add3A_403 = arith.constant 32 : i32
      %add3A_404 = arith.addi %mul3A_395, %add3A_403 : i32
      %get3A_405 = arith.index_cast %shift_right_arithmetic3A_391 : i32 to index
      %get3A_406 = arith.index_cast %add3A_404 : i32 to index
      %get3A_407 = tpu.vector_load %arg7[%get3A_405, %get3A_406] {strides = array<i32>} : memref<64x128xbf16, #tpu.memory_space<vmem>>, vector<32xbf16>,
      %max3A_408 = arith.maximumf %select_n3A_383, %get3A_407 : vector<32xbf16>
      %select_n3A_409 = arith.select %gt3A_385, %max3A_408, %select_n3A_383 : vector<32xbf16>
      %get3A_410 = arith.constant 8 : index
      %get3A_411 = tpu.vector_load %arg9[%get3A_410] {strides = array<i32>} : memref<144xi32, #tpu.memory_space<vmem>>, vector<16xi32>,
      %gt3A_412 = arith.constant 8 : i32
      %gt3A_413 = arith.cmpi sgt, %add3A_198, %gt3A_412 : i32
      %slice3A_414 = vector.extract_strided_slice %get3A_411 {offsets = [0], sizes = [1], strides = [1]} : vector<16xi32> to vector<1xi32>
      %squeeze3A_415 = vector.extract %slice3A_414[0] : i32 from vector<1xi32>
      %jit3A_416 = arith.constant 0 : i32
      %select_n3A_417 = arith.select %gt3A_413, %squeeze3A_415, %jit3A_416 : i32
      %shift_right_arithmetic3A_418 = arith.constant 1 : i32
      %shift_right_arithmetic3A_419 = arith.shrsi %select_n3A_417, %shift_right_arithmetic3A_418 : i32
      %and3A_420 = arith.constant 1 : i32
      %and3A_421 = arith.andi %select_n3A_417, %and3A_420 : i32
      %mul3A_422 = arith.constant 64 : i32
      %mul3A_423 = arith.muli %and3A_421, %mul3A_422 : i32
      %add3A_424 = arith.constant 0 : i32
      %add3A_425 = arith.addi %mul3A_423, %add3A_424 : i32
      %get3A_426 = arith.index_cast %shift_right_arithmetic3A_419 : i32 to index
      %get3A_427 = arith.index_cast %add3A_425 : i32 to index
      %get3A_428 = tpu.vector_load %arg7[%get3A_426, %get3A_427] {strides = array<i32>} : memref<64x128xbf16, #tpu.memory_space<vmem>>, vector<32xbf16>,
      %max3A_429 = arith.maximumf %select_n3A_402, %get3A_428 : vector<32xbf16>
      %select_n3A_430 = arith.select %gt3A_413, %max3A_429, %select_n3A_402 : vector<32xbf16>
      %add3A_431 = arith.constant 32 : i32
      %add3A_432 = arith.addi %mul3A_423, %add3A_431 : i32
      %get3A_433 = arith.index_cast %shift_right_arithmetic3A_419 : i32 to index
      %get3A_434 = arith.index_cast %add3A_432 : i32 to index
      %get3A_435 = tpu.vector_load %arg7[%get3A_433, %get3A_434] {strides = array<i32>} : memref<64x128xbf16, #tpu.memory_space<vmem>>, vector<32xbf16>,
      %max3A_436 = arith.maximumf %select_n3A_409, %get3A_435 : vector<32xbf16>
      %select_n3A_437 = arith.select %gt3A_413, %max3A_436, %select_n3A_409 : vector<32xbf16>
      %gt3A_438 = arith.constant 9 : i32
      %gt3A_439 = arith.cmpi sgt, %add3A_198, %gt3A_438 : i32
      %slice3A_440 = vector.extract_strided_slice %get3A_411 {offsets = [1], sizes = [1], strides = [1]} : vector<16xi32> to vector<1xi32>
      %squeeze3A_441 = vector.extract %slice3A_440[0] : i32 from vector<1xi32>
      %jit3A_442 = arith.constant 0 : i32
      %select_n3A_443 = arith.select %gt3A_439, %squeeze3A_441, %jit3A_442 : i32
      %shift_right_arithmetic3A_444 = arith.constant 1 : i32
      %shift_right_arithmetic3A_445 = arith.shrsi %select_n3A_443, %shift_right_arithmetic3A_444 : i32
      %and3A_446 = arith.constant 1 : i32
      %and3A_447 = arith.andi %select_n3A_443, %and3A_446 : i32
      %mul3A_448 = arith.constant 64 : i32
      %mul3A_449 = arith.muli %and3A_447, %mul3A_448 : i32
      %add3A_450 = arith.constant 0 : i32
      %add3A_451 = arith.addi %mul3A_449, %add3A_450 : i32
      %get3A_452 = arith.index_cast %shift_right_arithmetic3A_445 : i32 to index
      %get3A_453 = arith.index_cast %add3A_451 : i32 to index
      %get3A_454 = tpu.vector_load %arg7[%get3A_452, %get3A_453] {strides = array<i32>} : memref<64x128xbf16, #tpu.memory_space<vmem>>, vector<32xbf16>,
      %max3A_455 = arith.maximumf %select_n3A_430, %get3A_454 : vector<32xbf16>
      %select_n3A_456 = arith.select %gt3A_439, %max3A_455, %select_n3A_430 : vector<32xbf16>
      %add3A_457 = arith.constant 32 : i32
      %add3A_458 = arith.addi %mul3A_449, %add3A_457 : i32
      %get3A_459 = arith.index_cast %shift_right_arithmetic3A_445 : i32 to index
      %get3A_460 = arith.index_cast %add3A_458 : i32 to index
      %get3A_461 = tpu.vector_load %arg7[%get3A_459, %get3A_460] {strides = array<i32>} : memref<64x128xbf16, #tpu.memory_space<vmem>>, vector<32xbf16>,
      %max3A_462 = arith.maximumf %select_n3A_437, %get3A_461 : vector<32xbf16>
      %select_n3A_463 = arith.select %gt3A_439, %max3A_462, %select_n3A_437 : vector<32xbf16>
      %gt3A_464 = arith.constant 10 : i32
      %gt3A_465 = arith.cmpi sgt, %add3A_198, %gt3A_464 : i32
      %slice3A_466 = vector.extract_strided_slice %get3A_411 {offsets = [2], sizes = [1], strides = [1]} : vector<16xi32> to vector<1xi32>
      %squeeze3A_467 = vector.extract %slice3A_466[0] : i32 from vector<1xi32>
      %jit3A_468 = arith.constant 0 : i32
      %select_n3A_469 = arith.select %gt3A_465, %squeeze3A_467, %jit3A_468 : i32
      %shift_right_arithmetic3A_470 = arith.constant 1 : i32
      %shift_right_arithmetic3A_471 = arith.shrsi %select_n3A_469, %shift_right_arithmetic3A_470 : i32
      %and3A_472 = arith.constant 1 : i32
      %and3A_473 = arith.andi %select_n3A_469, %and3A_472 : i32
      %mul3A_474 = arith.constant 64 : i32
      %mul3A_475 = arith.muli %and3A_473, %mul3A_474 : i32
      %add3A_476 = arith.constant 0 : i32
      %add3A_477 = arith.addi %mul3A_475, %add3A_476 : i32
      %get3A_478 = arith.index_cast %shift_right_arithmetic3A_471 : i32 to index
      %get3A_479 = arith.index_cast %add3A_477 : i32 to index
      %get3A_480 = tpu.vector_load %arg7[%get3A_478, %get3A_479] {strides = array<i32>} : memref<64x128xbf16, #tpu.memory_space<vmem>>, vector<32xbf16>,
      %max3A_481 = arith.maximumf %select_n3A_456, %get3A_480 : vector<32xbf16>
      %select_n3A_482 = arith.select %gt3A_465, %max3A_481, %select_n3A_456 : vector<32xbf16>
      %add3A_483 = arith.constant 32 : i32
      %add3A_484 = arith.addi %mul3A_475, %add3A_483 : i32
      %get3A_485 = arith.index_cast %shift_right_arithmetic3A_471 : i32 to index
      %get3A_486 = arith.index_cast %add3A_484 : i32 to index
      %get3A_487 = tpu.vector_load %arg7[%get3A_485, %get3A_486] {strides = array<i32>} : memref<64x128xbf16, #tpu.memory_space<vmem>>, vector<32xbf16>,
      %max3A_488 = arith.maximumf %select_n3A_463, %get3A_487 : vector<32xbf16>
      %select_n3A_489 = arith.select %gt3A_465, %max3A_488, %select_n3A_463 : vector<32xbf16>
      %gt3A_490 = arith.constant 11 : i32
      %gt3A_491 = arith.cmpi sgt, %add3A_198, %gt3A_490 : i32
      %slice3A_492 = vector.extract_strided_slice %get3A_411 {offsets = [3], sizes = [1], strides = [1]} : vector<16xi32> to vector<1xi32>
      %squeeze3A_493 = vector.extract %slice3A_492[0] : i32 from vector<1xi32>
      %jit3A_494 = arith.constant 0 : i32
      %select_n3A_495 = arith.select %gt3A_491, %squeeze3A_493, %jit3A_494 : i32
      %shift_right_arithmetic3A_496 = arith.constant 1 : i32
      %shift_right_arithmetic3A_497 = arith.shrsi %select_n3A_495, %shift_right_arithmetic3A_496 : i32
      %and3A_498 = arith.constant 1 : i32
      %and3A_499 = arith.andi %select_n3A_495, %and3A_498 : i32
      %mul3A_500 = arith.constant 64 : i32
      %mul3A_501 = arith.muli %and3A_499, %mul3A_500 : i32
      %add3A_502 = arith.constant 0 : i32
      %add3A_503 = arith.addi %mul3A_501, %add3A_502 : i32
      %get3A_504 = arith.index_cast %shift_right_arithmetic3A_497 : i32 to index
      %get3A_505 = arith.index_cast %add3A_503 : i32 to index
      %get3A_506 = tpu.vector_load %arg7[%get3A_504, %get3A_505] {strides = array<i32>} : memref<64x128xbf16, #tpu.memory_space<vmem>>, vector<32xbf16>,
      %max3A_507 = arith.maximumf %select_n3A_482, %get3A_506 : vector<32xbf16>
      %select_n3A_508 = arith.select %gt3A_491, %max3A_507, %select_n3A_482 : vector<32xbf16>
      %add3A_509 = arith.constant 32 : i32
      %add3A_510 = arith.addi %mul3A_501, %add3A_509 : i32
      %get3A_511 = arith.index_cast %shift_right_arithmetic3A_497 : i32 to index
      %get3A_512 = arith.index_cast %add3A_510 : i32 to index
      %get3A_513 = tpu.vector_load %arg7[%get3A_511, %get3A_512] {strides = array<i32>} : memref<64x128xbf16, #tpu.memory_space<vmem>>, vector<32xbf16>,
      %max3A_514 = arith.maximumf %select_n3A_489, %get3A_513 : vector<32xbf16>
      %select_n3A_515 = arith.select %gt3A_491, %max3A_514, %select_n3A_489 : vector<32xbf16>
      %add3A_516 = arith.constant 3 : i32
      %add3A_517 = arith.addi %add3A_198, %add3A_516 : i32
      %jit3A_518 = arith.constant 4 : i32
      %div3A = arith.divsi %add3A_517, %jit3A_518 : i32
      %sign3A = arith.constant 0 : i32
      %sign3A_519 = arith.cmpi sgt, %add3A_517, %sign3A : i32
      %sign3A_520 = arith.extui %sign3A_519 : i1 to i32
      %sign3A_521 = arith.constant 0 : i32
      %sign3A_522 = arith.cmpi slt, %add3A_517, %sign3A_521 : i32
      %sign3A_523 = arith.extui %sign3A_522 : i1 to i32
      %sign3A_524 = arith.subi %sign3A_520, %sign3A_523 : i32
      %sign3A_525 = arith.constant 0 : i32
      %sign3A_526 = arith.cmpi sgt, %jit3A_518, %sign3A_525 : i32
      %sign3A_527 = arith.extui %sign3A_526 : i1 to i32
      %sign3A_528 = arith.constant 0 : i32
      %sign3A_529 = arith.cmpi slt, %jit3A_518, %sign3A_528 : i32
      %sign3A_530 = arith.extui %sign3A_529 : i1 to i32
      %sign3A_531 = arith.subi %sign3A_527, %sign3A_530 : i32
      %ne3A_532 = arith.cmpi ne, %sign3A_524, %sign3A_531 : i32
      %rem3A = arith.remsi %add3A_517, %jit3A_518 : i32
      %ne3A_533 = arith.constant 0 : i32
      %ne3A_534 = arith.cmpi ne, %rem3A, %ne3A_533 : i32
      %and3A_535 = arith.andi %ne3A_532, %ne3A_534 : i1
      %sub3A = arith.constant 1 : i32
      %sub3A_536 = arith.subi %div3A, %sub3A : i32
      %select_n3A_537 = arith.select %and3A_535, %sub3A_536, %div3A : i32
      %while3A_538 = arith.constant 3 : i32
      %while3A_539 = arith.subi %select_n3A_537, %while3A_538 : i32
      %while3A_540 = arith.addi %while3A_538, %while3A_539 : i32
      %while3A_541 = arith.constant 1 : i32
      %while3A_542 = arith.divsi %while3A_539, %while3A_541 : i32
      %while3A_543 = arith.muli %while3A_542, %while3A_541 : i32
      %while3A_544 = arith.addi %while3A_538, %while3A_543 : i32
      %while3A_545 = arith.constant 1 : i32
      %while3A_546:2 = scf.for %while3A_573 = %while3A_538 to %while3A_544 step %while3A_545 iter_args(%while3A_574 = %select_n3A_508, %while3A_575 = %select_n3A_515) -> (vector<32xbf16>, vector<32xbf16>)  : i32 {
        %mul3A_576 = arith.constant 4 : i32
        %mul3A_577 = arith.muli %while3A_573, %mul3A_576 : i32
        %get3A_578 = arith.index_cast %mul3A_577 : i32 to index
        %get3A_579 = tpu.vector_load %arg9[%get3A_578] {strides = array<i32>} : memref<144xi32, #tpu.memory_space<vmem>>, vector<16xi32>,
        %mul3A_580 = arith.constant 4 : i32
        %mul3A_581 = arith.muli %while3A_573, %mul3A_580 : i32
        %add3A_582 = arith.constant 0 : i32
        %add3A_583 = arith.addi %mul3A_581, %add3A_582 : i32
        %lt3A_584 = arith.cmpi slt, %add3A_583, %add3A_198 : i32
        %slice3A_585 = vector.extract_strided_slice %get3A_579 {offsets = [0], sizes = [1], strides = [1]} : vector<16xi32> to vector<1xi32>
        %squeeze3A_586 = vector.extract %slice3A_585[0] : i32 from vector<1xi32>
        %jit3A_587 = arith.constant 0 : i32
        %select_n3A_588 = arith.select %lt3A_584, %squeeze3A_586, %jit3A_587 : i32
        %shift_right_arithmetic3A_589 = arith.constant 1 : i32
        %shift_right_arithmetic3A_590 = arith.shrsi %select_n3A_588, %shift_right_arithmetic3A_589 : i32
        %and3A_591 = arith.constant 1 : i32
        %and3A_592 = arith.andi %select_n3A_588, %and3A_591 : i32
        %mul3A_593 = arith.constant 64 : i32
        %mul3A_594 = arith.muli %and3A_592, %mul3A_593 : i32
        %add3A_595 = arith.constant 0 : i32
        %add3A_596 = arith.addi %mul3A_594, %add3A_595 : i32
        %get3A_597 = arith.index_cast %shift_right_arithmetic3A_590 : i32 to index
        %get3A_598 = arith.index_cast %add3A_596 : i32 to index
        %get3A_599 = tpu.vector_load %arg7[%get3A_597, %get3A_598] {strides = array<i32>} : memref<64x128xbf16, #tpu.memory_space<vmem>>, vector<32xbf16>,
        %max3A_600 = arith.maximumf %while3A_574, %get3A_599 : vector<32xbf16>
        %select_n3A_601 = arith.select %lt3A_584, %max3A_600, %while3A_574 : vector<32xbf16>
        %add3A_602 = arith.constant 32 : i32
        %add3A_603 = arith.addi %mul3A_594, %add3A_602 : i32
        %get3A_604 = arith.index_cast %shift_right_arithmetic3A_590 : i32 to index
        %get3A_605 = arith.index_cast %add3A_603 : i32 to index
        %get3A_606 = tpu.vector_load %arg7[%get3A_604, %get3A_605] {strides = array<i32>} : memref<64x128xbf16, #tpu.memory_space<vmem>>, vector<32xbf16>,
        %max3A_607 = arith.maximumf %while3A_575, %get3A_606 : vector<32xbf16>
        %select_n3A_608 = arith.select %lt3A_584, %max3A_607, %while3A_575 : vector<32xbf16>
        %mul3A_609 = arith.constant 4 : i32
        %mul3A_610 = arith.muli %while3A_573, %mul3A_609 : i32
        %add3A_611 = arith.constant 1 : i32
        %add3A_612 = arith.addi %mul3A_610, %add3A_611 : i32
        %lt3A_613 = arith.cmpi slt, %add3A_612, %add3A_198 : i32
        %slice3A_614 = vector.extract_strided_slice %get3A_579 {offsets = [1], sizes = [1], strides = [1]} : vector<16xi32> to vector<1xi32>
        %squeeze3A_615 = vector.extract %slice3A_614[0] : i32 from vector<1xi32>
        %jit3A_616 = arith.constant 0 : i32
        %select_n3A_617 = arith.select %lt3A_613, %squeeze3A_615, %jit3A_616 : i32
        %shift_right_arithmetic3A_618 = arith.constant 1 : i32
        %shift_right_arithmetic3A_619 = arith.shrsi %select_n3A_617, %shift_right_arithmetic3A_618 : i32
        %and3A_620 = arith.constant 1 : i32
        %and3A_621 = arith.andi %select_n3A_617, %and3A_620 : i32
        %mul3A_622 = arith.constant 64 : i32
        %mul3A_623 = arith.muli %and3A_621, %mul3A_622 : i32
        %add3A_624 = arith.constant 0 : i32
        %add3A_625 = arith.addi %mul3A_623, %add3A_624 : i32
        %get3A_626 = arith.index_cast %shift_right_arithmetic3A_619 : i32 to index
        %get3A_627 = arith.index_cast %add3A_625 : i32 to index
        %get3A_628 = tpu.vector_load %arg7[%get3A_626, %get3A_627] {strides = array<i32>} : memref<64x128xbf16, #tpu.memory_space<vmem>>, vector<32xbf16>,
        %max3A_629 = arith.maximumf %select_n3A_601, %get3A_628 : vector<32xbf16>
        %select_n3A_630 = arith.select %lt3A_613, %max3A_629, %select_n3A_601 : vector<32xbf16>
        %add3A_631 = arith.constant 32 : i32
        %add3A_632 = arith.addi %mul3A_623, %add3A_631 : i32
        %get3A_633 = arith.index_cast %shift_right_arithmetic3A_619 : i32 to index
        %get3A_634 = arith.index_cast %add3A_632 : i32 to index
        %get3A_635 = tpu.vector_load %arg7[%get3A_633, %get3A_634] {strides = array<i32>} : memref<64x128xbf16, #tpu.memory_space<vmem>>, vector<32xbf16>,
        %max3A_636 = arith.maximumf %select_n3A_608, %get3A_635 : vector<32xbf16>
        %select_n3A_637 = arith.select %lt3A_613, %max3A_636, %select_n3A_608 : vector<32xbf16>
        %mul3A_638 = arith.constant 4 : i32
        %mul3A_639 = arith.muli %while3A_573, %mul3A_638 : i32
        %add3A_640 = arith.constant 2 : i32
        %add3A_641 = arith.addi %mul3A_639, %add3A_640 : i32
        %lt3A_642 = arith.cmpi slt, %add3A_641, %add3A_198 : i32
        %slice3A_643 = vector.extract_strided_slice %get3A_579 {offsets = [2], sizes = [1], strides = [1]} : vector<16xi32> to vector<1xi32>
        %squeeze3A_644 = vector.extract %slice3A_643[0] : i32 from vector<1xi32>
        %jit3A_645 = arith.constant 0 : i32
        %select_n3A_646 = arith.select %lt3A_642, %squeeze3A_644, %jit3A_645 : i32
        %shift_right_arithmetic3A_647 = arith.constant 1 : i32
        %shift_right_arithmetic3A_648 = arith.shrsi %select_n3A_646, %shift_right_arithmetic3A_647 : i32
        %and3A_649 = arith.constant 1 : i32
        %and3A_650 = arith.andi %select_n3A_646, %and3A_649 : i32
        %mul3A_651 = arith.constant 64 : i32
        %mul3A_652 = arith.muli %and3A_650, %mul3A_651 : i32
        %add3A_653 = arith.constant 0 : i32
        %add3A_654 = arith.addi %mul3A_652, %add3A_653 : i32
        %get3A_655 = arith.index_cast %shift_right_arithmetic3A_648 : i32 to index
        %get3A_656 = arith.index_cast %add3A_654 : i32 to index
        %get3A_657 = tpu.vector_load %arg7[%get3A_655, %get3A_656] {strides = array<i32>} : memref<64x128xbf16, #tpu.memory_space<vmem>>, vector<32xbf16>,
        %max3A_658 = arith.maximumf %select_n3A_630, %get3A_657 : vector<32xbf16>
        %select_n3A_659 = arith.select %lt3A_642, %max3A_658, %select_n3A_630 : vector<32xbf16>
        %add3A_660 = arith.constant 32 : i32
        %add3A_661 = arith.addi %mul3A_652, %add3A_660 : i32
        %get3A_662 = arith.index_cast %shift_right_arithmetic3A_648 : i32 to index
        %get3A_663 = arith.index_cast %add3A_661 : i32 to index
        %get3A_664 = tpu.vector_load %arg7[%get3A_662, %get3A_663] {strides = array<i32>} : memref<64x128xbf16, #tpu.memory_space<vmem>>, vector<32xbf16>,
        %max3A_665 = arith.maximumf %select_n3A_637, %get3A_664 : vector<32xbf16>
        %select_n3A_666 = arith.select %lt3A_642, %max3A_665, %select_n3A_637 : vector<32xbf16>
        %mul3A_667 = arith.constant 4 : i32
        %mul3A_668 = arith.muli %while3A_573, %mul3A_667 : i32
        %add3A_669 = arith.constant 3 : i32
        %add3A_670 = arith.addi %mul3A_668, %add3A_669 : i32
        %lt3A_671 = arith.cmpi slt, %add3A_670, %add3A_198 : i32
        %slice3A_672 = vector.extract_strided_slice %get3A_579 {offsets = [3], sizes = [1], strides = [1]} : vector<16xi32> to vector<1xi32>
        %squeeze3A_673 = vector.extract %slice3A_672[0] : i32 from vector<1xi32>
        %jit3A_674 = arith.constant 0 : i32
        %select_n3A_675 = arith.select %lt3A_671, %squeeze3A_673, %jit3A_674 : i32
        %shift_right_arithmetic3A_676 = arith.constant 1 : i32
        %shift_right_arithmetic3A_677 = arith.shrsi %select_n3A_675, %shift_right_arithmetic3A_676 : i32
        %and3A_678 = arith.constant 1 : i32
        %and3A_679 = arith.andi %select_n3A_675, %and3A_678 : i32
        %mul3A_680 = arith.constant 64 : i32
        %mul3A_681 = arith.muli %and3A_679, %mul3A_680 : i32
        %add3A_682 = arith.constant 0 : i32
        %add3A_683 = arith.addi %mul3A_681, %add3A_682 : i32
        %get3A_684 = arith.index_cast %shift_right_arithmetic3A_677 : i32 to index
        %get3A_685 = arith.index_cast %add3A_683 : i32 to index
        %get3A_686 = tpu.vector_load %arg7[%get3A_684, %get3A_685] {strides = array<i32>} : memref<64x128xbf16, #tpu.memory_space<vmem>>, vector<32xbf16>,
        %max3A_687 = arith.maximumf %select_n3A_659, %get3A_686 : vector<32xbf16>
        %select_n3A_688 = arith.select %lt3A_671, %max3A_687, %select_n3A_659 : vector<32xbf16>
        %add3A_689 = arith.constant 32 : i32
        %add3A_690 = arith.addi %mul3A_681, %add3A_689 : i32
        %get3A_691 = arith.index_cast %shift_right_arithmetic3A_677 : i32 to index
        %get3A_692 = arith.index_cast %add3A_690 : i32 to index
        %get3A_693 = tpu.vector_load %arg7[%get3A_691, %get3A_692] {strides = array<i32>} : memref<64x128xbf16, #tpu.memory_space<vmem>>, vector<32xbf16>,
        %max3A_694 = arith.maximumf %select_n3A_666, %get3A_693 : vector<32xbf16>
        %select_n3A_695 = arith.select %lt3A_671, %max3A_694, %select_n3A_666 : vector<32xbf16>
        scf.yield %select_n3A_688, %select_n3A_695 : vector<32xbf16>, vector<32xbf16>
      }
      %while3A_547 = arith.constant 1 : i32
      %while3A_548:2 = scf.for %while3A_573 = %while3A_544 to %while3A_540 step %while3A_547 iter_args(%while3A_574 = %while3A_546#0, %while3A_575 = %while3A_546#1) -> (vector<32xbf16>, vector<32xbf16>)  : i32 {
        %mul3A_576 = arith.constant 4 : i32
        %mul3A_577 = arith.muli %while3A_573, %mul3A_576 : i32
        %get3A_578 = arith.index_cast %mul3A_577 : i32 to index
        %get3A_579 = tpu.vector_load %arg9[%get3A_578] {strides = array<i32>} : memref<144xi32, #tpu.memory_space<vmem>>, vector<16xi32>,
        %mul3A_580 = arith.constant 4 : i32
        %mul3A_581 = arith.muli %while3A_573, %mul3A_580 : i32
        %add3A_582 = arith.constant 0 : i32
        %add3A_583 = arith.addi %mul3A_581, %add3A_582 : i32
        %lt3A_584 = arith.cmpi slt, %add3A_583, %add3A_198 : i32
        %slice3A_585 = vector.extract_strided_slice %get3A_579 {offsets = [0], sizes = [1], strides = [1]} : vector<16xi32> to vector<1xi32>
        %squeeze3A_586 = vector.extract %slice3A_585[0] : i32 from vector<1xi32>
        %jit3A_587 = arith.constant 0 : i32
        %select_n3A_588 = arith.select %lt3A_584, %squeeze3A_586, %jit3A_587 : i32
        %shift_right_arithmetic3A_589 = arith.constant 1 : i32
        %shift_right_arithmetic3A_590 = arith.shrsi %select_n3A_588, %shift_right_arithmetic3A_589 : i32
        %and3A_591 = arith.constant 1 : i32
        %and3A_592 = arith.andi %select_n3A_588, %and3A_591 : i32
        %mul3A_593 = arith.constant 64 : i32
        %mul3A_594 = arith.muli %and3A_592, %mul3A_593 : i32
        %add3A_595 = arith.constant 0 : i32
        %add3A_596 = arith.addi %mul3A_594, %add3A_595 : i32
        %get3A_597 = arith.index_cast %shift_right_arithmetic3A_590 : i32 to index
        %get3A_598 = arith.index_cast %add3A_596 : i32 to index
        %get3A_599 = tpu.vector_load %arg7[%get3A_597, %get3A_598] {strides = array<i32>} : memref<64x128xbf16, #tpu.memory_space<vmem>>, vector<32xbf16>,
        %max3A_600 = arith.maximumf %while3A_574, %get3A_599 : vector<32xbf16>
        %select_n3A_601 = arith.select %lt3A_584, %max3A_600, %while3A_574 : vector<32xbf16>
        %add3A_602 = arith.constant 32 : i32
        %add3A_603 = arith.addi %mul3A_594, %add3A_602 : i32
        %get3A_604 = arith.index_cast %shift_right_arithmetic3A_590 : i32 to index
        %get3A_605 = arith.index_cast %add3A_603 : i32 to index
        %get3A_606 = tpu.vector_load %arg7[%get3A_604, %get3A_605] {strides = array<i32>} : memref<64x128xbf16, #tpu.memory_space<vmem>>, vector<32xbf16>,
        %max3A_607 = arith.maximumf %while3A_575, %get3A_606 : vector<32xbf16>
        %select_n3A_608 = arith.select %lt3A_584, %max3A_607, %while3A_575 : vector<32xbf16>
        %mul3A_609 = arith.constant 4 : i32
        %mul3A_610 = arith.muli %while3A_573, %mul3A_609 : i32
        %add3A_611 = arith.constant 1 : i32
        %add3A_612 = arith.addi %mul3A_610, %add3A_611 : i32
        %lt3A_613 = arith.cmpi slt, %add3A_612, %add3A_198 : i32
        %slice3A_614 = vector.extract_strided_slice %get3A_579 {offsets = [1], sizes = [1], strides = [1]} : vector<16xi32> to vector<1xi32>
        %squeeze3A_615 = vector.extract %slice3A_614[0] : i32 from vector<1xi32>
        %jit3A_616 = arith.constant 0 : i32
        %select_n3A_617 = arith.select %lt3A_613, %squeeze3A_615, %jit3A_616 : i32
        %shift_right_arithmetic3A_618 = arith.constant 1 : i32
        %shift_right_arithmetic3A_619 = arith.shrsi %select_n3A_617, %shift_right_arithmetic3A_618 : i32
        %and3A_620 = arith.constant 1 : i32
        %and3A_621 = arith.andi %select_n3A_617, %and3A_620 : i32
        %mul3A_622 = arith.constant 64 : i32
        %mul3A_623 = arith.muli %and3A_621, %mul3A_622 : i32
        %add3A_624 = arith.constant 0 : i32
        %add3A_625 = arith.addi %mul3A_623, %add3A_624 : i32
        %get3A_626 = arith.index_cast %shift_right_arithmetic3A_619 : i32 to index
        %get3A_627 = arith.index_cast %add3A_625 : i32 to index
        %get3A_628 = tpu.vector_load %arg7[%get3A_626, %get3A_627] {strides = array<i32>} : memref<64x128xbf16, #tpu.memory_space<vmem>>, vector<32xbf16>,
        %max3A_629 = arith.maximumf %select_n3A_601, %get3A_628 : vector<32xbf16>
        %select_n3A_630 = arith.select %lt3A_613, %max3A_629, %select_n3A_601 : vector<32xbf16>
        %add3A_631 = arith.constant 32 : i32
        %add3A_632 = arith.addi %mul3A_623, %add3A_631 : i32
        %get3A_633 = arith.index_cast %shift_right_arithmetic3A_619 : i32 to index
        %get3A_634 = arith.index_cast %add3A_632 : i32 to index
        %get3A_635 = tpu.vector_load %arg7[%get3A_633, %get3A_634] {strides = array<i32>} : memref<64x128xbf16, #tpu.memory_space<vmem>>, vector<32xbf16>,
        %max3A_636 = arith.maximumf %select_n3A_608, %get3A_635 : vector<32xbf16>
        %select_n3A_637 = arith.select %lt3A_613, %max3A_636, %select_n3A_608 : vector<32xbf16>
        %mul3A_638 = arith.constant 4 : i32
        %mul3A_639 = arith.muli %while3A_573, %mul3A_638 : i32
        %add3A_640 = arith.constant 2 : i32
        %add3A_641 = arith.addi %mul3A_639, %add3A_640 : i32
        %lt3A_642 = arith.cmpi slt, %add3A_641, %add3A_198 : i32
        %slice3A_643 = vector.extract_strided_slice %get3A_579 {offsets = [2], sizes = [1], strides = [1]} : vector<16xi32> to vector<1xi32>
        %squeeze3A_644 = vector.extract %slice3A_643[0] : i32 from vector<1xi32>
        %jit3A_645 = arith.constant 0 : i32
        %select_n3A_646 = arith.select %lt3A_642, %squeeze3A_644, %jit3A_645 : i32
        %shift_right_arithmetic3A_647 = arith.constant 1 : i32
        %shift_right_arithmetic3A_648 = arith.shrsi %select_n3A_646, %shift_right_arithmetic3A_647 : i32
        %and3A_649 = arith.constant 1 : i32
        %and3A_650 = arith.andi %select_n3A_646, %and3A_649 : i32
        %mul3A_651 = arith.constant 64 : i32
        %mul3A_652 = arith.muli %and3A_650, %mul3A_651 : i32
        %add3A_653 = arith.constant 0 : i32
        %add3A_654 = arith.addi %mul3A_652, %add3A_653 : i32
        %get3A_655 = arith.index_cast %shift_right_arithmetic3A_648 : i32 to index
        %get3A_656 = arith.index_cast %add3A_654 : i32 to index
        %get3A_657 = tpu.vector_load %arg7[%get3A_655, %get3A_656] {strides = array<i32>} : memref<64x128xbf16, #tpu.memory_space<vmem>>, vector<32xbf16>,
        %max3A_658 = arith.maximumf %select_n3A_630, %get3A_657 : vector<32xbf16>
        %select_n3A_659 = arith.select %lt3A_642, %max3A_658, %select_n3A_630 : vector<32xbf16>
        %add3A_660 = arith.constant 32 : i32
        %add3A_661 = arith.addi %mul3A_652, %add3A_660 : i32
        %get3A_662 = arith.index_cast %shift_right_arithmetic3A_648 : i32 to index
        %get3A_663 = arith.index_cast %add3A_661 : i32 to index
        %get3A_664 = tpu.vector_load %arg7[%get3A_662, %get3A_663] {strides = array<i32>} : memref<64x128xbf16, #tpu.memory_space<vmem>>, vector<32xbf16>,
        %max3A_665 = arith.maximumf %select_n3A_637, %get3A_664 : vector<32xbf16>
        %select_n3A_666 = arith.select %lt3A_642, %max3A_665, %select_n3A_637 : vector<32xbf16>
        %mul3A_667 = arith.constant 4 : i32
        %mul3A_668 = arith.muli %while3A_573, %mul3A_667 : i32
        %add3A_669 = arith.constant 3 : i32
        %add3A_670 = arith.addi %mul3A_668, %add3A_669 : i32
        %lt3A_671 = arith.cmpi slt, %add3A_670, %add3A_198 : i32
        %slice3A_672 = vector.extract_strided_slice %get3A_579 {offsets = [3], sizes = [1], strides = [1]} : vector<16xi32> to vector<1xi32>
        %squeeze3A_673 = vector.extract %slice3A_672[0] : i32 from vector<1xi32>
        %jit3A_674 = arith.constant 0 : i32
        %select_n3A_675 = arith.select %lt3A_671, %squeeze3A_673, %jit3A_674 : i32
        %shift_right_arithmetic3A_676 = arith.constant 1 : i32
        %shift_right_arithmetic3A_677 = arith.shrsi %select_n3A_675, %shift_right_arithmetic3A_676 : i32
        %and3A_678 = arith.constant 1 : i32
        %and3A_679 = arith.andi %select_n3A_675, %and3A_678 : i32
        %mul3A_680 = arith.constant 64 : i32
        %mul3A_681 = arith.muli %and3A_679, %mul3A_680 : i32
        %add3A_682 = arith.constant 0 : i32
        %add3A_683 = arith.addi %mul3A_681, %add3A_682 : i32
        %get3A_684 = arith.index_cast %shift_right_arithmetic3A_677 : i32 to index
        %get3A_685 = arith.index_cast %add3A_683 : i32 to index
        %get3A_686 = tpu.vector_load %arg7[%get3A_684, %get3A_685] {strides = array<i32>} : memref<64x128xbf16, #tpu.memory_space<vmem>>, vector<32xbf16>,
        %max3A_687 = arith.maximumf %select_n3A_659, %get3A_686 : vector<32xbf16>
        %select_n3A_688 = arith.select %lt3A_671, %max3A_687, %select_n3A_659 : vector<32xbf16>
        %add3A_689 = arith.constant 32 : i32
        %add3A_690 = arith.addi %mul3A_681, %add3A_689 : i32
        %get3A_691 = arith.index_cast %shift_right_arithmetic3A_677 : i32 to index
        %get3A_692 = arith.index_cast %add3A_690 : i32 to index
        %get3A_693 = tpu.vector_load %arg7[%get3A_691, %get3A_692] {strides = array<i32>} : memref<64x128xbf16, #tpu.memory_space<vmem>>, vector<32xbf16>,
        %max3A_694 = arith.maximumf %select_n3A_666, %get3A_693 : vector<32xbf16>
        %select_n3A_695 = arith.select %lt3A_671, %max3A_694, %select_n3A_666 : vector<32xbf16>
        scf.yield %select_n3A_688, %select_n3A_695 : vector<32xbf16>, vector<32xbf16>
      }
      %gt3A_549 = arith.constant 0 : i32
      %gt3A_550 = arith.cmpi sgt, %add3A_198, %gt3A_549 : i32
      %add3A_551 = arith.constant 0 : i32
      %add3A_552 = arith.addi %mul3A_81, %add3A_551 : i32
      %get3A_553 = arith.index_cast %shift_right_arithmetic3A_78 : i32 to index
      %get3A_554 = arith.index_cast %add3A_552 : i32 to index
      %get3A_555 = tpu.vector_load %arg7[%get3A_553, %get3A_554] {strides = array<i32>} : memref<64x128xbf16, #tpu.memory_space<vmem>>, vector<32xbf16>,
      %select_n3A_556 = arith.select %gt3A_550, %while3A_548#0, %get3A_555 : vector<32xbf16>
      %add3A_557 = arith.constant 0 : i32
      %add3A_558 = arith.addi %mul3A_81, %add3A_557 : i32
      %swap3A_559 = arith.index_cast %shift_right_arithmetic3A_78 : i32 to index
      %swap3A_560 = arith.index_cast %add3A_558 : i32 to index
      %swap3A_561 = tpu.vector_load %arg8[%swap3A_559, %swap3A_560] {strides = array<i32>} : memref<64x128xbf16, #tpu.memory_space<vmem>>, vector<32xbf16>,
      tpu.vector_store %arg8[%swap3A_559, %swap3A_560], %select_n3A_556 {strides = array<i32>} : memref<64x128xbf16, #tpu.memory_space<vmem>>, vector<32xbf16>,
      %add3A_562 = arith.constant 32 : i32
      %add3A_563 = arith.addi %mul3A_81, %add3A_562 : i32
      %get3A_564 = arith.index_cast %shift_right_arithmetic3A_78 : i32 to index
      %get3A_565 = arith.index_cast %add3A_563 : i32 to index
      %get3A_566 = tpu.vector_load %arg7[%get3A_564, %get3A_565] {strides = array<i32>} : memref<64x128xbf16, #tpu.memory_space<vmem>>, vector<32xbf16>,
      %select_n3A_567 = arith.select %gt3A_550, %while3A_548#1, %get3A_566 : vector<32xbf16>
      %add3A_568 = arith.constant 32 : i32
      %add3A_569 = arith.addi %mul3A_81, %add3A_568 : i32
      %swap3A_570 = arith.index_cast %shift_right_arithmetic3A_78 : i32 to index
      %swap3A_571 = arith.index_cast %add3A_569 : i32 to index
      %swap3A_572 = tpu.vector_load %arg8[%swap3A_570, %swap3A_571] {strides = array<i32>} : memref<64x128xbf16, #tpu.memory_space<vmem>>, vector<32xbf16>,
      tpu.vector_store %arg8[%swap3A_570, %swap3A_571], %select_n3A_567 {strides = array<i32>} : memref<64x128xbf16, #tpu.memory_space<vmem>>, vector<32xbf16>,
    }
    %while3A_38 = arith.constant 1 : i32
    scf.for %while3A_77 = %while3A_36 to %while3A_32 step %while3A_38  : i32 {
      %shift_right_arithmetic3A = arith.constant 1 : i32
      %shift_right_arithmetic3A_78 = arith.shrsi %while3A_77, %shift_right_arithmetic3A : i32
      %and3A = arith.constant 1 : i32
      %and3A_79 = arith.andi %while3A_77, %and3A : i32
      %mul3A_80 = arith.constant 64 : i32
      %mul3A_81 = arith.muli %and3A_79, %mul3A_80 : i32
      %get3A_82 = arith.index_cast %while3A_77 : i32 to index
      %get3A_83 = arith.constant 0 : index
      %get3A_84 = tpu.vector_load %arg6[%get3A_82, %get3A_83] {strides = array<i32>} : memref<128x128xf32, #tpu.memory_space<vmem>>, vector<16xf32>,
      %get3A_85 = arith.index_cast %while3A_77 : i32 to index
      %get3A_86 = arith.constant 16 : index
      %get3A_87 = tpu.vector_load %arg6[%get3A_85, %get3A_86] {strides = array<i32>} : memref<128x128xf32, #tpu.memory_space<vmem>>, vector<16xf32>,
      %get3A_88 = arith.index_cast %while3A_77 : i32 to index
      %get3A_89 = arith.constant 32 : index
      %get3A_90 = tpu.vector_load %arg6[%get3A_88, %get3A_89] {strides = array<i32>} : memref<128x128xf32, #tpu.memory_space<vmem>>, vector<16xf32>,
      %get3A_91 = arith.index_cast %while3A_77 : i32 to index
      %get3A_92 = arith.constant 48 : index
      %get3A_93 = tpu.vector_load %arg6[%get3A_91, %get3A_92] {strides = array<i32>} : memref<128x128xf32, #tpu.memory_space<vmem>>, vector<16xf32>,
      %get3A_94 = arith.index_cast %while3A_77 : i32 to index
      %get3A_95 = arith.constant 64 : index
      %get3A_96 = tpu.vector_load %arg6[%get3A_94, %get3A_95] {strides = array<i32>} : memref<128x128xf32, #tpu.memory_space<vmem>>, vector<16xf32>,
      %get3A_97 = arith.index_cast %while3A_77 : i32 to index
      %get3A_98 = arith.constant 80 : index
      %get3A_99 = tpu.vector_load %arg6[%get3A_97, %get3A_98] {strides = array<i32>} : memref<128x128xf32, #tpu.memory_space<vmem>>, vector<16xf32>,
      %get3A_100 = arith.index_cast %while3A_77 : i32 to index
      %get3A_101 = arith.constant 96 : index
      %get3A_102 = tpu.vector_load %arg6[%get3A_100, %get3A_101] {strides = array<i32>} : memref<128x128xf32, #tpu.memory_space<vmem>>, vector<16xf32>,
      %get3A_103 = arith.index_cast %while3A_77 : i32 to index
      %get3A_104 = arith.constant 112 : index
      %get3A_105 = tpu.vector_load %arg6[%get3A_103, %get3A_104] {strides = array<i32>} : memref<128x128xf32, #tpu.memory_space<vmem>>, vector<16xf32>,
      %ne3A = arith.constant 0.000000e+00 : f32
      %ne3A_106 = vector.broadcast %ne3A : f32 to vector<16xf32>
      %ne3A_107 = arith.cmpf one, %get3A_84, %ne3A_106 : vector<16xf32>
      %lt3A = vector.broadcast %squeeze3A : i32 to vector<16xi32>
      %lt3A_108 = arith.cmpi slt, %add3A_3, %lt3A : vector<16xi32>
      %and3A_109 = arith.andi %ne3A_107, %lt3A_108 : vector<16xi1>
      %ne3A_110 = arith.constant 0.000000e+00 : f32
      %ne3A_111 = vector.broadcast %ne3A_110 : f32 to vector<16xf32>
      %ne3A_112 = arith.cmpf one, %get3A_87, %ne3A_111 : vector<16xf32>
      %lt3A_113 = vector.broadcast %squeeze3A : i32 to vector<16xi32>
      %lt3A_114 = arith.cmpi slt, %add3A_6, %lt3A_113 : vector<16xi32>
      %and3A_115 = arith.andi %ne3A_112, %lt3A_114 : vector<16xi1>
      %ne3A_116 = arith.constant 0.000000e+00 : f32
      %ne3A_117 = vector.broadcast %ne3A_116 : f32 to vector<16xf32>
      %ne3A_118 = arith.cmpf one, %get3A_90, %ne3A_117 : vector<16xf32>
      %lt3A_119 = vector.broadcast %squeeze3A : i32 to vector<16xi32>
      %lt3A_120 = arith.cmpi slt, %add3A_9, %lt3A_119 : vector<16xi32>
      %and3A_121 = arith.andi %ne3A_118, %lt3A_120 : vector<16xi1>
      %ne3A_122 = arith.constant 0.000000e+00 : f32
      %ne3A_123 = vector.broadcast %ne3A_122 : f32 to vector<16xf32>
      %ne3A_124 = arith.cmpf one, %get3A_93, %ne3A_123 : vector<16xf32>
      %lt3A_125 = vector.broadcast %squeeze3A : i32 to vector<16xi32>
      %lt3A_126 = arith.cmpi slt, %add3A_12, %lt3A_125 : vector<16xi32>
      %and3A_127 = arith.andi %ne3A_124, %lt3A_126 : vector<16xi1>
      %ne3A_128 = arith.constant 0.000000e+00 : f32
      %ne3A_129 = vector.broadcast %ne3A_128 : f32 to vector<16xf32>
      %ne3A_130 = arith.cmpf one, %get3A_96, %ne3A_129 : vector<16xf32>
      %lt3A_131 = vector.broadcast %squeeze3A : i32 to vector<16xi32>
      %lt3A_132 = arith.cmpi slt, %add3A_15, %lt3A_131 : vector<16xi32>
      %and3A_133 = arith.andi %ne3A_130, %lt3A_132 : vector<16xi1>
      %ne3A_134 = arith.constant 0.000000e+00 : f32
      %ne3A_135 = vector.broadcast %ne3A_134 : f32 to vector<16xf32>
      %ne3A_136 = arith.cmpf one, %get3A_99, %ne3A_135 : vector<16xf32>
      %lt3A_137 = vector.broadcast %squeeze3A : i32 to vector<16xi32>
      %lt3A_138 = arith.cmpi slt, %add3A_18, %lt3A_137 : vector<16xi32>
      %and3A_139 = arith.andi %ne3A_136, %lt3A_138 : vector<16xi1>
      %ne3A_140 = arith.constant 0.000000e+00 : f32
      %ne3A_141 = vector.broadcast %ne3A_140 : f32 to vector<16xf32>
      %ne3A_142 = arith.cmpf one, %get3A_102, %ne3A_141 : vector<16xf32>
      %lt3A_143 = vector.broadcast %squeeze3A : i32 to vector<16xi32>
      %lt3A_144 = arith.cmpi slt, %add3A_21, %lt3A_143 : vector<16xi32>
      %and3A_145 = arith.andi %ne3A_142, %lt3A_144 : vector<16xi1>
      %ne3A_146 = arith.constant 0.000000e+00 : f32
      %ne3A_147 = vector.broadcast %ne3A_146 : f32 to vector<16xf32>
      %ne3A_148 = arith.cmpf one, %get3A_105, %ne3A_147 : vector<16xf32>
      %lt3A_149 = vector.broadcast %squeeze3A : i32 to vector<16xi32>
      %lt3A_150 = arith.cmpi slt, %add3A_24, %lt3A_149 : vector<16xi32>
      %and3A_151 = arith.andi %ne3A_148, %lt3A_150 : vector<16xi1>
      %all_reduce_population_count3A = tpu.all_reduce %and3A_109 {dim = 0 : i64, kind = #tpu.reduction_kind<sum>} : vector<16xi1> -> vector<16xi32>
      %slice3A_152 = vector.extract_strided_slice %all_reduce_population_count3A {offsets = [0], sizes = [1], strides = [1]} : vector<16xi32> to vector<1xi32>
      %squeeze3A_153 = vector.extract %slice3A_152[0] : i32 from vector<1xi32>
      %all_reduce_population_count3A_154 = tpu.all_reduce %and3A_115 {dim = 0 : i64, kind = #tpu.reduction_kind<sum>} : vector<16xi1> -> vector<16xi32>
      %slice3A_155 = vector.extract_strided_slice %all_reduce_population_count3A_154 {offsets = [0], sizes = [1], strides = [1]} : vector<16xi32> to vector<1xi32>
      %squeeze3A_156 = vector.extract %slice3A_155[0] : i32 from vector<1xi32>
      %all_reduce_population_count3A_157 = tpu.all_reduce %and3A_121 {dim = 0 : i64, kind = #tpu.reduction_kind<sum>} : vector<16xi1> -> vector<16xi32>
      %slice3A_158 = vector.extract_strided_slice %all_reduce_population_count3A_157 {offsets = [0], sizes = [1], strides = [1]} : vector<16xi32> to vector<1xi32>
      %squeeze3A_159 = vector.extract %slice3A_158[0] : i32 from vector<1xi32>
      %all_reduce_population_count3A_160 = tpu.all_reduce %and3A_127 {dim = 0 : i64, kind = #tpu.reduction_kind<sum>} : vector<16xi1> -> vector<16xi32>
      %slice3A_161 = vector.extract_strided_slice %all_reduce_population_count3A_160 {offsets = [0], sizes = [1], strides = [1]} : vector<16xi32> to vector<1xi32>
      %squeeze3A_162 = vector.extract %slice3A_161[0] : i32 from vector<1xi32>
      %all_reduce_population_count3A_163 = tpu.all_reduce %and3A_133 {dim = 0 : i64, kind = #tpu.reduction_kind<sum>} : vector<16xi1> -> vector<16xi32>
      %slice3A_164 = vector.extract_strided_slice %all_reduce_population_count3A_163 {offsets = [0], sizes = [1], strides = [1]} : vector<16xi32> to vector<1xi32>
      %squeeze3A_165 = vector.extract %slice3A_164[0] : i32 from vector<1xi32>
      %all_reduce_population_count3A_166 = tpu.all_reduce %and3A_139 {dim = 0 : i64, kind = #tpu.reduction_kind<sum>} : vector<16xi1> -> vector<16xi32>
      %slice3A_167 = vector.extract_strided_slice %all_reduce_population_count3A_166 {offsets = [0], sizes = [1], strides = [1]} : vector<16xi32> to vector<1xi32>
      %squeeze3A_168 = vector.extract %slice3A_167[0] : i32 from vector<1xi32>
      %all_reduce_population_count3A_169 = tpu.all_reduce %and3A_145 {dim = 0 : i64, kind = #tpu.reduction_kind<sum>} : vector<16xi1> -> vector<16xi32>
      %slice3A_170 = vector.extract_strided_slice %all_reduce_population_count3A_169 {offsets = [0], sizes = [1], strides = [1]} : vector<16xi32> to vector<1xi32>
      %squeeze3A_171 = vector.extract %slice3A_170[0] : i32 from vector<1xi32>
      %all_reduce_population_count3A_172 = tpu.all_reduce %and3A_151 {dim = 0 : i64, kind = #tpu.reduction_kind<sum>} : vector<16xi1> -> vector<16xi32>
      %slice3A_173 = vector.extract_strided_slice %all_reduce_population_count3A_172 {offsets = [0], sizes = [1], strides = [1]} : vector<16xi32> to vector<1xi32>
      %squeeze3A_174 = vector.extract %slice3A_173[0] : i32 from vector<1xi32>
      %swap3A = arith.constant 0 : index
      %swap3A_175 = tpu.vector_load %arg9[%swap3A] masked %and3A_109 {strides = array<i32>} : memref<144xi32, #tpu.memory_space<vmem>>, vector<16xi32>, vector<16xi1>
      tpu.vector_store %arg9[%swap3A], %add3A_3 masked %and3A_109 {strides = array<i32>} : memref<144xi32, #tpu.memory_space<vmem>>, vector<16xi32>, vector<16xi1>
      %add3A_176 = arith.constant 0 : i32
      %add3A_177 = arith.addi %add3A_176, %squeeze3A_153 : i32
      %swap3A_178 = arith.index_cast %add3A_177 : i32 to index
      %swap3A_179 = tpu.vector_load %arg9[%swap3A_178] masked %and3A_115 {strides = array<i32>} : memref<144xi32, #tpu.memory_space<vmem>>, vector<16xi32>, vector<16xi1>
      tpu.vector_store %arg9[%swap3A_178], %add3A_6 masked %and3A_115 {strides = array<i32>} : memref<144xi32, #tpu.memory_space<vmem>>, vector<16xi32>, vector<16xi1>
      %add3A_180 = arith.addi %add3A_177, %squeeze3A_156 : i32
      %swap3A_181 = arith.index_cast %add3A_180 : i32 to index
      %swap3A_182 = tpu.vector_load %arg9[%swap3A_181] masked %and3A_121 {strides = array<i32>} : memref<144xi32, #tpu.memory_space<vmem>>, vector<16xi32>, vector<16xi1>
      tpu.vector_store %arg9[%swap3A_181], %add3A_9 masked %and3A_121 {strides = array<i32>} : memref<144xi32, #tpu.memory_space<vmem>>, vector<16xi32>, vector<16xi1>
      %add3A_183 = arith.addi %add3A_180, %squeeze3A_159 : i32
      %swap3A_184 = arith.index_cast %add3A_183 : i32 to index
      %swap3A_185 = tpu.vector_load %arg9[%swap3A_184] masked %and3A_127 {strides = array<i32>} : memref<144xi32, #tpu.memory_space<vmem>>, vector<16xi32>, vector<16xi1>
      tpu.vector_store %arg9[%swap3A_184], %add3A_12 masked %and3A_127 {strides = array<i32>} : memref<144xi32, #tpu.memory_space<vmem>>, vector<16xi32>, vector<16xi1>
      %add3A_186 = arith.addi %add3A_183, %squeeze3A_162 : i32
      %swap3A_187 = arith.index_cast %add3A_186 : i32 to index
      %swap3A_188 = tpu.vector_load %arg9[%swap3A_187] masked %and3A_133 {strides = array<i32>} : memref<144xi32, #tpu.memory_space<vmem>>, vector<16xi32>, vector<16xi1>
      tpu.vector_store %arg9[%swap3A_187], %add3A_15 masked %and3A_133 {strides = array<i32>} : memref<144xi32, #tpu.memory_space<vmem>>, vector<16xi32>, vector<16xi1>
      %add3A_189 = arith.addi %add3A_186, %squeeze3A_165 : i32
      %swap3A_190 = arith.index_cast %add3A_189 : i32 to index
      %swap3A_191 = tpu.vector_load %arg9[%swap3A_190] masked %and3A_139 {strides = array<i32>} : memref<144xi32, #tpu.memory_space<vmem>>, vector<16xi32>, vector<16xi1>
      tpu.vector_store %arg9[%swap3A_190], %add3A_18 masked %and3A_139 {strides = array<i32>} : memref<144xi32, #tpu.memory_space<vmem>>, vector<16xi32>, vector<16xi1>
      %add3A_192 = arith.addi %add3A_189, %squeeze3A_168 : i32
      %swap3A_193 = arith.index_cast %add3A_192 : i32 to index
      %swap3A_194 = tpu.vector_load %arg9[%swap3A_193] masked %and3A_145 {strides = array<i32>} : memref<144xi32, #tpu.memory_space<vmem>>, vector<16xi32>, vector<16xi1>
      tpu.vector_store %arg9[%swap3A_193], %add3A_21 masked %and3A_145 {strides = array<i32>} : memref<144xi32, #tpu.memory_space<vmem>>, vector<16xi32>, vector<16xi1>
      %add3A_195 = arith.addi %add3A_192, %squeeze3A_171 : i32
      %swap3A_196 = arith.index_cast %add3A_195 : i32 to index
      %swap3A_197 = tpu.vector_load %arg9[%swap3A_196] masked %and3A_151 {strides = array<i32>} : memref<144xi32, #tpu.memory_space<vmem>>, vector<16xi32>, vector<16xi1>
      tpu.vector_store %arg9[%swap3A_196], %add3A_24 masked %and3A_151 {strides = array<i32>} : memref<144xi32, #tpu.memory_space<vmem>>, vector<16xi32>, vector<16xi1>
      %add3A_198 = arith.addi %add3A_195, %squeeze3A_174 : i32
      %broadcast_in_dim3A = arith.constant -1.000260e+30 : bf16
      %broadcast_in_dim3A_199 = vector.broadcast %broadcast_in_dim3A : bf16 to vector<32xbf16>
      %broadcast_in_dim3A_200 = arith.constant -1.000260e+30 : bf16
      %broadcast_in_dim3A_201 = vector.broadcast %broadcast_in_dim3A_200 : bf16 to vector<32xbf16>
      %get3A_202 = arith.constant 0 : index
      %get3A_203 = tpu.vector_load %arg9[%get3A_202] {strides = array<i32>} : memref<144xi32, #tpu.memory_space<vmem>>, vector<16xi32>,
      %gt3A = arith.constant 0 : i32
      %gt3A_204 = arith.cmpi sgt, %add3A_198, %gt3A : i32
      %slice3A_205 = vector.extract_strided_slice %get3A_203 {offsets = [0], sizes = [1], strides = [1]} : vector<16xi32> to vector<1xi32>
      %squeeze3A_206 = vector.extract %slice3A_205[0] : i32 from vector<1xi32>
      %jit3A = arith.constant 0 : i32
      %select_n3A = arith.select %gt3A_204, %squeeze3A_206, %jit3A : i32
      %shift_right_arithmetic3A_207 = arith.constant 1 : i32
      %shift_right_arithmetic3A_208 = arith.shrsi %select_n3A, %shift_right_arithmetic3A_207 : i32
      %and3A_209 = arith.constant 1 : i32
      %and3A_210 = arith.andi %select_n3A, %and3A_209 : i32
      %mul3A_211 = arith.constant 64 : i32
      %mul3A_212 = arith.muli %and3A_210, %mul3A_211 : i32
      %add3A_213 = arith.constant 0 : i32
      %add3A_214 = arith.addi %mul3A_212, %add3A_213 : i32
      %get3A_215 = arith.index_cast %shift_right_arithmetic3A_208 : i32 to index
      %get3A_216 = arith.index_cast %add3A_214 : i32 to index
      %get3A_217 = tpu.vector_load %arg7[%get3A_215, %get3A_216] {strides = array<i32>} : memref<64x128xbf16, #tpu.memory_space<vmem>>, vector<32xbf16>,
      %max3A = arith.maximumf %broadcast_in_dim3A_199, %get3A_217 : vector<32xbf16>
      %select_n3A_218 = arith.select %gt3A_204, %max3A, %broadcast_in_dim3A_199 : vector<32xbf16>
      %add3A_219 = arith.constant 32 : i32
      %add3A_220 = arith.addi %mul3A_212, %add3A_219 : i32
      %get3A_221 = arith.index_cast %shift_right_arithmetic3A_208 : i32 to index
      %get3A_222 = arith.index_cast %add3A_220 : i32 to index
      %get3A_223 = tpu.vector_load %arg7[%get3A_221, %get3A_222] {strides = array<i32>} : memref<64x128xbf16, #tpu.memory_space<vmem>>, vector<32xbf16>,
      %max3A_224 = arith.maximumf %broadcast_in_dim3A_201, %get3A_223 : vector<32xbf16>
      %select_n3A_225 = arith.select %gt3A_204, %max3A_224, %broadcast_in_dim3A_201 : vector<32xbf16>
      %gt3A_226 = arith.constant 1 : i32
      %gt3A_227 = arith.cmpi sgt, %add3A_198, %gt3A_226 : i32
      %slice3A_228 = vector.extract_strided_slice %get3A_203 {offsets = [1], sizes = [1], strides = [1]} : vector<16xi32> to vector<1xi32>
      %squeeze3A_229 = vector.extract %slice3A_228[0] : i32 from vector<1xi32>
      %jit3A_230 = arith.constant 0 : i32
      %select_n3A_231 = arith.select %gt3A_227, %squeeze3A_229, %jit3A_230 : i32
      %shift_right_arithmetic3A_232 = arith.constant 1 : i32
      %shift_right_arithmetic3A_233 = arith.shrsi %select_n3A_231, %shift_right_arithmetic3A_232 : i32
      %and3A_234 = arith.constant 1 : i32
      %and3A_235 = arith.andi %select_n3A_231, %and3A_234 : i32
      %mul3A_236 = arith.constant 64 : i32
      %mul3A_237 = arith.muli %and3A_235, %mul3A_236 : i32
      %add3A_238 = arith.constant 0 : i32
      %add3A_239 = arith.addi %mul3A_237, %add3A_238 : i32
      %get3A_240 = arith.index_cast %shift_right_arithmetic3A_233 : i32 to index
      %get3A_241 = arith.index_cast %add3A_239 : i32 to index
      %get3A_242 = tpu.vector_load %arg7[%get3A_240, %get3A_241] {strides = array<i32>} : memref<64x128xbf16, #tpu.memory_space<vmem>>, vector<32xbf16>,
      %max3A_243 = arith.maximumf %select_n3A_218, %get3A_242 : vector<32xbf16>
      %select_n3A_244 = arith.select %gt3A_227, %max3A_243, %select_n3A_218 : vector<32xbf16>
      %add3A_245 = arith.constant 32 : i32
      %add3A_246 = arith.addi %mul3A_237, %add3A_245 : i32
      %get3A_247 = arith.index_cast %shift_right_arithmetic3A_233 : i32 to index
      %get3A_248 = arith.index_cast %add3A_246 : i32 to index
      %get3A_249 = tpu.vector_load %arg7[%get3A_247, %get3A_248] {strides = array<i32>} : memref<64x128xbf16, #tpu.memory_space<vmem>>, vector<32xbf16>,
      %max3A_250 = arith.maximumf %select_n3A_225, %get3A_249 : vector<32xbf16>
      %select_n3A_251 = arith.select %gt3A_227, %max3A_250, %select_n3A_225 : vector<32xbf16>
      %gt3A_252 = arith.constant 2 : i32
      %gt3A_253 = arith.cmpi sgt, %add3A_198, %gt3A_252 : i32
      %slice3A_254 = vector.extract_strided_slice %get3A_203 {offsets = [2], sizes = [1], strides = [1]} : vector<16xi32> to vector<1xi32>
      %squeeze3A_255 = vector.extract %slice3A_254[0] : i32 from vector<1xi32>
      %jit3A_256 = arith.constant 0 : i32
      %select_n3A_257 = arith.select %gt3A_253, %squeeze3A_255, %jit3A_256 : i32
      %shift_right_arithmetic3A_258 = arith.constant 1 : i32
      %shift_right_arithmetic3A_259 = arith.shrsi %select_n3A_257, %shift_right_arithmetic3A_258 : i32
      %and3A_260 = arith.constant 1 : i32
      %and3A_261 = arith.andi %select_n3A_257, %and3A_260 : i32
      %mul3A_262 = arith.constant 64 : i32
      %mul3A_263 = arith.muli %and3A_261, %mul3A_262 : i32
      %add3A_264 = arith.constant 0 : i32
      %add3A_265 = arith.addi %mul3A_263, %add3A_264 : i32
      %get3A_266 = arith.index_cast %shift_right_arithmetic3A_259 : i32 to index
      %get3A_267 = arith.index_cast %add3A_265 : i32 to index
      %get3A_268 = tpu.vector_load %arg7[%get3A_266, %get3A_267] {strides = array<i32>} : memref<64x128xbf16, #tpu.memory_space<vmem>>, vector<32xbf16>,
      %max3A_269 = arith.maximumf %select_n3A_244, %get3A_268 : vector<32xbf16>
      %select_n3A_270 = arith.select %gt3A_253, %max3A_269, %select_n3A_244 : vector<32xbf16>
      %add3A_271 = arith.constant 32 : i32
      %add3A_272 = arith.addi %mul3A_263, %add3A_271 : i32
      %get3A_273 = arith.index_cast %shift_right_arithmetic3A_259 : i32 to index
      %get3A_274 = arith.index_cast %add3A_272 : i32 to index
      %get3A_275 = tpu.vector_load %arg7[%get3A_273, %get3A_274] {strides = array<i32>} : memref<64x128xbf16, #tpu.memory_space<vmem>>, vector<32xbf16>,
      %max3A_276 = arith.maximumf %select_n3A_251, %get3A_275 : vector<32xbf16>
      %select_n3A_277 = arith.select %gt3A_253, %max3A_276, %select_n3A_251 : vector<32xbf16>
      %gt3A_278 = arith.constant 3 : i32
      %gt3A_279 = arith.cmpi sgt, %add3A_198, %gt3A_278 : i32
      %slice3A_280 = vector.extract_strided_slice %get3A_203 {offsets = [3], sizes = [1], strides = [1]} : vector<16xi32> to vector<1xi32>
      %squeeze3A_281 = vector.extract %slice3A_280[0] : i32 from vector<1xi32>
      %jit3A_282 = arith.constant 0 : i32
      %select_n3A_283 = arith.select %gt3A_279, %squeeze3A_281, %jit3A_282 : i32
      %shift_right_arithmetic3A_284 = arith.constant 1 : i32
      %shift_right_arithmetic3A_285 = arith.shrsi %select_n3A_283, %shift_right_arithmetic3A_284 : i32
      %and3A_286 = arith.constant 1 : i32
      %and3A_287 = arith.andi %select_n3A_283, %and3A_286 : i32
      %mul3A_288 = arith.constant 64 : i32
      %mul3A_289 = arith.muli %and3A_287, %mul3A_288 : i32
      %add3A_290 = arith.constant 0 : i32
      %add3A_291 = arith.addi %mul3A_289, %add3A_290 : i32
      %get3A_292 = arith.index_cast %shift_right_arithmetic3A_285 : i32 to index
      %get3A_293 = arith.index_cast %add3A_291 : i32 to index
      %get3A_294 = tpu.vector_load %arg7[%get3A_292, %get3A_293] {strides = array<i32>} : memref<64x128xbf16, #tpu.memory_space<vmem>>, vector<32xbf16>,
      %max3A_295 = arith.maximumf %select_n3A_270, %get3A_294 : vector<32xbf16>
      %select_n3A_296 = arith.select %gt3A_279, %max3A_295, %select_n3A_270 : vector<32xbf16>
      %add3A_297 = arith.constant 32 : i32
      %add3A_298 = arith.addi %mul3A_289, %add3A_297 : i32
      %get3A_299 = arith.index_cast %shift_right_arithmetic3A_285 : i32 to index
      %get3A_300 = arith.index_cast %add3A_298 : i32 to index
      %get3A_301 = tpu.vector_load %arg7[%get3A_299, %get3A_300] {strides = array<i32>} : memref<64x128xbf16, #tpu.memory_space<vmem>>, vector<32xbf16>,
      %max3A_302 = arith.maximumf %select_n3A_277, %get3A_301 : vector<32xbf16>
      %select_n3A_303 = arith.select %gt3A_279, %max3A_302, %select_n3A_277 : vector<32xbf16>
      %get3A_304 = arith.constant 4 : index
      %get3A_305 = tpu.vector_load %arg9[%get3A_304] {strides = array<i32>} : memref<144xi32, #tpu.memory_space<vmem>>, vector<16xi32>,
      %gt3A_306 = arith.constant 4 : i32
      %gt3A_307 = arith.cmpi sgt, %add3A_198, %gt3A_306 : i32
      %slice3A_308 = vector.extract_strided_slice %get3A_305 {offsets = [0], sizes = [1], strides = [1]} : vector<16xi32> to vector<1xi32>
      %squeeze3A_309 = vector.extract %slice3A_308[0] : i32 from vector<1xi32>
      %jit3A_310 = arith.constant 0 : i32
      %select_n3A_311 = arith.select %gt3A_307, %squeeze3A_309, %jit3A_310 : i32
      %shift_right_arithmetic3A_312 = arith.constant 1 : i32
      %shift_right_arithmetic3A_313 = arith.shrsi %select_n3A_311, %shift_right_arithmetic3A_312 : i32
      %and3A_314 = arith.constant 1 : i32
      %and3A_315 = arith.andi %select_n3A_311, %and3A_314 : i32
      %mul3A_316 = arith.constant 64 : i32
      %mul3A_317 = arith.muli %and3A_315, %mul3A_316 : i32
      %add3A_318 = arith.constant 0 : i32
      %add3A_319 = arith.addi %mul3A_317, %add3A_318 : i32
      %get3A_320 = arith.index_cast %shift_right_arithmetic3A_313 : i32 to index
      %get3A_321 = arith.index_cast %add3A_319 : i32 to index
      %get3A_322 = tpu.vector_load %arg7[%get3A_320, %get3A_321] {strides = array<i32>} : memref<64x128xbf16, #tpu.memory_space<vmem>>, vector<32xbf16>,
      %max3A_323 = arith.maximumf %select_n3A_296, %get3A_322 : vector<32xbf16>
      %select_n3A_324 = arith.select %gt3A_307, %max3A_323, %select_n3A_296 : vector<32xbf16>
      %add3A_325 = arith.constant 32 : i32
      %add3A_326 = arith.addi %mul3A_317, %add3A_325 : i32
      %get3A_327 = arith.index_cast %shift_right_arithmetic3A_313 : i32 to index
      %get3A_328 = arith.index_cast %add3A_326 : i32 to index
      %get3A_329 = tpu.vector_load %arg7[%get3A_327, %get3A_328] {strides = array<i32>} : memref<64x128xbf16, #tpu.memory_space<vmem>>, vector<32xbf16>,
      %max3A_330 = arith.maximumf %select_n3A_303, %get3A_329 : vector<32xbf16>
      %select_n3A_331 = arith.select %gt3A_307, %max3A_330, %select_n3A_303 : vector<32xbf16>
      %gt3A_332 = arith.constant 5 : i32
      %gt3A_333 = arith.cmpi sgt, %add3A_198, %gt3A_332 : i32
      %slice3A_334 = vector.extract_strided_slice %get3A_305 {offsets = [1], sizes = [1], strides = [1]} : vector<16xi32> to vector<1xi32>
      %squeeze3A_335 = vector.extract %slice3A_334[0] : i32 from vector<1xi32>
      %jit3A_336 = arith.constant 0 : i32
      %select_n3A_337 = arith.select %gt3A_333, %squeeze3A_335, %jit3A_336 : i32
      %shift_right_arithmetic3A_338 = arith.constant 1 : i32
      %shift_right_arithmetic3A_339 = arith.shrsi %select_n3A_337, %shift_right_arithmetic3A_338 : i32
      %and3A_340 = arith.constant 1 : i32
      %and3A_341 = arith.andi %select_n3A_337, %and3A_340 : i32
      %mul3A_342 = arith.constant 64 : i32
      %mul3A_343 = arith.muli %and3A_341, %mul3A_342 : i32
      %add3A_344 = arith.constant 0 : i32
      %add3A_345 = arith.addi %mul3A_343, %add3A_344 : i32
      %get3A_346 = arith.index_cast %shift_right_arithmetic3A_339 : i32 to index
      %get3A_347 = arith.index_cast %add3A_345 : i32 to index
      %get3A_348 = tpu.vector_load %arg7[%get3A_346, %get3A_347] {strides = array<i32>} : memref<64x128xbf16, #tpu.memory_space<vmem>>, vector<32xbf16>,
      %max3A_349 = arith.maximumf %select_n3A_324, %get3A_348 : vector<32xbf16>
      %select_n3A_350 = arith.select %gt3A_333, %max3A_349, %select_n3A_324 : vector<32xbf16>
      %add3A_351 = arith.constant 32 : i32
      %add3A_352 = arith.addi %mul3A_343, %add3A_351 : i32
      %get3A_353 = arith.index_cast %shift_right_arithmetic3A_339 : i32 to index
      %get3A_354 = arith.index_cast %add3A_352 : i32 to index
      %get3A_355 = tpu.vector_load %arg7[%get3A_353, %get3A_354] {strides = array<i32>} : memref<64x128xbf16, #tpu.memory_space<vmem>>, vector<32xbf16>,
      %max3A_356 = arith.maximumf %select_n3A_331, %get3A_355 : vector<32xbf16>
      %select_n3A_357 = arith.select %gt3A_333, %max3A_356, %select_n3A_331 : vector<32xbf16>
      %gt3A_358 = arith.constant 6 : i32
      %gt3A_359 = arith.cmpi sgt, %add3A_198, %gt3A_358 : i32
      %slice3A_360 = vector.extract_strided_slice %get3A_305 {offsets = [2], sizes = [1], strides = [1]} : vector<16xi32> to vector<1xi32>
      %squeeze3A_361 = vector.extract %slice3A_360[0] : i32 from vector<1xi32>
      %jit3A_362 = arith.constant 0 : i32
      %select_n3A_363 = arith.select %gt3A_359, %squeeze3A_361, %jit3A_362 : i32
      %shift_right_arithmetic3A_364 = arith.constant 1 : i32
      %shift_right_arithmetic3A_365 = arith.shrsi %select_n3A_363, %shift_right_arithmetic3A_364 : i32
      %and3A_366 = arith.constant 1 : i32
      %and3A_367 = arith.andi %select_n3A_363, %and3A_366 : i32
      %mul3A_368 = arith.constant 64 : i32
      %mul3A_369 = arith.muli %and3A_367, %mul3A_368 : i32
      %add3A_370 = arith.constant 0 : i32
      %add3A_371 = arith.addi %mul3A_369, %add3A_370 : i32
      %get3A_372 = arith.index_cast %shift_right_arithmetic3A_365 : i32 to index
      %get3A_373 = arith.index_cast %add3A_371 : i32 to index
      %get3A_374 = tpu.vector_load %arg7[%get3A_372, %get3A_373] {strides = array<i32>} : memref<64x128xbf16, #tpu.memory_space<vmem>>, vector<32xbf16>,
      %max3A_375 = arith.maximumf %select_n3A_350, %get3A_374 : vector<32xbf16>
      %select_n3A_376 = arith.select %gt3A_359, %max3A_375, %select_n3A_350 : vector<32xbf16>
      %add3A_377 = arith.constant 32 : i32
      %add3A_378 = arith.addi %mul3A_369, %add3A_377 : i32
      %get3A_379 = arith.index_cast %shift_right_arithmetic3A_365 : i32 to index
      %get3A_380 = arith.index_cast %add3A_378 : i32 to index
      %get3A_381 = tpu.vector_load %arg7[%get3A_379, %get3A_380] {strides = array<i32>} : memref<64x128xbf16, #tpu.memory_space<vmem>>, vector<32xbf16>,
      %max3A_382 = arith.maximumf %select_n3A_357, %get3A_381 : vector<32xbf16>
      %select_n3A_383 = arith.select %gt3A_359, %max3A_382, %select_n3A_357 : vector<32xbf16>
      %gt3A_384 = arith.constant 7 : i32
      %gt3A_385 = arith.cmpi sgt, %add3A_198, %gt3A_384 : i32
      %slice3A_386 = vector.extract_strided_slice %get3A_305 {offsets = [3], sizes = [1], strides = [1]} : vector<16xi32> to vector<1xi32>
      %squeeze3A_387 = vector.extract %slice3A_386[0] : i32 from vector<1xi32>
      %jit3A_388 = arith.constant 0 : i32
      %select_n3A_389 = arith.select %gt3A_385, %squeeze3A_387, %jit3A_388 : i32
      %shift_right_arithmetic3A_390 = arith.constant 1 : i32
      %shift_right_arithmetic3A_391 = arith.shrsi %select_n3A_389, %shift_right_arithmetic3A_390 : i32
      %and3A_392 = arith.constant 1 : i32
      %and3A_393 = arith.andi %select_n3A_389, %and3A_392 : i32
      %mul3A_394 = arith.constant 64 : i32
      %mul3A_395 = arith.muli %and3A_393, %mul3A_394 : i32
      %add3A_396 = arith.constant 0 : i32
      %add3A_397 = arith.addi %mul3A_395, %add3A_396 : i32
      %get3A_398 = arith.index_cast %shift_right_arithmetic3A_391 : i32 to index
      %get3A_399 = arith.index_cast %add3A_397 : i32 to index
      %get3A_400 = tpu.vector_load %arg7[%get3A_398, %get3A_399] {strides = array<i32>} : memref<64x128xbf16, #tpu.memory_space<vmem>>, vector<32xbf16>,
      %max3A_401 = arith.maximumf %select_n3A_376, %get3A_400 : vector<32xbf16>
      %select_n3A_402 = arith.select %gt3A_385, %max3A_401, %select_n3A_376 : vector<32xbf16>
      %add3A_403 = arith.constant 32 : i32
      %add3A_404 = arith.addi %mul3A_395, %add3A_403 : i32
      %get3A_405 = arith.index_cast %shift_right_arithmetic3A_391 : i32 to index
      %get3A_406 = arith.index_cast %add3A_404 : i32 to index
      %get3A_407 = tpu.vector_load %arg7[%get3A_405, %get3A_406] {strides = array<i32>} : memref<64x128xbf16, #tpu.memory_space<vmem>>, vector<32xbf16>,
      %max3A_408 = arith.maximumf %select_n3A_383, %get3A_407 : vector<32xbf16>
      %select_n3A_409 = arith.select %gt3A_385, %max3A_408, %select_n3A_383 : vector<32xbf16>
      %get3A_410 = arith.constant 8 : index
      %get3A_411 = tpu.vector_load %arg9[%get3A_410] {strides = array<i32>} : memref<144xi32, #tpu.memory_space<vmem>>, vector<16xi32>,
      %gt3A_412 = arith.constant 8 : i32
      %gt3A_413 = arith.cmpi sgt, %add3A_198, %gt3A_412 : i32
      %slice3A_414 = vector.extract_strided_slice %get3A_411 {offsets = [0], sizes = [1], strides = [1]} : vector<16xi32> to vector<1xi32>
      %squeeze3A_415 = vector.extract %slice3A_414[0] : i32 from vector<1xi32>
      %jit3A_416 = arith.constant 0 : i32
      %select_n3A_417 = arith.select %gt3A_413, %squeeze3A_415, %jit3A_416 : i32
      %shift_right_arithmetic3A_418 = arith.constant 1 : i32
      %shift_right_arithmetic3A_419 = arith.shrsi %select_n3A_417, %shift_right_arithmetic3A_418 : i32
      %and3A_420 = arith.constant 1 : i32
      %and3A_421 = arith.andi %select_n3A_417, %and3A_420 : i32
      %mul3A_422 = arith.constant 64 : i32
      %mul3A_423 = arith.muli %and3A_421, %mul3A_422 : i32
      %add3A_424 = arith.constant 0 : i32
      %add3A_425 = arith.addi %mul3A_423, %add3A_424 : i32
      %get3A_426 = arith.index_cast %shift_right_arithmetic3A_419 : i32 to index
      %get3A_427 = arith.index_cast %add3A_425 : i32 to index
      %get3A_428 = tpu.vector_load %arg7[%get3A_426, %get3A_427] {strides = array<i32>} : memref<64x128xbf16, #tpu.memory_space<vmem>>, vector<32xbf16>,
      %max3A_429 = arith.maximumf %select_n3A_402, %get3A_428 : vector<32xbf16>
      %select_n3A_430 = arith.select %gt3A_413, %max3A_429, %select_n3A_402 : vector<32xbf16>
      %add3A_431 = arith.constant 32 : i32
      %add3A_432 = arith.addi %mul3A_423, %add3A_431 : i32
      %get3A_433 = arith.index_cast %shift_right_arithmetic3A_419 : i32 to index
      %get3A_434 = arith.index_cast %add3A_432 : i32 to index
      %get3A_435 = tpu.vector_load %arg7[%get3A_433, %get3A_434] {strides = array<i32>} : memref<64x128xbf16, #tpu.memory_space<vmem>>, vector<32xbf16>,
      %max3A_436 = arith.maximumf %select_n3A_409, %get3A_435 : vector<32xbf16>
      %select_n3A_437 = arith.select %gt3A_413, %max3A_436, %select_n3A_409 : vector<32xbf16>
      %gt3A_438 = arith.constant 9 : i32
      %gt3A_439 = arith.cmpi sgt, %add3A_198, %gt3A_438 : i32
      %slice3A_440 = vector.extract_strided_slice %get3A_411 {offsets = [1], sizes = [1], strides = [1]} : vector<16xi32> to vector<1xi32>
      %squeeze3A_441 = vector.extract %slice3A_440[0] : i32 from vector<1xi32>
      %jit3A_442 = arith.constant 0 : i32
      %select_n3A_443 = arith.select %gt3A_439, %squeeze3A_441, %jit3A_442 : i32
      %shift_right_arithmetic3A_444 = arith.constant 1 : i32
      %shift_right_arithmetic3A_445 = arith.shrsi %select_n3A_443, %shift_right_arithmetic3A_444 : i32
      %and3A_446 = arith.constant 1 : i32
      %and3A_447 = arith.andi %select_n3A_443, %and3A_446 : i32
      %mul3A_448 = arith.constant 64 : i32
      %mul3A_449 = arith.muli %and3A_447, %mul3A_448 : i32
      %add3A_450 = arith.constant 0 : i32
      %add3A_451 = arith.addi %mul3A_449, %add3A_450 : i32
      %get3A_452 = arith.index_cast %shift_right_arithmetic3A_445 : i32 to index
      %get3A_453 = arith.index_cast %add3A_451 : i32 to index
      %get3A_454 = tpu.vector_load %arg7[%get3A_452, %get3A_453] {strides = array<i32>} : memref<64x128xbf16, #tpu.memory_space<vmem>>, vector<32xbf16>,
      %max3A_455 = arith.maximumf %select_n3A_430, %get3A_454 : vector<32xbf16>
      %select_n3A_456 = arith.select %gt3A_439, %max3A_455, %select_n3A_430 : vector<32xbf16>
      %add3A_457 = arith.constant 32 : i32
      %add3A_458 = arith.addi %mul3A_449, %add3A_457 : i32
      %get3A_459 = arith.index_cast %shift_right_arithmetic3A_445 : i32 to index
      %get3A_460 = arith.index_cast %add3A_458 : i32 to index
      %get3A_461 = tpu.vector_load %arg7[%get3A_459, %get3A_460] {strides = array<i32>} : memref<64x128xbf16, #tpu.memory_space<vmem>>, vector<32xbf16>,
      %max3A_462 = arith.maximumf %select_n3A_437, %get3A_461 : vector<32xbf16>
      %select_n3A_463 = arith.select %gt3A_439, %max3A_462, %select_n3A_437 : vector<32xbf16>
      %gt3A_464 = arith.constant 10 : i32
      %gt3A_465 = arith.cmpi sgt, %add3A_198, %gt3A_464 : i32
      %slice3A_466 = vector.extract_strided_slice %get3A_411 {offsets = [2], sizes = [1], strides = [1]} : vector<16xi32> to vector<1xi32>
      %squeeze3A_467 = vector.extract %slice3A_466[0] : i32 from vector<1xi32>
      %jit3A_468 = arith.constant 0 : i32
      %select_n3A_469 = arith.select %gt3A_465, %squeeze3A_467, %jit3A_468 : i32
      %shift_right_arithmetic3A_470 = arith.constant 1 : i32
      %shift_right_arithmetic3A_471 = arith.shrsi %select_n3A_469, %shift_right_arithmetic3A_470 : i32
      %and3A_472 = arith.constant 1 : i32
      %and3A_473 = arith.andi %select_n3A_469, %and3A_472 : i32
      %mul3A_474 = arith.constant 64 : i32
      %mul3A_475 = arith.muli %and3A_473, %mul3A_474 : i32
      %add3A_476 = arith.constant 0 : i32
      %add3A_477 = arith.addi %mul3A_475, %add3A_476 : i32
      %get3A_478 = arith.index_cast %shift_right_arithmetic3A_471 : i32 to index
      %get3A_479 = arith.index_cast %add3A_477 : i32 to index
      %get3A_480 = tpu.vector_load %arg7[%get3A_478, %get3A_479] {strides = array<i32>} : memref<64x128xbf16, #tpu.memory_space<vmem>>, vector<32xbf16>,
      %max3A_481 = arith.maximumf %select_n3A_456, %get3A_480 : vector<32xbf16>
      %select_n3A_482 = arith.select %gt3A_465, %max3A_481, %select_n3A_456 : vector<32xbf16>
      %add3A_483 = arith.constant 32 : i32
      %add3A_484 = arith.addi %mul3A_475, %add3A_483 : i32
      %get3A_485 = arith.index_cast %shift_right_arithmetic3A_471 : i32 to index
      %get3A_486 = arith.index_cast %add3A_484 : i32 to index
      %get3A_487 = tpu.vector_load %arg7[%get3A_485, %get3A_486] {strides = array<i32>} : memref<64x128xbf16, #tpu.memory_space<vmem>>, vector<32xbf16>,
      %max3A_488 = arith.maximumf %select_n3A_463, %get3A_487 : vector<32xbf16>
      %select_n3A_489 = arith.select %gt3A_465, %max3A_488, %select_n3A_463 : vector<32xbf16>
      %gt3A_490 = arith.constant 11 : i32
      %gt3A_491 = arith.cmpi sgt, %add3A_198, %gt3A_490 : i32
      %slice3A_492 = vector.extract_strided_slice %get3A_411 {offsets = [3], sizes = [1], strides = [1]} : vector<16xi32> to vector<1xi32>
      %squeeze3A_493 = vector.extract %slice3A_492[0] : i32 from vector<1xi32>
      %jit3A_494 = arith.constant 0 : i32
      %select_n3A_495 = arith.select %gt3A_491, %squeeze3A_493, %jit3A_494 : i32
      %shift_right_arithmetic3A_496 = arith.constant 1 : i32
      %shift_right_arithmetic3A_497 = arith.shrsi %select_n3A_495, %shift_right_arithmetic3A_496 : i32
      %and3A_498 = arith.constant 1 : i32
      %and3A_499 = arith.andi %select_n3A_495, %and3A_498 : i32
      %mul3A_500 = arith.constant 64 : i32
      %mul3A_501 = arith.muli %and3A_499, %mul3A_500 : i32
      %add3A_502 = arith.constant 0 : i32
      %add3A_503 = arith.addi %mul3A_501, %add3A_502 : i32
      %get3A_504 = arith.index_cast %shift_right_arithmetic3A_497 : i32 to index
      %get3A_505 = arith.index_cast %add3A_503 : i32 to index
      %get3A_506 = tpu.vector_load %arg7[%get3A_504, %get3A_505] {strides = array<i32>} : memref<64x128xbf16, #tpu.memory_space<vmem>>, vector<32xbf16>,
      %max3A_507 = arith.maximumf %select_n3A_482, %get3A_506 : vector<32xbf16>
      %select_n3A_508 = arith.select %gt3A_491, %max3A_507, %select_n3A_482 : vector<32xbf16>
      %add3A_509 = arith.constant 32 : i32
      %add3A_510 = arith.addi %mul3A_501, %add3A_509 : i32
      %get3A_511 = arith.index_cast %shift_right_arithmetic3A_497 : i32 to index
      %get3A_512 = arith.index_cast %add3A_510 : i32 to index
      %get3A_513 = tpu.vector_load %arg7[%get3A_511, %get3A_512] {strides = array<i32>} : memref<64x128xbf16, #tpu.memory_space<vmem>>, vector<32xbf16>,
      %max3A_514 = arith.maximumf %select_n3A_489, %get3A_513 : vector<32xbf16>
      %select_n3A_515 = arith.select %gt3A_491, %max3A_514, %select_n3A_489 : vector<32xbf16>
      %add3A_516 = arith.constant 3 : i32
      %add3A_517 = arith.addi %add3A_198, %add3A_516 : i32
      %jit3A_518 = arith.constant 4 : i32
      %div3A = arith.divsi %add3A_517, %jit3A_518 : i32
      %sign3A = arith.constant 0 : i32
      %sign3A_519 = arith.cmpi sgt, %add3A_517, %sign3A : i32
      %sign3A_520 = arith.extui %sign3A_519 : i1 to i32
      %sign3A_521 = arith.constant 0 : i32
      %sign3A_522 = arith.cmpi slt, %add3A_517, %sign3A_521 : i32
      %sign3A_523 = arith.extui %sign3A_522 : i1 to i32
      %sign3A_524 = arith.subi %sign3A_520, %sign3A_523 : i32
      %sign3A_525 = arith.constant 0 : i32
      %sign3A_526 = arith.cmpi sgt, %jit3A_518, %sign3A_525 : i32
      %sign3A_527 = arith.extui %sign3A_526 : i1 to i32
      %sign3A_528 = arith.constant 0 : i32
      %sign3A_529 = arith.cmpi slt, %jit3A_518, %sign3A_528 : i32
      %sign3A_530 = arith.extui %sign3A_529 : i1 to i32
      %sign3A_531 = arith.subi %sign3A_527, %sign3A_530 : i32
      %ne3A_532 = arith.cmpi ne, %sign3A_524, %sign3A_531 : i32
      %rem3A = arith.remsi %add3A_517, %jit3A_518 : i32
      %ne3A_533 = arith.constant 0 : i32
      %ne3A_534 = arith.cmpi ne, %rem3A, %ne3A_533 : i32
      %and3A_535 = arith.andi %ne3A_532, %ne3A_534 : i1
      %sub3A = arith.constant 1 : i32
      %sub3A_536 = arith.subi %div3A, %sub3A : i32
      %select_n3A_537 = arith.select %and3A_535, %sub3A_536, %div3A : i32
      %while3A_538 = arith.constant 3 : i32
      %while3A_539 = arith.subi %select_n3A_537, %while3A_538 : i32
      %while3A_540 = arith.addi %while3A_538, %while3A_539 : i32
      %while3A_541 = arith.constant 1 : i32
      %while3A_542 = arith.divsi %while3A_539, %while3A_541 : i32
      %while3A_543 = arith.muli %while3A_542, %while3A_541 : i32
      %while3A_544 = arith.addi %while3A_538, %while3A_543 : i32
      %while3A_545 = arith.constant 1 : i32
      %while3A_546:2 = scf.for %while3A_573 = %while3A_538 to %while3A_544 step %while3A_545 iter_args(%while3A_574 = %select_n3A_508, %while3A_575 = %select_n3A_515) -> (vector<32xbf16>, vector<32xbf16>)  : i32 {
        %mul3A_576 = arith.constant 4 : i32
        %mul3A_577 = arith.muli %while3A_573, %mul3A_576 : i32
        %get3A_578 = arith.index_cast %mul3A_577 : i32 to index
        %get3A_579 = tpu.vector_load %arg9[%get3A_578] {strides = array<i32>} : memref<144xi32, #tpu.memory_space<vmem>>, vector<16xi32>,
        %mul3A_580 = arith.constant 4 : i32
        %mul3A_581 = arith.muli %while3A_573, %mul3A_580 : i32
        %add3A_582 = arith.constant 0 : i32
        %add3A_583 = arith.addi %mul3A_581, %add3A_582 : i32
        %lt3A_584 = arith.cmpi slt, %add3A_583, %add3A_198 : i32
        %slice3A_585 = vector.extract_strided_slice %get3A_579 {offsets = [0], sizes = [1], strides = [1]} : vector<16xi32> to vector<1xi32>
        %squeeze3A_586 = vector.extract %slice3A_585[0] : i32 from vector<1xi32>
        %jit3A_587 = arith.constant 0 : i32
        %select_n3A_588 = arith.select %lt3A_584, %squeeze3A_586, %jit3A_587 : i32
        %shift_right_arithmetic3A_589 = arith.constant 1 : i32
        %shift_right_arithmetic3A_590 = arith.shrsi %select_n3A_588, %shift_right_arithmetic3A_589 : i32
        %and3A_591 = arith.constant 1 : i32
        %and3A_592 = arith.andi %select_n3A_588, %and3A_591 : i32
        %mul3A_593 = arith.constant 64 : i32
        %mul3A_594 = arith.muli %and3A_592, %mul3A_593 : i32
        %add3A_595 = arith.constant 0 : i32
        %add3A_596 = arith.addi %mul3A_594, %add3A_595 : i32
        %get3A_597 = arith.index_cast %shift_right_arithmetic3A_590 : i32 to index
        %get3A_598 = arith.index_cast %add3A_596 : i32 to index
        %get3A_599 = tpu.vector_load %arg7[%get3A_597, %get3A_598] {strides = array<i32>} : memref<64x128xbf16, #tpu.memory_space<vmem>>, vector<32xbf16>,
        %max3A_600 = arith.maximumf %while3A_574, %get3A_599 : vector<32xbf16>
        %select_n3A_601 = arith.select %lt3A_584, %max3A_600, %while3A_574 : vector<32xbf16>
        %add3A_602 = arith.constant 32 : i32
        %add3A_603 = arith.addi %mul3A_594, %add3A_602 : i32
        %get3A_604 = arith.index_cast %shift_right_arithmetic3A_590 : i32 to index
        %get3A_605 = arith.index_cast %add3A_603 : i32 to index
        %get3A_606 = tpu.vector_load %arg7[%get3A_604, %get3A_605] {strides = array<i32>} : memref<64x128xbf16, #tpu.memory_space<vmem>>, vector<32xbf16>,
        %max3A_607 = arith.maximumf %while3A_575, %get3A_606 : vector<32xbf16>
        %select_n3A_608 = arith.select %lt3A_584, %max3A_607, %while3A_575 : vector<32xbf16>
        %mul3A_609 = arith.constant 4 : i32
        %mul3A_610 = arith.muli %while3A_573, %mul3A_609 : i32
        %add3A_611 = arith.constant 1 : i32
        %add3A_612 = arith.addi %mul3A_610, %add3A_611 : i32
        %lt3A_613 = arith.cmpi slt, %add3A_612, %add3A_198 : i32
        %slice3A_614 = vector.extract_strided_slice %get3A_579 {offsets = [1], sizes = [1], strides = [1]} : vector<16xi32> to vector<1xi32>
        %squeeze3A_615 = vector.extract %slice3A_614[0] : i32 from vector<1xi32>
        %jit3A_616 = arith.constant 0 : i32
        %select_n3A_617 = arith.select %lt3A_613, %squeeze3A_615, %jit3A_616 : i32
        %shift_right_arithmetic3A_618 = arith.constant 1 : i32
        %shift_right_arithmetic3A_619 = arith.shrsi %select_n3A_617, %shift_right_arithmetic3A_618 : i32
        %and3A_620 = arith.constant 1 : i32
        %and3A_621 = arith.andi %select_n3A_617, %and3A_620 : i32
        %mul3A_622 = arith.constant 64 : i32
        %mul3A_623 = arith.muli %and3A_621, %mul3A_622 : i32
        %add3A_624 = arith.constant 0 : i32
        %add3A_625 = arith.addi %mul3A_623, %add3A_624 : i32
        %get3A_626 = arith.index_cast %shift_right_arithmetic3A_619 : i32 to index
        %get3A_627 = arith.index_cast %add3A_625 : i32 to index
        %get3A_628 = tpu.vector_load %arg7[%get3A_626, %get3A_627] {strides = array<i32>} : memref<64x128xbf16, #tpu.memory_space<vmem>>, vector<32xbf16>,
        %max3A_629 = arith.maximumf %select_n3A_601, %get3A_628 : vector<32xbf16>
        %select_n3A_630 = arith.select %lt3A_613, %max3A_629, %select_n3A_601 : vector<32xbf16>
        %add3A_631 = arith.constant 32 : i32
        %add3A_632 = arith.addi %mul3A_623, %add3A_631 : i32
        %get3A_633 = arith.index_cast %shift_right_arithmetic3A_619 : i32 to index
        %get3A_634 = arith.index_cast %add3A_632 : i32 to index
        %get3A_635 = tpu.vector_load %arg7[%get3A_633, %get3A_634] {strides = array<i32>} : memref<64x128xbf16, #tpu.memory_space<vmem>>, vector<32xbf16>,
        %max3A_636 = arith.maximumf %select_n3A_608, %get3A_635 : vector<32xbf16>
        %select_n3A_637 = arith.select %lt3A_613, %max3A_636, %select_n3A_608 : vector<32xbf16>
        %mul3A_638 = arith.constant 4 : i32
        %mul3A_639 = arith.muli %while3A_573, %mul3A_638 : i32
        %add3A_640 = arith.constant 2 : i32
        %add3A_641 = arith.addi %mul3A_639, %add3A_640 : i32
        %lt3A_642 = arith.cmpi slt, %add3A_641, %add3A_198 : i32
        %slice3A_643 = vector.extract_strided_slice %get3A_579 {offsets = [2], sizes = [1], strides = [1]} : vector<16xi32> to vector<1xi32>
        %squeeze3A_644 = vector.extract %slice3A_643[0] : i32 from vector<1xi32>
        %jit3A_645 = arith.constant 0 : i32
        %select_n3A_646 = arith.select %lt3A_642, %squeeze3A_644, %jit3A_645 : i32
        %shift_right_arithmetic3A_647 = arith.constant 1 : i32
        %shift_right_arithmetic3A_648 = arith.shrsi %select_n3A_646, %shift_right_arithmetic3A_647 : i32
        %and3A_649 = arith.constant 1 : i32
        %and3A_650 = arith.andi %select_n3A_646, %and3A_649 : i32
        %mul3A_651 = arith.constant 64 : i32
        %mul3A_652 = arith.muli %and3A_650, %mul3A_651 : i32
        %add3A_653 = arith.constant 0 : i32
        %add3A_654 = arith.addi %mul3A_652, %add3A_653 : i32
        %get3A_655 = arith.index_cast %shift_right_arithmetic3A_648 : i32 to index
        %get3A_656 = arith.index_cast %add3A_654 : i32 to index
        %get3A_657 = tpu.vector_load %arg7[%get3A_655, %get3A_656] {strides = array<i32>} : memref<64x128xbf16, #tpu.memory_space<vmem>>, vector<32xbf16>,
        %max3A_658 = arith.maximumf %select_n3A_630, %get3A_657 : vector<32xbf16>
        %select_n3A_659 = arith.select %lt3A_642, %max3A_658, %select_n3A_630 : vector<32xbf16>
        %add3A_660 = arith.constant 32 : i32
        %add3A_661 = arith.addi %mul3A_652, %add3A_660 : i32
        %get3A_662 = arith.index_cast %shift_right_arithmetic3A_648 : i32 to index
        %get3A_663 = arith.index_cast %add3A_661 : i32 to index
        %get3A_664 = tpu.vector_load %arg7[%get3A_662, %get3A_663] {strides = array<i32>} : memref<64x128xbf16, #tpu.memory_space<vmem>>, vector<32xbf16>,
        %max3A_665 = arith.maximumf %select_n3A_637, %get3A_664 : vector<32xbf16>
        %select_n3A_666 = arith.select %lt3A_642, %max3A_665, %select_n3A_637 : vector<32xbf16>
        %mul3A_667 = arith.constant 4 : i32
        %mul3A_668 = arith.muli %while3A_573, %mul3A_667 : i32
        %add3A_669 = arith.constant 3 : i32
        %add3A_670 = arith.addi %mul3A_668, %add3A_669 : i32
        %lt3A_671 = arith.cmpi slt, %add3A_670, %add3A_198 : i32
        %slice3A_672 = vector.extract_strided_slice %get3A_579 {offsets = [3], sizes = [1], strides = [1]} : vector<16xi32> to vector<1xi32>
        %squeeze3A_673 = vector.extract %slice3A_672[0] : i32 from vector<1xi32>
        %jit3A_674 = arith.constant 0 : i32
        %select_n3A_675 = arith.select %lt3A_671, %squeeze3A_673, %jit3A_674 : i32
        %shift_right_arithmetic3A_676 = arith.constant 1 : i32
        %shift_right_arithmetic3A_677 = arith.shrsi %select_n3A_675, %shift_right_arithmetic3A_676 : i32
        %and3A_678 = arith.constant 1 : i32
        %and3A_679 = arith.andi %select_n3A_675, %and3A_678 : i32
        %mul3A_680 = arith.constant 64 : i32
        %mul3A_681 = arith.muli %and3A_679, %mul3A_680 : i32
        %add3A_682 = arith.constant 0 : i32
        %add3A_683 = arith.addi %mul3A_681, %add3A_682 : i32
        %get3A_684 = arith.index_cast %shift_right_arithmetic3A_677 : i32 to index
        %get3A_685 = arith.index_cast %add3A_683 : i32 to index
        %get3A_686 = tpu.vector_load %arg7[%get3A_684, %get3A_685] {strides = array<i32>} : memref<64x128xbf16, #tpu.memory_space<vmem>>, vector<32xbf16>,
        %max3A_687 = arith.maximumf %select_n3A_659, %get3A_686 : vector<32xbf16>
        %select_n3A_688 = arith.select %lt3A_671, %max3A_687, %select_n3A_659 : vector<32xbf16>
        %add3A_689 = arith.constant 32 : i32
        %add3A_690 = arith.addi %mul3A_681, %add3A_689 : i32
        %get3A_691 = arith.index_cast %shift_right_arithmetic3A_677 : i32 to index
        %get3A_692 = arith.index_cast %add3A_690 : i32 to index
        %get3A_693 = tpu.vector_load %arg7[%get3A_691, %get3A_692] {strides = array<i32>} : memref<64x128xbf16, #tpu.memory_space<vmem>>, vector<32xbf16>,
        %max3A_694 = arith.maximumf %select_n3A_666, %get3A_693 : vector<32xbf16>
        %select_n3A_695 = arith.select %lt3A_671, %max3A_694, %select_n3A_666 : vector<32xbf16>
        scf.yield %select_n3A_688, %select_n3A_695 : vector<32xbf16>, vector<32xbf16>
      }
      %while3A_547 = arith.constant 1 : i32
      %while3A_548:2 = scf.for %while3A_573 = %while3A_544 to %while3A_540 step %while3A_547 iter_args(%while3A_574 = %while3A_546#0, %while3A_575 = %while3A_546#1) -> (vector<32xbf16>, vector<32xbf16>)  : i32 {
        %mul3A_576 = arith.constant 4 : i32
        %mul3A_577 = arith.muli %while3A_573, %mul3A_576 : i32
        %get3A_578 = arith.index_cast %mul3A_577 : i32 to index
        %get3A_579 = tpu.vector_load %arg9[%get3A_578] {strides = array<i32>} : memref<144xi32, #tpu.memory_space<vmem>>, vector<16xi32>,
        %mul3A_580 = arith.constant 4 : i32
        %mul3A_581 = arith.muli %while3A_573, %mul3A_580 : i32
        %add3A_582 = arith.constant 0 : i32
        %add3A_583 = arith.addi %mul3A_581, %add3A_582 : i32
        %lt3A_584 = arith.cmpi slt, %add3A_583, %add3A_198 : i32
        %slice3A_585 = vector.extract_strided_slice %get3A_579 {offsets = [0], sizes = [1], strides = [1]} : vector<16xi32> to vector<1xi32>
        %squeeze3A_586 = vector.extract %slice3A_585[0] : i32 from vector<1xi32>
        %jit3A_587 = arith.constant 0 : i32
        %select_n3A_588 = arith.select %lt3A_584, %squeeze3A_586, %jit3A_587 : i32
        %shift_right_arithmetic3A_589 = arith.constant 1 : i32
        %shift_right_arithmetic3A_590 = arith.shrsi %select_n3A_588, %shift_right_arithmetic3A_589 : i32
        %and3A_591 = arith.constant 1 : i32
        %and3A_592 = arith.andi %select_n3A_588, %and3A_591 : i32
        %mul3A_593 = arith.constant 64 : i32
        %mul3A_594 = arith.muli %and3A_592, %mul3A_593 : i32
        %add3A_595 = arith.constant 0 : i32
        %add3A_596 = arith.addi %mul3A_594, %add3A_595 : i32
        %get3A_597 = arith.index_cast %shift_right_arithmetic3A_590 : i32 to index
        %get3A_598 = arith.index_cast %add3A_596 : i32 to index
        %get3A_599 = tpu.vector_load %arg7[%get3A_597, %get3A_598] {strides = array<i32>} : memref<64x128xbf16, #tpu.memory_space<vmem>>, vector<32xbf16>,
        %max3A_600 = arith.maximumf %while3A_574, %get3A_599 : vector<32xbf16>
        %select_n3A_601 = arith.select %lt3A_584, %max3A_600, %while3A_574 : vector<32xbf16>
        %add3A_602 = arith.constant 32 : i32
        %add3A_603 = arith.addi %mul3A_594, %add3A_602 : i32
        %get3A_604 = arith.index_cast %shift_right_arithmetic3A_590 : i32 to index
        %get3A_605 = arith.index_cast %add3A_603 : i32 to index
        %get3A_606 = tpu.vector_load %arg7[%get3A_604, %get3A_605] {strides = array<i32>} : memref<64x128xbf16, #tpu.memory_space<vmem>>, vector<32xbf16>,
        %max3A_607 = arith.maximumf %while3A_575, %get3A_606 : vector<32xbf16>
        %select_n3A_608 = arith.select %lt3A_584, %max3A_607, %while3A_575 : vector<32xbf16>
        %mul3A_609 = arith.constant 4 : i32
        %mul3A_610 = arith.muli %while3A_573, %mul3A_609 : i32
        %add3A_611 = arith.constant 1 : i32
        %add3A_612 = arith.addi %mul3A_610, %add3A_611 : i32
        %lt3A_613 = arith.cmpi slt, %add3A_612, %add3A_198 : i32
        %slice3A_614 = vector.extract_strided_slice %get3A_579 {offsets = [1], sizes = [1], strides = [1]} : vector<16xi32> to vector<1xi32>
        %squeeze3A_615 = vector.extract %slice3A_614[0] : i32 from vector<1xi32>
        %jit3A_616 = arith.constant 0 : i32
        %select_n3A_617 = arith.select %lt3A_613, %squeeze3A_615, %jit3A_616 : i32
        %shift_right_arithmetic3A_618 = arith.constant 1 : i32
        %shift_right_arithmetic3A_619 = arith.shrsi %select_n3A_617, %shift_right_arithmetic3A_618 : i32
        %and3A_620 = arith.constant 1 : i32
        %and3A_621 = arith.andi %select_n3A_617, %and3A_620 : i32
        %mul3A_622 = arith.constant 64 : i32
        %mul3A_623 = arith.muli %and3A_621, %mul3A_622 : i32
        %add3A_624 = arith.constant 0 : i32
        %add3A_625 = arith.addi %mul3A_623, %add3A_624 : i32
        %get3A_626 = arith.index_cast %shift_right_arithmetic3A_619 : i32 to index
        %get3A_627 = arith.index_cast %add3A_625 : i32 to index
        %get3A_628 = tpu.vector_load %arg7[%get3A_626, %get3A_627] {strides = array<i32>} : memref<64x128xbf16, #tpu.memory_space<vmem>>, vector<32xbf16>,
        %max3A_629 = arith.maximumf %select_n3A_601, %get3A_628 : vector<32xbf16>
        %select_n3A_630 = arith.select %lt3A_613, %max3A_629, %select_n3A_601 : vector<32xbf16>
        %add3A_631 = arith.constant 32 : i32
        %add3A_632 = arith.addi %mul3A_623, %add3A_631 : i32
        %get3A_633 = arith.index_cast %shift_right_arithmetic3A_619 : i32 to index
        %get3A_634 = arith.index_cast %add3A_632 : i32 to index
        %get3A_635 = tpu.vector_load %arg7[%get3A_633, %get3A_634] {strides = array<i32>} : memref<64x128xbf16, #tpu.memory_space<vmem>>, vector<32xbf16>,
        %max3A_636 = arith.maximumf %select_n3A_608, %get3A_635 : vector<32xbf16>
        %select_n3A_637 = arith.select %lt3A_613, %max3A_636, %select_n3A_608 : vector<32xbf16>
        %mul3A_638 = arith.constant 4 : i32
        %mul3A_639 = arith.muli %while3A_573, %mul3A_638 : i32
        %add3A_640 = arith.constant 2 : i32
        %add3A_641 = arith.addi %mul3A_639, %add3A_640 : i32
        %lt3A_642 = arith.cmpi slt, %add3A_641, %add3A_198 : i32
        %slice3A_643 = vector.extract_strided_slice %get3A_579 {offsets = [2], sizes = [1], strides = [1]} : vector<16xi32> to vector<1xi32>
        %squeeze3A_644 = vector.extract %slice3A_643[0] : i32 from vector<1xi32>
        %jit3A_645 = arith.constant 0 : i32
        %select_n3A_646 = arith.select %lt3A_642, %squeeze3A_644, %jit3A_645 : i32
        %shift_right_arithmetic3A_647 = arith.constant 1 : i32
        %shift_right_arithmetic3A_648 = arith.shrsi %select_n3A_646, %shift_right_arithmetic3A_647 : i32
        %and3A_649 = arith.constant 1 : i32
        %and3A_650 = arith.andi %select_n3A_646, %and3A_649 : i32
        %mul3A_651 = arith.constant 64 : i32
        %mul3A_652 = arith.muli %and3A_650, %mul3A_651 : i32
        %add3A_653 = arith.constant 0 : i32
        %add3A_654 = arith.addi %mul3A_652, %add3A_653 : i32
        %get3A_655 = arith.index_cast %shift_right_arithmetic3A_648 : i32 to index
        %get3A_656 = arith.index_cast %add3A_654 : i32 to index
        %get3A_657 = tpu.vector_load %arg7[%get3A_655, %get3A_656] {strides = array<i32>} : memref<64x128xbf16, #tpu.memory_space<vmem>>, vector<32xbf16>,
        %max3A_658 = arith.maximumf %select_n3A_630, %get3A_657 : vector<32xbf16>
        %select_n3A_659 = arith.select %lt3A_642, %max3A_658, %select_n3A_630 : vector<32xbf16>
        %add3A_660 = arith.constant 32 : i32
        %add3A_661 = arith.addi %mul3A_652, %add3A_660 : i32
        %get3A_662 = arith.index_cast %shift_right_arithmetic3A_648 : i32 to index
        %get3A_663 = arith.index_cast %add3A_661 : i32 to index
        %get3A_664 = tpu.vector_load %arg7[%get3A_662, %get3A_663] {strides = array<i32>} : memref<64x128xbf16, #tpu.memory_space<vmem>>, vector<32xbf16>,
        %max3A_665 = arith.maximumf %select_n3A_637, %get3A_664 : vector<32xbf16>
        %select_n3A_666 = arith.select %lt3A_642, %max3A_665, %select_n3A_637 : vector<32xbf16>
        %mul3A_667 = arith.constant 4 : i32
        %mul3A_668 = arith.muli %while3A_573, %mul3A_667 : i32
        %add3A_669 = arith.constant 3 : i32
        %add3A_670 = arith.addi %mul3A_668, %add3A_669 : i32
        %lt3A_671 = arith.cmpi slt, %add3A_670, %add3A_198 : i32
        %slice3A_672 = vector.extract_strided_slice %get3A_579 {offsets = [3], sizes = [1], strides = [1]} : vector<16xi32> to vector<1xi32>
        %squeeze3A_673 = vector.extract %slice3A_672[0] : i32 from vector<1xi32>
        %jit3A_674 = arith.constant 0 : i32
        %select_n3A_675 = arith.select %lt3A_671, %squeeze3A_673, %jit3A_674 : i32
        %shift_right_arithmetic3A_676 = arith.constant 1 : i32
        %shift_right_arithmetic3A_677 = arith.shrsi %select_n3A_675, %shift_right_arithmetic3A_676 : i32
        %and3A_678 = arith.constant 1 : i32
        %and3A_679 = arith.andi %select_n3A_675, %and3A_678 : i32
        %mul3A_680 = arith.constant 64 : i32
        %mul3A_681 = arith.muli %and3A_679, %mul3A_680 : i32
        %add3A_682 = arith.constant 0 : i32
        %add3A_683 = arith.addi %mul3A_681, %add3A_682 : i32
        %get3A_684 = arith.index_cast %shift_right_arithmetic3A_677 : i32 to index
        %get3A_685 = arith.index_cast %add3A_683 : i32 to index
        %get3A_686 = tpu.vector_load %arg7[%get3A_684, %get3A_685] {strides = array<i32>} : memref<64x128xbf16, #tpu.memory_space<vmem>>, vector<32xbf16>,
        %max3A_687 = arith.maximumf %select_n3A_659, %get3A_686 : vector<32xbf16>
        %select_n3A_688 = arith.select %lt3A_671, %max3A_687, %select_n3A_659 : vector<32xbf16>
        %add3A_689 = arith.constant 32 : i32
        %add3A_690 = arith.addi %mul3A_681, %add3A_689 : i32
        %get3A_691 = arith.index_cast %shift_right_arithmetic3A_677 : i32 to index
        %get3A_692 = arith.index_cast %add3A_690 : i32 to index
        %get3A_693 = tpu.vector_load %arg7[%get3A_691, %get3A_692] {strides = array<i32>} : memref<64x128xbf16, #tpu.memory_space<vmem>>, vector<32xbf16>,
        %max3A_694 = arith.maximumf %select_n3A_666, %get3A_693 : vector<32xbf16>
        %select_n3A_695 = arith.select %lt3A_671, %max3A_694, %select_n3A_666 : vector<32xbf16>
        scf.yield %select_n3A_688, %select_n3A_695 : vector<32xbf16>, vector<32xbf16>
      }
      %gt3A_549 = arith.constant 0 : i32
      %gt3A_550 = arith.cmpi sgt, %add3A_198, %gt3A_549 : i32
      %add3A_551 = arith.constant 0 : i32
      %add3A_552 = arith.addi %mul3A_81, %add3A_551 : i32
      %get3A_553 = arith.index_cast %shift_right_arithmetic3A_78 : i32 to index
      %get3A_554 = arith.index_cast %add3A_552 : i32 to index
      %get3A_555 = tpu.vector_load %arg7[%get3A_553, %get3A_554] {strides = array<i32>} : memref<64x128xbf16, #tpu.memory_space<vmem>>, vector<32xbf16>,
      %select_n3A_556 = arith.select %gt3A_550, %while3A_548#0, %get3A_555 : vector<32xbf16>
      %add3A_557 = arith.constant 0 : i32
      %add3A_558 = arith.addi %mul3A_81, %add3A_557 : i32
      %swap3A_559 = arith.index_cast %shift_right_arithmetic3A_78 : i32 to index
      %swap3A_560 = arith.index_cast %add3A_558 : i32 to index
      %swap3A_561 = tpu.vector_load %arg8[%swap3A_559, %swap3A_560] {strides = array<i32>} : memref<64x128xbf16, #tpu.memory_space<vmem>>, vector<32xbf16>,
      tpu.vector_store %arg8[%swap3A_559, %swap3A_560], %select_n3A_556 {strides = array<i32>} : memref<64x128xbf16, #tpu.memory_space<vmem>>, vector<32xbf16>,
      %add3A_562 = arith.constant 32 : i32
      %add3A_563 = arith.addi %mul3A_81, %add3A_562 : i32
      %get3A_564 = arith.index_cast %shift_right_arithmetic3A_78 : i32 to index
      %get3A_565 = arith.index_cast %add3A_563 : i32 to index
      %get3A_566 = tpu.vector_load %arg7[%get3A_564, %get3A_565] {strides = array<i32>} : memref<64x128xbf16, #tpu.memory_space<vmem>>, vector<32xbf16>,
      %select_n3A_567 = arith.select %gt3A_550, %while3A_548#1, %get3A_566 : vector<32xbf16>
      %add3A_568 = arith.constant 32 : i32
      %add3A_569 = arith.addi %mul3A_81, %add3A_568 : i32
      %swap3A_570 = arith.index_cast %shift_right_arithmetic3A_78 : i32 to index
      %swap3A_571 = arith.index_cast %add3A_569 : i32 to index
      %swap3A_572 = tpu.vector_load %arg8[%swap3A_570, %swap3A_571] {strides = array<i32>} : memref<64x128xbf16, #tpu.memory_space<vmem>>, vector<32xbf16>,
      tpu.vector_store %arg8[%swap3A_570, %swap3A_571], %select_n3A_567 {strides = array<i32>} : memref<64x128xbf16, #tpu.memory_space<vmem>>, vector<32xbf16>,
    }
    %while3A_39 = arith.constant 0 : i32
    %while3A_40 = arith.constant 128 : i32
    %while3A_41 = arith.subi %while3A_40, %squeeze3A : i32
    %while3A_42 = arith.addi %squeeze3A, %while3A_41 : i32
    %while3A_43 = arith.constant 1 : i32
    %while3A_44 = arith.divsi %while3A_41, %while3A_43 : i32
    %while3A_45 = arith.muli %while3A_44, %while3A_43 : i32
    %while3A_46 = arith.addi %squeeze3A, %while3A_45 : i32
    %while3A_47 = arith.constant 1 : i32
    scf.for %while3A_77 = %squeeze3A to %while3A_46 step %while3A_47  : i32 {
      %shift_right_arithmetic3A = arith.constant 1 : i32
      %shift_right_arithmetic3A_78 = arith.shrsi %while3A_77, %shift_right_arithmetic3A : i32
      %and3A = arith.constant 1 : i32
      %and3A_79 = arith.andi %while3A_77, %and3A : i32
      %mul3A_80 = arith.constant 64 : i32
      %mul3A_81 = arith.muli %and3A_79, %mul3A_80 : i32
      %broadcast_in_dim3A = arith.constant 0.000000e+00 : bf16
      %broadcast_in_dim3A_82 = vector.broadcast %broadcast_in_dim3A : bf16 to vector<32xbf16>
      %add3A_83 = arith.constant 0 : i32
      %add3A_84 = arith.addi %mul3A_81, %add3A_83 : i32
      %swap3A = arith.index_cast %shift_right_arithmetic3A_78 : i32 to index
      %swap3A_85 = arith.index_cast %add3A_84 : i32 to index
      %swap3A_86 = tpu.vector_load %arg8[%swap3A, %swap3A_85] {strides = array<i32>} : memref<64x128xbf16, #tpu.memory_space<vmem>>, vector<32xbf16>,
      tpu.vector_store %arg8[%swap3A, %swap3A_85], %broadcast_in_dim3A_82 {strides = array<i32>} : memref<64x128xbf16, #tpu.memory_space<vmem>>, vector<32xbf16>,
      %add3A_87 = arith.constant 32 : i32
      %add3A_88 = arith.addi %mul3A_81, %add3A_87 : i32
      %swap3A_89 = arith.index_cast %shift_right_arithmetic3A_78 : i32 to index
      %swap3A_90 = arith.index_cast %add3A_88 : i32 to index
      %swap3A_91 = tpu.vector_load %arg8[%swap3A_89, %swap3A_90] {strides = array<i32>} : memref<64x128xbf16, #tpu.memory_space<vmem>>, vector<32xbf16>,
      tpu.vector_store %arg8[%swap3A_89, %swap3A_90], %broadcast_in_dim3A_82 {strides = array<i32>} : memref<64x128xbf16, #tpu.memory_space<vmem>>, vector<32xbf16>,
    }
    %while3A_48 = arith.constant 1 : i32
    scf.for %while3A_77 = %while3A_46 to %while3A_42 step %while3A_48  : i32 {
      %shift_right_arithmetic3A = arith.constant 1 : i32
      %shift_right_arithmetic3A_78 = arith.shrsi %while3A_77, %shift_right_arithmetic3A : i32
      %and3A = arith.constant 1 : i32
      %and3A_79 = arith.andi %while3A_77, %and3A : i32
      %mul3A_80 = arith.constant 64 : i32
      %mul3A_81 = arith.muli %and3A_79, %mul3A_80 : i32
      %broadcast_in_dim3A = arith.constant 0.000000e+00 : bf16
      %broadcast_in_dim3A_82 = vector.broadcast %broadcast_in_dim3A : bf16 to vector<32xbf16>
      %add3A_83 = arith.constant 0 : i32
      %add3A_84 = arith.addi %mul3A_81, %add3A_83 : i32
      %swap3A = arith.index_cast %shift_right_arithmetic3A_78 : i32 to index
      %swap3A_85 = arith.index_cast %add3A_84 : i32 to index
      %swap3A_86 = tpu.vector_load %arg8[%swap3A, %swap3A_85] {strides = array<i32>} : memref<64x128xbf16, #tpu.memory_space<vmem>>, vector<32xbf16>,
      tpu.vector_store %arg8[%swap3A, %swap3A_85], %broadcast_in_dim3A_82 {strides = array<i32>} : memref<64x128xbf16, #tpu.memory_space<vmem>>, vector<32xbf16>,
      %add3A_87 = arith.constant 32 : i32
      %add3A_88 = arith.addi %mul3A_81, %add3A_87 : i32
      %swap3A_89 = arith.index_cast %shift_right_arithmetic3A_78 : i32 to index
      %swap3A_90 = arith.index_cast %add3A_88 : i32 to index
      %swap3A_91 = tpu.vector_load %arg8[%swap3A_89, %swap3A_90] {strides = array<i32>} : memref<64x128xbf16, #tpu.memory_space<vmem>>, vector<32xbf16>,
      tpu.vector_store %arg8[%swap3A_89, %swap3A_90], %broadcast_in_dim3A_82 {strides = array<i32>} : memref<64x128xbf16, #tpu.memory_space<vmem>>, vector<32xbf16>,
    }
    "tpu.region"() ({
      %run_scoped3A = tpu.sem_alloc : memref<!tpu.dma_semaphore, #tpu.memory_space<semaphore_mem>>
      %dma_start3A = arith.constant 0 : i32
      %dma_start3A_77 = arith.constant 0 : i32
      %dma_start3A_78 = tpu.memref_slice %arg5[%add3A_28, %dma_start3A, %dma_start3A_77] : memref<64x64x128xbf16, #tpu.memory_space<hbm>> -> memref<1x64x128xbf16, #tpu.memory_space<hbm>>
      %dma_start3A_79 = tpu.memref_squeeze %dma_start3A_78 : memref<1x64x128xbf16, #tpu.memory_space<hbm>> -> memref<64x128xbf16, #tpu.memory_space<hbm>>
      %dma_start3A_80 = arith.constant 0 : i32
      %dma_start3A_81 = arith.constant 0 : i32
      %dma_start3A_82 = tpu.memref_slice %arg5[%add3A_28, %dma_start3A_80, %dma_start3A_81] : memref<64x64x128xbf16, #tpu.memory_space<hbm>> -> memref<1x64x128xbf16, #tpu.memory_space<hbm>>
      %dma_start3A_83 = tpu.memref_squeeze %dma_start3A_82 : memref<1x64x128xbf16, #tpu.memory_space<hbm>> -> memref<64x128xbf16, #tpu.memory_space<hbm>>
      tpu.enqueue_dma source(%arg8 : memref<64x128xbf16, #tpu.memory_space<vmem>>) target(%dma_start3A_83 : memref<64x128xbf16, #tpu.memory_space<hbm>>) target_semaphore(%run_scoped3A : memref<!tpu.dma_semaphore, #tpu.memory_space<semaphore_mem>>)
      %dma_wait3A = arith.constant 0 : i32
      %dma_wait3A_84 = arith.constant 0 : i32
      %dma_wait3A_85 = tpu.memref_slice %arg5[%add3A_28, %dma_wait3A, %dma_wait3A_84] : memref<64x64x128xbf16, #tpu.memory_space<hbm>> -> memref<1x64x128xbf16, #tpu.memory_space<hbm>>
      %dma_wait3A_86 = tpu.memref_squeeze %dma_wait3A_85 : memref<1x64x128xbf16, #tpu.memory_space<hbm>> -> memref<64x128xbf16, #tpu.memory_space<hbm>>
      %dma_wait3A_87 = arith.constant 0 : i32
      %dma_wait3A_88 = arith.constant 0 : i32
      %dma_wait3A_89 = tpu.memref_slice %arg5[%add3A_28, %dma_wait3A_87, %dma_wait3A_88] : memref<64x64x128xbf16, #tpu.memory_space<hbm>> -> memref<1x64x128xbf16, #tpu.memory_space<hbm>>
      %dma_wait3A_90 = tpu.memref_squeeze %dma_wait3A_89 : memref<1x64x128xbf16, #tpu.memory_space<hbm>> -> memref<64x128xbf16, #tpu.memory_space<hbm>>
      tpu.wait_dma2 semaphore(%run_scoped3A : memref<!tpu.dma_semaphore, #tpu.memory_space<semaphore_mem>>) src(%arg8 : memref<64x128xbf16, #tpu.memory_space<vmem>>) dst(%dma_wait3A_90 : memref<64x128xbf16, #tpu.memory_space<hbm>>)
      tpu.yield
    }) : () -> ()
    %mul3A_49 = arith.constant 2 : i32
    %mul3A_50 = arith.muli %add3A, %mul3A_49 : i32
    %add3A_51 = arith.constant 1 : i32
    %add3A_52 = arith.addi %mul3A_50, %add3A_51 : i32
    "tpu.region"() ({
      %run_scoped3A = tpu.sem_alloc : memref<!tpu.dma_semaphore, #tpu.memory_space<semaphore_mem>>
      %dma_start3A = arith.constant 0 : i32
      %dma_start3A_77 = arith.constant 0 : i32
      %dma_start3A_78 = tpu.memref_slice %arg3[%add3A_52, %dma_start3A, %dma_start3A_77] : memref<64x128x128xf32, #tpu.memory_space<hbm>> -> memref<1x128x128xf32, #tpu.memory_space<hbm>>
      %dma_start3A_79 = tpu.memref_squeeze %dma_start3A_78 : memref<1x128x128xf32, #tpu.memory_space<hbm>> -> memref<128x128xf32, #tpu.memory_space<hbm>>
      %dma_start3A_80 = arith.constant 0 : i32
      %dma_start3A_81 = arith.constant 0 : i32
      %dma_start3A_82 = tpu.memref_slice %arg3[%add3A_52, %dma_start3A_80, %dma_start3A_81] : memref<64x128x128xf32, #tpu.memory_space<hbm>> -> memref<1x128x128xf32, #tpu.memory_space<hbm>>
      %dma_start3A_83 = tpu.memref_squeeze %dma_start3A_82 : memref<1x128x128xf32, #tpu.memory_space<hbm>> -> memref<128x128xf32, #tpu.memory_space<hbm>>
      tpu.enqueue_dma source(%dma_start3A_83 : memref<128x128xf32, #tpu.memory_space<hbm>>) target(%arg6 : memref<128x128xf32, #tpu.memory_space<vmem>>) target_semaphore(%run_scoped3A : memref<!tpu.dma_semaphore, #tpu.memory_space<semaphore_mem>>)
      %dma_wait3A = arith.constant 0 : i32
      %dma_wait3A_84 = arith.constant 0 : i32
      %dma_wait3A_85 = tpu.memref_slice %arg3[%add3A_52, %dma_wait3A, %dma_wait3A_84] : memref<64x128x128xf32, #tpu.memory_space<hbm>> -> memref<1x128x128xf32, #tpu.memory_space<hbm>>
      %dma_wait3A_86 = tpu.memref_squeeze %dma_wait3A_85 : memref<1x128x128xf32, #tpu.memory_space<hbm>> -> memref<128x128xf32, #tpu.memory_space<hbm>>
      %dma_wait3A_87 = arith.constant 0 : i32
      %dma_wait3A_88 = arith.constant 0 : i32
      %dma_wait3A_89 = tpu.memref_slice %arg3[%add3A_52, %dma_wait3A_87, %dma_wait3A_88] : memref<64x128x128xf32, #tpu.memory_space<hbm>> -> memref<1x128x128xf32, #tpu.memory_space<hbm>>
      %dma_wait3A_90 = tpu.memref_squeeze %dma_wait3A_89 : memref<1x128x128xf32, #tpu.memory_space<hbm>> -> memref<128x128xf32, #tpu.memory_space<hbm>>
      tpu.wait_dma2 semaphore(%run_scoped3A : memref<!tpu.dma_semaphore, #tpu.memory_space<semaphore_mem>>) src(%dma_wait3A_90 : memref<128x128xf32, #tpu.memory_space<hbm>>) dst(%arg6 : memref<128x128xf32, #tpu.memory_space<vmem>>)
      tpu.yield
    }) : () -> ()
    "tpu.region"() ({
      %run_scoped3A = tpu.sem_alloc : memref<!tpu.dma_semaphore, #tpu.memory_space<semaphore_mem>>
      %dma_start3A = arith.constant 0 : i32
      %dma_start3A_77 = arith.constant 0 : i32
      %dma_start3A_78 = tpu.memref_slice %arg2[%add3A_52, %dma_start3A, %dma_start3A_77] : memref<64x64x128xbf16, #tpu.memory_space<hbm>> -> memref<1x64x128xbf16, #tpu.memory_space<hbm>>
      %dma_start3A_79 = tpu.memref_squeeze %dma_start3A_78 : memref<1x64x128xbf16, #tpu.memory_space<hbm>> -> memref<64x128xbf16, #tpu.memory_space<hbm>>
      %dma_start3A_80 = arith.constant 0 : i32
      %dma_start3A_81 = arith.constant 0 : i32
      %dma_start3A_82 = tpu.memref_slice %arg2[%add3A_52, %dma_start3A_80, %dma_start3A_81] : memref<64x64x128xbf16, #tpu.memory_space<hbm>> -> memref<1x64x128xbf16, #tpu.memory_space<hbm>>
      %dma_start3A_83 = tpu.memref_squeeze %dma_start3A_82 : memref<1x64x128xbf16, #tpu.memory_space<hbm>> -> memref<64x128xbf16, #tpu.memory_space<hbm>>
      tpu.enqueue_dma source(%dma_start3A_83 : memref<64x128xbf16, #tpu.memory_space<hbm>>) target(%arg7 : memref<64x128xbf16, #tpu.memory_space<vmem>>) target_semaphore(%run_scoped3A : memref<!tpu.dma_semaphore, #tpu.memory_space<semaphore_mem>>)
      %dma_wait3A = arith.constant 0 : i32
      %dma_wait3A_84 = arith.constant 0 : i32
      %dma_wait3A_85 = tpu.memref_slice %arg2[%add3A_52, %dma_wait3A, %dma_wait3A_84] : memref<64x64x128xbf16, #tpu.memory_space<hbm>> -> memref<1x64x128xbf16, #tpu.memory_space<hbm>>
      %dma_wait3A_86 = tpu.memref_squeeze %dma_wait3A_85 : memref<1x64x128xbf16, #tpu.memory_space<hbm>> -> memref<64x128xbf16, #tpu.memory_space<hbm>>
      %dma_wait3A_87 = arith.constant 0 : i32
      %dma_wait3A_88 = arith.constant 0 : i32
      %dma_wait3A_89 = tpu.memref_slice %arg2[%add3A_52, %dma_wait3A_87, %dma_wait3A_88] : memref<64x64x128xbf16, #tpu.memory_space<hbm>> -> memref<1x64x128xbf16, #tpu.memory_space<hbm>>
      %dma_wait3A_90 = tpu.memref_squeeze %dma_wait3A_89 : memref<1x64x128xbf16, #tpu.memory_space<hbm>> -> memref<64x128xbf16, #tpu.memory_space<hbm>>
      tpu.wait_dma2 semaphore(%run_scoped3A : memref<!tpu.dma_semaphore, #tpu.memory_space<semaphore_mem>>) src(%dma_wait3A_90 : memref<64x128xbf16, #tpu.memory_space<hbm>>) dst(%arg7 : memref<64x128xbf16, #tpu.memory_space<vmem>>)
      tpu.yield
    }) : () -> ()
    "tpu.region"() ({
      %run_scoped3A = tpu.sem_alloc : memref<!tpu.dma_semaphore, #tpu.memory_space<semaphore_mem>>
      %dma_start3A = arith.constant 0 : i32
      %dma_start3A_77 = tpu.memref_slice %arg4[%add3A_52, %dma_start3A] : memref<64x16xi32, #tpu.memory_space<hbm>> -> memref<1x16xi32, #tpu.memory_space<hbm>>
      %dma_start3A_78 = tpu.memref_squeeze %dma_start3A_77 : memref<1x16xi32, #tpu.memory_space<hbm>> -> memref<16xi32, #tpu.memory_space<hbm>>
      %dma_start3A_79 = arith.constant 0 : i32
      %dma_start3A_80 = tpu.memref_slice %arg4[%add3A_52, %dma_start3A_79] : memref<64x16xi32, #tpu.memory_space<hbm>> -> memref<1x16xi32, #tpu.memory_space<hbm>>
      %dma_start3A_81 = tpu.memref_squeeze %dma_start3A_80 : memref<1x16xi32, #tpu.memory_space<hbm>> -> memref<16xi32, #tpu.memory_space<hbm>>
      tpu.enqueue_dma source(%dma_start3A_81 : memref<16xi32, #tpu.memory_space<hbm>>) target(%arg10 : memref<16xi32, #tpu.memory_space<vmem>>) target_semaphore(%run_scoped3A : memref<!tpu.dma_semaphore, #tpu.memory_space<semaphore_mem>>)
      %dma_wait3A = arith.constant 0 : i32
      %dma_wait3A_82 = tpu.memref_slice %arg4[%add3A_52, %dma_wait3A] : memref<64x16xi32, #tpu.memory_space<hbm>> -> memref<1x16xi32, #tpu.memory_space<hbm>>
      %dma_wait3A_83 = tpu.memref_squeeze %dma_wait3A_82 : memref<1x16xi32, #tpu.memory_space<hbm>> -> memref<16xi32, #tpu.memory_space<hbm>>
      %dma_wait3A_84 = arith.constant 0 : i32
      %dma_wait3A_85 = tpu.memref_slice %arg4[%add3A_52, %dma_wait3A_84] : memref<64x16xi32, #tpu.memory_space<hbm>> -> memref<1x16xi32, #tpu.memory_space<hbm>>
      %dma_wait3A_86 = tpu.memref_squeeze %dma_wait3A_85 : memref<1x16xi32, #tpu.memory_space<hbm>> -> memref<16xi32, #tpu.memory_space<hbm>>
      tpu.wait_dma2 semaphore(%run_scoped3A : memref<!tpu.dma_semaphore, #tpu.memory_space<semaphore_mem>>) src(%dma_wait3A_86 : memref<16xi32, #tpu.memory_space<hbm>>) dst(%arg10 : memref<16xi32, #tpu.memory_space<vmem>>)
      tpu.yield
    }) : () -> ()
    %get3A_53 = arith.constant 0 : index
    %get3A_54 = tpu.vector_load %arg10[%get3A_53] {strides = array<i32>} : memref<16xi32, #tpu.memory_space<vmem>>, vector<16xi32>,
    %slice3A_55 = vector.extract_strided_slice %get3A_54 {offsets = [0], sizes = [1], strides = [1]} : vector<16xi32> to vector<1xi32>
    %squeeze3A_56 = vector.extract %slice3A_55[0] : i32 from vector<1xi32>
    %while3A_57 = arith.constant 0 : i32
    %while3A_58 = arith.constant 0 : i32
    %while3A_59 = arith.subi %squeeze3A_56, %while3A_58 : i32
    %while3A_60 = arith.addi %while3A_58, %while3A_59 : i32
    %while3A_61 = arith.constant 1 : i32
    %while3A_62 = arith.divsi %while3A_59, %while3A_61 : i32
    %while3A_63 = arith.muli %while3A_62, %while3A_61 : i32
    %while3A_64 = arith.addi %while3A_58, %while3A_63 : i32
    %while3A_65 = arith.constant 1 : i32
    scf.for %while3A_77 = %while3A_58 to %while3A_64 step %while3A_65  : i32 {
      %shift_right_arithmetic3A = arith.constant 1 : i32
      %shift_right_arithmetic3A_78 = arith.shrsi %while3A_77, %shift_right_arithmetic3A : i32
      %and3A = arith.constant 1 : i32
      %and3A_79 = arith.andi %while3A_77, %and3A : i32
      %mul3A_80 = arith.constant 64 : i32
      %mul3A_81 = arith.muli %and3A_79, %mul3A_80 : i32
      %get3A_82 = arith.index_cast %while3A_77 : i32 to index
      %get3A_83 = arith.constant 0 : index
      %get3A_84 = tpu.vector_load %arg6[%get3A_82, %get3A_83] {strides = array<i32>} : memref<128x128xf32, #tpu.memory_space<vmem>>, vector<16xf32>,
      %get3A_85 = arith.index_cast %while3A_77 : i32 to index
      %get3A_86 = arith.constant 16 : index
      %get3A_87 = tpu.vector_load %arg6[%get3A_85, %get3A_86] {strides = array<i32>} : memref<128x128xf32, #tpu.memory_space<vmem>>, vector<16xf32>,
      %get3A_88 = arith.index_cast %while3A_77 : i32 to index
      %get3A_89 = arith.constant 32 : index
      %get3A_90 = tpu.vector_load %arg6[%get3A_88, %get3A_89] {strides = array<i32>} : memref<128x128xf32, #tpu.memory_space<vmem>>, vector<16xf32>,
      %get3A_91 = arith.index_cast %while3A_77 : i32 to index
      %get3A_92 = arith.constant 48 : index
      %get3A_93 = tpu.vector_load %arg6[%get3A_91, %get3A_92] {strides = array<i32>} : memref<128x128xf32, #tpu.memory_space<vmem>>, vector<16xf32>,
      %get3A_94 = arith.index_cast %while3A_77 : i32 to index
      %get3A_95 = arith.constant 64 : index
      %get3A_96 = tpu.vector_load %arg6[%get3A_94, %get3A_95] {strides = array<i32>} : memref<128x128xf32, #tpu.memory_space<vmem>>, vector<16xf32>,
      %get3A_97 = arith.index_cast %while3A_77 : i32 to index
      %get3A_98 = arith.constant 80 : index
      %get3A_99 = tpu.vector_load %arg6[%get3A_97, %get3A_98] {strides = array<i32>} : memref<128x128xf32, #tpu.memory_space<vmem>>, vector<16xf32>,
      %get3A_100 = arith.index_cast %while3A_77 : i32 to index
      %get3A_101 = arith.constant 96 : index
      %get3A_102 = tpu.vector_load %arg6[%get3A_100, %get3A_101] {strides = array<i32>} : memref<128x128xf32, #tpu.memory_space<vmem>>, vector<16xf32>,
      %get3A_103 = arith.index_cast %while3A_77 : i32 to index
      %get3A_104 = arith.constant 112 : index
      %get3A_105 = tpu.vector_load %arg6[%get3A_103, %get3A_104] {strides = array<i32>} : memref<128x128xf32, #tpu.memory_space<vmem>>, vector<16xf32>,
      %ne3A = arith.constant 0.000000e+00 : f32
      %ne3A_106 = vector.broadcast %ne3A : f32 to vector<16xf32>
      %ne3A_107 = arith.cmpf one, %get3A_84, %ne3A_106 : vector<16xf32>
      %lt3A = vector.broadcast %squeeze3A_56 : i32 to vector<16xi32>
      %lt3A_108 = arith.cmpi slt, %add3A_3, %lt3A : vector<16xi32>
      %and3A_109 = arith.andi %ne3A_107, %lt3A_108 : vector<16xi1>
      %ne3A_110 = arith.constant 0.000000e+00 : f32
      %ne3A_111 = vector.broadcast %ne3A_110 : f32 to vector<16xf32>
      %ne3A_112 = arith.cmpf one, %get3A_87, %ne3A_111 : vector<16xf32>
      %lt3A_113 = vector.broadcast %squeeze3A_56 : i32 to vector<16xi32>
      %lt3A_114 = arith.cmpi slt, %add3A_6, %lt3A_113 : vector<16xi32>
      %and3A_115 = arith.andi %ne3A_112, %lt3A_114 : vector<16xi1>
      %ne3A_116 = arith.constant 0.000000e+00 : f32
      %ne3A_117 = vector.broadcast %ne3A_116 : f32 to vector<16xf32>
      %ne3A_118 = arith.cmpf one, %get3A_90, %ne3A_117 : vector<16xf32>
      %lt3A_119 = vector.broadcast %squeeze3A_56 : i32 to vector<16xi32>
      %lt3A_120 = arith.cmpi slt, %add3A_9, %lt3A_119 : vector<16xi32>
      %and3A_121 = arith.andi %ne3A_118, %lt3A_120 : vector<16xi1>
      %ne3A_122 = arith.constant 0.000000e+00 : f32
      %ne3A_123 = vector.broadcast %ne3A_122 : f32 to vector<16xf32>
      %ne3A_124 = arith.cmpf one, %get3A_93, %ne3A_123 : vector<16xf32>
      %lt3A_125 = vector.broadcast %squeeze3A_56 : i32 to vector<16xi32>
      %lt3A_126 = arith.cmpi slt, %add3A_12, %lt3A_125 : vector<16xi32>
      %and3A_127 = arith.andi %ne3A_124, %lt3A_126 : vector<16xi1>
      %ne3A_128 = arith.constant 0.000000e+00 : f32
      %ne3A_129 = vector.broadcast %ne3A_128 : f32 to vector<16xf32>
      %ne3A_130 = arith.cmpf one, %get3A_96, %ne3A_129 : vector<16xf32>
      %lt3A_131 = vector.broadcast %squeeze3A_56 : i32 to vector<16xi32>
      %lt3A_132 = arith.cmpi slt, %add3A_15, %lt3A_131 : vector<16xi32>
      %and3A_133 = arith.andi %ne3A_130, %lt3A_132 : vector<16xi1>
      %ne3A_134 = arith.constant 0.000000e+00 : f32
      %ne3A_135 = vector.broadcast %ne3A_134 : f32 to vector<16xf32>
      %ne3A_136 = arith.cmpf one, %get3A_99, %ne3A_135 : vector<16xf32>
      %lt3A_137 = vector.broadcast %squeeze3A_56 : i32 to vector<16xi32>
      %lt3A_138 = arith.cmpi slt, %add3A_18, %lt3A_137 : vector<16xi32>
      %and3A_139 = arith.andi %ne3A_136, %lt3A_138 : vector<16xi1>
      %ne3A_140 = arith.constant 0.000000e+00 : f32
      %ne3A_141 = vector.broadcast %ne3A_140 : f32 to vector<16xf32>
      %ne3A_142 = arith.cmpf one, %get3A_102, %ne3A_141 : vector<16xf32>
      %lt3A_143 = vector.broadcast %squeeze3A_56 : i32 to vector<16xi32>
      %lt3A_144 = arith.cmpi slt, %add3A_21, %lt3A_143 : vector<16xi32>
      %and3A_145 = arith.andi %ne3A_142, %lt3A_144 : vector<16xi1>
      %ne3A_146 = arith.constant 0.000000e+00 : f32
      %ne3A_147 = vector.broadcast %ne3A_146 : f32 to vector<16xf32>
      %ne3A_148 = arith.cmpf one, %get3A_105, %ne3A_147 : vector<16xf32>
      %lt3A_149 = vector.broadcast %squeeze3A_56 : i32 to vector<16xi32>
      %lt3A_150 = arith.cmpi slt, %add3A_24, %lt3A_149 : vector<16xi32>
      %and3A_151 = arith.andi %ne3A_148, %lt3A_150 : vector<16xi1>
      %all_reduce_population_count3A = tpu.all_reduce %and3A_109 {dim = 0 : i64, kind = #tpu.reduction_kind<sum>} : vector<16xi1> -> vector<16xi32>
      %slice3A_152 = vector.extract_strided_slice %all_reduce_population_count3A {offsets = [0], sizes = [1], strides = [1]} : vector<16xi32> to vector<1xi32>
      %squeeze3A_153 = vector.extract %slice3A_152[0] : i32 from vector<1xi32>
      %all_reduce_population_count3A_154 = tpu.all_reduce %and3A_115 {dim = 0 : i64, kind = #tpu.reduction_kind<sum>} : vector<16xi1> -> vector<16xi32>
      %slice3A_155 = vector.extract_strided_slice %all_reduce_population_count3A_154 {offsets = [0], sizes = [1], strides = [1]} : vector<16xi32> to vector<1xi32>
      %squeeze3A_156 = vector.extract %slice3A_155[0] : i32 from vector<1xi32>
      %all_reduce_population_count3A_157 = tpu.all_reduce %and3A_121 {dim = 0 : i64, kind = #tpu.reduction_kind<sum>} : vector<16xi1> -> vector<16xi32>
      %slice3A_158 = vector.extract_strided_slice %all_reduce_population_count3A_157 {offsets = [0], sizes = [1], strides = [1]} : vector<16xi32> to vector<1xi32>
      %squeeze3A_159 = vector.extract %slice3A_158[0] : i32 from vector<1xi32>
      %all_reduce_population_count3A_160 = tpu.all_reduce %and3A_127 {dim = 0 : i64, kind = #tpu.reduction_kind<sum>} : vector<16xi1> -> vector<16xi32>
      %slice3A_161 = vector.extract_strided_slice %all_reduce_population_count3A_160 {offsets = [0], sizes = [1], strides = [1]} : vector<16xi32> to vector<1xi32>
      %squeeze3A_162 = vector.extract %slice3A_161[0] : i32 from vector<1xi32>
      %all_reduce_population_count3A_163 = tpu.all_reduce %and3A_133 {dim = 0 : i64, kind = #tpu.reduction_kind<sum>} : vector<16xi1> -> vector<16xi32>
      %slice3A_164 = vector.extract_strided_slice %all_reduce_population_count3A_163 {offsets = [0], sizes = [1], strides = [1]} : vector<16xi32> to vector<1xi32>
      %squeeze3A_165 = vector.extract %slice3A_164[0] : i32 from vector<1xi32>
      %all_reduce_population_count3A_166 = tpu.all_reduce %and3A_139 {dim = 0 : i64, kind = #tpu.reduction_kind<sum>} : vector<16xi1> -> vector<16xi32>
      %slice3A_167 = vector.extract_strided_slice %all_reduce_population_count3A_166 {offsets = [0], sizes = [1], strides = [1]} : vector<16xi32> to vector<1xi32>
      %squeeze3A_168 = vector.extract %slice3A_167[0] : i32 from vector<1xi32>
      %all_reduce_population_count3A_169 = tpu.all_reduce %and3A_145 {dim = 0 : i64, kind = #tpu.reduction_kind<sum>} : vector<16xi1> -> vector<16xi32>
      %slice3A_170 = vector.extract_strided_slice %all_reduce_population_count3A_169 {offsets = [0], sizes = [1], strides = [1]} : vector<16xi32> to vector<1xi32>
      %squeeze3A_171 = vector.extract %slice3A_170[0] : i32 from vector<1xi32>
      %all_reduce_population_count3A_172 = tpu.all_reduce %and3A_151 {dim = 0 : i64, kind = #tpu.reduction_kind<sum>} : vector<16xi1> -> vector<16xi32>
      %slice3A_173 = vector.extract_strided_slice %all_reduce_population_count3A_172 {offsets = [0], sizes = [1], strides = [1]} : vector<16xi32> to vector<1xi32>
      %squeeze3A_174 = vector.extract %slice3A_173[0] : i32 from vector<1xi32>
      %swap3A = arith.constant 0 : index
      %swap3A_175 = tpu.vector_load %arg9[%swap3A] masked %and3A_109 {strides = array<i32>} : memref<144xi32, #tpu.memory_space<vmem>>, vector<16xi32>, vector<16xi1>
      tpu.vector_store %arg9[%swap3A], %add3A_3 masked %and3A_109 {strides = array<i32>} : memref<144xi32, #tpu.memory_space<vmem>>, vector<16xi32>, vector<16xi1>
      %add3A_176 = arith.constant 0 : i32
      %add3A_177 = arith.addi %add3A_176, %squeeze3A_153 : i32
      %swap3A_178 = arith.index_cast %add3A_177 : i32 to index
      %swap3A_179 = tpu.vector_load %arg9[%swap3A_178] masked %and3A_115 {strides = array<i32>} : memref<144xi32, #tpu.memory_space<vmem>>, vector<16xi32>, vector<16xi1>
      tpu.vector_store %arg9[%swap3A_178], %add3A_6 masked %and3A_115 {strides = array<i32>} : memref<144xi32, #tpu.memory_space<vmem>>, vector<16xi32>, vector<16xi1>
      %add3A_180 = arith.addi %add3A_177, %squeeze3A_156 : i32
      %swap3A_181 = arith.index_cast %add3A_180 : i32 to index
      %swap3A_182 = tpu.vector_load %arg9[%swap3A_181] masked %and3A_121 {strides = array<i32>} : memref<144xi32, #tpu.memory_space<vmem>>, vector<16xi32>, vector<16xi1>
      tpu.vector_store %arg9[%swap3A_181], %add3A_9 masked %and3A_121 {strides = array<i32>} : memref<144xi32, #tpu.memory_space<vmem>>, vector<16xi32>, vector<16xi1>
      %add3A_183 = arith.addi %add3A_180, %squeeze3A_159 : i32
      %swap3A_184 = arith.index_cast %add3A_183 : i32 to index
      %swap3A_185 = tpu.vector_load %arg9[%swap3A_184] masked %and3A_127 {strides = array<i32>} : memref<144xi32, #tpu.memory_space<vmem>>, vector<16xi32>, vector<16xi1>
      tpu.vector_store %arg9[%swap3A_184], %add3A_12 masked %and3A_127 {strides = array<i32>} : memref<144xi32, #tpu.memory_space<vmem>>, vector<16xi32>, vector<16xi1>
      %add3A_186 = arith.addi %add3A_183, %squeeze3A_162 : i32
      %swap3A_187 = arith.index_cast %add3A_186 : i32 to index
      %swap3A_188 = tpu.vector_load %arg9[%swap3A_187] masked %and3A_133 {strides = array<i32>} : memref<144xi32, #tpu.memory_space<vmem>>, vector<16xi32>, vector<16xi1>
      tpu.vector_store %arg9[%swap3A_187], %add3A_15 masked %and3A_133 {strides = array<i32>} : memref<144xi32, #tpu.memory_space<vmem>>, vector<16xi32>, vector<16xi1>
      %add3A_189 = arith.addi %add3A_186, %squeeze3A_165 : i32
      %swap3A_190 = arith.index_cast %add3A_189 : i32 to index
      %swap3A_191 = tpu.vector_load %arg9[%swap3A_190] masked %and3A_139 {strides = array<i32>} : memref<144xi32, #tpu.memory_space<vmem>>, vector<16xi32>, vector<16xi1>
      tpu.vector_store %arg9[%swap3A_190], %add3A_18 masked %and3A_139 {strides = array<i32>} : memref<144xi32, #tpu.memory_space<vmem>>, vector<16xi32>, vector<16xi1>
      %add3A_192 = arith.addi %add3A_189, %squeeze3A_168 : i32
      %swap3A_193 = arith.index_cast %add3A_192 : i32 to index
      %swap3A_194 = tpu.vector_load %arg9[%swap3A_193] masked %and3A_145 {strides = array<i32>} : memref<144xi32, #tpu.memory_space<vmem>>, vector<16xi32>, vector<16xi1>
      tpu.vector_store %arg9[%swap3A_193], %add3A_21 masked %and3A_145 {strides = array<i32>} : memref<144xi32, #tpu.memory_space<vmem>>, vector<16xi32>, vector<16xi1>
      %add3A_195 = arith.addi %add3A_192, %squeeze3A_171 : i32
      %swap3A_196 = arith.index_cast %add3A_195 : i32 to index
      %swap3A_197 = tpu.vector_load %arg9[%swap3A_196] masked %and3A_151 {strides = array<i32>} : memref<144xi32, #tpu.memory_space<vmem>>, vector<16xi32>, vector<16xi1>
      tpu.vector_store %arg9[%swap3A_196], %add3A_24 masked %and3A_151 {strides = array<i32>} : memref<144xi32, #tpu.memory_space<vmem>>, vector<16xi32>, vector<16xi1>
      %add3A_198 = arith.addi %add3A_195, %squeeze3A_174 : i32
      %broadcast_in_dim3A = arith.constant -1.000260e+30 : bf16
      %broadcast_in_dim3A_199 = vector.broadcast %broadcast_in_dim3A : bf16 to vector<32xbf16>
      %broadcast_in_dim3A_200 = arith.constant -1.000260e+30 : bf16
      %broadcast_in_dim3A_201 = vector.broadcast %broadcast_in_dim3A_200 : bf16 to vector<32xbf16>
      %get3A_202 = arith.constant 0 : index
      %get3A_203 = tpu.vector_load %arg9[%get3A_202] {strides = array<i32>} : memref<144xi32, #tpu.memory_space<vmem>>, vector<16xi32>,
      %gt3A = arith.constant 0 : i32
      %gt3A_204 = arith.cmpi sgt, %add3A_198, %gt3A : i32
      %slice3A_205 = vector.extract_strided_slice %get3A_203 {offsets = [0], sizes = [1], strides = [1]} : vector<16xi32> to vector<1xi32>
      %squeeze3A_206 = vector.extract %slice3A_205[0] : i32 from vector<1xi32>
      %jit3A = arith.constant 0 : i32
      %select_n3A = arith.select %gt3A_204, %squeeze3A_206, %jit3A : i32
      %shift_right_arithmetic3A_207 = arith.constant 1 : i32
      %shift_right_arithmetic3A_208 = arith.shrsi %select_n3A, %shift_right_arithmetic3A_207 : i32
      %and3A_209 = arith.constant 1 : i32
      %and3A_210 = arith.andi %select_n3A, %and3A_209 : i32
      %mul3A_211 = arith.constant 64 : i32
      %mul3A_212 = arith.muli %and3A_210, %mul3A_211 : i32
      %add3A_213 = arith.constant 0 : i32
      %add3A_214 = arith.addi %mul3A_212, %add3A_213 : i32
      %get3A_215 = arith.index_cast %shift_right_arithmetic3A_208 : i32 to index
      %get3A_216 = arith.index_cast %add3A_214 : i32 to index
      %get3A_217 = tpu.vector_load %arg7[%get3A_215, %get3A_216] {strides = array<i32>} : memref<64x128xbf16, #tpu.memory_space<vmem>>, vector<32xbf16>,
      %max3A = arith.maximumf %broadcast_in_dim3A_199, %get3A_217 : vector<32xbf16>
      %select_n3A_218 = arith.select %gt3A_204, %max3A, %broadcast_in_dim3A_199 : vector<32xbf16>
      %add3A_219 = arith.constant 32 : i32
      %add3A_220 = arith.addi %mul3A_212, %add3A_219 : i32
      %get3A_221 = arith.index_cast %shift_right_arithmetic3A_208 : i32 to index
      %get3A_222 = arith.index_cast %add3A_220 : i32 to index
      %get3A_223 = tpu.vector_load %arg7[%get3A_221, %get3A_222] {strides = array<i32>} : memref<64x128xbf16, #tpu.memory_space<vmem>>, vector<32xbf16>,
      %max3A_224 = arith.maximumf %broadcast_in_dim3A_201, %get3A_223 : vector<32xbf16>
      %select_n3A_225 = arith.select %gt3A_204, %max3A_224, %broadcast_in_dim3A_201 : vector<32xbf16>
      %gt3A_226 = arith.constant 1 : i32
      %gt3A_227 = arith.cmpi sgt, %add3A_198, %gt3A_226 : i32
      %slice3A_228 = vector.extract_strided_slice %get3A_203 {offsets = [1], sizes = [1], strides = [1]} : vector<16xi32> to vector<1xi32>
      %squeeze3A_229 = vector.extract %slice3A_228[0] : i32 from vector<1xi32>
      %jit3A_230 = arith.constant 0 : i32
      %select_n3A_231 = arith.select %gt3A_227, %squeeze3A_229, %jit3A_230 : i32
      %shift_right_arithmetic3A_232 = arith.constant 1 : i32
      %shift_right_arithmetic3A_233 = arith.shrsi %select_n3A_231, %shift_right_arithmetic3A_232 : i32
      %and3A_234 = arith.constant 1 : i32
      %and3A_235 = arith.andi %select_n3A_231, %and3A_234 : i32
      %mul3A_236 = arith.constant 64 : i32
      %mul3A_237 = arith.muli %and3A_235, %mul3A_236 : i32
      %add3A_238 = arith.constant 0 : i32
      %add3A_239 = arith.addi %mul3A_237, %add3A_238 : i32
      %get3A_240 = arith.index_cast %shift_right_arithmetic3A_233 : i32 to index
      %get3A_241 = arith.index_cast %add3A_239 : i32 to index
      %get3A_242 = tpu.vector_load %arg7[%get3A_240, %get3A_241] {strides = array<i32>} : memref<64x128xbf16, #tpu.memory_space<vmem>>, vector<32xbf16>,
      %max3A_243 = arith.maximumf %select_n3A_218, %get3A_242 : vector<32xbf16>
      %select_n3A_244 = arith.select %gt3A_227, %max3A_243, %select_n3A_218 : vector<32xbf16>
      %add3A_245 = arith.constant 32 : i32
      %add3A_246 = arith.addi %mul3A_237, %add3A_245 : i32
      %get3A_247 = arith.index_cast %shift_right_arithmetic3A_233 : i32 to index
      %get3A_248 = arith.index_cast %add3A_246 : i32 to index
      %get3A_249 = tpu.vector_load %arg7[%get3A_247, %get3A_248] {strides = array<i32>} : memref<64x128xbf16, #tpu.memory_space<vmem>>, vector<32xbf16>,
      %max3A_250 = arith.maximumf %select_n3A_225, %get3A_249 : vector<32xbf16>
      %select_n3A_251 = arith.select %gt3A_227, %max3A_250, %select_n3A_225 : vector<32xbf16>
      %gt3A_252 = arith.constant 2 : i32
      %gt3A_253 = arith.cmpi sgt, %add3A_198, %gt3A_252 : i32
      %slice3A_254 = vector.extract_strided_slice %get3A_203 {offsets = [2], sizes = [1], strides = [1]} : vector<16xi32> to vector<1xi32>
      %squeeze3A_255 = vector.extract %slice3A_254[0] : i32 from vector<1xi32>
      %jit3A_256 = arith.constant 0 : i32
      %select_n3A_257 = arith.select %gt3A_253, %squeeze3A_255, %jit3A_256 : i32
      %shift_right_arithmetic3A_258 = arith.constant 1 : i32
      %shift_right_arithmetic3A_259 = arith.shrsi %select_n3A_257, %shift_right_arithmetic3A_258 : i32
      %and3A_260 = arith.constant 1 : i32
      %and3A_261 = arith.andi %select_n3A_257, %and3A_260 : i32
      %mul3A_262 = arith.constant 64 : i32
      %mul3A_263 = arith.muli %and3A_261, %mul3A_262 : i32
      %add3A_264 = arith.constant 0 : i32
      %add3A_265 = arith.addi %mul3A_263, %add3A_264 : i32
      %get3A_266 = arith.index_cast %shift_right_arithmetic3A_259 : i32 to index
      %get3A_267 = arith.index_cast %add3A_265 : i32 to index
      %get3A_268 = tpu.vector_load %arg7[%get3A_266, %get3A_267] {strides = array<i32>} : memref<64x128xbf16, #tpu.memory_space<vmem>>, vector<32xbf16>,
      %max3A_269 = arith.maximumf %select_n3A_244, %get3A_268 : vector<32xbf16>
      %select_n3A_270 = arith.select %gt3A_253, %max3A_269, %select_n3A_244 : vector<32xbf16>
      %add3A_271 = arith.constant 32 : i32
      %add3A_272 = arith.addi %mul3A_263, %add3A_271 : i32
      %get3A_273 = arith.index_cast %shift_right_arithmetic3A_259 : i32 to index
      %get3A_274 = arith.index_cast %add3A_272 : i32 to index
      %get3A_275 = tpu.vector_load %arg7[%get3A_273, %get3A_274] {strides = array<i32>} : memref<64x128xbf16, #tpu.memory_space<vmem>>, vector<32xbf16>,
      %max3A_276 = arith.maximumf %select_n3A_251, %get3A_275 : vector<32xbf16>
      %select_n3A_277 = arith.select %gt3A_253, %max3A_276, %select_n3A_251 : vector<32xbf16>
      %gt3A_278 = arith.constant 3 : i32
      %gt3A_279 = arith.cmpi sgt, %add3A_198, %gt3A_278 : i32
      %slice3A_280 = vector.extract_strided_slice %get3A_203 {offsets = [3], sizes = [1], strides = [1]} : vector<16xi32> to vector<1xi32>
      %squeeze3A_281 = vector.extract %slice3A_280[0] : i32 from vector<1xi32>
      %jit3A_282 = arith.constant 0 : i32
      %select_n3A_283 = arith.select %gt3A_279, %squeeze3A_281, %jit3A_282 : i32
      %shift_right_arithmetic3A_284 = arith.constant 1 : i32
      %shift_right_arithmetic3A_285 = arith.shrsi %select_n3A_283, %shift_right_arithmetic3A_284 : i32
      %and3A_286 = arith.constant 1 : i32
      %and3A_287 = arith.andi %select_n3A_283, %and3A_286 : i32
      %mul3A_288 = arith.constant 64 : i32
      %mul3A_289 = arith.muli %and3A_287, %mul3A_288 : i32
      %add3A_290 = arith.constant 0 : i32
      %add3A_291 = arith.addi %mul3A_289, %add3A_290 : i32
      %get3A_292 = arith.index_cast %shift_right_arithmetic3A_285 : i32 to index
      %get3A_293 = arith.index_cast %add3A_291 : i32 to index
      %get3A_294 = tpu.vector_load %arg7[%get3A_292, %get3A_293] {strides = array<i32>} : memref<64x128xbf16, #tpu.memory_space<vmem>>, vector<32xbf16>,
      %max3A_295 = arith.maximumf %select_n3A_270, %get3A_294 : vector<32xbf16>
      %select_n3A_296 = arith.select %gt3A_279, %max3A_295, %select_n3A_270 : vector<32xbf16>
      %add3A_297 = arith.constant 32 : i32
      %add3A_298 = arith.addi %mul3A_289, %add3A_297 : i32
      %get3A_299 = arith.index_cast %shift_right_arithmetic3A_285 : i32 to index
      %get3A_300 = arith.index_cast %add3A_298 : i32 to index
      %get3A_301 = tpu.vector_load %arg7[%get3A_299, %get3A_300] {strides = array<i32>} : memref<64x128xbf16, #tpu.memory_space<vmem>>, vector<32xbf16>,
      %max3A_302 = arith.maximumf %select_n3A_277, %get3A_301 : vector<32xbf16>
      %select_n3A_303 = arith.select %gt3A_279, %max3A_302, %select_n3A_277 : vector<32xbf16>
      %get3A_304 = arith.constant 4 : index
      %get3A_305 = tpu.vector_load %arg9[%get3A_304] {strides = array<i32>} : memref<144xi32, #tpu.memory_space<vmem>>, vector<16xi32>,
      %gt3A_306 = arith.constant 4 : i32
      %gt3A_307 = arith.cmpi sgt, %add3A_198, %gt3A_306 : i32
      %slice3A_308 = vector.extract_strided_slice %get3A_305 {offsets = [0], sizes = [1], strides = [1]} : vector<16xi32> to vector<1xi32>
      %squeeze3A_309 = vector.extract %slice3A_308[0] : i32 from vector<1xi32>
      %jit3A_310 = arith.constant 0 : i32
      %select_n3A_311 = arith.select %gt3A_307, %squeeze3A_309, %jit3A_310 : i32
      %shift_right_arithmetic3A_312 = arith.constant 1 : i32
      %shift_right_arithmetic3A_313 = arith.shrsi %select_n3A_311, %shift_right_arithmetic3A_312 : i32
      %and3A_314 = arith.constant 1 : i32
      %and3A_315 = arith.andi %select_n3A_311, %and3A_314 : i32
      %mul3A_316 = arith.constant 64 : i32
      %mul3A_317 = arith.muli %and3A_315, %mul3A_316 : i32
      %add3A_318 = arith.constant 0 : i32
      %add3A_319 = arith.addi %mul3A_317, %add3A_318 : i32
      %get3A_320 = arith.index_cast %shift_right_arithmetic3A_313 : i32 to index
      %get3A_321 = arith.index_cast %add3A_319 : i32 to index
      %get3A_322 = tpu.vector_load %arg7[%get3A_320, %get3A_321] {strides = array<i32>} : memref<64x128xbf16, #tpu.memory_space<vmem>>, vector<32xbf16>,
      %max3A_323 = arith.maximumf %select_n3A_296, %get3A_322 : vector<32xbf16>
      %select_n3A_324 = arith.select %gt3A_307, %max3A_323, %select_n3A_296 : vector<32xbf16>
      %add3A_325 = arith.constant 32 : i32
      %add3A_326 = arith.addi %mul3A_317, %add3A_325 : i32
      %get3A_327 = arith.index_cast %shift_right_arithmetic3A_313 : i32 to index
      %get3A_328 = arith.index_cast %add3A_326 : i32 to index
      %get3A_329 = tpu.vector_load %arg7[%get3A_327, %get3A_328] {strides = array<i32>} : memref<64x128xbf16, #tpu.memory_space<vmem>>, vector<32xbf16>,
      %max3A_330 = arith.maximumf %select_n3A_303, %get3A_329 : vector<32xbf16>
      %select_n3A_331 = arith.select %gt3A_307, %max3A_330, %select_n3A_303 : vector<32xbf16>
      %gt3A_332 = arith.constant 5 : i32
      %gt3A_333 = arith.cmpi sgt, %add3A_198, %gt3A_332 : i32
      %slice3A_334 = vector.extract_strided_slice %get3A_305 {offsets = [1], sizes = [1], strides = [1]} : vector<16xi32> to vector<1xi32>
      %squeeze3A_335 = vector.extract %slice3A_334[0] : i32 from vector<1xi32>
      %jit3A_336 = arith.constant 0 : i32
      %select_n3A_337 = arith.select %gt3A_333, %squeeze3A_335, %jit3A_336 : i32
      %shift_right_arithmetic3A_338 = arith.constant 1 : i32
      %shift_right_arithmetic3A_339 = arith.shrsi %select_n3A_337, %shift_right_arithmetic3A_338 : i32
      %and3A_340 = arith.constant 1 : i32
      %and3A_341 = arith.andi %select_n3A_337, %and3A_340 : i32
      %mul3A_342 = arith.constant 64 : i32
      %mul3A_343 = arith.muli %and3A_341, %mul3A_342 : i32
      %add3A_344 = arith.constant 0 : i32
      %add3A_345 = arith.addi %mul3A_343, %add3A_344 : i32
      %get3A_346 = arith.index_cast %shift_right_arithmetic3A_339 : i32 to index
      %get3A_347 = arith.index_cast %add3A_345 : i32 to index
      %get3A_348 = tpu.vector_load %arg7[%get3A_346, %get3A_347] {strides = array<i32>} : memref<64x128xbf16, #tpu.memory_space<vmem>>, vector<32xbf16>,
      %max3A_349 = arith.maximumf %select_n3A_324, %get3A_348 : vector<32xbf16>
      %select_n3A_350 = arith.select %gt3A_333, %max3A_349, %select_n3A_324 : vector<32xbf16>
      %add3A_351 = arith.constant 32 : i32
      %add3A_352 = arith.addi %mul3A_343, %add3A_351 : i32
      %get3A_353 = arith.index_cast %shift_right_arithmetic3A_339 : i32 to index
      %get3A_354 = arith.index_cast %add3A_352 : i32 to index
      %get3A_355 = tpu.vector_load %arg7[%get3A_353, %get3A_354] {strides = array<i32>} : memref<64x128xbf16, #tpu.memory_space<vmem>>, vector<32xbf16>,
      %max3A_356 = arith.maximumf %select_n3A_331, %get3A_355 : vector<32xbf16>
      %select_n3A_357 = arith.select %gt3A_333, %max3A_356, %select_n3A_331 : vector<32xbf16>
      %gt3A_358 = arith.constant 6 : i32
      %gt3A_359 = arith.cmpi sgt, %add3A_198, %gt3A_358 : i32
      %slice3A_360 = vector.extract_strided_slice %get3A_305 {offsets = [2], sizes = [1], strides = [1]} : vector<16xi32> to vector<1xi32>
      %squeeze3A_361 = vector.extract %slice3A_360[0] : i32 from vector<1xi32>
      %jit3A_362 = arith.constant 0 : i32
      %select_n3A_363 = arith.select %gt3A_359, %squeeze3A_361, %jit3A_362 : i32
      %shift_right_arithmetic3A_364 = arith.constant 1 : i32
      %shift_right_arithmetic3A_365 = arith.shrsi %select_n3A_363, %shift_right_arithmetic3A_364 : i32
      %and3A_366 = arith.constant 1 : i32
      %and3A_367 = arith.andi %select_n3A_363, %and3A_366 : i32
      %mul3A_368 = arith.constant 64 : i32
      %mul3A_369 = arith.muli %and3A_367, %mul3A_368 : i32
      %add3A_370 = arith.constant 0 : i32
      %add3A_371 = arith.addi %mul3A_369, %add3A_370 : i32
      %get3A_372 = arith.index_cast %shift_right_arithmetic3A_365 : i32 to index
      %get3A_373 = arith.index_cast %add3A_371 : i32 to index
      %get3A_374 = tpu.vector_load %arg7[%get3A_372, %get3A_373] {strides = array<i32>} : memref<64x128xbf16, #tpu.memory_space<vmem>>, vector<32xbf16>,
      %max3A_375 = arith.maximumf %select_n3A_350, %get3A_374 : vector<32xbf16>
      %select_n3A_376 = arith.select %gt3A_359, %max3A_375, %select_n3A_350 : vector<32xbf16>
      %add3A_377 = arith.constant 32 : i32
      %add3A_378 = arith.addi %mul3A_369, %add3A_377 : i32
      %get3A_379 = arith.index_cast %shift_right_arithmetic3A_365 : i32 to index
      %get3A_380 = arith.index_cast %add3A_378 : i32 to index
      %get3A_381 = tpu.vector_load %arg7[%get3A_379, %get3A_380] {strides = array<i32>} : memref<64x128xbf16, #tpu.memory_space<vmem>>, vector<32xbf16>,
      %max3A_382 = arith.maximumf %select_n3A_357, %get3A_381 : vector<32xbf16>
      %select_n3A_383 = arith.select %gt3A_359, %max3A_382, %select_n3A_357 : vector<32xbf16>
      %gt3A_384 = arith.constant 7 : i32
      %gt3A_385 = arith.cmpi sgt, %add3A_198, %gt3A_384 : i32
      %slice3A_386 = vector.extract_strided_slice %get3A_305 {offsets = [3], sizes = [1], strides = [1]} : vector<16xi32> to vector<1xi32>
      %squeeze3A_387 = vector.extract %slice3A_386[0] : i32 from vector<1xi32>
      %jit3A_388 = arith.constant 0 : i32
      %select_n3A_389 = arith.select %gt3A_385, %squeeze3A_387, %jit3A_388 : i32
      %shift_right_arithmetic3A_390 = arith.constant 1 : i32
      %shift_right_arithmetic3A_391 = arith.shrsi %select_n3A_389, %shift_right_arithmetic3A_390 : i32
      %and3A_392 = arith.constant 1 : i32
      %and3A_393 = arith.andi %select_n3A_389, %and3A_392 : i32
      %mul3A_394 = arith.constant 64 : i32
      %mul3A_395 = arith.muli %and3A_393, %mul3A_394 : i32
      %add3A_396 = arith.constant 0 : i32
      %add3A_397 = arith.addi %mul3A_395, %add3A_396 : i32
      %get3A_398 = arith.index_cast %shift_right_arithmetic3A_391 : i32 to index
      %get3A_399 = arith.index_cast %add3A_397 : i32 to index
      %get3A_400 = tpu.vector_load %arg7[%get3A_398, %get3A_399] {strides = array<i32>} : memref<64x128xbf16, #tpu.memory_space<vmem>>, vector<32xbf16>,
      %max3A_401 = arith.maximumf %select_n3A_376, %get3A_400 : vector<32xbf16>
      %select_n3A_402 = arith.select %gt3A_385, %max3A_401, %select_n3A_376 : vector<32xbf16>
      %add3A_403 = arith.constant 32 : i32
      %add3A_404 = arith.addi %mul3A_395, %add3A_403 : i32
      %get3A_405 = arith.index_cast %shift_right_arithmetic3A_391 : i32 to index
      %get3A_406 = arith.index_cast %add3A_404 : i32 to index
      %get3A_407 = tpu.vector_load %arg7[%get3A_405, %get3A_406] {strides = array<i32>} : memref<64x128xbf16, #tpu.memory_space<vmem>>, vector<32xbf16>,
      %max3A_408 = arith.maximumf %select_n3A_383, %get3A_407 : vector<32xbf16>
      %select_n3A_409 = arith.select %gt3A_385, %max3A_408, %select_n3A_383 : vector<32xbf16>
      %get3A_410 = arith.constant 8 : index
      %get3A_411 = tpu.vector_load %arg9[%get3A_410] {strides = array<i32>} : memref<144xi32, #tpu.memory_space<vmem>>, vector<16xi32>,
      %gt3A_412 = arith.constant 8 : i32
      %gt3A_413 = arith.cmpi sgt, %add3A_198, %gt3A_412 : i32
      %slice3A_414 = vector.extract_strided_slice %get3A_411 {offsets = [0], sizes = [1], strides = [1]} : vector<16xi32> to vector<1xi32>
      %squeeze3A_415 = vector.extract %slice3A_414[0] : i32 from vector<1xi32>
      %jit3A_416 = arith.constant 0 : i32
      %select_n3A_417 = arith.select %gt3A_413, %squeeze3A_415, %jit3A_416 : i32
      %shift_right_arithmetic3A_418 = arith.constant 1 : i32
      %shift_right_arithmetic3A_419 = arith.shrsi %select_n3A_417, %shift_right_arithmetic3A_418 : i32
      %and3A_420 = arith.constant 1 : i32
      %and3A_421 = arith.andi %select_n3A_417, %and3A_420 : i32
      %mul3A_422 = arith.constant 64 : i32
      %mul3A_423 = arith.muli %and3A_421, %mul3A_422 : i32
      %add3A_424 = arith.constant 0 : i32
      %add3A_425 = arith.addi %mul3A_423, %add3A_424 : i32
      %get3A_426 = arith.index_cast %shift_right_arithmetic3A_419 : i32 to index
      %get3A_427 = arith.index_cast %add3A_425 : i32 to index
      %get3A_428 = tpu.vector_load %arg7[%get3A_426, %get3A_427] {strides = array<i32>} : memref<64x128xbf16, #tpu.memory_space<vmem>>, vector<32xbf16>,
      %max3A_429 = arith.maximumf %select_n3A_402, %get3A_428 : vector<32xbf16>
      %select_n3A_430 = arith.select %gt3A_413, %max3A_429, %select_n3A_402 : vector<32xbf16>
      %add3A_431 = arith.constant 32 : i32
      %add3A_432 = arith.addi %mul3A_423, %add3A_431 : i32
      %get3A_433 = arith.index_cast %shift_right_arithmetic3A_419 : i32 to index
      %get3A_434 = arith.index_cast %add3A_432 : i32 to index
      %get3A_435 = tpu.vector_load %arg7[%get3A_433, %get3A_434] {strides = array<i32>} : memref<64x128xbf16, #tpu.memory_space<vmem>>, vector<32xbf16>,
      %max3A_436 = arith.maximumf %select_n3A_409, %get3A_435 : vector<32xbf16>
      %select_n3A_437 = arith.select %gt3A_413, %max3A_436, %select_n3A_409 : vector<32xbf16>
      %gt3A_438 = arith.constant 9 : i32
      %gt3A_439 = arith.cmpi sgt, %add3A_198, %gt3A_438 : i32
      %slice3A_440 = vector.extract_strided_slice %get3A_411 {offsets = [1], sizes = [1], strides = [1]} : vector<16xi32> to vector<1xi32>
      %squeeze3A_441 = vector.extract %slice3A_440[0] : i32 from vector<1xi32>
      %jit3A_442 = arith.constant 0 : i32
      %select_n3A_443 = arith.select %gt3A_439, %squeeze3A_441, %jit3A_442 : i32
      %shift_right_arithmetic3A_444 = arith.constant 1 : i32
      %shift_right_arithmetic3A_445 = arith.shrsi %select_n3A_443, %shift_right_arithmetic3A_444 : i32
      %and3A_446 = arith.constant 1 : i32
      %and3A_447 = arith.andi %select_n3A_443, %and3A_446 : i32
      %mul3A_448 = arith.constant 64 : i32
      %mul3A_449 = arith.muli %and3A_447, %mul3A_448 : i32
      %add3A_450 = arith.constant 0 : i32
      %add3A_451 = arith.addi %mul3A_449, %add3A_450 : i32
      %get3A_452 = arith.index_cast %shift_right_arithmetic3A_445 : i32 to index
      %get3A_453 = arith.index_cast %add3A_451 : i32 to index
      %get3A_454 = tpu.vector_load %arg7[%get3A_452, %get3A_453] {strides = array<i32>} : memref<64x128xbf16, #tpu.memory_space<vmem>>, vector<32xbf16>,
      %max3A_455 = arith.maximumf %select_n3A_430, %get3A_454 : vector<32xbf16>
      %select_n3A_456 = arith.select %gt3A_439, %max3A_455, %select_n3A_430 : vector<32xbf16>
      %add3A_457 = arith.constant 32 : i32
      %add3A_458 = arith.addi %mul3A_449, %add3A_457 : i32
      %get3A_459 = arith.index_cast %shift_right_arithmetic3A_445 : i32 to index
      %get3A_460 = arith.index_cast %add3A_458 : i32 to index
      %get3A_461 = tpu.vector_load %arg7[%get3A_459, %get3A_460] {strides = array<i32>} : memref<64x128xbf16, #tpu.memory_space<vmem>>, vector<32xbf16>,
      %max3A_462 = arith.maximumf %select_n3A_437, %get3A_461 : vector<32xbf16>
      %select_n3A_463 = arith.select %gt3A_439, %max3A_462, %select_n3A_437 : vector<32xbf16>
      %gt3A_464 = arith.constant 10 : i32
      %gt3A_465 = arith.cmpi sgt, %add3A_198, %gt3A_464 : i32
      %slice3A_466 = vector.extract_strided_slice %get3A_411 {offsets = [2], sizes = [1], strides = [1]} : vector<16xi32> to vector<1xi32>
      %squeeze3A_467 = vector.extract %slice3A_466[0] : i32 from vector<1xi32>
      %jit3A_468 = arith.constant 0 : i32
      %select_n3A_469 = arith.select %gt3A_465, %squeeze3A_467, %jit3A_468 : i32
      %shift_right_arithmetic3A_470 = arith.constant 1 : i32
      %shift_right_arithmetic3A_471 = arith.shrsi %select_n3A_469, %shift_right_arithmetic3A_470 : i32
      %and3A_472 = arith.constant 1 : i32
      %and3A_473 = arith.andi %select_n3A_469, %and3A_472 : i32
      %mul3A_474 = arith.constant 64 : i32
      %mul3A_475 = arith.muli %and3A_473, %mul3A_474 : i32
      %add3A_476 = arith.constant 0 : i32
      %add3A_477 = arith.addi %mul3A_475, %add3A_476 : i32
      %get3A_478 = arith.index_cast %shift_right_arithmetic3A_471 : i32 to index
      %get3A_479 = arith.index_cast %add3A_477 : i32 to index
      %get3A_480 = tpu.vector_load %arg7[%get3A_478, %get3A_479] {strides = array<i32>} : memref<64x128xbf16, #tpu.memory_space<vmem>>, vector<32xbf16>,
      %max3A_481 = arith.maximumf %select_n3A_456, %get3A_480 : vector<32xbf16>
      %select_n3A_482 = arith.select %gt3A_465, %max3A_481, %select_n3A_456 : vector<32xbf16>
      %add3A_483 = arith.constant 32 : i32
      %add3A_484 = arith.addi %mul3A_475, %add3A_483 : i32
      %get3A_485 = arith.index_cast %shift_right_arithmetic3A_471 : i32 to index
      %get3A_486 = arith.index_cast %add3A_484 : i32 to index
      %get3A_487 = tpu.vector_load %arg7[%get3A_485, %get3A_486] {strides = array<i32>} : memref<64x128xbf16, #tpu.memory_space<vmem>>, vector<32xbf16>,
      %max3A_488 = arith.maximumf %select_n3A_463, %get3A_487 : vector<32xbf16>
      %select_n3A_489 = arith.select %gt3A_465, %max3A_488, %select_n3A_463 : vector<32xbf16>
      %gt3A_490 = arith.constant 11 : i32
      %gt3A_491 = arith.cmpi sgt, %add3A_198, %gt3A_490 : i32
      %slice3A_492 = vector.extract_strided_slice %get3A_411 {offsets = [3], sizes = [1], strides = [1]} : vector<16xi32> to vector<1xi32>
      %squeeze3A_493 = vector.extract %slice3A_492[0] : i32 from vector<1xi32>
      %jit3A_494 = arith.constant 0 : i32
      %select_n3A_495 = arith.select %gt3A_491, %squeeze3A_493, %jit3A_494 : i32
      %shift_right_arithmetic3A_496 = arith.constant 1 : i32
      %shift_right_arithmetic3A_497 = arith.shrsi %select_n3A_495, %shift_right_arithmetic3A_496 : i32
      %and3A_498 = arith.constant 1 : i32
      %and3A_499 = arith.andi %select_n3A_495, %and3A_498 : i32
      %mul3A_500 = arith.constant 64 : i32
      %mul3A_501 = arith.muli %and3A_499, %mul3A_500 : i32
      %add3A_502 = arith.constant 0 : i32
      %add3A_503 = arith.addi %mul3A_501, %add3A_502 : i32
      %get3A_504 = arith.index_cast %shift_right_arithmetic3A_497 : i32 to index
      %get3A_505 = arith.index_cast %add3A_503 : i32 to index
      %get3A_506 = tpu.vector_load %arg7[%get3A_504, %get3A_505] {strides = array<i32>} : memref<64x128xbf16, #tpu.memory_space<vmem>>, vector<32xbf16>,
      %max3A_507 = arith.maximumf %select_n3A_482, %get3A_506 : vector<32xbf16>
      %select_n3A_508 = arith.select %gt3A_491, %max3A_507, %select_n3A_482 : vector<32xbf16>
      %add3A_509 = arith.constant 32 : i32
      %add3A_510 = arith.addi %mul3A_501, %add3A_509 : i32
      %get3A_511 = arith.index_cast %shift_right_arithmetic3A_497 : i32 to index
      %get3A_512 = arith.index_cast %add3A_510 : i32 to index
      %get3A_513 = tpu.vector_load %arg7[%get3A_511, %get3A_512] {strides = array<i32>} : memref<64x128xbf16, #tpu.memory_space<vmem>>, vector<32xbf16>,
      %max3A_514 = arith.maximumf %select_n3A_489, %get3A_513 : vector<32xbf16>
      %select_n3A_515 = arith.select %gt3A_491, %max3A_514, %select_n3A_489 : vector<32xbf16>
      %add3A_516 = arith.constant 3 : i32
      %add3A_517 = arith.addi %add3A_198, %add3A_516 : i32
      %jit3A_518 = arith.constant 4 : i32
      %div3A = arith.divsi %add3A_517, %jit3A_518 : i32
      %sign3A = arith.constant 0 : i32
      %sign3A_519 = arith.cmpi sgt, %add3A_517, %sign3A : i32
      %sign3A_520 = arith.extui %sign3A_519 : i1 to i32
      %sign3A_521 = arith.constant 0 : i32
      %sign3A_522 = arith.cmpi slt, %add3A_517, %sign3A_521 : i32
      %sign3A_523 = arith.extui %sign3A_522 : i1 to i32
      %sign3A_524 = arith.subi %sign3A_520, %sign3A_523 : i32
      %sign3A_525 = arith.constant 0 : i32
      %sign3A_526 = arith.cmpi sgt, %jit3A_518, %sign3A_525 : i32
      %sign3A_527 = arith.extui %sign3A_526 : i1 to i32
      %sign3A_528 = arith.constant 0 : i32
      %sign3A_529 = arith.cmpi slt, %jit3A_518, %sign3A_528 : i32
      %sign3A_530 = arith.extui %sign3A_529 : i1 to i32
      %sign3A_531 = arith.subi %sign3A_527, %sign3A_530 : i32
      %ne3A_532 = arith.cmpi ne, %sign3A_524, %sign3A_531 : i32
      %rem3A = arith.remsi %add3A_517, %jit3A_518 : i32
      %ne3A_533 = arith.constant 0 : i32
      %ne3A_534 = arith.cmpi ne, %rem3A, %ne3A_533 : i32
      %and3A_535 = arith.andi %ne3A_532, %ne3A_534 : i1
      %sub3A = arith.constant 1 : i32
      %sub3A_536 = arith.subi %div3A, %sub3A : i32
      %select_n3A_537 = arith.select %and3A_535, %sub3A_536, %div3A : i32
      %while3A_538 = arith.constant 3 : i32
      %while3A_539 = arith.subi %select_n3A_537, %while3A_538 : i32
      %while3A_540 = arith.addi %while3A_538, %while3A_539 : i32
      %while3A_541 = arith.constant 1 : i32
      %while3A_542 = arith.divsi %while3A_539, %while3A_541 : i32
      %while3A_543 = arith.muli %while3A_542, %while3A_541 : i32
      %while3A_544 = arith.addi %while3A_538, %while3A_543 : i32
      %while3A_545 = arith.constant 1 : i32
      %while3A_546:2 = scf.for %while3A_573 = %while3A_538 to %while3A_544 step %while3A_545 iter_args(%while3A_574 = %select_n3A_508, %while3A_575 = %select_n3A_515) -> (vector<32xbf16>, vector<32xbf16>)  : i32 {
        %mul3A_576 = arith.constant 4 : i32
        %mul3A_577 = arith.muli %while3A_573, %mul3A_576 : i32
        %get3A_578 = arith.index_cast %mul3A_577 : i32 to index
        %get3A_579 = tpu.vector_load %arg9[%get3A_578] {strides = array<i32>} : memref<144xi32, #tpu.memory_space<vmem>>, vector<16xi32>,
        %mul3A_580 = arith.constant 4 : i32
        %mul3A_581 = arith.muli %while3A_573, %mul3A_580 : i32
        %add3A_582 = arith.constant 0 : i32
        %add3A_583 = arith.addi %mul3A_581, %add3A_582 : i32
        %lt3A_584 = arith.cmpi slt, %add3A_583, %add3A_198 : i32
        %slice3A_585 = vector.extract_strided_slice %get3A_579 {offsets = [0], sizes = [1], strides = [1]} : vector<16xi32> to vector<1xi32>
        %squeeze3A_586 = vector.extract %slice3A_585[0] : i32 from vector<1xi32>
        %jit3A_587 = arith.constant 0 : i32
        %select_n3A_588 = arith.select %lt3A_584, %squeeze3A_586, %jit3A_587 : i32
        %shift_right_arithmetic3A_589 = arith.constant 1 : i32
        %shift_right_arithmetic3A_590 = arith.shrsi %select_n3A_588, %shift_right_arithmetic3A_589 : i32
        %and3A_591 = arith.constant 1 : i32
        %and3A_592 = arith.andi %select_n3A_588, %and3A_591 : i32
        %mul3A_593 = arith.constant 64 : i32
        %mul3A_594 = arith.muli %and3A_592, %mul3A_593 : i32
        %add3A_595 = arith.constant 0 : i32
        %add3A_596 = arith.addi %mul3A_594, %add3A_595 : i32
        %get3A_597 = arith.index_cast %shift_right_arithmetic3A_590 : i32 to index
        %get3A_598 = arith.index_cast %add3A_596 : i32 to index
        %get3A_599 = tpu.vector_load %arg7[%get3A_597, %get3A_598] {strides = array<i32>} : memref<64x128xbf16, #tpu.memory_space<vmem>>, vector<32xbf16>,
        %max3A_600 = arith.maximumf %while3A_574, %get3A_599 : vector<32xbf16>
        %select_n3A_601 = arith.select %lt3A_584, %max3A_600, %while3A_574 : vector<32xbf16>
        %add3A_602 = arith.constant 32 : i32
        %add3A_603 = arith.addi %mul3A_594, %add3A_602 : i32
        %get3A_604 = arith.index_cast %shift_right_arithmetic3A_590 : i32 to index
        %get3A_605 = arith.index_cast %add3A_603 : i32 to index
        %get3A_606 = tpu.vector_load %arg7[%get3A_604, %get3A_605] {strides = array<i32>} : memref<64x128xbf16, #tpu.memory_space<vmem>>, vector<32xbf16>,
        %max3A_607 = arith.maximumf %while3A_575, %get3A_606 : vector<32xbf16>
        %select_n3A_608 = arith.select %lt3A_584, %max3A_607, %while3A_575 : vector<32xbf16>
        %mul3A_609 = arith.constant 4 : i32
        %mul3A_610 = arith.muli %while3A_573, %mul3A_609 : i32
        %add3A_611 = arith.constant 1 : i32
        %add3A_612 = arith.addi %mul3A_610, %add3A_611 : i32
        %lt3A_613 = arith.cmpi slt, %add3A_612, %add3A_198 : i32
        %slice3A_614 = vector.extract_strided_slice %get3A_579 {offsets = [1], sizes = [1], strides = [1]} : vector<16xi32> to vector<1xi32>
        %squeeze3A_615 = vector.extract %slice3A_614[0] : i32 from vector<1xi32>
        %jit3A_616 = arith.constant 0 : i32
        %select_n3A_617 = arith.select %lt3A_613, %squeeze3A_615, %jit3A_616 : i32
        %shift_right_arithmetic3A_618 = arith.constant 1 : i32
        %shift_right_arithmetic3A_619 = arith.shrsi %select_n3A_617, %shift_right_arithmetic3A_618 : i32
        %and3A_620 = arith.constant 1 : i32
        %and3A_621 = arith.andi %select_n3A_617, %and3A_620 : i32
        %mul3A_622 = arith.constant 64 : i32
        %mul3A_623 = arith.muli %and3A_621, %mul3A_622 : i32
        %add3A_624 = arith.constant 0 : i32
        %add3A_625 = arith.addi %mul3A_623, %add3A_624 : i32
        %get3A_626 = arith.index_cast %shift_right_arithmetic3A_619 : i32 to index
        %get3A_627 = arith.index_cast %add3A_625 : i32 to index
        %get3A_628 = tpu.vector_load %arg7[%get3A_626, %get3A_627] {strides = array<i32>} : memref<64x128xbf16, #tpu.memory_space<vmem>>, vector<32xbf16>,
        %max3A_629 = arith.maximumf %select_n3A_601, %get3A_628 : vector<32xbf16>
        %select_n3A_630 = arith.select %lt3A_613, %max3A_629, %select_n3A_601 : vector<32xbf16>
        %add3A_631 = arith.constant 32 : i32
        %add3A_632 = arith.addi %mul3A_623, %add3A_631 : i32
        %get3A_633 = arith.index_cast %shift_right_arithmetic3A_619 : i32 to index
        %get3A_634 = arith.index_cast %add3A_632 : i32 to index
        %get3A_635 = tpu.vector_load %arg7[%get3A_633, %get3A_634] {strides = array<i32>} : memref<64x128xbf16, #tpu.memory_space<vmem>>, vector<32xbf16>,
        %max3A_636 = arith.maximumf %select_n3A_608, %get3A_635 : vector<32xbf16>
        %select_n3A_637 = arith.select %lt3A_613, %max3A_636, %select_n3A_608 : vector<32xbf16>
        %mul3A_638 = arith.constant 4 : i32
        %mul3A_639 = arith.muli %while3A_573, %mul3A_638 : i32
        %add3A_640 = arith.constant 2 : i32
        %add3A_641 = arith.addi %mul3A_639, %add3A_640 : i32
        %lt3A_642 = arith.cmpi slt, %add3A_641, %add3A_198 : i32
        %slice3A_643 = vector.extract_strided_slice %get3A_579 {offsets = [2], sizes = [1], strides = [1]} : vector<16xi32> to vector<1xi32>
        %squeeze3A_644 = vector.extract %slice3A_643[0] : i32 from vector<1xi32>
        %jit3A_645 = arith.constant 0 : i32
        %select_n3A_646 = arith.select %lt3A_642, %squeeze3A_644, %jit3A_645 : i32
        %shift_right_arithmetic3A_647 = arith.constant 1 : i32
        %shift_right_arithmetic3A_648 = arith.shrsi %select_n3A_646, %shift_right_arithmetic3A_647 : i32
        %and3A_649 = arith.constant 1 : i32
        %and3A_650 = arith.andi %select_n3A_646, %and3A_649 : i32
        %mul3A_651 = arith.constant 64 : i32
        %mul3A_652 = arith.muli %and3A_650, %mul3A_651 : i32
        %add3A_653 = arith.constant 0 : i32
        %add3A_654 = arith.addi %mul3A_652, %add3A_653 : i32
        %get3A_655 = arith.index_cast %shift_right_arithmetic3A_648 : i32 to index
        %get3A_656 = arith.index_cast %add3A_654 : i32 to index
        %get3A_657 = tpu.vector_load %arg7[%get3A_655, %get3A_656] {strides = array<i32>} : memref<64x128xbf16, #tpu.memory_space<vmem>>, vector<32xbf16>,
        %max3A_658 = arith.maximumf %select_n3A_630, %get3A_657 : vector<32xbf16>
        %select_n3A_659 = arith.select %lt3A_642, %max3A_658, %select_n3A_630 : vector<32xbf16>
        %add3A_660 = arith.constant 32 : i32
        %add3A_661 = arith.addi %mul3A_652, %add3A_660 : i32
        %get3A_662 = arith.index_cast %shift_right_arithmetic3A_648 : i32 to index
        %get3A_663 = arith.index_cast %add3A_661 : i32 to index
        %get3A_664 = tpu.vector_load %arg7[%get3A_662, %get3A_663] {strides = array<i32>} : memref<64x128xbf16, #tpu.memory_space<vmem>>, vector<32xbf16>,
        %max3A_665 = arith.maximumf %select_n3A_637, %get3A_664 : vector<32xbf16>
        %select_n3A_666 = arith.select %lt3A_642, %max3A_665, %select_n3A_637 : vector<32xbf16>
        %mul3A_667 = arith.constant 4 : i32
        %mul3A_668 = arith.muli %while3A_573, %mul3A_667 : i32
        %add3A_669 = arith.constant 3 : i32
        %add3A_670 = arith.addi %mul3A_668, %add3A_669 : i32
        %lt3A_671 = arith.cmpi slt, %add3A_670, %add3A_198 : i32
        %slice3A_672 = vector.extract_strided_slice %get3A_579 {offsets = [3], sizes = [1], strides = [1]} : vector<16xi32> to vector<1xi32>
        %squeeze3A_673 = vector.extract %slice3A_672[0] : i32 from vector<1xi32>
        %jit3A_674 = arith.constant 0 : i32
        %select_n3A_675 = arith.select %lt3A_671, %squeeze3A_673, %jit3A_674 : i32
        %shift_right_arithmetic3A_676 = arith.constant 1 : i32
        %shift_right_arithmetic3A_677 = arith.shrsi %select_n3A_675, %shift_right_arithmetic3A_676 : i32
        %and3A_678 = arith.constant 1 : i32
        %and3A_679 = arith.andi %select_n3A_675, %and3A_678 : i32
        %mul3A_680 = arith.constant 64 : i32
        %mul3A_681 = arith.muli %and3A_679, %mul3A_680 : i32
        %add3A_682 = arith.constant 0 : i32
        %add3A_683 = arith.addi %mul3A_681, %add3A_682 : i32
        %get3A_684 = arith.index_cast %shift_right_arithmetic3A_677 : i32 to index
        %get3A_685 = arith.index_cast %add3A_683 : i32 to index
        %get3A_686 = tpu.vector_load %arg7[%get3A_684, %get3A_685] {strides = array<i32>} : memref<64x128xbf16, #tpu.memory_space<vmem>>, vector<32xbf16>,
        %max3A_687 = arith.maximumf %select_n3A_659, %get3A_686 : vector<32xbf16>
        %select_n3A_688 = arith.select %lt3A_671, %max3A_687, %select_n3A_659 : vector<32xbf16>
        %add3A_689 = arith.constant 32 : i32
        %add3A_690 = arith.addi %mul3A_681, %add3A_689 : i32
        %get3A_691 = arith.index_cast %shift_right_arithmetic3A_677 : i32 to index
        %get3A_692 = arith.index_cast %add3A_690 : i32 to index
        %get3A_693 = tpu.vector_load %arg7[%get3A_691, %get3A_692] {strides = array<i32>} : memref<64x128xbf16, #tpu.memory_space<vmem>>, vector<32xbf16>,
        %max3A_694 = arith.maximumf %select_n3A_666, %get3A_693 : vector<32xbf16>
        %select_n3A_695 = arith.select %lt3A_671, %max3A_694, %select_n3A_666 : vector<32xbf16>
        scf.yield %select_n3A_688, %select_n3A_695 : vector<32xbf16>, vector<32xbf16>
      }
      %while3A_547 = arith.constant 1 : i32
      %while3A_548:2 = scf.for %while3A_573 = %while3A_544 to %while3A_540 step %while3A_547 iter_args(%while3A_574 = %while3A_546#0, %while3A_575 = %while3A_546#1) -> (vector<32xbf16>, vector<32xbf16>)  : i32 {
        %mul3A_576 = arith.constant 4 : i32
        %mul3A_577 = arith.muli %while3A_573, %mul3A_576 : i32
        %get3A_578 = arith.index_cast %mul3A_577 : i32 to index
        %get3A_579 = tpu.vector_load %arg9[%get3A_578] {strides = array<i32>} : memref<144xi32, #tpu.memory_space<vmem>>, vector<16xi32>,
        %mul3A_580 = arith.constant 4 : i32
        %mul3A_581 = arith.muli %while3A_573, %mul3A_580 : i32
        %add3A_582 = arith.constant 0 : i32
        %add3A_583 = arith.addi %mul3A_581, %add3A_582 : i32
        %lt3A_584 = arith.cmpi slt, %add3A_583, %add3A_198 : i32
        %slice3A_585 = vector.extract_strided_slice %get3A_579 {offsets = [0], sizes = [1], strides = [1]} : vector<16xi32> to vector<1xi32>
        %squeeze3A_586 = vector.extract %slice3A_585[0] : i32 from vector<1xi32>
        %jit3A_587 = arith.constant 0 : i32
        %select_n3A_588 = arith.select %lt3A_584, %squeeze3A_586, %jit3A_587 : i32
        %shift_right_arithmetic3A_589 = arith.constant 1 : i32
        %shift_right_arithmetic3A_590 = arith.shrsi %select_n3A_588, %shift_right_arithmetic3A_589 : i32
        %and3A_591 = arith.constant 1 : i32
        %and3A_592 = arith.andi %select_n3A_588, %and3A_591 : i32
        %mul3A_593 = arith.constant 64 : i32
        %mul3A_594 = arith.muli %and3A_592, %mul3A_593 : i32
        %add3A_595 = arith.constant 0 : i32
        %add3A_596 = arith.addi %mul3A_594, %add3A_595 : i32
        %get3A_597 = arith.index_cast %shift_right_arithmetic3A_590 : i32 to index
        %get3A_598 = arith.index_cast %add3A_596 : i32 to index
        %get3A_599 = tpu.vector_load %arg7[%get3A_597, %get3A_598] {strides = array<i32>} : memref<64x128xbf16, #tpu.memory_space<vmem>>, vector<32xbf16>,
        %max3A_600 = arith.maximumf %while3A_574, %get3A_599 : vector<32xbf16>
        %select_n3A_601 = arith.select %lt3A_584, %max3A_600, %while3A_574 : vector<32xbf16>
        %add3A_602 = arith.constant 32 : i32
        %add3A_603 = arith.addi %mul3A_594, %add3A_602 : i32
        %get3A_604 = arith.index_cast %shift_right_arithmetic3A_590 : i32 to index
        %get3A_605 = arith.index_cast %add3A_603 : i32 to index
        %get3A_606 = tpu.vector_load %arg7[%get3A_604, %get3A_605] {strides = array<i32>} : memref<64x128xbf16, #tpu.memory_space<vmem>>, vector<32xbf16>,
        %max3A_607 = arith.maximumf %while3A_575, %get3A_606 : vector<32xbf16>
        %select_n3A_608 = arith.select %lt3A_584, %max3A_607, %while3A_575 : vector<32xbf16>
        %mul3A_609 = arith.constant 4 : i32
        %mul3A_610 = arith.muli %while3A_573, %mul3A_609 : i32
        %add3A_611 = arith.constant 1 : i32
        %add3A_612 = arith.addi %mul3A_610, %add3A_611 : i32
        %lt3A_613 = arith.cmpi slt, %add3A_612, %add3A_198 : i32
        %slice3A_614 = vector.extract_strided_slice %get3A_579 {offsets = [1], sizes = [1], strides = [1]} : vector<16xi32> to vector<1xi32>
        %squeeze3A_615 = vector.extract %slice3A_614[0] : i32 from vector<1xi32>
        %jit3A_616 = arith.constant 0 : i32
        %select_n3A_617 = arith.select %lt3A_613, %squeeze3A_615, %jit3A_616 : i32
        %shift_right_arithmetic3A_618 = arith.constant 1 : i32
        %shift_right_arithmetic3A_619 = arith.shrsi %select_n3A_617, %shift_right_arithmetic3A_618 : i32
        %and3A_620 = arith.constant 1 : i32
        %and3A_621 = arith.andi %select_n3A_617, %and3A_620 : i32
        %mul3A_622 = arith.constant 64 : i32
        %mul3A_623 = arith.muli %and3A_621, %mul3A_622 : i32
        %add3A_624 = arith.constant 0 : i32
        %add3A_625 = arith.addi %mul3A_623, %add3A_624 : i32
        %get3A_626 = arith.index_cast %shift_right_arithmetic3A_619 : i32 to index
        %get3A_627 = arith.index_cast %add3A_625 : i32 to index
        %get3A_628 = tpu.vector_load %arg7[%get3A_626, %get3A_627] {strides = array<i32>} : memref<64x128xbf16, #tpu.memory_space<vmem>>, vector<32xbf16>,
        %max3A_629 = arith.maximumf %select_n3A_601, %get3A_628 : vector<32xbf16>
        %select_n3A_630 = arith.select %lt3A_613, %max3A_629, %select_n3A_601 : vector<32xbf16>
        %add3A_631 = arith.constant 32 : i32
        %add3A_632 = arith.addi %mul3A_623, %add3A_631 : i32
        %get3A_633 = arith.index_cast %shift_right_arithmetic3A_619 : i32 to index
        %get3A_634 = arith.index_cast %add3A_632 : i32 to index
        %get3A_635 = tpu.vector_load %arg7[%get3A_633, %get3A_634] {strides = array<i32>} : memref<64x128xbf16, #tpu.memory_space<vmem>>, vector<32xbf16>,
        %max3A_636 = arith.maximumf %select_n3A_608, %get3A_635 : vector<32xbf16>
        %select_n3A_637 = arith.select %lt3A_613, %max3A_636, %select_n3A_608 : vector<32xbf16>
        %mul3A_638 = arith.constant 4 : i32
        %mul3A_639 = arith.muli %while3A_573, %mul3A_638 : i32
        %add3A_640 = arith.constant 2 : i32
        %add3A_641 = arith.addi %mul3A_639, %add3A_640 : i32
        %lt3A_642 = arith.cmpi slt, %add3A_641, %add3A_198 : i32
        %slice3A_643 = vector.extract_strided_slice %get3A_579 {offsets = [2], sizes = [1], strides = [1]} : vector<16xi32> to vector<1xi32>
        %squeeze3A_644 = vector.extract %slice3A_643[0] : i32 from vector<1xi32>
        %jit3A_645 = arith.constant 0 : i32
        %select_n3A_646 = arith.select %lt3A_642, %squeeze3A_644, %jit3A_645 : i32
        %shift_right_arithmetic3A_647 = arith.constant 1 : i32
        %shift_right_arithmetic3A_648 = arith.shrsi %select_n3A_646, %shift_right_arithmetic3A_647 : i32
        %and3A_649 = arith.constant 1 : i32
        %and3A_650 = arith.andi %select_n3A_646, %and3A_649 : i32
        %mul3A_651 = arith.constant 64 : i32
        %mul3A_652 = arith.muli %and3A_650, %mul3A_651 : i32
        %add3A_653 = arith.constant 0 : i32
        %add3A_654 = arith.addi %mul3A_652, %add3A_653 : i32
        %get3A_655 = arith.index_cast %shift_right_arithmetic3A_648 : i32 to index
        %get3A_656 = arith.index_cast %add3A_654 : i32 to index
        %get3A_657 = tpu.vector_load %arg7[%get3A_655, %get3A_656] {strides = array<i32>} : memref<64x128xbf16, #tpu.memory_space<vmem>>, vector<32xbf16>,
        %max3A_658 = arith.maximumf %select_n3A_630, %get3A_657 : vector<32xbf16>
        %select_n3A_659 = arith.select %lt3A_642, %max3A_658, %select_n3A_630 : vector<32xbf16>
        %add3A_660 = arith.constant 32 : i32
        %add3A_661 = arith.addi %mul3A_652, %add3A_660 : i32
        %get3A_662 = arith.index_cast %shift_right_arithmetic3A_648 : i32 to index
        %get3A_663 = arith.index_cast %add3A_661 : i32 to index
        %get3A_664 = tpu.vector_load %arg7[%get3A_662, %get3A_663] {strides = array<i32>} : memref<64x128xbf16, #tpu.memory_space<vmem>>, vector<32xbf16>,
        %max3A_665 = arith.maximumf %select_n3A_637, %get3A_664 : vector<32xbf16>
        %select_n3A_666 = arith.select %lt3A_642, %max3A_665, %select_n3A_637 : vector<32xbf16>
        %mul3A_667 = arith.constant 4 : i32
        %mul3A_668 = arith.muli %while3A_573, %mul3A_667 : i32
        %add3A_669 = arith.constant 3 : i32
        %add3A_670 = arith.addi %mul3A_668, %add3A_669 : i32
        %lt3A_671 = arith.cmpi slt, %add3A_670, %add3A_198 : i32
        %slice3A_672 = vector.extract_strided_slice %get3A_579 {offsets = [3], sizes = [1], strides = [1]} : vector<16xi32> to vector<1xi32>
        %squeeze3A_673 = vector.extract %slice3A_672[0] : i32 from vector<1xi32>
        %jit3A_674 = arith.constant 0 : i32
        %select_n3A_675 = arith.select %lt3A_671, %squeeze3A_673, %jit3A_674 : i32
        %shift_right_arithmetic3A_676 = arith.constant 1 : i32
        %shift_right_arithmetic3A_677 = arith.shrsi %select_n3A_675, %shift_right_arithmetic3A_676 : i32
        %and3A_678 = arith.constant 1 : i32
        %and3A_679 = arith.andi %select_n3A_675, %and3A_678 : i32
        %mul3A_680 = arith.constant 64 : i32
        %mul3A_681 = arith.muli %and3A_679, %mul3A_680 : i32
        %add3A_682 = arith.constant 0 : i32
        %add3A_683 = arith.addi %mul3A_681, %add3A_682 : i32
        %get3A_684 = arith.index_cast %shift_right_arithmetic3A_677 : i32 to index
        %get3A_685 = arith.index_cast %add3A_683 : i32 to index
        %get3A_686 = tpu.vector_load %arg7[%get3A_684, %get3A_685] {strides = array<i32>} : memref<64x128xbf16, #tpu.memory_space<vmem>>, vector<32xbf16>,
        %max3A_687 = arith.maximumf %select_n3A_659, %get3A_686 : vector<32xbf16>
        %select_n3A_688 = arith.select %lt3A_671, %max3A_687, %select_n3A_659 : vector<32xbf16>
        %add3A_689 = arith.constant 32 : i32
        %add3A_690 = arith.addi %mul3A_681, %add3A_689 : i32
        %get3A_691 = arith.index_cast %shift_right_arithmetic3A_677 : i32 to index
        %get3A_692 = arith.index_cast %add3A_690 : i32 to index
        %get3A_693 = tpu.vector_load %arg7[%get3A_691, %get3A_692] {strides = array<i32>} : memref<64x128xbf16, #tpu.memory_space<vmem>>, vector<32xbf16>,
        %max3A_694 = arith.maximumf %select_n3A_666, %get3A_693 : vector<32xbf16>
        %select_n3A_695 = arith.select %lt3A_671, %max3A_694, %select_n3A_666 : vector<32xbf16>
        scf.yield %select_n3A_688, %select_n3A_695 : vector<32xbf16>, vector<32xbf16>
      }
      %gt3A_549 = arith.constant 0 : i32
      %gt3A_550 = arith.cmpi sgt, %add3A_198, %gt3A_549 : i32
      %add3A_551 = arith.constant 0 : i32
      %add3A_552 = arith.addi %mul3A_81, %add3A_551 : i32
      %get3A_553 = arith.index_cast %shift_right_arithmetic3A_78 : i32 to index
      %get3A_554 = arith.index_cast %add3A_552 : i32 to index
      %get3A_555 = tpu.vector_load %arg7[%get3A_553, %get3A_554] {strides = array<i32>} : memref<64x128xbf16, #tpu.memory_space<vmem>>, vector<32xbf16>,
      %select_n3A_556 = arith.select %gt3A_550, %while3A_548#0, %get3A_555 : vector<32xbf16>
      %add3A_557 = arith.constant 0 : i32
      %add3A_558 = arith.addi %mul3A_81, %add3A_557 : i32
      %swap3A_559 = arith.index_cast %shift_right_arithmetic3A_78 : i32 to index
      %swap3A_560 = arith.index_cast %add3A_558 : i32 to index
      %swap3A_561 = tpu.vector_load %arg8[%swap3A_559, %swap3A_560] {strides = array<i32>} : memref<64x128xbf16, #tpu.memory_space<vmem>>, vector<32xbf16>,
      tpu.vector_store %arg8[%swap3A_559, %swap3A_560], %select_n3A_556 {strides = array<i32>} : memref<64x128xbf16, #tpu.memory_space<vmem>>, vector<32xbf16>,
      %add3A_562 = arith.constant 32 : i32
      %add3A_563 = arith.addi %mul3A_81, %add3A_562 : i32
      %get3A_564 = arith.index_cast %shift_right_arithmetic3A_78 : i32 to index
      %get3A_565 = arith.index_cast %add3A_563 : i32 to index
      %get3A_566 = tpu.vector_load %arg7[%get3A_564, %get3A_565] {strides = array<i32>} : memref<64x128xbf16, #tpu.memory_space<vmem>>, vector<32xbf16>,
      %select_n3A_567 = arith.select %gt3A_550, %while3A_548#1, %get3A_566 : vector<32xbf16>
      %add3A_568 = arith.constant 32 : i32
      %add3A_569 = arith.addi %mul3A_81, %add3A_568 : i32
      %swap3A_570 = arith.index_cast %shift_right_arithmetic3A_78 : i32 to index
      %swap3A_571 = arith.index_cast %add3A_569 : i32 to index
      %swap3A_572 = tpu.vector_load %arg8[%swap3A_570, %swap3A_571] {strides = array<i32>} : memref<64x128xbf16, #tpu.memory_space<vmem>>, vector<32xbf16>,
      tpu.vector_store %arg8[%swap3A_570, %swap3A_571], %select_n3A_567 {strides = array<i32>} : memref<64x128xbf16, #tpu.memory_space<vmem>>, vector<32xbf16>,
    }
    %while3A_66 = arith.constant 1 : i32
    scf.for %while3A_77 = %while3A_64 to %while3A_60 step %while3A_66  : i32 {
      %shift_right_arithmetic3A = arith.constant 1 : i32
      %shift_right_arithmetic3A_78 = arith.shrsi %while3A_77, %shift_right_arithmetic3A : i32
      %and3A = arith.constant 1 : i32
      %and3A_79 = arith.andi %while3A_77, %and3A : i32
      %mul3A_80 = arith.constant 64 : i32
      %mul3A_81 = arith.muli %and3A_79, %mul3A_80 : i32
      %get3A_82 = arith.index_cast %while3A_77 : i32 to index
      %get3A_83 = arith.constant 0 : index
      %get3A_84 = tpu.vector_load %arg6[%get3A_82, %get3A_83] {strides = array<i32>} : memref<128x128xf32, #tpu.memory_space<vmem>>, vector<16xf32>,
      %get3A_85 = arith.index_cast %while3A_77 : i32 to index
      %get3A_86 = arith.constant 16 : index
      %get3A_87 = tpu.vector_load %arg6[%get3A_85, %get3A_86] {strides = array<i32>} : memref<128x128xf32, #tpu.memory_space<vmem>>, vector<16xf32>,
      %get3A_88 = arith.index_cast %while3A_77 : i32 to index
      %get3A_89 = arith.constant 32 : index
      %get3A_90 = tpu.vector_load %arg6[%get3A_88, %get3A_89] {strides = array<i32>} : memref<128x128xf32, #tpu.memory_space<vmem>>, vector<16xf32>,
      %get3A_91 = arith.index_cast %while3A_77 : i32 to index
      %get3A_92 = arith.constant 48 : index
      %get3A_93 = tpu.vector_load %arg6[%get3A_91, %get3A_92] {strides = array<i32>} : memref<128x128xf32, #tpu.memory_space<vmem>>, vector<16xf32>,
      %get3A_94 = arith.index_cast %while3A_77 : i32 to index
      %get3A_95 = arith.constant 64 : index
      %get3A_96 = tpu.vector_load %arg6[%get3A_94, %get3A_95] {strides = array<i32>} : memref<128x128xf32, #tpu.memory_space<vmem>>, vector<16xf32>,
      %get3A_97 = arith.index_cast %while3A_77 : i32 to index
      %get3A_98 = arith.constant 80 : index
      %get3A_99 = tpu.vector_load %arg6[%get3A_97, %get3A_98] {strides = array<i32>} : memref<128x128xf32, #tpu.memory_space<vmem>>, vector<16xf32>,
      %get3A_100 = arith.index_cast %while3A_77 : i32 to index
      %get3A_101 = arith.constant 96 : index
      %get3A_102 = tpu.vector_load %arg6[%get3A_100, %get3A_101] {strides = array<i32>} : memref<128x128xf32, #tpu.memory_space<vmem>>, vector<16xf32>,
      %get3A_103 = arith.index_cast %while3A_77 : i32 to index
      %get3A_104 = arith.constant 112 : index
      %get3A_105 = tpu.vector_load %arg6[%get3A_103, %get3A_104] {strides = array<i32>} : memref<128x128xf32, #tpu.memory_space<vmem>>, vector<16xf32>,
      %ne3A = arith.constant 0.000000e+00 : f32
      %ne3A_106 = vector.broadcast %ne3A : f32 to vector<16xf32>
      %ne3A_107 = arith.cmpf one, %get3A_84, %ne3A_106 : vector<16xf32>
      %lt3A = vector.broadcast %squeeze3A_56 : i32 to vector<16xi32>
      %lt3A_108 = arith.cmpi slt, %add3A_3, %lt3A : vector<16xi32>
      %and3A_109 = arith.andi %ne3A_107, %lt3A_108 : vector<16xi1>
      %ne3A_110 = arith.constant 0.000000e+00 : f32
      %ne3A_111 = vector.broadcast %ne3A_110 : f32 to vector<16xf32>
      %ne3A_112 = arith.cmpf one, %get3A_87, %ne3A_111 : vector<16xf32>
      %lt3A_113 = vector.broadcast %squeeze3A_56 : i32 to vector<16xi32>
      %lt3A_114 = arith.cmpi slt, %add3A_6, %lt3A_113 : vector<16xi32>
      %and3A_115 = arith.andi %ne3A_112, %lt3A_114 : vector<16xi1>
      %ne3A_116 = arith.constant 0.000000e+00 : f32
      %ne3A_117 = vector.broadcast %ne3A_116 : f32 to vector<16xf32>
      %ne3A_118 = arith.cmpf one, %get3A_90, %ne3A_117 : vector<16xf32>
      %lt3A_119 = vector.broadcast %squeeze3A_56 : i32 to vector<16xi32>
      %lt3A_120 = arith.cmpi slt, %add3A_9, %lt3A_119 : vector<16xi32>
      %and3A_121 = arith.andi %ne3A_118, %lt3A_120 : vector<16xi1>
      %ne3A_122 = arith.constant 0.000000e+00 : f32
      %ne3A_123 = vector.broadcast %ne3A_122 : f32 to vector<16xf32>
      %ne3A_124 = arith.cmpf one, %get3A_93, %ne3A_123 : vector<16xf32>
      %lt3A_125 = vector.broadcast %squeeze3A_56 : i32 to vector<16xi32>
      %lt3A_126 = arith.cmpi slt, %add3A_12, %lt3A_125 : vector<16xi32>
      %and3A_127 = arith.andi %ne3A_124, %lt3A_126 : vector<16xi1>
      %ne3A_128 = arith.constant 0.000000e+00 : f32
      %ne3A_129 = vector.broadcast %ne3A_128 : f32 to vector<16xf32>
      %ne3A_130 = arith.cmpf one, %get3A_96, %ne3A_129 : vector<16xf32>
      %lt3A_131 = vector.broadcast %squeeze3A_56 : i32 to vector<16xi32>
      %lt3A_132 = arith.cmpi slt, %add3A_15, %lt3A_131 : vector<16xi32>
      %and3A_133 = arith.andi %ne3A_130, %lt3A_132 : vector<16xi1>
      %ne3A_134 = arith.constant 0.000000e+00 : f32
      %ne3A_135 = vector.broadcast %ne3A_134 : f32 to vector<16xf32>
      %ne3A_136 = arith.cmpf one, %get3A_99, %ne3A_135 : vector<16xf32>
      %lt3A_137 = vector.broadcast %squeeze3A_56 : i32 to vector<16xi32>
      %lt3A_138 = arith.cmpi slt, %add3A_18, %lt3A_137 : vector<16xi32>
      %and3A_139 = arith.andi %ne3A_136, %lt3A_138 : vector<16xi1>
      %ne3A_140 = arith.constant 0.000000e+00 : f32
      %ne3A_141 = vector.broadcast %ne3A_140 : f32 to vector<16xf32>
      %ne3A_142 = arith.cmpf one, %get3A_102, %ne3A_141 : vector<16xf32>
      %lt3A_143 = vector.broadcast %squeeze3A_56 : i32 to vector<16xi32>
      %lt3A_144 = arith.cmpi slt, %add3A_21, %lt3A_143 : vector<16xi32>
      %and3A_145 = arith.andi %ne3A_142, %lt3A_144 : vector<16xi1>
      %ne3A_146 = arith.constant 0.000000e+00 : f32
      %ne3A_147 = vector.broadcast %ne3A_146 : f32 to vector<16xf32>
      %ne3A_148 = arith.cmpf one, %get3A_105, %ne3A_147 : vector<16xf32>
      %lt3A_149 = vector.broadcast %squeeze3A_56 : i32 to vector<16xi32>
      %lt3A_150 = arith.cmpi slt, %add3A_24, %lt3A_149 : vector<16xi32>
      %and3A_151 = arith.andi %ne3A_148, %lt3A_150 : vector<16xi1>
      %all_reduce_population_count3A = tpu.all_reduce %and3A_109 {dim = 0 : i64, kind = #tpu.reduction_kind<sum>} : vector<16xi1> -> vector<16xi32>
      %slice3A_152 = vector.extract_strided_slice %all_reduce_population_count3A {offsets = [0], sizes = [1], strides = [1]} : vector<16xi32> to vector<1xi32>
      %squeeze3A_153 = vector.extract %slice3A_152[0] : i32 from vector<1xi32>
      %all_reduce_population_count3A_154 = tpu.all_reduce %and3A_115 {dim = 0 : i64, kind = #tpu.reduction_kind<sum>} : vector<16xi1> -> vector<16xi32>
      %slice3A_155 = vector.extract_strided_slice %all_reduce_population_count3A_154 {offsets = [0], sizes = [1], strides = [1]} : vector<16xi32> to vector<1xi32>
      %squeeze3A_156 = vector.extract %slice3A_155[0] : i32 from vector<1xi32>
      %all_reduce_population_count3A_157 = tpu.all_reduce %and3A_121 {dim = 0 : i64, kind = #tpu.reduction_kind<sum>} : vector<16xi1> -> vector<16xi32>
      %slice3A_158 = vector.extract_strided_slice %all_reduce_population_count3A_157 {offsets = [0], sizes = [1], strides = [1]} : vector<16xi32> to vector<1xi32>
      %squeeze3A_159 = vector.extract %slice3A_158[0] : i32 from vector<1xi32>
      %all_reduce_population_count3A_160 = tpu.all_reduce %and3A_127 {dim = 0 : i64, kind = #tpu.reduction_kind<sum>} : vector<16xi1> -> vector<16xi32>
      %slice3A_161 = vector.extract_strided_slice %all_reduce_population_count3A_160 {offsets = [0], sizes = [1], strides = [1]} : vector<16xi32> to vector<1xi32>
      %squeeze3A_162 = vector.extract %slice3A_161[0] : i32 from vector<1xi32>
      %all_reduce_population_count3A_163 = tpu.all_reduce %and3A_133 {dim = 0 : i64, kind = #tpu.reduction_kind<sum>} : vector<16xi1> -> vector<16xi32>
      %slice3A_164 = vector.extract_strided_slice %all_reduce_population_count3A_163 {offsets = [0], sizes = [1], strides = [1]} : vector<16xi32> to vector<1xi32>
      %squeeze3A_165 = vector.extract %slice3A_164[0] : i32 from vector<1xi32>
      %all_reduce_population_count3A_166 = tpu.all_reduce %and3A_139 {dim = 0 : i64, kind = #tpu.reduction_kind<sum>} : vector<16xi1> -> vector<16xi32>
      %slice3A_167 = vector.extract_strided_slice %all_reduce_population_count3A_166 {offsets = [0], sizes = [1], strides = [1]} : vector<16xi32> to vector<1xi32>
      %squeeze3A_168 = vector.extract %slice3A_167[0] : i32 from vector<1xi32>
      %all_reduce_population_count3A_169 = tpu.all_reduce %and3A_145 {dim = 0 : i64, kind = #tpu.reduction_kind<sum>} : vector<16xi1> -> vector<16xi32>
      %slice3A_170 = vector.extract_strided_slice %all_reduce_population_count3A_169 {offsets = [0], sizes = [1], strides = [1]} : vector<16xi32> to vector<1xi32>
      %squeeze3A_171 = vector.extract %slice3A_170[0] : i32 from vector<1xi32>
      %all_reduce_population_count3A_172 = tpu.all_reduce %and3A_151 {dim = 0 : i64, kind = #tpu.reduction_kind<sum>} : vector<16xi1> -> vector<16xi32>
      %slice3A_173 = vector.extract_strided_slice %all_reduce_population_count3A_172 {offsets = [0], sizes = [1], strides = [1]} : vector<16xi32> to vector<1xi32>
      %squeeze3A_174 = vector.extract %slice3A_173[0] : i32 from vector<1xi32>
      %swap3A = arith.constant 0 : index
      %swap3A_175 = tpu.vector_load %arg9[%swap3A] masked %and3A_109 {strides = array<i32>} : memref<144xi32, #tpu.memory_space<vmem>>, vector<16xi32>, vector<16xi1>
      tpu.vector_store %arg9[%swap3A], %add3A_3 masked %and3A_109 {strides = array<i32>} : memref<144xi32, #tpu.memory_space<vmem>>, vector<16xi32>, vector<16xi1>
      %add3A_176 = arith.constant 0 : i32
      %add3A_177 = arith.addi %add3A_176, %squeeze3A_153 : i32
      %swap3A_178 = arith.index_cast %add3A_177 : i32 to index
      %swap3A_179 = tpu.vector_load %arg9[%swap3A_178] masked %and3A_115 {strides = array<i32>} : memref<144xi32, #tpu.memory_space<vmem>>, vector<16xi32>, vector<16xi1>
      tpu.vector_store %arg9[%swap3A_178], %add3A_6 masked %and3A_115 {strides = array<i32>} : memref<144xi32, #tpu.memory_space<vmem>>, vector<16xi32>, vector<16xi1>
      %add3A_180 = arith.addi %add3A_177, %squeeze3A_156 : i32
      %swap3A_181 = arith.index_cast %add3A_180 : i32 to index
      %swap3A_182 = tpu.vector_load %arg9[%swap3A_181] masked %and3A_121 {strides = array<i32>} : memref<144xi32, #tpu.memory_space<vmem>>, vector<16xi32>, vector<16xi1>
      tpu.vector_store %arg9[%swap3A_181], %add3A_9 masked %and3A_121 {strides = array<i32>} : memref<144xi32, #tpu.memory_space<vmem>>, vector<16xi32>, vector<16xi1>
      %add3A_183 = arith.addi %add3A_180, %squeeze3A_159 : i32
      %swap3A_184 = arith.index_cast %add3A_183 : i32 to index
      %swap3A_185 = tpu.vector_load %arg9[%swap3A_184] masked %and3A_127 {strides = array<i32>} : memref<144xi32, #tpu.memory_space<vmem>>, vector<16xi32>, vector<16xi1>
      tpu.vector_store %arg9[%swap3A_184], %add3A_12 masked %and3A_127 {strides = array<i32>} : memref<144xi32, #tpu.memory_space<vmem>>, vector<16xi32>, vector<16xi1>
      %add3A_186 = arith.addi %add3A_183, %squeeze3A_162 : i32
      %swap3A_187 = arith.index_cast %add3A_186 : i32 to index
      %swap3A_188 = tpu.vector_load %arg9[%swap3A_187] masked %and3A_133 {strides = array<i32>} : memref<144xi32, #tpu.memory_space<vmem>>, vector<16xi32>, vector<16xi1>
      tpu.vector_store %arg9[%swap3A_187], %add3A_15 masked %and3A_133 {strides = array<i32>} : memref<144xi32, #tpu.memory_space<vmem>>, vector<16xi32>, vector<16xi1>
      %add3A_189 = arith.addi %add3A_186, %squeeze3A_165 : i32
      %swap3A_190 = arith.index_cast %add3A_189 : i32 to index
      %swap3A_191 = tpu.vector_load %arg9[%swap3A_190] masked %and3A_139 {strides = array<i32>} : memref<144xi32, #tpu.memory_space<vmem>>, vector<16xi32>, vector<16xi1>
      tpu.vector_store %arg9[%swap3A_190], %add3A_18 masked %and3A_139 {strides = array<i32>} : memref<144xi32, #tpu.memory_space<vmem>>, vector<16xi32>, vector<16xi1>
      %add3A_192 = arith.addi %add3A_189, %squeeze3A_168 : i32
      %swap3A_193 = arith.index_cast %add3A_192 : i32 to index
      %swap3A_194 = tpu.vector_load %arg9[%swap3A_193] masked %and3A_145 {strides = array<i32>} : memref<144xi32, #tpu.memory_space<vmem>>, vector<16xi32>, vector<16xi1>
      tpu.vector_store %arg9[%swap3A_193], %add3A_21 masked %and3A_145 {strides = array<i32>} : memref<144xi32, #tpu.memory_space<vmem>>, vector<16xi32>, vector<16xi1>
      %add3A_195 = arith.addi %add3A_192, %squeeze3A_171 : i32
      %swap3A_196 = arith.index_cast %add3A_195 : i32 to index
      %swap3A_197 = tpu.vector_load %arg9[%swap3A_196] masked %and3A_151 {strides = array<i32>} : memref<144xi32, #tpu.memory_space<vmem>>, vector<16xi32>, vector<16xi1>
      tpu.vector_store %arg9[%swap3A_196], %add3A_24 masked %and3A_151 {strides = array<i32>} : memref<144xi32, #tpu.memory_space<vmem>>, vector<16xi32>, vector<16xi1>
      %add3A_198 = arith.addi %add3A_195, %squeeze3A_174 : i32
      %broadcast_in_dim3A = arith.constant -1.000260e+30 : bf16
      %broadcast_in_dim3A_199 = vector.broadcast %broadcast_in_dim3A : bf16 to vector<32xbf16>
      %broadcast_in_dim3A_200 = arith.constant -1.000260e+30 : bf16
      %broadcast_in_dim3A_201 = vector.broadcast %broadcast_in_dim3A_200 : bf16 to vector<32xbf16>
      %get3A_202 = arith.constant 0 : index
      %get3A_203 = tpu.vector_load %arg9[%get3A_202] {strides = array<i32>} : memref<144xi32, #tpu.memory_space<vmem>>, vector<16xi32>,
      %gt3A = arith.constant 0 : i32
      %gt3A_204 = arith.cmpi sgt, %add3A_198, %gt3A : i32
      %slice3A_205 = vector.extract_strided_slice %get3A_203 {offsets = [0], sizes = [1], strides = [1]} : vector<16xi32> to vector<1xi32>
      %squeeze3A_206 = vector.extract %slice3A_205[0] : i32 from vector<1xi32>
      %jit3A = arith.constant 0 : i32
      %select_n3A = arith.select %gt3A_204, %squeeze3A_206, %jit3A : i32
      %shift_right_arithmetic3A_207 = arith.constant 1 : i32
      %shift_right_arithmetic3A_208 = arith.shrsi %select_n3A, %shift_right_arithmetic3A_207 : i32
      %and3A_209 = arith.constant 1 : i32
      %and3A_210 = arith.andi %select_n3A, %and3A_209 : i32
      %mul3A_211 = arith.constant 64 : i32
      %mul3A_212 = arith.muli %and3A_210, %mul3A_211 : i32
      %add3A_213 = arith.constant 0 : i32
      %add3A_214 = arith.addi %mul3A_212, %add3A_213 : i32
      %get3A_215 = arith.index_cast %shift_right_arithmetic3A_208 : i32 to index
      %get3A_216 = arith.index_cast %add3A_214 : i32 to index
      %get3A_217 = tpu.vector_load %arg7[%get3A_215, %get3A_216] {strides = array<i32>} : memref<64x128xbf16, #tpu.memory_space<vmem>>, vector<32xbf16>,
      %max3A = arith.maximumf %broadcast_in_dim3A_199, %get3A_217 : vector<32xbf16>
      %select_n3A_218 = arith.select %gt3A_204, %max3A, %broadcast_in_dim3A_199 : vector<32xbf16>
      %add3A_219 = arith.constant 32 : i32
      %add3A_220 = arith.addi %mul3A_212, %add3A_219 : i32
      %get3A_221 = arith.index_cast %shift_right_arithmetic3A_208 : i32 to index
      %get3A_222 = arith.index_cast %add3A_220 : i32 to index
      %get3A_223 = tpu.vector_load %arg7[%get3A_221, %get3A_222] {strides = array<i32>} : memref<64x128xbf16, #tpu.memory_space<vmem>>, vector<32xbf16>,
      %max3A_224 = arith.maximumf %broadcast_in_dim3A_201, %get3A_223 : vector<32xbf16>
      %select_n3A_225 = arith.select %gt3A_204, %max3A_224, %broadcast_in_dim3A_201 : vector<32xbf16>
      %gt3A_226 = arith.constant 1 : i32
      %gt3A_227 = arith.cmpi sgt, %add3A_198, %gt3A_226 : i32
      %slice3A_228 = vector.extract_strided_slice %get3A_203 {offsets = [1], sizes = [1], strides = [1]} : vector<16xi32> to vector<1xi32>
      %squeeze3A_229 = vector.extract %slice3A_228[0] : i32 from vector<1xi32>
      %jit3A_230 = arith.constant 0 : i32
      %select_n3A_231 = arith.select %gt3A_227, %squeeze3A_229, %jit3A_230 : i32
      %shift_right_arithmetic3A_232 = arith.constant 1 : i32
      %shift_right_arithmetic3A_233 = arith.shrsi %select_n3A_231, %shift_right_arithmetic3A_232 : i32
      %and3A_234 = arith.constant 1 : i32
      %and3A_235 = arith.andi %select_n3A_231, %and3A_234 : i32
      %mul3A_236 = arith.constant 64 : i32
      %mul3A_237 = arith.muli %and3A_235, %mul3A_236 : i32
      %add3A_238 = arith.constant 0 : i32
      %add3A_239 = arith.addi %mul3A_237, %add3A_238 : i32
      %get3A_240 = arith.index_cast %shift_right_arithmetic3A_233 : i32 to index
      %get3A_241 = arith.index_cast %add3A_239 : i32 to index
      %get3A_242 = tpu.vector_load %arg7[%get3A_240, %get3A_241] {strides = array<i32>} : memref<64x128xbf16, #tpu.memory_space<vmem>>, vector<32xbf16>,
      %max3A_243 = arith.maximumf %select_n3A_218, %get3A_242 : vector<32xbf16>
      %select_n3A_244 = arith.select %gt3A_227, %max3A_243, %select_n3A_218 : vector<32xbf16>
      %add3A_245 = arith.constant 32 : i32
      %add3A_246 = arith.addi %mul3A_237, %add3A_245 : i32
      %get3A_247 = arith.index_cast %shift_right_arithmetic3A_233 : i32 to index
      %get3A_248 = arith.index_cast %add3A_246 : i32 to index
      %get3A_249 = tpu.vector_load %arg7[%get3A_247, %get3A_248] {strides = array<i32>} : memref<64x128xbf16, #tpu.memory_space<vmem>>, vector<32xbf16>,
      %max3A_250 = arith.maximumf %select_n3A_225, %get3A_249 : vector<32xbf16>
      %select_n3A_251 = arith.select %gt3A_227, %max3A_250, %select_n3A_225 : vector<32xbf16>
      %gt3A_252 = arith.constant 2 : i32
      %gt3A_253 = arith.cmpi sgt, %add3A_198, %gt3A_252 : i32
      %slice3A_254 = vector.extract_strided_slice %get3A_203 {offsets = [2], sizes = [1], strides = [1]} : vector<16xi32> to vector<1xi32>
      %squeeze3A_255 = vector.extract %slice3A_254[0] : i32 from vector<1xi32>
      %jit3A_256 = arith.constant 0 : i32
      %select_n3A_257 = arith.select %gt3A_253, %squeeze3A_255, %jit3A_256 : i32
      %shift_right_arithmetic3A_258 = arith.constant 1 : i32
      %shift_right_arithmetic3A_259 = arith.shrsi %select_n3A_257, %shift_right_arithmetic3A_258 : i32
      %and3A_260 = arith.constant 1 : i32
      %and3A_261 = arith.andi %select_n3A_257, %and3A_260 : i32
      %mul3A_262 = arith.constant 64 : i32
      %mul3A_263 = arith.muli %and3A_261, %mul3A_262 : i32
      %add3A_264 = arith.constant 0 : i32
      %add3A_265 = arith.addi %mul3A_263, %add3A_264 : i32
      %get3A_266 = arith.index_cast %shift_right_arithmetic3A_259 : i32 to index
      %get3A_267 = arith.index_cast %add3A_265 : i32 to index
      %get3A_268 = tpu.vector_load %arg7[%get3A_266, %get3A_267] {strides = array<i32>} : memref<64x128xbf16, #tpu.memory_space<vmem>>, vector<32xbf16>,
      %max3A_269 = arith.maximumf %select_n3A_244, %get3A_268 : vector<32xbf16>
      %select_n3A_270 = arith.select %gt3A_253, %max3A_269, %select_n3A_244 : vector<32xbf16>
      %add3A_271 = arith.constant 32 : i32
      %add3A_272 = arith.addi %mul3A_263, %add3A_271 : i32
      %get3A_273 = arith.index_cast %shift_right_arithmetic3A_259 : i32 to index
      %get3A_274 = arith.index_cast %add3A_272 : i32 to index
      %get3A_275 = tpu.vector_load %arg7[%get3A_273, %get3A_274] {strides = array<i32>} : memref<64x128xbf16, #tpu.memory_space<vmem>>, vector<32xbf16>,
      %max3A_276 = arith.maximumf %select_n3A_251, %get3A_275 : vector<32xbf16>
      %select_n3A_277 = arith.select %gt3A_253, %max3A_276, %select_n3A_251 : vector<32xbf16>
      %gt3A_278 = arith.constant 3 : i32
      %gt3A_279 = arith.cmpi sgt, %add3A_198, %gt3A_278 : i32
      %slice3A_280 = vector.extract_strided_slice %get3A_203 {offsets = [3], sizes = [1], strides = [1]} : vector<16xi32> to vector<1xi32>
      %squeeze3A_281 = vector.extract %slice3A_280[0] : i32 from vector<1xi32>
      %jit3A_282 = arith.constant 0 : i32
      %select_n3A_283 = arith.select %gt3A_279, %squeeze3A_281, %jit3A_282 : i32
      %shift_right_arithmetic3A_284 = arith.constant 1 : i32
      %shift_right_arithmetic3A_285 = arith.shrsi %select_n3A_283, %shift_right_arithmetic3A_284 : i32
      %and3A_286 = arith.constant 1 : i32
      %and3A_287 = arith.andi %select_n3A_283, %and3A_286 : i32
      %mul3A_288 = arith.constant 64 : i32
      %mul3A_289 = arith.muli %and3A_287, %mul3A_288 : i32
      %add3A_290 = arith.constant 0 : i32
      %add3A_291 = arith.addi %mul3A_289, %add3A_290 : i32
      %get3A_292 = arith.index_cast %shift_right_arithmetic3A_285 : i32 to index
      %get3A_293 = arith.index_cast %add3A_291 : i32 to index
      %get3A_294 = tpu.vector_load %arg7[%get3A_292, %get3A_293] {strides = array<i32>} : memref<64x128xbf16, #tpu.memory_space<vmem>>, vector<32xbf16>,
      %max3A_295 = arith.maximumf %select_n3A_270, %get3A_294 : vector<32xbf16>
      %select_n3A_296 = arith.select %gt3A_279, %max3A_295, %select_n3A_270 : vector<32xbf16>
      %add3A_297 = arith.constant 32 : i32
      %add3A_298 = arith.addi %mul3A_289, %add3A_297 : i32
      %get3A_299 = arith.index_cast %shift_right_arithmetic3A_285 : i32 to index
      %get3A_300 = arith.index_cast %add3A_298 : i32 to index
      %get3A_301 = tpu.vector_load %arg7[%get3A_299, %get3A_300] {strides = array<i32>} : memref<64x128xbf16, #tpu.memory_space<vmem>>, vector<32xbf16>,
      %max3A_302 = arith.maximumf %select_n3A_277, %get3A_301 : vector<32xbf16>
      %select_n3A_303 = arith.select %gt3A_279, %max3A_302, %select_n3A_277 : vector<32xbf16>
      %get3A_304 = arith.constant 4 : index
      %get3A_305 = tpu.vector_load %arg9[%get3A_304] {strides = array<i32>} : memref<144xi32, #tpu.memory_space<vmem>>, vector<16xi32>,
      %gt3A_306 = arith.constant 4 : i32
      %gt3A_307 = arith.cmpi sgt, %add3A_198, %gt3A_306 : i32
      %slice3A_308 = vector.extract_strided_slice %get3A_305 {offsets = [0], sizes = [1], strides = [1]} : vector<16xi32> to vector<1xi32>
      %squeeze3A_309 = vector.extract %slice3A_308[0] : i32 from vector<1xi32>
      %jit3A_310 = arith.constant 0 : i32
      %select_n3A_311 = arith.select %gt3A_307, %squeeze3A_309, %jit3A_310 : i32
      %shift_right_arithmetic3A_312 = arith.constant 1 : i32
      %shift_right_arithmetic3A_313 = arith.shrsi %select_n3A_311, %shift_right_arithmetic3A_312 : i32
      %and3A_314 = arith.constant 1 : i32
      %and3A_315 = arith.andi %select_n3A_311, %and3A_314 : i32
      %mul3A_316 = arith.constant 64 : i32
      %mul3A_317 = arith.muli %and3A_315, %mul3A_316 : i32
      %add3A_318 = arith.constant 0 : i32
      %add3A_319 = arith.addi %mul3A_317, %add3A_318 : i32
      %get3A_320 = arith.index_cast %shift_right_arithmetic3A_313 : i32 to index
      %get3A_321 = arith.index_cast %add3A_319 : i32 to index
      %get3A_322 = tpu.vector_load %arg7[%get3A_320, %get3A_321] {strides = array<i32>} : memref<64x128xbf16, #tpu.memory_space<vmem>>, vector<32xbf16>,
      %max3A_323 = arith.maximumf %select_n3A_296, %get3A_322 : vector<32xbf16>
      %select_n3A_324 = arith.select %gt3A_307, %max3A_323, %select_n3A_296 : vector<32xbf16>
      %add3A_325 = arith.constant 32 : i32
      %add3A_326 = arith.addi %mul3A_317, %add3A_325 : i32
      %get3A_327 = arith.index_cast %shift_right_arithmetic3A_313 : i32 to index
      %get3A_328 = arith.index_cast %add3A_326 : i32 to index
      %get3A_329 = tpu.vector_load %arg7[%get3A_327, %get3A_328] {strides = array<i32>} : memref<64x128xbf16, #tpu.memory_space<vmem>>, vector<32xbf16>,
      %max3A_330 = arith.maximumf %select_n3A_303, %get3A_329 : vector<32xbf16>
      %select_n3A_331 = arith.select %gt3A_307, %max3A_330, %select_n3A_303 : vector<32xbf16>
      %gt3A_332 = arith.constant 5 : i32
      %gt3A_333 = arith.cmpi sgt, %add3A_198, %gt3A_332 : i32
      %slice3A_334 = vector.extract_strided_slice %get3A_305 {offsets = [1], sizes = [1], strides = [1]} : vector<16xi32> to vector<1xi32>
      %squeeze3A_335 = vector.extract %slice3A_334[0] : i32 from vector<1xi32>
      %jit3A_336 = arith.constant 0 : i32
      %select_n3A_337 = arith.select %gt3A_333, %squeeze3A_335, %jit3A_336 : i32
      %shift_right_arithmetic3A_338 = arith.constant 1 : i32
      %shift_right_arithmetic3A_339 = arith.shrsi %select_n3A_337, %shift_right_arithmetic3A_338 : i32
      %and3A_340 = arith.constant 1 : i32
      %and3A_341 = arith.andi %select_n3A_337, %and3A_340 : i32
      %mul3A_342 = arith.constant 64 : i32
      %mul3A_343 = arith.muli %and3A_341, %mul3A_342 : i32
      %add3A_344 = arith.constant 0 : i32
      %add3A_345 = arith.addi %mul3A_343, %add3A_344 : i32
      %get3A_346 = arith.index_cast %shift_right_arithmetic3A_339 : i32 to index
      %get3A_347 = arith.index_cast %add3A_345 : i32 to index
      %get3A_348 = tpu.vector_load %arg7[%get3A_346, %get3A_347] {strides = array<i32>} : memref<64x128xbf16, #tpu.memory_space<vmem>>, vector<32xbf16>,
      %max3A_349 = arith.maximumf %select_n3A_324, %get3A_348 : vector<32xbf16>
      %select_n3A_350 = arith.select %gt3A_333, %max3A_349, %select_n3A_324 : vector<32xbf16>
      %add3A_351 = arith.constant 32 : i32
      %add3A_352 = arith.addi %mul3A_343, %add3A_351 : i32
      %get3A_353 = arith.index_cast %shift_right_arithmetic3A_339 : i32 to index
      %get3A_354 = arith.index_cast %add3A_352 : i32 to index
      %get3A_355 = tpu.vector_load %arg7[%get3A_353, %get3A_354] {strides = array<i32>} : memref<64x128xbf16, #tpu.memory_space<vmem>>, vector<32xbf16>,
      %max3A_356 = arith.maximumf %select_n3A_331, %get3A_355 : vector<32xbf16>
      %select_n3A_357 = arith.select %gt3A_333, %max3A_356, %select_n3A_331 : vector<32xbf16>
      %gt3A_358 = arith.constant 6 : i32
      %gt3A_359 = arith.cmpi sgt, %add3A_198, %gt3A_358 : i32
      %slice3A_360 = vector.extract_strided_slice %get3A_305 {offsets = [2], sizes = [1], strides = [1]} : vector<16xi32> to vector<1xi32>
      %squeeze3A_361 = vector.extract %slice3A_360[0] : i32 from vector<1xi32>
      %jit3A_362 = arith.constant 0 : i32
      %select_n3A_363 = arith.select %gt3A_359, %squeeze3A_361, %jit3A_362 : i32
      %shift_right_arithmetic3A_364 = arith.constant 1 : i32
      %shift_right_arithmetic3A_365 = arith.shrsi %select_n3A_363, %shift_right_arithmetic3A_364 : i32
      %and3A_366 = arith.constant 1 : i32
      %and3A_367 = arith.andi %select_n3A_363, %and3A_366 : i32
      %mul3A_368 = arith.constant 64 : i32
      %mul3A_369 = arith.muli %and3A_367, %mul3A_368 : i32
      %add3A_370 = arith.constant 0 : i32
      %add3A_371 = arith.addi %mul3A_369, %add3A_370 : i32
      %get3A_372 = arith.index_cast %shift_right_arithmetic3A_365 : i32 to index
      %get3A_373 = arith.index_cast %add3A_371 : i32 to index
      %get3A_374 = tpu.vector_load %arg7[%get3A_372, %get3A_373] {strides = array<i32>} : memref<64x128xbf16, #tpu.memory_space<vmem>>, vector<32xbf16>,
      %max3A_375 = arith.maximumf %select_n3A_350, %get3A_374 : vector<32xbf16>
      %select_n3A_376 = arith.select %gt3A_359, %max3A_375, %select_n3A_350 : vector<32xbf16>
      %add3A_377 = arith.constant 32 : i32
      %add3A_378 = arith.addi %mul3A_369, %add3A_377 : i32
      %get3A_379 = arith.index_cast %shift_right_arithmetic3A_365 : i32 to index
      %get3A_380 = arith.index_cast %add3A_378 : i32 to index
      %get3A_381 = tpu.vector_load %arg7[%get3A_379, %get3A_380] {strides = array<i32>} : memref<64x128xbf16, #tpu.memory_space<vmem>>, vector<32xbf16>,
      %max3A_382 = arith.maximumf %select_n3A_357, %get3A_381 : vector<32xbf16>
      %select_n3A_383 = arith.select %gt3A_359, %max3A_382, %select_n3A_357 : vector<32xbf16>
      %gt3A_384 = arith.constant 7 : i32
      %gt3A_385 = arith.cmpi sgt, %add3A_198, %gt3A_384 : i32
      %slice3A_386 = vector.extract_strided_slice %get3A_305 {offsets = [3], sizes = [1], strides = [1]} : vector<16xi32> to vector<1xi32>
      %squeeze3A_387 = vector.extract %slice3A_386[0] : i32 from vector<1xi32>
      %jit3A_388 = arith.constant 0 : i32
      %select_n3A_389 = arith.select %gt3A_385, %squeeze3A_387, %jit3A_388 : i32
      %shift_right_arithmetic3A_390 = arith.constant 1 : i32
      %shift_right_arithmetic3A_391 = arith.shrsi %select_n3A_389, %shift_right_arithmetic3A_390 : i32
      %and3A_392 = arith.constant 1 : i32
      %and3A_393 = arith.andi %select_n3A_389, %and3A_392 : i32
      %mul3A_394 = arith.constant 64 : i32
      %mul3A_395 = arith.muli %and3A_393, %mul3A_394 : i32
      %add3A_396 = arith.constant 0 : i32
      %add3A_397 = arith.addi %mul3A_395, %add3A_396 : i32
      %get3A_398 = arith.index_cast %shift_right_arithmetic3A_391 : i32 to index
      %get3A_399 = arith.index_cast %add3A_397 : i32 to index
      %get3A_400 = tpu.vector_load %arg7[%get3A_398, %get3A_399] {strides = array<i32>} : memref<64x128xbf16, #tpu.memory_space<vmem>>, vector<32xbf16>,
      %max3A_401 = arith.maximumf %select_n3A_376, %get3A_400 : vector<32xbf16>
      %select_n3A_402 = arith.select %gt3A_385, %max3A_401, %select_n3A_376 : vector<32xbf16>
      %add3A_403 = arith.constant 32 : i32
      %add3A_404 = arith.addi %mul3A_395, %add3A_403 : i32
      %get3A_405 = arith.index_cast %shift_right_arithmetic3A_391 : i32 to index
      %get3A_406 = arith.index_cast %add3A_404 : i32 to index
      %get3A_407 = tpu.vector_load %arg7[%get3A_405, %get3A_406] {strides = array<i32>} : memref<64x128xbf16, #tpu.memory_space<vmem>>, vector<32xbf16>,
      %max3A_408 = arith.maximumf %select_n3A_383, %get3A_407 : vector<32xbf16>
      %select_n3A_409 = arith.select %gt3A_385, %max3A_408, %select_n3A_383 : vector<32xbf16>
      %get3A_410 = arith.constant 8 : index
      %get3A_411 = tpu.vector_load %arg9[%get3A_410] {strides = array<i32>} : memref<144xi32, #tpu.memory_space<vmem>>, vector<16xi32>,
      %gt3A_412 = arith.constant 8 : i32
      %gt3A_413 = arith.cmpi sgt, %add3A_198, %gt3A_412 : i32
      %slice3A_414 = vector.extract_strided_slice %get3A_411 {offsets = [0], sizes = [1], strides = [1]} : vector<16xi32> to vector<1xi32>
      %squeeze3A_415 = vector.extract %slice3A_414[0] : i32 from vector<1xi32>
      %jit3A_416 = arith.constant 0 : i32
      %select_n3A_417 = arith.select %gt3A_413, %squeeze3A_415, %jit3A_416 : i32
      %shift_right_arithmetic3A_418 = arith.constant 1 : i32
      %shift_right_arithmetic3A_419 = arith.shrsi %select_n3A_417, %shift_right_arithmetic3A_418 : i32
      %and3A_420 = arith.constant 1 : i32
      %and3A_421 = arith.andi %select_n3A_417, %and3A_420 : i32
      %mul3A_422 = arith.constant 64 : i32
      %mul3A_423 = arith.muli %and3A_421, %mul3A_422 : i32
      %add3A_424 = arith.constant 0 : i32
      %add3A_425 = arith.addi %mul3A_423, %add3A_424 : i32
      %get3A_426 = arith.index_cast %shift_right_arithmetic3A_419 : i32 to index
      %get3A_427 = arith.index_cast %add3A_425 : i32 to index
      %get3A_428 = tpu.vector_load %arg7[%get3A_426, %get3A_427] {strides = array<i32>} : memref<64x128xbf16, #tpu.memory_space<vmem>>, vector<32xbf16>,
      %max3A_429 = arith.maximumf %select_n3A_402, %get3A_428 : vector<32xbf16>
      %select_n3A_430 = arith.select %gt3A_413, %max3A_429, %select_n3A_402 : vector<32xbf16>
      %add3A_431 = arith.constant 32 : i32
      %add3A_432 = arith.addi %mul3A_423, %add3A_431 : i32
      %get3A_433 = arith.index_cast %shift_right_arithmetic3A_419 : i32 to index
      %get3A_434 = arith.index_cast %add3A_432 : i32 to index
      %get3A_435 = tpu.vector_load %arg7[%get3A_433, %get3A_434] {strides = array<i32>} : memref<64x128xbf16, #tpu.memory_space<vmem>>, vector<32xbf16>,
      %max3A_436 = arith.maximumf %select_n3A_409, %get3A_435 : vector<32xbf16>
      %select_n3A_437 = arith.select %gt3A_413, %max3A_436, %select_n3A_409 : vector<32xbf16>
      %gt3A_438 = arith.constant 9 : i32
      %gt3A_439 = arith.cmpi sgt, %add3A_198, %gt3A_438 : i32
      %slice3A_440 = vector.extract_strided_slice %get3A_411 {offsets = [1], sizes = [1], strides = [1]} : vector<16xi32> to vector<1xi32>
      %squeeze3A_441 = vector.extract %slice3A_440[0] : i32 from vector<1xi32>
      %jit3A_442 = arith.constant 0 : i32
      %select_n3A_443 = arith.select %gt3A_439, %squeeze3A_441, %jit3A_442 : i32
      %shift_right_arithmetic3A_444 = arith.constant 1 : i32
      %shift_right_arithmetic3A_445 = arith.shrsi %select_n3A_443, %shift_right_arithmetic3A_444 : i32
      %and3A_446 = arith.constant 1 : i32
      %and3A_447 = arith.andi %select_n3A_443, %and3A_446 : i32
      %mul3A_448 = arith.constant 64 : i32
      %mul3A_449 = arith.muli %and3A_447, %mul3A_448 : i32
      %add3A_450 = arith.constant 0 : i32
      %add3A_451 = arith.addi %mul3A_449, %add3A_450 : i32
      %get3A_452 = arith.index_cast %shift_right_arithmetic3A_445 : i32 to index
      %get3A_453 = arith.index_cast %add3A_451 : i32 to index
      %get3A_454 = tpu.vector_load %arg7[%get3A_452, %get3A_453] {strides = array<i32>} : memref<64x128xbf16, #tpu.memory_space<vmem>>, vector<32xbf16>,
      %max3A_455 = arith.maximumf %select_n3A_430, %get3A_454 : vector<32xbf16>
      %select_n3A_456 = arith.select %gt3A_439, %max3A_455, %select_n3A_430 : vector<32xbf16>
      %add3A_457 = arith.constant 32 : i32
      %add3A_458 = arith.addi %mul3A_449, %add3A_457 : i32
      %get3A_459 = arith.index_cast %shift_right_arithmetic3A_445 : i32 to index
      %get3A_460 = arith.index_cast %add3A_458 : i32 to index
      %get3A_461 = tpu.vector_load %arg7[%get3A_459, %get3A_460] {strides = array<i32>} : memref<64x128xbf16, #tpu.memory_space<vmem>>, vector<32xbf16>,
      %max3A_462 = arith.maximumf %select_n3A_437, %get3A_461 : vector<32xbf16>
      %select_n3A_463 = arith.select %gt3A_439, %max3A_462, %select_n3A_437 : vector<32xbf16>
      %gt3A_464 = arith.constant 10 : i32
      %gt3A_465 = arith.cmpi sgt, %add3A_198, %gt3A_464 : i32
      %slice3A_466 = vector.extract_strided_slice %get3A_411 {offsets = [2], sizes = [1], strides = [1]} : vector<16xi32> to vector<1xi32>
      %squeeze3A_467 = vector.extract %slice3A_466[0] : i32 from vector<1xi32>
      %jit3A_468 = arith.constant 0 : i32
      %select_n3A_469 = arith.select %gt3A_465, %squeeze3A_467, %jit3A_468 : i32
      %shift_right_arithmetic3A_470 = arith.constant 1 : i32
      %shift_right_arithmetic3A_471 = arith.shrsi %select_n3A_469, %shift_right_arithmetic3A_470 : i32
      %and3A_472 = arith.constant 1 : i32
      %and3A_473 = arith.andi %select_n3A_469, %and3A_472 : i32
      %mul3A_474 = arith.constant 64 : i32
      %mul3A_475 = arith.muli %and3A_473, %mul3A_474 : i32
      %add3A_476 = arith.constant 0 : i32
      %add3A_477 = arith.addi %mul3A_475, %add3A_476 : i32
      %get3A_478 = arith.index_cast %shift_right_arithmetic3A_471 : i32 to index
      %get3A_479 = arith.index_cast %add3A_477 : i32 to index
      %get3A_480 = tpu.vector_load %arg7[%get3A_478, %get3A_479] {strides = array<i32>} : memref<64x128xbf16, #tpu.memory_space<vmem>>, vector<32xbf16>,
      %max3A_481 = arith.maximumf %select_n3A_456, %get3A_480 : vector<32xbf16>
      %select_n3A_482 = arith.select %gt3A_465, %max3A_481, %select_n3A_456 : vector<32xbf16>
      %add3A_483 = arith.constant 32 : i32
      %add3A_484 = arith.addi %mul3A_475, %add3A_483 : i32
      %get3A_485 = arith.index_cast %shift_right_arithmetic3A_471 : i32 to index
      %get3A_486 = arith.index_cast %add3A_484 : i32 to index
      %get3A_487 = tpu.vector_load %arg7[%get3A_485, %get3A_486] {strides = array<i32>} : memref<64x128xbf16, #tpu.memory_space<vmem>>, vector<32xbf16>,
      %max3A_488 = arith.maximumf %select_n3A_463, %get3A_487 : vector<32xbf16>
      %select_n3A_489 = arith.select %gt3A_465, %max3A_488, %select_n3A_463 : vector<32xbf16>
      %gt3A_490 = arith.constant 11 : i32
      %gt3A_491 = arith.cmpi sgt, %add3A_198, %gt3A_490 : i32
      %slice3A_492 = vector.extract_strided_slice %get3A_411 {offsets = [3], sizes = [1], strides = [1]} : vector<16xi32> to vector<1xi32>
      %squeeze3A_493 = vector.extract %slice3A_492[0] : i32 from vector<1xi32>
      %jit3A_494 = arith.constant 0 : i32
      %select_n3A_495 = arith.select %gt3A_491, %squeeze3A_493, %jit3A_494 : i32
      %shift_right_arithmetic3A_496 = arith.constant 1 : i32
      %shift_right_arithmetic3A_497 = arith.shrsi %select_n3A_495, %shift_right_arithmetic3A_496 : i32
      %and3A_498 = arith.constant 1 : i32
      %and3A_499 = arith.andi %select_n3A_495, %and3A_498 : i32
      %mul3A_500 = arith.constant 64 : i32
      %mul3A_501 = arith.muli %and3A_499, %mul3A_500 : i32
      %add3A_502 = arith.constant 0 : i32
      %add3A_503 = arith.addi %mul3A_501, %add3A_502 : i32
      %get3A_504 = arith.index_cast %shift_right_arithmetic3A_497 : i32 to index
      %get3A_505 = arith.index_cast %add3A_503 : i32 to index
      %get3A_506 = tpu.vector_load %arg7[%get3A_504, %get3A_505] {strides = array<i32>} : memref<64x128xbf16, #tpu.memory_space<vmem>>, vector<32xbf16>,
      %max3A_507 = arith.maximumf %select_n3A_482, %get3A_506 : vector<32xbf16>
      %select_n3A_508 = arith.select %gt3A_491, %max3A_507, %select_n3A_482 : vector<32xbf16>
      %add3A_509 = arith.constant 32 : i32
      %add3A_510 = arith.addi %mul3A_501, %add3A_509 : i32
      %get3A_511 = arith.index_cast %shift_right_arithmetic3A_497 : i32 to index
      %get3A_512 = arith.index_cast %add3A_510 : i32 to index
      %get3A_513 = tpu.vector_load %arg7[%get3A_511, %get3A_512] {strides = array<i32>} : memref<64x128xbf16, #tpu.memory_space<vmem>>, vector<32xbf16>,
      %max3A_514 = arith.maximumf %select_n3A_489, %get3A_513 : vector<32xbf16>
      %select_n3A_515 = arith.select %gt3A_491, %max3A_514, %select_n3A_489 : vector<32xbf16>
      %add3A_516 = arith.constant 3 : i32
      %add3A_517 = arith.addi %add3A_198, %add3A_516 : i32
      %jit3A_518 = arith.constant 4 : i32
      %div3A = arith.divsi %add3A_517, %jit3A_518 : i32
      %sign3A = arith.constant 0 : i32
      %sign3A_519 = arith.cmpi sgt, %add3A_517, %sign3A : i32
      %sign3A_520 = arith.extui %sign3A_519 : i1 to i32
      %sign3A_521 = arith.constant 0 : i32
      %sign3A_522 = arith.cmpi slt, %add3A_517, %sign3A_521 : i32
      %sign3A_523 = arith.extui %sign3A_522 : i1 to i32
      %sign3A_524 = arith.subi %sign3A_520, %sign3A_523 : i32
      %sign3A_525 = arith.constant 0 : i32
      %sign3A_526 = arith.cmpi sgt, %jit3A_518, %sign3A_525 : i32
      %sign3A_527 = arith.extui %sign3A_526 : i1 to i32
      %sign3A_528 = arith.constant 0 : i32
      %sign3A_529 = arith.cmpi slt, %jit3A_518, %sign3A_528 : i32
      %sign3A_530 = arith.extui %sign3A_529 : i1 to i32
      %sign3A_531 = arith.subi %sign3A_527, %sign3A_530 : i32
      %ne3A_532 = arith.cmpi ne, %sign3A_524, %sign3A_531 : i32
      %rem3A = arith.remsi %add3A_517, %jit3A_518 : i32
      %ne3A_533 = arith.constant 0 : i32
      %ne3A_534 = arith.cmpi ne, %rem3A, %ne3A_533 : i32
      %and3A_535 = arith.andi %ne3A_532, %ne3A_534 : i1
      %sub3A = arith.constant 1 : i32
      %sub3A_536 = arith.subi %div3A, %sub3A : i32
      %select_n3A_537 = arith.select %and3A_535, %sub3A_536, %div3A : i32
      %while3A_538 = arith.constant 3 : i32
      %while3A_539 = arith.subi %select_n3A_537, %while3A_538 : i32
      %while3A_540 = arith.addi %while3A_538, %while3A_539 : i32
      %while3A_541 = arith.constant 1 : i32
      %while3A_542 = arith.divsi %while3A_539, %while3A_541 : i32
      %while3A_543 = arith.muli %while3A_542, %while3A_541 : i32
      %while3A_544 = arith.addi %while3A_538, %while3A_543 : i32
      %while3A_545 = arith.constant 1 : i32
      %while3A_546:2 = scf.for %while3A_573 = %while3A_538 to %while3A_544 step %while3A_545 iter_args(%while3A_574 = %select_n3A_508, %while3A_575 = %select_n3A_515) -> (vector<32xbf16>, vector<32xbf16>)  : i32 {
        %mul3A_576 = arith.constant 4 : i32
        %mul3A_577 = arith.muli %while3A_573, %mul3A_576 : i32
        %get3A_578 = arith.index_cast %mul3A_577 : i32 to index
        %get3A_579 = tpu.vector_load %arg9[%get3A_578] {strides = array<i32>} : memref<144xi32, #tpu.memory_space<vmem>>, vector<16xi32>,
        %mul3A_580 = arith.constant 4 : i32
        %mul3A_581 = arith.muli %while3A_573, %mul3A_580 : i32
        %add3A_582 = arith.constant 0 : i32
        %add3A_583 = arith.addi %mul3A_581, %add3A_582 : i32
        %lt3A_584 = arith.cmpi slt, %add3A_583, %add3A_198 : i32
        %slice3A_585 = vector.extract_strided_slice %get3A_579 {offsets = [0], sizes = [1], strides = [1]} : vector<16xi32> to vector<1xi32>
        %squeeze3A_586 = vector.extract %slice3A_585[0] : i32 from vector<1xi32>
        %jit3A_587 = arith.constant 0 : i32
        %select_n3A_588 = arith.select %lt3A_584, %squeeze3A_586, %jit3A_587 : i32
        %shift_right_arithmetic3A_589 = arith.constant 1 : i32
        %shift_right_arithmetic3A_590 = arith.shrsi %select_n3A_588, %shift_right_arithmetic3A_589 : i32
        %and3A_591 = arith.constant 1 : i32
        %and3A_592 = arith.andi %select_n3A_588, %and3A_591 : i32
        %mul3A_593 = arith.constant 64 : i32
        %mul3A_594 = arith.muli %and3A_592, %mul3A_593 : i32
        %add3A_595 = arith.constant 0 : i32
        %add3A_596 = arith.addi %mul3A_594, %add3A_595 : i32
        %get3A_597 = arith.index_cast %shift_right_arithmetic3A_590 : i32 to index
        %get3A_598 = arith.index_cast %add3A_596 : i32 to index
        %get3A_599 = tpu.vector_load %arg7[%get3A_597, %get3A_598] {strides = array<i32>} : memref<64x128xbf16, #tpu.memory_space<vmem>>, vector<32xbf16>,
        %max3A_600 = arith.maximumf %while3A_574, %get3A_599 : vector<32xbf16>
        %select_n3A_601 = arith.select %lt3A_584, %max3A_600, %while3A_574 : vector<32xbf16>
        %add3A_602 = arith.constant 32 : i32
        %add3A_603 = arith.addi %mul3A_594, %add3A_602 : i32
        %get3A_604 = arith.index_cast %shift_right_arithmetic3A_590 : i32 to index
        %get3A_605 = arith.index_cast %add3A_603 : i32 to index
        %get3A_606 = tpu.vector_load %arg7[%get3A_604, %get3A_605] {strides = array<i32>} : memref<64x128xbf16, #tpu.memory_space<vmem>>, vector<32xbf16>,
        %max3A_607 = arith.maximumf %while3A_575, %get3A_606 : vector<32xbf16>
        %select_n3A_608 = arith.select %lt3A_584, %max3A_607, %while3A_575 : vector<32xbf16>
        %mul3A_609 = arith.constant 4 : i32
        %mul3A_610 = arith.muli %while3A_573, %mul3A_609 : i32
        %add3A_611 = arith.constant 1 : i32
        %add3A_612 = arith.addi %mul3A_610, %add3A_611 : i32
        %lt3A_613 = arith.cmpi slt, %add3A_612, %add3A_198 : i32
        %slice3A_614 = vector.extract_strided_slice %get3A_579 {offsets = [1], sizes = [1], strides = [1]} : vector<16xi32> to vector<1xi32>
        %squeeze3A_615 = vector.extract %slice3A_614[0] : i32 from vector<1xi32>
        %jit3A_616 = arith.constant 0 : i32
        %select_n3A_617 = arith.select %lt3A_613, %squeeze3A_615, %jit3A_616 : i32
        %shift_right_arithmetic3A_618 = arith.constant 1 : i32
        %shift_right_arithmetic3A_619 = arith.shrsi %select_n3A_617, %shift_right_arithmetic3A_618 : i32
        %and3A_620 = arith.constant 1 : i32
        %and3A_621 = arith.andi %select_n3A_617, %and3A_620 : i32
        %mul3A_622 = arith.constant 64 : i32
        %mul3A_623 = arith.muli %and3A_621, %mul3A_622 : i32
        %add3A_624 = arith.constant 0 : i32
        %add3A_625 = arith.addi %mul3A_623, %add3A_624 : i32
        %get3A_626 = arith.index_cast %shift_right_arithmetic3A_619 : i32 to index
        %get3A_627 = arith.index_cast %add3A_625 : i32 to index
        %get3A_628 = tpu.vector_load %arg7[%get3A_626, %get3A_627] {strides = array<i32>} : memref<64x128xbf16, #tpu.memory_space<vmem>>, vector<32xbf16>,
        %max3A_629 = arith.maximumf %select_n3A_601, %get3A_628 : vector<32xbf16>
        %select_n3A_630 = arith.select %lt3A_613, %max3A_629, %select_n3A_601 : vector<32xbf16>
        %add3A_631 = arith.constant 32 : i32
        %add3A_632 = arith.addi %mul3A_623, %add3A_631 : i32
        %get3A_633 = arith.index_cast %shift_right_arithmetic3A_619 : i32 to index
        %get3A_634 = arith.index_cast %add3A_632 : i32 to index
        %get3A_635 = tpu.vector_load %arg7[%get3A_633, %get3A_634] {strides = array<i32>} : memref<64x128xbf16, #tpu.memory_space<vmem>>, vector<32xbf16>,
        %max3A_636 = arith.maximumf %select_n3A_608, %get3A_635 : vector<32xbf16>
        %select_n3A_637 = arith.select %lt3A_613, %max3A_636, %select_n3A_608 : vector<32xbf16>
        %mul3A_638 = arith.constant 4 : i32
        %mul3A_639 = arith.muli %while3A_573, %mul3A_638 : i32
        %add3A_640 = arith.constant 2 : i32
        %add3A_641 = arith.addi %mul3A_639, %add3A_640 : i32
        %lt3A_642 = arith.cmpi slt, %add3A_641, %add3A_198 : i32
        %slice3A_643 = vector.extract_strided_slice %get3A_579 {offsets = [2], sizes = [1], strides = [1]} : vector<16xi32> to vector<1xi32>
        %squeeze3A_644 = vector.extract %slice3A_643[0] : i32 from vector<1xi32>
        %jit3A_645 = arith.constant 0 : i32
        %select_n3A_646 = arith.select %lt3A_642, %squeeze3A_644, %jit3A_645 : i32
        %shift_right_arithmetic3A_647 = arith.constant 1 : i32
        %shift_right_arithmetic3A_648 = arith.shrsi %select_n3A_646, %shift_right_arithmetic3A_647 : i32
        %and3A_649 = arith.constant 1 : i32
        %and3A_650 = arith.andi %select_n3A_646, %and3A_649 : i32
        %mul3A_651 = arith.constant 64 : i32
        %mul3A_652 = arith.muli %and3A_650, %mul3A_651 : i32
        %add3A_653 = arith.constant 0 : i32
        %add3A_654 = arith.addi %mul3A_652, %add3A_653 : i32
        %get3A_655 = arith.index_cast %shift_right_arithmetic3A_648 : i32 to index
        %get3A_656 = arith.index_cast %add3A_654 : i32 to index
        %get3A_657 = tpu.vector_load %arg7[%get3A_655, %get3A_656] {strides = array<i32>} : memref<64x128xbf16, #tpu.memory_space<vmem>>, vector<32xbf16>,
        %max3A_658 = arith.maximumf %select_n3A_630, %get3A_657 : vector<32xbf16>
        %select_n3A_659 = arith.select %lt3A_642, %max3A_658, %select_n3A_630 : vector<32xbf16>
        %add3A_660 = arith.constant 32 : i32
        %add3A_661 = arith.addi %mul3A_652, %add3A_660 : i32
        %get3A_662 = arith.index_cast %shift_right_arithmetic3A_648 : i32 to index
        %get3A_663 = arith.index_cast %add3A_661 : i32 to index
        %get3A_664 = tpu.vector_load %arg7[%get3A_662, %get3A_663] {strides = array<i32>} : memref<64x128xbf16, #tpu.memory_space<vmem>>, vector<32xbf16>,
        %max3A_665 = arith.maximumf %select_n3A_637, %get3A_664 : vector<32xbf16>
        %select_n3A_666 = arith.select %lt3A_642, %max3A_665, %select_n3A_637 : vector<32xbf16>
        %mul3A_667 = arith.constant 4 : i32
        %mul3A_668 = arith.muli %while3A_573, %mul3A_667 : i32
        %add3A_669 = arith.constant 3 : i32
        %add3A_670 = arith.addi %mul3A_668, %add3A_669 : i32
        %lt3A_671 = arith.cmpi slt, %add3A_670, %add3A_198 : i32
        %slice3A_672 = vector.extract_strided_slice %get3A_579 {offsets = [3], sizes = [1], strides = [1]} : vector<16xi32> to vector<1xi32>
        %squeeze3A_673 = vector.extract %slice3A_672[0] : i32 from vector<1xi32>
        %jit3A_674 = arith.constant 0 : i32
        %select_n3A_675 = arith.select %lt3A_671, %squeeze3A_673, %jit3A_674 : i32
        %shift_right_arithmetic3A_676 = arith.constant 1 : i32
        %shift_right_arithmetic3A_677 = arith.shrsi %select_n3A_675, %shift_right_arithmetic3A_676 : i32
        %and3A_678 = arith.constant 1 : i32
        %and3A_679 = arith.andi %select_n3A_675, %and3A_678 : i32
        %mul3A_680 = arith.constant 64 : i32
        %mul3A_681 = arith.muli %and3A_679, %mul3A_680 : i32
        %add3A_682 = arith.constant 0 : i32
        %add3A_683 = arith.addi %mul3A_681, %add3A_682 : i32
        %get3A_684 = arith.index_cast %shift_right_arithmetic3A_677 : i32 to index
        %get3A_685 = arith.index_cast %add3A_683 : i32 to index
        %get3A_686 = tpu.vector_load %arg7[%get3A_684, %get3A_685] {strides = array<i32>} : memref<64x128xbf16, #tpu.memory_space<vmem>>, vector<32xbf16>,
        %max3A_687 = arith.maximumf %select_n3A_659, %get3A_686 : vector<32xbf16>
        %select_n3A_688 = arith.select %lt3A_671, %max3A_687, %select_n3A_659 : vector<32xbf16>
        %add3A_689 = arith.constant 32 : i32
        %add3A_690 = arith.addi %mul3A_681, %add3A_689 : i32
        %get3A_691 = arith.index_cast %shift_right_arithmetic3A_677 : i32 to index
        %get3A_692 = arith.index_cast %add3A_690 : i32 to index
        %get3A_693 = tpu.vector_load %arg7[%get3A_691, %get3A_692] {strides = array<i32>} : memref<64x128xbf16, #tpu.memory_space<vmem>>, vector<32xbf16>,
        %max3A_694 = arith.maximumf %select_n3A_666, %get3A_693 : vector<32xbf16>
        %select_n3A_695 = arith.select %lt3A_671, %max3A_694, %select_n3A_666 : vector<32xbf16>
        scf.yield %select_n3A_688, %select_n3A_695 : vector<32xbf16>, vector<32xbf16>
      }
      %while3A_547 = arith.constant 1 : i32
      %while3A_548:2 = scf.for %while3A_573 = %while3A_544 to %while3A_540 step %while3A_547 iter_args(%while3A_574 = %while3A_546#0, %while3A_575 = %while3A_546#1) -> (vector<32xbf16>, vector<32xbf16>)  : i32 {
        %mul3A_576 = arith.constant 4 : i32
        %mul3A_577 = arith.muli %while3A_573, %mul3A_576 : i32
        %get3A_578 = arith.index_cast %mul3A_577 : i32 to index
        %get3A_579 = tpu.vector_load %arg9[%get3A_578] {strides = array<i32>} : memref<144xi32, #tpu.memory_space<vmem>>, vector<16xi32>,
        %mul3A_580 = arith.constant 4 : i32
        %mul3A_581 = arith.muli %while3A_573, %mul3A_580 : i32
        %add3A_582 = arith.constant 0 : i32
        %add3A_583 = arith.addi %mul3A_581, %add3A_582 : i32
        %lt3A_584 = arith.cmpi slt, %add3A_583, %add3A_198 : i32
        %slice3A_585 = vector.extract_strided_slice %get3A_579 {offsets = [0], sizes = [1], strides = [1]} : vector<16xi32> to vector<1xi32>
        %squeeze3A_586 = vector.extract %slice3A_585[0] : i32 from vector<1xi32>
        %jit3A_587 = arith.constant 0 : i32
        %select_n3A_588 = arith.select %lt3A_584, %squeeze3A_586, %jit3A_587 : i32
        %shift_right_arithmetic3A_589 = arith.constant 1 : i32
        %shift_right_arithmetic3A_590 = arith.shrsi %select_n3A_588, %shift_right_arithmetic3A_589 : i32
        %and3A_591 = arith.constant 1 : i32
        %and3A_592 = arith.andi %select_n3A_588, %and3A_591 : i32
        %mul3A_593 = arith.constant 64 : i32
        %mul3A_594 = arith.muli %and3A_592, %mul3A_593 : i32
        %add3A_595 = arith.constant 0 : i32
        %add3A_596 = arith.addi %mul3A_594, %add3A_595 : i32
        %get3A_597 = arith.index_cast %shift_right_arithmetic3A_590 : i32 to index
        %get3A_598 = arith.index_cast %add3A_596 : i32 to index
        %get3A_599 = tpu.vector_load %arg7[%get3A_597, %get3A_598] {strides = array<i32>} : memref<64x128xbf16, #tpu.memory_space<vmem>>, vector<32xbf16>,
        %max3A_600 = arith.maximumf %while3A_574, %get3A_599 : vector<32xbf16>
        %select_n3A_601 = arith.select %lt3A_584, %max3A_600, %while3A_574 : vector<32xbf16>
        %add3A_602 = arith.constant 32 : i32
        %add3A_603 = arith.addi %mul3A_594, %add3A_602 : i32
        %get3A_604 = arith.index_cast %shift_right_arithmetic3A_590 : i32 to index
        %get3A_605 = arith.index_cast %add3A_603 : i32 to index
        %get3A_606 = tpu.vector_load %arg7[%get3A_604, %get3A_605] {strides = array<i32>} : memref<64x128xbf16, #tpu.memory_space<vmem>>, vector<32xbf16>,
        %max3A_607 = arith.maximumf %while3A_575, %get3A_606 : vector<32xbf16>
        %select_n3A_608 = arith.select %lt3A_584, %max3A_607, %while3A_575 : vector<32xbf16>
        %mul3A_609 = arith.constant 4 : i32
        %mul3A_610 = arith.muli %while3A_573, %mul3A_609 : i32
        %add3A_611 = arith.constant 1 : i32
        %add3A_612 = arith.addi %mul3A_610, %add3A_611 : i32
        %lt3A_613 = arith.cmpi slt, %add3A_612, %add3A_198 : i32
        %slice3A_614 = vector.extract_strided_slice %get3A_579 {offsets = [1], sizes = [1], strides = [1]} : vector<16xi32> to vector<1xi32>
        %squeeze3A_615 = vector.extract %slice3A_614[0] : i32 from vector<1xi32>
        %jit3A_616 = arith.constant 0 : i32
        %select_n3A_617 = arith.select %lt3A_613, %squeeze3A_615, %jit3A_616 : i32
        %shift_right_arithmetic3A_618 = arith.constant 1 : i32
        %shift_right_arithmetic3A_619 = arith.shrsi %select_n3A_617, %shift_right_arithmetic3A_618 : i32
        %and3A_620 = arith.constant 1 : i32
        %and3A_621 = arith.andi %select_n3A_617, %and3A_620 : i32
        %mul3A_622 = arith.constant 64 : i32
        %mul3A_623 = arith.muli %and3A_621, %mul3A_622 : i32
        %add3A_624 = arith.constant 0 : i32
        %add3A_625 = arith.addi %mul3A_623, %add3A_624 : i32
        %get3A_626 = arith.index_cast %shift_right_arithmetic3A_619 : i32 to index
        %get3A_627 = arith.index_cast %add3A_625 : i32 to index
        %get3A_628 = tpu.vector_load %arg7[%get3A_626, %get3A_627] {strides = array<i32>} : memref<64x128xbf16, #tpu.memory_space<vmem>>, vector<32xbf16>,
        %max3A_629 = arith.maximumf %select_n3A_601, %get3A_628 : vector<32xbf16>
        %select_n3A_630 = arith.select %lt3A_613, %max3A_629, %select_n3A_601 : vector<32xbf16>
        %add3A_631 = arith.constant 32 : i32
        %add3A_632 = arith.addi %mul3A_623, %add3A_631 : i32
        %get3A_633 = arith.index_cast %shift_right_arithmetic3A_619 : i32 to index
        %get3A_634 = arith.index_cast %add3A_632 : i32 to index
        %get3A_635 = tpu.vector_load %arg7[%get3A_633, %get3A_634] {strides = array<i32>} : memref<64x128xbf16, #tpu.memory_space<vmem>>, vector<32xbf16>,
        %max3A_636 = arith.maximumf %select_n3A_608, %get3A_635 : vector<32xbf16>
        %select_n3A_637 = arith.select %lt3A_613, %max3A_636, %select_n3A_608 : vector<32xbf16>
        %mul3A_638 = arith.constant 4 : i32
        %mul3A_639 = arith.muli %while3A_573, %mul3A_638 : i32
        %add3A_640 = arith.constant 2 : i32
        %add3A_641 = arith.addi %mul3A_639, %add3A_640 : i32
        %lt3A_642 = arith.cmpi slt, %add3A_641, %add3A_198 : i32
        %slice3A_643 = vector.extract_strided_slice %get3A_579 {offsets = [2], sizes = [1], strides = [1]} : vector<16xi32> to vector<1xi32>
        %squeeze3A_644 = vector.extract %slice3A_643[0] : i32 from vector<1xi32>
        %jit3A_645 = arith.constant 0 : i32
        %select_n3A_646 = arith.select %lt3A_642, %squeeze3A_644, %jit3A_645 : i32
        %shift_right_arithmetic3A_647 = arith.constant 1 : i32
        %shift_right_arithmetic3A_648 = arith.shrsi %select_n3A_646, %shift_right_arithmetic3A_647 : i32
        %and3A_649 = arith.constant 1 : i32
        %and3A_650 = arith.andi %select_n3A_646, %and3A_649 : i32
        %mul3A_651 = arith.constant 64 : i32
        %mul3A_652 = arith.muli %and3A_650, %mul3A_651 : i32
        %add3A_653 = arith.constant 0 : i32
        %add3A_654 = arith.addi %mul3A_652, %add3A_653 : i32
        %get3A_655 = arith.index_cast %shift_right_arithmetic3A_648 : i32 to index
        %get3A_656 = arith.index_cast %add3A_654 : i32 to index
        %get3A_657 = tpu.vector_load %arg7[%get3A_655, %get3A_656] {strides = array<i32>} : memref<64x128xbf16, #tpu.memory_space<vmem>>, vector<32xbf16>,
        %max3A_658 = arith.maximumf %select_n3A_630, %get3A_657 : vector<32xbf16>
        %select_n3A_659 = arith.select %lt3A_642, %max3A_658, %select_n3A_630 : vector<32xbf16>
        %add3A_660 = arith.constant 32 : i32
        %add3A_661 = arith.addi %mul3A_652, %add3A_660 : i32
        %get3A_662 = arith.index_cast %shift_right_arithmetic3A_648 : i32 to index
        %get3A_663 = arith.index_cast %add3A_661 : i32 to index
        %get3A_664 = tpu.vector_load %arg7[%get3A_662, %get3A_663] {strides = array<i32>} : memref<64x128xbf16, #tpu.memory_space<vmem>>, vector<32xbf16>,
        %max3A_665 = arith.maximumf %select_n3A_637, %get3A_664 : vector<32xbf16>
        %select_n3A_666 = arith.select %lt3A_642, %max3A_665, %select_n3A_637 : vector<32xbf16>
        %mul3A_667 = arith.constant 4 : i32
        %mul3A_668 = arith.muli %while3A_573, %mul3A_667 : i32
        %add3A_669 = arith.constant 3 : i32
        %add3A_670 = arith.addi %mul3A_668, %add3A_669 : i32
        %lt3A_671 = arith.cmpi slt, %add3A_670, %add3A_198 : i32
        %slice3A_672 = vector.extract_strided_slice %get3A_579 {offsets = [3], sizes = [1], strides = [1]} : vector<16xi32> to vector<1xi32>
        %squeeze3A_673 = vector.extract %slice3A_672[0] : i32 from vector<1xi32>
        %jit3A_674 = arith.constant 0 : i32
        %select_n3A_675 = arith.select %lt3A_671, %squeeze3A_673, %jit3A_674 : i32
        %shift_right_arithmetic3A_676 = arith.constant 1 : i32
        %shift_right_arithmetic3A_677 = arith.shrsi %select_n3A_675, %shift_right_arithmetic3A_676 : i32
        %and3A_678 = arith.constant 1 : i32
        %and3A_679 = arith.andi %select_n3A_675, %and3A_678 : i32
        %mul3A_680 = arith.constant 64 : i32
        %mul3A_681 = arith.muli %and3A_679, %mul3A_680 : i32
        %add3A_682 = arith.constant 0 : i32
        %add3A_683 = arith.addi %mul3A_681, %add3A_682 : i32
        %get3A_684 = arith.index_cast %shift_right_arithmetic3A_677 : i32 to index
        %get3A_685 = arith.index_cast %add3A_683 : i32 to index
        %get3A_686 = tpu.vector_load %arg7[%get3A_684, %get3A_685] {strides = array<i32>} : memref<64x128xbf16, #tpu.memory_space<vmem>>, vector<32xbf16>,
        %max3A_687 = arith.maximumf %select_n3A_659, %get3A_686 : vector<32xbf16>
        %select_n3A_688 = arith.select %lt3A_671, %max3A_687, %select_n3A_659 : vector<32xbf16>
        %add3A_689 = arith.constant 32 : i32
        %add3A_690 = arith.addi %mul3A_681, %add3A_689 : i32
        %get3A_691 = arith.index_cast %shift_right_arithmetic3A_677 : i32 to index
        %get3A_692 = arith.index_cast %add3A_690 : i32 to index
        %get3A_693 = tpu.vector_load %arg7[%get3A_691, %get3A_692] {strides = array<i32>} : memref<64x128xbf16, #tpu.memory_space<vmem>>, vector<32xbf16>,
        %max3A_694 = arith.maximumf %select_n3A_666, %get3A_693 : vector<32xbf16>
        %select_n3A_695 = arith.select %lt3A_671, %max3A_694, %select_n3A_666 : vector<32xbf16>
        scf.yield %select_n3A_688, %select_n3A_695 : vector<32xbf16>, vector<32xbf16>
      }
      %gt3A_549 = arith.constant 0 : i32
      %gt3A_550 = arith.cmpi sgt, %add3A_198, %gt3A_549 : i32
      %add3A_551 = arith.constant 0 : i32
      %add3A_552 = arith.addi %mul3A_81, %add3A_551 : i32
      %get3A_553 = arith.index_cast %shift_right_arithmetic3A_78 : i32 to index
      %get3A_554 = arith.index_cast %add3A_552 : i32 to index
      %get3A_555 = tpu.vector_load %arg7[%get3A_553, %get3A_554] {strides = array<i32>} : memref<64x128xbf16, #tpu.memory_space<vmem>>, vector<32xbf16>,
      %select_n3A_556 = arith.select %gt3A_550, %while3A_548#0, %get3A_555 : vector<32xbf16>
      %add3A_557 = arith.constant 0 : i32
      %add3A_558 = arith.addi %mul3A_81, %add3A_557 : i32
      %swap3A_559 = arith.index_cast %shift_right_arithmetic3A_78 : i32 to index
      %swap3A_560 = arith.index_cast %add3A_558 : i32 to index
      %swap3A_561 = tpu.vector_load %arg8[%swap3A_559, %swap3A_560] {strides = array<i32>} : memref<64x128xbf16, #tpu.memory_space<vmem>>, vector<32xbf16>,
      tpu.vector_store %arg8[%swap3A_559, %swap3A_560], %select_n3A_556 {strides = array<i32>} : memref<64x128xbf16, #tpu.memory_space<vmem>>, vector<32xbf16>,
      %add3A_562 = arith.constant 32 : i32
      %add3A_563 = arith.addi %mul3A_81, %add3A_562 : i32
      %get3A_564 = arith.index_cast %shift_right_arithmetic3A_78 : i32 to index
      %get3A_565 = arith.index_cast %add3A_563 : i32 to index
      %get3A_566 = tpu.vector_load %arg7[%get3A_564, %get3A_565] {strides = array<i32>} : memref<64x128xbf16, #tpu.memory_space<vmem>>, vector<32xbf16>,
      %select_n3A_567 = arith.select %gt3A_550, %while3A_548#1, %get3A_566 : vector<32xbf16>
      %add3A_568 = arith.constant 32 : i32
      %add3A_569 = arith.addi %mul3A_81, %add3A_568 : i32
      %swap3A_570 = arith.index_cast %shift_right_arithmetic3A_78 : i32 to index
      %swap3A_571 = arith.index_cast %add3A_569 : i32 to index
      %swap3A_572 = tpu.vector_load %arg8[%swap3A_570, %swap3A_571] {strides = array<i32>} : memref<64x128xbf16, #tpu.memory_space<vmem>>, vector<32xbf16>,
      tpu.vector_store %arg8[%swap3A_570, %swap3A_571], %select_n3A_567 {strides = array<i32>} : memref<64x128xbf16, #tpu.memory_space<vmem>>, vector<32xbf16>,
    }
    %while3A_67 = arith.constant 0 : i32
    %while3A_68 = arith.constant 128 : i32
    %while3A_69 = arith.subi %while3A_68, %squeeze3A_56 : i32
    %while3A_70 = arith.addi %squeeze3A_56, %while3A_69 : i32
    %while3A_71 = arith.constant 1 : i32
    %while3A_72 = arith.divsi %while3A_69, %while3A_71 : i32
    %while3A_73 = arith.muli %while3A_72, %while3A_71 : i32
    %while3A_74 = arith.addi %squeeze3A_56, %while3A_73 : i32
    %while3A_75 = arith.constant 1 : i32
    scf.for %while3A_77 = %squeeze3A_56 to %while3A_74 step %while3A_75  : i32 {
      %shift_right_arithmetic3A = arith.constant 1 : i32
      %shift_right_arithmetic3A_78 = arith.shrsi %while3A_77, %shift_right_arithmetic3A : i32
      %and3A = arith.constant 1 : i32
      %and3A_79 = arith.andi %while3A_77, %and3A : i32
      %mul3A_80 = arith.constant 64 : i32
      %mul3A_81 = arith.muli %and3A_79, %mul3A_80 : i32
      %broadcast_in_dim3A = arith.constant 0.000000e+00 : bf16
      %broadcast_in_dim3A_82 = vector.broadcast %broadcast_in_dim3A : bf16 to vector<32xbf16>
      %add3A_83 = arith.constant 0 : i32
      %add3A_84 = arith.addi %mul3A_81, %add3A_83 : i32
      %swap3A = arith.index_cast %shift_right_arithmetic3A_78 : i32 to index
      %swap3A_85 = arith.index_cast %add3A_84 : i32 to index
      %swap3A_86 = tpu.vector_load %arg8[%swap3A, %swap3A_85] {strides = array<i32>} : memref<64x128xbf16, #tpu.memory_space<vmem>>, vector<32xbf16>,
      tpu.vector_store %arg8[%swap3A, %swap3A_85], %broadcast_in_dim3A_82 {strides = array<i32>} : memref<64x128xbf16, #tpu.memory_space<vmem>>, vector<32xbf16>,
      %add3A_87 = arith.constant 32 : i32
      %add3A_88 = arith.addi %mul3A_81, %add3A_87 : i32
      %swap3A_89 = arith.index_cast %shift_right_arithmetic3A_78 : i32 to index
      %swap3A_90 = arith.index_cast %add3A_88 : i32 to index
      %swap3A_91 = tpu.vector_load %arg8[%swap3A_89, %swap3A_90] {strides = array<i32>} : memref<64x128xbf16, #tpu.memory_space<vmem>>, vector<32xbf16>,
      tpu.vector_store %arg8[%swap3A_89, %swap3A_90], %broadcast_in_dim3A_82 {strides = array<i32>} : memref<64x128xbf16, #tpu.memory_space<vmem>>, vector<32xbf16>,
    }
    %while3A_76 = arith.constant 1 : i32
    scf.for %while3A_77 = %while3A_74 to %while3A_70 step %while3A_76  : i32 {
      %shift_right_arithmetic3A = arith.constant 1 : i32
      %shift_right_arithmetic3A_78 = arith.shrsi %while3A_77, %shift_right_arithmetic3A : i32
      %and3A = arith.constant 1 : i32
      %and3A_79 = arith.andi %while3A_77, %and3A : i32
      %mul3A_80 = arith.constant 64 : i32
      %mul3A_81 = arith.muli %and3A_79, %mul3A_80 : i32
      %broadcast_in_dim3A = arith.constant 0.000000e+00 : bf16
      %broadcast_in_dim3A_82 = vector.broadcast %broadcast_in_dim3A : bf16 to vector<32xbf16>
      %add3A_83 = arith.constant 0 : i32
      %add3A_84 = arith.addi %mul3A_81, %add3A_83 : i32
      %swap3A = arith.index_cast %shift_right_arithmetic3A_78 : i32 to index
      %swap3A_85 = arith.index_cast %add3A_84 : i32 to index
      %swap3A_86 = tpu.vector_load %arg8[%swap3A, %swap3A_85] {strides = array<i32>} : memref<64x128xbf16, #tpu.memory_space<vmem>>, vector<32xbf16>,
      tpu.vector_store %arg8[%swap3A, %swap3A_85], %broadcast_in_dim3A_82 {strides = array<i32>} : memref<64x128xbf16, #tpu.memory_space<vmem>>, vector<32xbf16>,
      %add3A_87 = arith.constant 32 : i32
      %add3A_88 = arith.addi %mul3A_81, %add3A_87 : i32
      %swap3A_89 = arith.index_cast %shift_right_arithmetic3A_78 : i32 to index
      %swap3A_90 = arith.index_cast %add3A_88 : i32 to index
      %swap3A_91 = tpu.vector_load %arg8[%swap3A_89, %swap3A_90] {strides = array<i32>} : memref<64x128xbf16, #tpu.memory_space<vmem>>, vector<32xbf16>,
      tpu.vector_store %arg8[%swap3A_89, %swap3A_90], %broadcast_in_dim3A_82 {strides = array<i32>} : memref<64x128xbf16, #tpu.memory_space<vmem>>, vector<32xbf16>,
    }
    "tpu.region"() ({
      %run_scoped3A = tpu.sem_alloc : memref<!tpu.dma_semaphore, #tpu.memory_space<semaphore_mem>>
      %dma_start3A = arith.constant 0 : i32
      %dma_start3A_77 = arith.constant 0 : i32
      %dma_start3A_78 = tpu.memref_slice %arg5[%add3A_52, %dma_start3A, %dma_start3A_77] : memref<64x64x128xbf16, #tpu.memory_space<hbm>> -> memref<1x64x128xbf16, #tpu.memory_space<hbm>>
      %dma_start3A_79 = tpu.memref_squeeze %dma_start3A_78 : memref<1x64x128xbf16, #tpu.memory_space<hbm>> -> memref<64x128xbf16, #tpu.memory_space<hbm>>
      %dma_start3A_80 = arith.constant 0 : i32
      %dma_start3A_81 = arith.constant 0 : i32
      %dma_start3A_82 = tpu.memref_slice %arg5[%add3A_52, %dma_start3A_80, %dma_start3A_81] : memref<64x64x128xbf16, #tpu.memory_space<hbm>> -> memref<1x64x128xbf16, #tpu.memory_space<hbm>>
      %dma_start3A_83 = tpu.memref_squeeze %dma_start3A_82 : memref<1x64x128xbf16, #tpu.memory_space<hbm>> -> memref<64x128xbf16, #tpu.memory_space<hbm>>
      tpu.enqueue_dma source(%arg8 : memref<64x128xbf16, #tpu.memory_space<vmem>>) target(%dma_start3A_83 : memref<64x128xbf16, #tpu.memory_space<hbm>>) target_semaphore(%run_scoped3A : memref<!tpu.dma_semaphore, #tpu.memory_space<semaphore_mem>>)
      %dma_wait3A = arith.constant 0 : i32
      %dma_wait3A_84 = arith.constant 0 : i32
      %dma_wait3A_85 = tpu.memref_slice %arg5[%add3A_52, %dma_wait3A, %dma_wait3A_84] : memref<64x64x128xbf16, #tpu.memory_space<hbm>> -> memref<1x64x128xbf16, #tpu.memory_space<hbm>>
      %dma_wait3A_86 = tpu.memref_squeeze %dma_wait3A_85 : memref<1x64x128xbf16, #tpu.memory_space<hbm>> -> memref<64x128xbf16, #tpu.memory_space<hbm>>
      %dma_wait3A_87 = arith.constant 0 : i32
      %dma_wait3A_88 = arith.constant 0 : i32
      %dma_wait3A_89 = tpu.memref_slice %arg5[%add3A_52, %dma_wait3A_87, %dma_wait3A_88] : memref<64x64x128xbf16, #tpu.memory_space<hbm>> -> memref<1x64x128xbf16, #tpu.memory_space<hbm>>
      %dma_wait3A_90 = tpu.memref_squeeze %dma_wait3A_89 : memref<1x64x128xbf16, #tpu.memory_space<hbm>> -> memref<64x128xbf16, #tpu.memory_space<hbm>>
      tpu.wait_dma2 semaphore(%run_scoped3A : memref<!tpu.dma_semaphore, #tpu.memory_space<semaphore_mem>>) src(%arg8 : memref<64x128xbf16, #tpu.memory_space<vmem>>) dst(%dma_wait3A_90 : memref<64x128xbf16, #tpu.memory_space<hbm>>)
      tpu.yield
    }) : () -> ()
    return
  }
}

</mosaic_0001>

<sc_bundles>
// kernel: kernel.3.cloned.1.call-start
scs
__scs_entry_jumppad:
0x0: {  	(pc) =	sbr.rel $0x88, $3  }
0x1: {  	(tag) =	ssettag $0x0;
	lr =	simm.s32 $0x1  }
0x2: {  	[smem:$0x3F9E] =	sst lr;
	_ =	strace $0xD0000000  }
0x3: {  	_ = 	snop  }
0x4: {  	_ = 	snop  }
0x5: {  	_ = 	snop  }
0x6: {  	_ = 	snop  }
0x7: {  	_ = 	snop  }
__scs_overlays_trampoline_lowered:
0x8: {  	[smem:$0x3FAD] =	sst s0  }
0x9: {  	[smem:$0x3FAE] =	sst s1  }
0xa: {  	[smem:$0x3FAF] =	sst s2  }
0xb: {  	[smem:$0x3FB0] =	sst s3  }
0xc: {  	[smem:$0x3FB1] =	sst s4  }
0xd: {  	[smem:$0x3FB2] =	sst s5  }
0xe: {  	[smem:$0x3FB3] =	sst s6  }
0xf: {  	[smem:$0x3FB4] =	sst s7  }
0x10: {  	[smem:$0x3FB5] =	sst s8  }
0x11: {  	[smem:$0x3FB6] =	sst s9;
	s0 =	simm.s32 @!p0 $0x0  }
0x12: {  	s1 =	sld [smem:$0x3F9C];
	s0 =	simm.s32 @p0 $0x1  }
0x13: {  	[smem:$0x3FB7] =	sst s0;
	s0 =	simm.s32 @!p1 $0x0  }
0x14: {  	s2 =	sld [smem:$0x3F9B];
	s0 =	simm.s32 @p1 $0x1  }
0x15: {  	[smem:$0x3FB8] =	sst s0;
	s0 =	simm.s32 @!p2 $0x0  }
0x16: {  	s3 =	sld [smem:$0x3FDB];
	s0 =	simm.s32 @p2 $0x1  }
0x17: {  	s4 =	simm.s32 $0x1BF5;
	[smem:$0x3FBA] =	sst s0  }
0x18: {  	s0 =	sld [smem:$0x3F9D];
	_ =	swait.ge [sflag:s4], $0x0  }
0x19: {  	s7 =	sld [smem:$0x3F9E]  }
0x1a: {  	s8 =	sadd.s32 $0xFFFFE003, lr  }
0x1b: {  	s9 =	sadd.s32 $0xFFFFFEF7, lr;
	s5 =	simm.s32 $0xFFFFFFFF;
	p2 =	slt.u32 s8, $0xFFFFF086  }
0x1c: {  	p1 =	slt.u32 s9, $0xF7A;
	s5 =	simm.s32 @!p2 $0x0  }
0x1d: {  	s5 =	simm.s32 @p1 $0x1;
	p0 =	seq.s32 s7, s2  }
0x1e: {  	s7 =	smul.u32 @!p0 $0xF7A, s2;
	p2 =	seq.s32 @!p0 s5, $0x0  }
0x1f: {  	s9 =	smul.u32 $0xF7A, s1;
	s8 =	simm.s32 @!p0 $0x1BF5;
	p2 =	por !p2, p0  }
0x20: {  	[sflag:s8] =	ssyncset.s32 @!p0 $0xFFFFF086;
	s6 =	sadd.s32 @!p0 s3, s7;
	s7 =	simm.s32 @!p0 $0x108  }
0x21: {  	s3 =	sadd.s32 s3, s9;
	s6 =	sadd.s32 @!p0 $0x88, s6;
	s7 =	simm.s32 @p2 $0x1082  }
0x22: {  	[simem:s7], [sflag:s8] =	dma.local @!p0 [hbm:s6], $0xF7A  }
0x23: {  	s9 =	sor.u32 $0xD0000000, s2;
	s6 =	simm.s32 $0x108;
	_ =	swait.ge @!p0 [sflag:s8], $0x0  }
0x24: {  	s3 =	sadd.s32 $0x88, s3;
	s6 =	simm.s32 @!p1 $0x1082;
	[sflag:s4] =	ssyncset.s32 $0xFFFFF086  }
0x25: {  	[simem:s6], [sflag:s4] =	dma.local [hbm:s3], $0xF7A  }
0x26: {  	[smem:$0x3F9E] =	sst s1;
	(tag) =	ssettag s2;
	_ =	strace s9  }
0x27: {  	s1 =	sld [smem:$0x3FAE]  }
0x28: {  	s2 =	sld [smem:$0x3FAF]  }
0x29: {  	s4 =	sld [smem:$0x3FB1]  }
0x2a: {  	p0 =	seq.s32 s5, $0x0;
	s5 =	sld [smem:$0x3FB2]  }
0x2b: {  	s6 =	sld [smem:$0x3FB3]  }
0x2c: {  	s7 =	sld [smem:$0x3FB4]  }
0x2d: {  	s3 =	simm.s32 $0x108;
	s8 =	sld [smem:$0x3FB5]  }
0x2e: {  	s3 =	simm.s32 @!p0 $0x1082;
	s9 =	sld [smem:$0x3FB6]  }
0x2f: {  	lr =	sadd.s32 s0, s3;
	s0 =	sld [smem:$0x3FAD]  }
0x30: {  	s3 =	sld [smem:$0x3FB0]  }
0x31: {  	[smem:$0x3FB9] =	sst s10  }
0x32: {  	s10 =	sld [smem:$0x3FB7];
	_ =	sdelay $0x3  }
0x33: {  	p0 =	seq.s32 s10, $0x1;
	s10 =	sld [smem:$0x3FB9];
	_ =	sdelay $0x3  }
0x34: {  	[smem:$0x3FB9] =	sst s10  }
0x35: {  	s10 =	sld [smem:$0x3FB8];
	_ =	sdelay $0x3  }
0x36: {  	p1 =	seq.s32 s10, $0x1;
	s10 =	sld [smem:$0x3FB9];
	_ =	sdelay $0x3  }
0x37: {  	[smem:$0x3FB9] =	sst s10  }
0x38: {  	s10 =	sld [smem:$0x3FBA]  }
0x39: {  	_ = 	snop;
	(pc) =	sbr.ind lr, $3  }
0x3a: {  	_ = 	snop  }
0x3b: {  	_ = 	snop  }
0x3c: {  	p2 =	seq.s32 s10, $0x1;
	s10 =	sld [smem:$0x3FB9]  }
0x3d: {  	_ =	shalt  }
0x3e: {  	_ =	shalt  }
0x3f: {  	_ =	shalt  }
0x40: {  	_ =	shalt  }
0x41: {  	_ =	shalt  }
0x42: {  	_ =	shalt  }
0x43: {  	_ =	shalt  }
0x44: {  	_ =	shalt  }
0x45: {  	_ =	shalt  }
0x46: {  	_ =	shalt  }
0x47: {  	_ =	shalt  }
0x48: {  	_ =	shalt  }
0x49: {  	_ =	shalt  }
0x4a: {  	_ =	shalt  }
0x4b: {  	_ =	shalt  }
0x4c: {  	_ =	shalt  }
0x4d: {  	_ =	shalt  }
0x4e: {  	_ =	shalt  }
0x4f: {  	_ =	shalt  }
0x50: {  	_ =	shalt  }
0x51: {  	_ =	shalt  }
0x52: {  	_ =	shalt  }
0x53: {  	_ =	shalt  }
0x54: {  	_ =	shalt  }
0x55: {  	_ =	shalt  }
0x56: {  	_ =	shalt  }
0x57: {  	_ =	shalt  }
0x58: {  	_ =	shalt  }
0x59: {  	_ =	shalt  }
0x5a: {  	_ =	shalt  }
0x5b: {  	_ =	shalt  }
0x5c: {  	_ =	shalt  }
0x5d: {  	_ =	shalt  }
0x5e: {  	_ =	shalt  }
0x5f: {  	_ =	shalt  }
0x60: {  	_ =	shalt  }
0x61: {  	_ =	shalt  }
0x62: {  	_ =	shalt  }
0x63: {  	_ =	shalt  }
0x64: {  	_ =	shalt  }
0x65: {  	_ =	shalt  }
0x66: {  	_ =	shalt  }
0x67: {  	_ =	shalt  }
0x68: {  	_ =	shalt  }
0x69: {  	_ =	shalt  }
0x6a: {  	_ =	shalt  }
0x6b: {  	_ =	shalt  }
0x6c: {  	_ =	shalt  }
0x6d: {  	_ =	shalt  }
0x6e: {  	_ =	shalt  }
0x6f: {  	_ =	shalt  }
0x70: {  	_ =	shalt  }
0x71: {  	_ =	shalt  }
0x72: {  	_ =	shalt  }
0x73: {  	_ =	shalt  }
0x74: {  	_ =	shalt  }
0x75: {  	_ =	shalt  }
0x76: {  	_ =	shalt  }
0x77: {  	_ =	shalt  }
0x78: {  	_ =	shalt  }
0x79: {  	_ =	shalt  }
0x7a: {  	_ =	shalt  }
0x7b: {  	_ =	shalt  }
0x7c: {  	_ =	shalt  }
0x7d: {  	_ =	shalt  }
0x7e: {  	_ =	shalt  }
0x7f: {  	_ =	shalt  }
0x80: {  	_ =	shalt  }
0x81: {  	_ =	shalt  }
0x82: {  	_ =	shalt  }
0x83: {  	_ =	shalt  }
0x84: {  	_ =	shalt  }
0x85: {  	_ =	shalt  }
0x86: {  	_ =	shalt  }
0x87: {  	_ =	shalt  }
.Lfunc_end0:
.L_simem_size_0:
called_computation_lowered:
.L_overlay_start_0:
0x88: {  	s2 =	sld [smem:$0x3FD9]  }
0x89: {  	s3 =	sld [smem:$0x3FFE];
	_ =	sdelay $0x1  }
0x8a: {  	s1 =	srdreg.scid  }
0x8b: {  	s0 =	sand.u32 $0x1, s1  }
0x8c: {  	s17 =	sshll.u32 s0, $0xA;
	s2 =	sadd.s32 s3, s2  }
0x8d: {  	s2 =	sadd.s32 s2, s17  }
0x8e: {  	[smem:$0x3FC5] =	sst s2  }
0x8f: {  	_ = 	snop  }
0x90: {  	s2 =	sld [smem:$0x3FC8]  }
0x91: {  	s18 =	sld [smem:$0x3FD0];
	(tm) =	ssettm $0x1  }
0x92: {  	s4 =	sld [smem:$0x3FFB];
	_ =	sdelay $0x3  }
0x93: {  	_ =	strace s4  }
0x94: {  	s4 =	sld [smem:$0x3FFC];
	_ =	sdelay $0x3  }
0x95: {  	_ =	strace s4  }
0x96: {  	s4 =	sld [smem:$0x3FFD];
	_ =	sdelay $0x3  }
0x97: {  	_ =	strace s4  }
0x98: {  	_ =	strace $0x8FFFFFFF  }
0x99: {  	s19 =	sld [smem:$0x3FDB];
	_ =	sdelay $0x1  }
0x9a: {  	s5 =	simm.s32 $_scs_section_size  }
0x9b: {  	s6 =	simm.s32 $_size__tile_overlayer_lowered;
	s7 =	simm.s32 $_tile_overlayer_lowered  }
0x9c: {  	s22 =	simm.s32 $0x1BFF;
	s21 =	sshll.u32 s7, $0x1;
	s4 =	sadd.s32 s5, s19  }
0x9d: {  	s8 =	simm.s32 $0x0;
	s20 =	sshll.u32 s6, $0x1;
	s6 =	sadd.s32 s21, s4  }
0x9e: {  	[timem:s8], [sflag:s22] =	dma.local [hbm:s6], s20  }
0x9f: {  	_ =	swait.ge [sflag:s22], s20  }
0xa0: {  	s5 =	ssub.s32 $0x0, s20;
	[sflag:s22] =	ssyncset.done $0x0  }
0xa1: {  	[sflag:s22] =	ssyncadd.s32 s5;
	_ =	sdelay $0x1  }
0xa2: {  	s23 =	simm.s32 $0x1B8B  }
0xa3: {  	_ =	swait.ge [sflag:s23], $0x1  }
0xa4: {  	[sflag:s23] =	ssyncset.done $0x0  }
0xa5: {  	s25 =	simm.s32 $0x1B8E;
	s24 =	sld [smem:$0x3FFE];
	[sflag:s23] =	ssyncadd.s32 $0xFFFFFFFF  }
0xa6: {  	s26 =	simm.s32 $execute0_lowered;
	[smem:$0x3FD2] =	sst s25  }
0xa7: {  	s6 =	sshll.u32 s26, $0x1;
	_ =	strace $0x80000046;
	[dreg:$0x1] =	wrdreg $0xFFFFFFFF  }
0xa8: {  	s28 =	simm.s32 $_size_execute0_lowered;
	s4 =	sadd.s32 s4, s6;
	[dreg:$0x0] =	wrdreg $0x0  }
0xa9: {  	s6 =	sshll.u32 s28, $0x1;
	[dreg:$0x2] =	wrdreg s4  }
0xaa: {  	[dreg:$0x3] =	wrdreg s6  }
0xab: {  	[dreg:$0x4] =	wrdreg $0xC0  }
0xac: {  	_ =	task [dreg:s8], $0x5FFFF  }
0xad: {  	[dreg:$0x1] =	wrdreg $0xFFFFFFFF  }
0xae: {  	[dreg:$0x0] =	wrdreg $0x60  }
0xaf: {  	[dreg:$0x2] =	wrdreg s18  }
0xb0: {  	[dreg:$0x3] =	wrdreg s2  }
0xb1: {  	[dreg:$0x4] =	wrdreg s24  }
0xb2: {  	[dreg:$0x5] =	wrdreg $0x9  }
0xb3: {  	_ =	task.clear_ibuf [dreg:s8], $0x6FFFF;
	_ =	strace $0x90000046  }
0xb4: {  	s29 =	simm.s32 $0x9;
	_ =	strace $0x80000048  }
0xb5: {  	_ =	swait.ge [sflag:s29], $0x1  }
0xb6: {  	[sflag:s29] =	ssyncadd.s32 $0xFFFFFFFF  }
0xb7: {  	_ =	strace $0x90000048  }
0xb8: {  	_ =	sfence  }
0xb9: {  	s30 =	sld [smem:$0x0];
	_ =	sdelay $0x2  }
0xba: {  	s31 =	sshll.u32 s1, $0xD;
	s1 =	sshrl.u32 s1, $0x2  }
0xbb: {  	s3 =	sand.u32 $0x4000, s31;
	s1 =	sadd.s32 s1, s30  }
0xbc: {  	s0 =	sor.u32 s3, s0;
	s1 =	sshll.u32 s1, $0x11  }
0xbd: {  	s0 =	sor.u32 s1, s0  }
0xbe: {  	s0 =	sadd.s32 $0x8F2B, s0  }
0xbf: {  	[sflag:s0] =	ssyncadd.remote.s32 $0x1  }
0xc0: {  	_ =	sfence.sel $0xFFFF  }
0xc1: {  	[dreg:$0x0] =	wrdreg $0xFFFFFFFF;
	(pc) =	sbr.abs _section_cstart, $3  }
0xc2: {  	[dreg:$0x1] =	wrdreg $0xFFFFFFFF  }
0xc3: {  	_ =	task.clear_ibuf [dreg:s8], $0x2FFFF;
	_ =	strace $0x9FFFFFFF  }
0xc4: {  	(tm) =	ssettm $0x7FFFFFFF  }
0xc5: {  	_ =	shalt  }
tec
execute0_lowered:
.L_overlay_start_1:
0x0: {  	(tag) =	ssettag $0x1  }
0x1: {  	s8 =	rddreg [dreg:$0x0]  }
0x2: {  	s7 =	rddreg [dreg:$0x1]  }
0x3: {  	s3 =	rddreg [dreg:$0x2];
	s1 =	simm.s32 $0x0;
	s4 =	srdreg.scid  }
0x4: {  	s0 =	stileid.u32;
	s15 =	simm.s32 $0x6000;
	s16 =	simm.s32 $0x5000  }
0x5: {  	s17 =	simm.s32 $0x0;
	[smem:$0x7FF] =	sst s1;
	s9 =	sadd.s32 $0x400, s3  }
0x6: {  	s4 =	sand.u32 $0x1, s4;
	s6 =	sshll.u32 s0, $0x2;
	s10 =	sadd.s32 $0x800, s3  }
0x7: {  	s28 =	sshll.u32 s0, $0x6;
	s5 =	ssub.s32 $0x2, s4;
	s4 =	sshll.u32 s4, $0x1  }
0x8: {  	_ =	strace $0x80000047;
	s25 =	sshrl.u32 s5, $0x1;
	s6 =	sor.u32 s4, s6  }
0x9: {  	s13 =	sand.u32 $0x380, s28;
	s11 =	ssub.s32 s5, s25;
	s26 =	sshll.u32 s6, $0xB  }
0xa: {  	s12 =	sshll.u32 s6, $0x9;
	s29 =	sshll.u32 s6, $0x4;
	s14 =	sor.u32 $0x1, s6  }
0xb: {  	s3 =	sadd.s32 s7, s26;
	s4 =	sadd.s32 s8, s12;
	s5 =	sadd.s32 s9, s29  }
.Ltmp0:
0xc: {  	s6 =	sadd.s32 s10, s12;
	s30 =	sshll.u32 s14, $0xB;
	(pc) =	sbr.rel .LBB2_1-.Ltmp0, $4  }
0xd: {  	v0 =	vlaneseq.u32;
	s31 =	sshll.u32 s14, $0x9;
	s14 =	sshll.u32 s14, $0x4;
	s9 =	sadd.s32 s9, s13  }
0xe: {  	v8 =	vimm.bf16 $-1.0000e+30;
	v9 =	vimm.bf16 $0.0e+00;
	v1 =	vor.u32 $0x70, v0;
	s11 =	smax.u32 s11, $0x1;
	s12 =	simm.s32 $0x1;
	s13 =	simm.s32 $0x4000  }
0xf: {  	v2 =	vor.u32 $0x60, v0;
	v3 =	vor.u32 $0x50, v0;
	v4 =	vor.u32 $0x40, v0;
	s7 =	sadd.s32 s7, s30;
	s8 =	sadd.s32 s8, s31;
	s14 =	sand.u32 $0x70, s14  }
0x10: {  	v5 =	vor.u32 $0x30, v0;
	v6 =	vor.u32 $0x20, v0;
	v7 =	vor.u32 $0x10, v0;
	s10 =	sadd.s32 s10, s31;
	s9 =	sadd.s32 s14, s9;
	s14 =	simm.s32 $0x6100  }
.LBB2_25:
0x11: {  	[tilespmem:s20+$0x5000] =	vst v9  }
0x12: {  	[tilespmem:s20+$0x5020] =	vst v9  }
.LBB2_26:
0x13: {  	s17 =	sadd.s32 $0x1, s17  }
0x14: {  	p0 =	sne.s32 s17, s11  }
.Ltmp1:
0x15: {  	_ = 	snop;
	(pc) =	sbr.rel @!p0 .LBB2_27-.Ltmp1, $4  }
0x16: {  	[hbm4b:s10+s1] =	stream.linear.scatter [tilespmem:s16], [sflag:$0x1], $0x1000, $0x38;
	[tilespmem:$0x6180] =	vst v63  }
0x17: {  	_ =	swait.ge [sflag:s12], $0x1000  }
0x18: {  	[sflag:s12] =	ssyncset.done $0x0  }
0x19: {  	[sflag:s12] =	ssyncadd.s32 $0xFFFFF000  }
.LBB2_1:
0x1a: {  	[tilespmem:s1], [sflag:$0x1] =	stream.linear.gather [hbm4b:s3+s1], $0x4000, $0x38;
	[tilespmem:$0x6180] =	vst v63  }
0x1b: {  	_ =	swait.ge [sflag:s12], $0x4000  }
0x1c: {  	[sflag:s12] =	ssyncset.done $0x0  }
0x1d: {  	[sflag:s12] =	ssyncadd.s32 $0xFFFFC000  }
0x1e: {  	[tilespmem:s13], [sflag:$0x1] =	stream.linear.gather [hbm4b:s4+s1], $0x1000, $0x38;
	[tilespmem:$0x6180] =	vst v63  }
0x1f: {  	_ =	swait.ge [sflag:s12], $0x1000  }
0x20: {  	[sflag:s12] =	ssyncset.done $0x0  }
0x21: {  	[sflag:s12] =	ssyncadd.s32 $0xFFFFF000  }
0x22: {  	[tilespmem:s14], [sflag:$0x1] =	stream.linear.gather [hbm4b:s5+s1], $0x80, $0x38;
	[tilespmem:$0x6180] =	vst v63  }
0x23: {  	_ =	swait.ge [sflag:s12], $0x80  }
0x24: {  	[sflag:s12] =	ssyncset.done $0x0  }
0x25: {  	[sflag:s12] =	ssyncadd.s32 $0xFFFFFF80  }
0x26: {  	v10 =	vld [tilespmem:$0x6100];
	_ =	sdelay $0x4  }
0x27: {  	(v2sf) =	vpush v10, $0x0;
	_ =	sdelay $0xe  }
0x28: {  	s18 =	spop (v2sf)  }
0x29: {  	p0 =	slt.s32 s18, $0x1  }
.Ltmp2:
0x2a: {  	_ = 	snop;
	(pc) =	sbr.rel @p0 .LBB2_7-.Ltmp2, $1  }
0x2b: {  	_ =	sdelay $0x3  }
.Ltmp3:
0x2c: {  	v10 =	vbroadcast v10, $0x0;
	(pc) =	sbr.rel .LBB2_3-.Ltmp3, $4  }
0x2d: {  	_ = 	snop  }
0x2e: {  	vm0 =	vgt.s32 v10, v1;
	vm1 =	vgt.s32 v10, v2  }
0x2f: {  	vm2 =	vgt.s32 v10, v3;
	vm3 =	vgt.s32 v10, v4;
	vm4 =	vgt.s32 v10, v5  }
0x30: {  	s19 =	simm.s32 $0x0;
	vm5 =	vgt.s32 v10, v6;
	vm6 =	vgt.s32 v10, v7;
	vm7 =	vgt.s32 v10, v0  }
.LBB2_5:
0x31: {  	p0 =	por $0x0, $0x0  }
0x32: {  	s0 =	simm.s32 @!p0 $0x0  }
0x33: {  	s0 =	simm.s32 @p0 $0x1;
	p0 =	por $0x0, $0x0  }
0x34: {  	[smem:$0x7FA] =	sst s0;
	s0 =	simm.s32 @!p0 $0x0  }
0x35: {  	s0 =	simm.s32 @p0 $0x1  }
0x36: {  	s23 =	simm.s32 $0xF;
	v14 =	vmov v11;
	v15 =	vmov v10;
	[smem:$0x7FB] =	sst s0  }
.LBB2_20:
0x37: {  	s0 =	sld [smem:$0x7FA];
	_ =	sdelay $0x1  }
0x38: {  	s30 =	sld [smem:$0x7FB]  }
0x39: {  	p2 =	seq.s32 s0, $0x1  }
0x3a: {  	s22 =	simm.s32 $0xF;
	s23 =	sadd.s32 @p2 $0x4, s23  }
0x3b: {  	p1 =	seq.s32 s30, $0x1;
	s22 =	smov.u32 @p2 s23  }
0x3c: {  	s23 =	sadd.s32 @p1 $0xFFFFFFFD, s22  }
0x3d: {  	p0 =	slt.s32 @p1 s23, s20  }
0x3e: {  	s0 =	simm.s32 @!p0 $0x0  }
0x3f: {  	s0 =	simm.s32 @p0 $0x1  }
0x40: {  	[smem:$0x7F3] =	sst s0  }
0x41: {  	s0 =	sld [smem:$0x7F3];
	_ =	sdelay $0x2  }
0x42: {  	s26 =	spop @p1 (v2sf);
	p0 =	seq.s32 s0, $0x1  }
0x43: {  	s31 =	sadd.s32 @p1 $0xFFFFFFFE, s22;
	s23 =	spop @p1 (v2sf);
	p0 =	por !p0, !p1  }
0x44: {  	s23 =	simm.s32 @p0 $0x0;
	p0 =	slt.s32 @p1 s31, s20  }
0x45: {  	s31 =	simm.s32 @!p0 $0x0  }
0x46: {  	s31 =	simm.s32 @p0 $0x1;
	p0 =	slt.s32 @p1 s22, s20  }
0x47: {  	[smem:$0x7F2] =	sst s31;
	s31 =	simm.s32 @!p0 $0x0  }
0x48: {  	s31 =	simm.s32 @p0 $0x1  }
0x49: {  	[smem:$0x7F0] =	sst s31  }
0x4a: {  	s30 =	sadd.s32 @p1 $0xFFFFFFFF, s22;
	s31 =	sld [smem:$0x7F0]  }
0x4b: {  	p0 =	slt.s32 @p1 s30, s20  }
0x4c: {  	s30 =	simm.s32 @!p0 $0x0  }
0x4d: {  	s30 =	simm.s32 @p0 $0x1;
	p0 =	seq.s32 s31, $0x1;
	s31 =	sld [smem:$0x7F2]  }
0x4e: {  	p0 =	por !p0, !p1  }
0x4f: {  	[smem:$0x7F1] =	sst s30;
	s30 =	simm.s32 @!p0 $0x0  }
0x50: {  	s30 =	simm.s32 @p0 $0x1;
	p0 =	seq.s32 s31, $0x1  }
0x51: {  	[smem:$0x7ED] =	sst s30;
	p0 =	por !p0, !p1  }
0x52: {  	s30 =	simm.s32 @!p0 $0x0;
	s31 =	sld [smem:$0x7ED]  }
0x53: {  	s30 =	simm.s32 @p0 $0x1  }
0x54: {  	s29 =	sand.u32 @p2 $0xFFFFFF80, s29;
	[smem:$0x7EE] =	sst s30  }
0x55: {  	s28 =	sand.u32 @p2 $0x40, s28;
	p0 =	seq.s32 s31, $0x1;
	s31 =	sld [smem:$0x7EE]  }
0x56: {  	p4 =	por @p2 p4, p4;
	s28 =	sor.u32 @p2 s28, s29  }
0x57: {  	s29 =	sshra.s32 @p2 s25, $0x1;
	s25 =	sand.u32 @p2 $0x40, s25;
	p4 =	por !p4, !p2  }
0x58: {  	s26 =	simm.s32 @p0 $0x0;
	p0 =	seq.s32 s31, $0x1;
	s31 =	sld [smem:$0x7F1]  }
0x59: {  	s29 =	sand.u32 @p2 $0xFFFFFF80, s29;
	s0 =	spop @p1 (v2sf);
	s23 =	sshll.u32 @p1 s23, $0x6  }
0x5a: {  	s25 =	sor.u32 @p2 s25, s29;
	s2 =	spop @p1 (v2sf);
	s29 =	sshra.s32 @p1 s23, $0x1  }
0x5b: {  	s23 =	sand.u32 @p1 $0x40, s23;
	s2 =	simm.s32 @p0 $0x0;
	p0 =	seq.s32 s31, $0x1  }
0x5c: {  	s22 =	sadd.s32 @p1 $0x4, s22;
	s29 =	sand.u32 @p1 $0xFFFFFF80, s29;
	p0 =	por !p0, !p1  }
0x5d: {  	s21 =	smov.u32 @p1 s22;
	s0 =	simm.s32 @p0 $0x0;
	p0 =	por @p2 p5, p5  }
0x5e: {  	s23 =	sor.u32 @p1 s23, s29;
	s2 =	sshll.u32 @p1 s2, $0x6;
	s30 =	simm.s32 @!p0 $0x0  }
0x5f: {  	s29 =	sshra.s32 @p1 s2, $0x1;
	s30 =	simm.s32 @p0 $0x1;
	p0 =	por @p2 p6, p6  }
0x60: {  	s2 =	sand.u32 @p1 $0x40, s2;
	[smem:$0x7EF] =	sst s30;
	p0 =	por !p0, !p2  }
0x61: {  	s29 =	sand.u32 @p1 $0xFFFFFF80, s29;
	s30 =	simm.s32 @!p0 $0x0;
	s31 =	sld [smem:$0x7EF]  }
0x62: {  	p5 =	por !p3, !p2;
	s2 =	sor.u32 @p1 s2, s29;
	s30 =	simm.s32 @p0 $0x1  }
0x63: {  	(v2sf) =	vpush v12, $0x3;
	s0 =	sshll.u32 @p1 s0, $0x6;
	s2 =	smov.u32 @p1 s2;
	[smem:$0x7F4] =	sst s30  }
0x64: {  	(v2sf) =	vpush v12, $0x0;
	s29 =	sshra.s32 @p1 s0, $0x1;
	s30 =	sld [smem:$0x7F0];
	p6 =	seq.s32 s31, $0x1  }
0x65: {  	v17 =	vld @p2 [tilespmem:s24+$0x4020];
	(v2sf) =	vpush v12, $0x2;
	s0 =	smov.u32 @p1 s0;
	s31 =	sld [smem:$0x7F1];
	p0 =	por !p6, !p2  }
0x66: {  	(v2sf) =	vpush v12, $0x1;
	v12 =	vld @p2 [tilespmem:s24+$0x4000];
	s29 =	smov.u32 @p1 s29;
	s0 =	sand.u32 @p1 $0x40, s0;
	s24 =	simm.s32 @!p0 $0x0  }
0x67: {  	p6 =	seq.s32 s30, $0x1;
	s30 =	sld [smem:$0x7F2];
	s24 =	simm.s32 @p0 $0x1  }
0x68: {  	p6 =	por @!p1 p0, p0;
	p3 =	seq.s32 s31, $0x1;
	s31 =	sld [smem:$0x7F3]  }
0x69: {  	[smem:$0x7F5] =	sst s24;
	s24 =	sshll.u32 @p1 s26, $0x6;
	p3 =	por @!p1 p0, p0  }
0x6a: {  	v18 =	vld @p2 [tilespmem:s28+$0x4000];
	s26 =	simm.s32 @!p4 $0x0;
	p6 =	por @p1 p6, p6;
	p0 =	seq.s32 s30, $0x1  }
0x6b: {  	v13 =	vmax.bf16 @p2 v14, v13;
	v16 =	vmax.bf16 @p2 v15, v16;
	v19 =	vld @p2 [tilespmem:s28+$0x4020];
	s26 =	simm.s32 @p4 $0x1;
	s24 =	smov.u32 @p1 s24;
	s28 =	simm.s32 @!p6 $0x0  }
0x6c: {  	v13 =	vpsel p5, v14, v13;
	v14 =	vpsel p5, v15, v16;
	p5 =	por @p1 p3, p3;
	s30 =	sadd.s32 $0xFFFFFFFD, s21;
	[smem:$0x7F6] =	sst s26  }
0x6d: {  	s26 =	sand.u32 @p1 $0xFFFFFF80, s29;
	s28 =	simm.s32 @p6 $0x1;
	s29 =	sld [smem:$0x7F5]  }
0x6e: {  	v20 =	vld @p2 [tilespmem:s25+$0x4000];
	p0 =	por @!p1 p0, p0;
	p4 =	seq.s32 s31, $0x1;
	[smem:$0x7F8] =	sst s28  }
0x6f: {  	v15 =	vld @p2 [tilespmem:s25+$0x4020];
	s25 =	simm.s32 @!p5 $0x0;
	p4 =	por @!p1 p0, p0;
	s28 =	sld [smem:$0x7F4]  }
0x70: {  	s25 =	simm.s32 @p5 $0x1;
	p6 =	por @p1 p0, p0;
	s31 =	sld [smem:$0x7F6]  }
0x71: {  	s0 =	sor.u32 @p1 s0, s26;
	s26 =	sadd.s32 $0xFFFFFFFE, s21;
	[smem:$0x7F7] =	sst s25  }
0x72: {  	v12 =	vmax.bf16 @p2 v13, v12;
	v16 =	vmax.bf16 @p2 v14, v17;
	s25 =	sshra.s32 @p1 s24, $0x1;
	p6 =	por !p6, !p1;
	p3 =	seq.s32 s28, $0x1  }
0x73: {  	v17 =	vld @p1 [tilespmem:s23+$0x4020];
	s22 =	sand.u32 @p1 $0xFFFFFF80, s25;
	p5 =	seq.s32 s29, $0x1;
	s25 =	spop (v2sf);
	v12 =	vpsel p3, v13, v12;
	v14 =	vpsel p3, v14, v16  }
0x74: {  	s28 =	spop (v2sf);
	p0 =	seq.s32 s31, $0x1;
	v13 =	vld @p1 [tilespmem:s23+$0x4000];
	s23 =	sand.u32 @p1 $0x40, s24;
	v16 =	vmax.bf16 @p2 v12, v18;
	v18 =	vmax.bf16 @p2 v14, v19  }
0x75: {  	s24 =	sadd.s32 $0xFFFFFFFF, s21;
	p3 =	por !p4, !p1;
	v19 =	vld @p1 [tilespmem:s0+$0x4020];
	v12 =	vpsel p5, v12, v16;
	v14 =	vpsel p5, v14, v18;
	p5 =	slt.s32 s30, s20  }
0x76: {  	p4 =	slt.s32 s21, s20;
	s22 =	sor.u32 @p1 s23, s22;
	v18 =	vld @p1 [tilespmem:s2+$0x4000];
	v16 =	vmax.bf16 @p2 v12, v20;
	s28 =	simm.s32 @!p5 $0x0  }
0x77: {  	s25 =	simm.s32 @!p4 $0x0;
	v15 =	vmax.bf16 @p2 v14, v15;
	v12 =	vpsel p0, v12, v16;
	v16 =	vld @p1 [tilespmem:s2+$0x4020];
	s2 =	spop (v2sf);
	s29 =	sshll.u32 s28, $0x6  }
0x78: {  	v17 =	vpsel p1, v17, v0;
	v14 =	vpsel p0, v14, v15;
	v15 =	vld @p1 [tilespmem:s0+$0x4000];
	p0 =	slt.s32 s26, s20;
	s0 =	spop (v2sf);
	s30 =	sshra.s32 s29, $0x1  }
0x79: {  	v12 =	vpsel p2, v12, v11;
	v14 =	vpsel p2, v14, v10;
	v13 =	vpsel p1, v13, v0;
	s21 =	sand.u32 $0x40, s29;
	p2 =	slt.s32 s24, s20;
	s23 =	sand.u32 $0xFFFFFF80, s30  }
0x7a: {  	v20 =	vld @p1 [tilespmem:s22+$0x4000];
	v13 =	vmax.bf16 @p1 v12, v13;
	v17 =	vmax.bf16 @p1 v14, v17;
	s0 =	simm.s32 @!p0 $0x0;
	s31 =	sor.u32 s21, s23;
	s23 =	sld [smem:$0x7F7]  }
0x7b: {  	s25 =	sshll.u32 s25, $0x6;
	s2 =	simm.s32 @!p2 $0x0;
	v12 =	vpsel p3, v12, v13;
	v13 =	vpsel p3, v14, v17;
	v14 =	vld @p1 [tilespmem:s22+$0x4020];
	s0 =	sshll.u32 s0, $0x6  }
0x7c: {  	s26 =	sld [smem:$0x7F8];
	s2 =	sshll.u32 s2, $0x6;
	v17 =	vmax.bf16 @p1 v12, v18;
	s22 =	sshra.s32 s0, $0x1;
	v16 =	vmax.bf16 @p1 v13, v16  }
0x7d: {  	v53 =	vld [tilespmem:s31+$0x4000];
	s0 =	sand.u32 $0x40, s0;
	v12 =	vpsel p6, v12, v17;
	s21 =	sand.u32 $0xFFFFFF80, s22;
	v13 =	vpsel p6, v13, v16;
	p6 =	seq.s32 s23, $0x1  }
0x7e: {  	v54 =	vld [tilespmem:s31+$0x4020];
	s24 =	sshra.s32 s2, $0x1;
	v15 =	vmax.bf16 @p1 v12, v15;
	s0 =	sor.u32 s0, s21;
	v17 =	vmax.bf16 @p1 v13, v19;
	p3 =	por !p6, !p1  }
0x7f: {  	s2 =	sand.u32 $0x40, s2;
	s20 =	sand.u32 $0xFFFFFF80, s24;
	v55 =	vld [tilespmem:s0+$0x4000];
	p6 =	seq.s32 s26, $0x1;
	v12 =	vpsel p3, v12, v15;
	v13 =	vpsel p3, v13, v17  }
0x80: {  	s29 =	sshra.s32 s25, $0x1;
	s28 =	sor.u32 s2, s20;
	v56 =	vld [tilespmem:s0+$0x4020];
	p3 =	por !p6, !p1;
	v17 =	vmax.bf16 @p1 v12, v20;
	v14 =	vmax.bf16 @p1 v13, v14  }
0x81: {  	s30 =	sand.u32 $0x40, s25;
	s2 =	sand.u32 $0xFFFFFF80, s29;
	v57 =	vld [tilespmem:s28+$0x4000];
	v12 =	vpsel p3, v12, v17;
	v13 =	vpsel p3, v13, v14  }
0x82: {  	v58 =	vld [tilespmem:s28+$0x4020];
	s31 =	sor.u32 s30, s2;
	v11 =	vpsel p1, v12, v11;
	v10 =	vpsel p1, v13, v10  }
0x83: {  	v61 =	vld [tilespmem:s31+$0x4000];
	v59 =	vmax.bf16 v11, v53;
	v60 =	vmax.bf16 v10, v54  }
0x84: {  	v62 =	vld [tilespmem:s31+$0x4020];
	v11 =	vpsel p5, v59, v11;
	v10 =	vpsel p5, v60, v10  }
0x85: {  	p3 =	por p0, p0;
	v15 =	vmax.bf16 v11, v55;
	v16 =	vmax.bf16 v10, v56  }
0x86: {  	v11 =	vpsel p3, v15, v11;
	v10 =	vpsel p3, v16, v10  }
0x87: {  	p5 =	por p2, p2;
	v14 =	vmax.bf16 v11, v57;
	v12 =	vmax.bf16 v10, v58  }
0x88: {  	v11 =	vpsel p5, v14, v11;
	v10 =	vpsel p5, v12, v10  }
0x89: {  	p6 =	por p4, p4;
	v63 =	vmax.bf16 v11, v61;
	v13 =	vmax.bf16 v10, v62  }
0x8a: {  	v11 =	vpsel p6, v63, v11;
	v10 =	vpsel p6, v13, v10  }
.LBB2_21:
0x8b: {  	s0 =	sshrl.u32 s19, $0x1;
	s2 =	sshll.u32 s19, $0x7  }
0x8c: {  	s2 =	sand.u32 $0x80, s2;
	s20 =	sand.u32 $0x1, s0;
	s0 =	sshll.u32 s0, $0x7  }
0x8d: {  	s0 =	sand.u32 $0xFFFFFF00, s0;
	s2 =	sor.u32 s2, s20  }
0x8e: {  	s0 =	sor.u32 s0, s2  }
0x8f: {  	s2 =	sshra.s32 s0, $0x1  }
0x90: {  	v12 =	vld [tilespmem:s2+$0x4000]  }
0x91: {  	s31 =	sld [smem:$0x7FC];
	_ =	sdelay $0x2  }
0x92: {  	p0 =	seq.s32 s31, $0x1  }
0x93: {  	s0 =	sor.u32 $0x40, s0;
	v11 =	vpsel p0, v11, v12  }
0x94: {  	s0 =	sshra.s32 s0, $0x1;
	[tilespmem:s2+$0x5000] =	vst v11  }
0x95: {  	v11 =	vld [tilespmem:s0+$0x4000];
	_ =	sdelay $0x3  }
0x96: {  	s19 =	sadd.s32 $0x1, s19  }
0x97: {  	v10 =	vpsel p0, v10, v11;
	p0 =	seq.s32 s19, s18  }
.Ltmp4:
0x98: {  	_ = 	snop;
	(pc) =	sbr.rel @p0 .LBB2_6-.Ltmp4, $2  }
0x99: {  	_ =	sdelay $0x2  }
0x9a: {  	[tilespmem:s0+$0x5000] =	vst v10  }
.LBB2_3:
0x9b: {  	s20 =	sshll.u32 s19, $0x9  }
0x9c: {  	s20 =	sshra.s32 s20, $0x2  }
0x9d: {  	v10 =	vld [tilespmem:s20+$0x0]  }
0x9e: {  	v11 =	vld [tilespmem:s20+$0x10]  }
0x9f: {  	v12 =	vld [tilespmem:s20+$0x20]  }
0xa0: {  	v13 =	vld [tilespmem:s20+$0x30]  }
0xa1: {  	v15 =	vld [tilespmem:s20+$0x50];
	_ =	sdelay $0x2  }
0xa2: {  	v14 =	vld [tilespmem:s20+$0x40];
	vm8 =	vlt.f32 v10, $0.0e+00;
	vm9 =	vgt.f32 v10, $0.0e+00  }
0xa3: {  	vm14 =	vlt.f32 v11, $0.0e+00;
	vm10 =	vgt.f32 v11, $0.0e+00;
	vm11 =	vgt.f32 v12, $0.0e+00  }
0xa4: {  	v10 =	vld [tilespmem:s20+$0x60];
	vm12 =	vlt.f32 v13, $0.0e+00;
	vm13 =	vgt.f32 v13, $0.0e+00;
	vm15 =	vgt.f32 v15, $0.0e+00  }
0xa5: {  	vm8 =	vmor vm9, vm8;
	vm9 =	vmor vm10, vm14;
	vm10 =	vlt.f32 v12, $0.0e+00  }
0xa6: {  	vm14 =	vlt.f32 v15, $0.0e+00;
	vm8 =	vmand vm7, vm8;
	vm10 =	vmor vm11, vm10  }
0xa7: {  	vm11 =	vmor vm13, vm12;
	vm12 =	vlt.f32 v14, $0.0e+00;
	vm13 =	vgt.f32 v14, $0.0e+00  }
0xa8: {  	vm9 =	vmand vm6, vm9;
	vm12 =	vmor vm13, vm12;
	vm13 =	vmor vm15, vm14  }
0xa9: {  	vm14 =	vlt.f32 v10, $0.0e+00;
	vm15 =	vgt.f32 v10, $0.0e+00;
	v10 =	vmpcnt.ones.xlane vm8  }
0xaa: {  	vm10 =	vmand vm5, vm10;
	v11 =	vmpcnt.ones.xlane vm9;
	vm11 =	vmand vm4, vm11  }
0xab: {  	vm12 =	vmand vm3, vm12;
	(v2sf) =	vpush v10, $0x0;
	v10 =	vmpcnt.ones.xlane vm10  }
0xac: {  	vm13 =	vmand vm2, vm13;
	(v2sf) =	vpush v11, $0x0;
	v11 =	vmpcnt.ones.xlane vm11  }
0xad: {  	vm14 =	vmor vm15, vm14;
	(v2sf) =	vpush v10, $0x0;
	v10 =	vmpcnt.ones.xlane vm12  }
0xae: {  	vm14 =	vmand vm1, vm14;
	(v2sf) =	vpush v11, $0x0;
	v11 =	vmpcnt.ones.xlane vm13  }
0xaf: {  	(v2sf) =	vpush v10, $0x0;
	v10 =	vmpcnt.ones.xlane vm14  }
0xb0: {  	(v2sf) =	vpush v11, $0x0  }
0xb1: {  	(v2sf) =	vpush v10, $0x0;
	_ =	sdelay $0x8  }
0xb2: {  	v10 =	vld [tilespmem:s20+$0x70];
	s23 =	spop (v2sf)  }
0xb3: {  	[tilespmem:s15+$0x0] =	vst.msk vm8, v0;
	s21 =	spop (v2sf)  }
0xb4: {  	[tilespmem:s23+$0x6000] =	vst.msk vm9, v7;
	s22 =	spop (v2sf);
	s20 =	sadd.s32 s23, s21  }
0xb5: {  	[tilespmem:s20+$0x6000] =	vst.msk vm10, v6;
	s24 =	spop (v2sf);
	s20 =	sadd.s32 s22, s20  }
0xb6: {  	s25 =	spop (v2sf);
	[tilespmem:s20+$0x6000] =	vst.msk vm11, v5;
	s20 =	sadd.s32 s24, s20  }
0xb7: {  	vm8 =	vlt.f32 v10, $0.0e+00;
	vm15 =	vgt.f32 v10, $0.0e+00;
	[tilespmem:s20+$0x6000] =	vst.msk vm12, v4;
	s26 =	spop (v2sf);
	s20 =	sadd.s32 s25, s20  }
0xb8: {  	vm8 =	vmor vm15, vm8;
	[tilespmem:s20+$0x6000] =	vst.msk vm13, v3;
	s28 =	spop (v2sf);
	s20 =	sadd.s32 s26, s20  }
0xb9: {  	vm8 =	vmand vm0, vm8;
	[tilespmem:s20+$0x6000] =	vst.msk vm14, v2;
	s20 =	sadd.s32 s28, s20  }
0xba: {  	v11 =	vmpcnt.ones.xlane vm8;
	[tilespmem:s20+$0x6000] =	vst.msk vm8, v1  }
0xbb: {  	v10 =	vld [tilespmem:$0x6000]  }
0xbc: {  	(v2sf) =	vpush v11, $0x0;
	_ =	sdelay $0x2  }
0xbd: {  	v11 =	vld [tilespmem:$0x6004]  }
0xbe: {  	(v2sf) =	vpush v10, $0x0  }
0xbf: {  	(v2sf) =	vpush v10, $0x1  }
0xc0: {  	(v2sf) =	vpush v10, $0x2  }
0xc1: {  	(v2sf) =	vpush v10, $0x3  }
0xc2: {  	(v2sf) =	vpush v11, $0x0;
	_ =	sdelay $0x1  }
0xc3: {  	(v2sf) =	vpush v11, $0x1;
	_ =	sdelay $0x2  }
0xc4: {  	v10 =	vld [tilespmem:$0x6008];
	(v2sf) =	vpush v11, $0x2;
	_ =	sdelay $0x1  }
0xc5: {  	s29 =	spop (v2sf);
	(v2sf) =	vpush v11, $0x3  }
0xc6: {  	s20 =	sadd.s32 s29, s20  }
0xc7: {  	p0 =	sgt.s32 s20, $0x0  }
0xc8: {  	p5 =	sgt.s32 s20, $0x1;
	p6 =	sgt.s32 s20, $0x2;
	p4 =	sgt.s32 s20, $0x3;
	(v2sf) =	vpush v10, $0x0  }
0xc9: {  	p3 =	sgt.s32 s20, $0x4;
	p1 =	sgt.s32 s20, $0x5;
	s22 =	spop (v2sf)  }
0xca: {  	p2 =	sgt.s32 s20, $0x7;
	s23 =	spop (v2sf);
	s22 =	simm.s32 @!p0 $0x0  }
0xcb: {  	s24 =	spop (v2sf);
	s22 =	sshll.u32 s22, $0x6;
	s23 =	simm.s32 @!p5 $0x0  }
0xcc: {  	s21 =	spop (v2sf);
	s29 =	sshra.s32 s22, $0x1;
	s22 =	sand.u32 $0x40, s22  }
0xcd: {  	s23 =	sshll.u32 s23, $0x6;
	s24 =	simm.s32 @!p6 $0x0;
	s25 =	spop (v2sf)  }
0xce: {  	s29 =	sand.u32 $0xFFFFFF80, s29;
	s30 =	sshra.s32 s23, $0x1;
	s23 =	sand.u32 $0x40, s23  }
0xcf: {  	s24 =	sshll.u32 s24, $0x6;
	s21 =	simm.s32 @!p4 $0x0;
	s26 =	spop (v2sf)  }
0xd0: {  	s22 =	sor.u32 s22, s29;
	s29 =	sand.u32 $0xFFFFFF80, s30;
	s31 =	sshra.s32 s24, $0x1  }
0xd1: {  	(v2sf) =	vpush v10, $0x1;
	s24 =	sand.u32 $0x40, s24;
	s21 =	sshll.u32 s21, $0x6;
	s25 =	simm.s32 @!p3 $0x0  }
0xd2: {  	s28 =	spop (v2sf);
	s23 =	sor.u32 s23, s29;
	s29 =	sand.u32 $0xFFFFFF80, s31  }
0xd3: {  	s0 =	sshra.s32 s21, $0x1;
	s21 =	sand.u32 $0x40, s21;
	s2 =	sshll.u32 s25, $0x6  }
0xd4: {  	(v2sf) =	vpush v10, $0x2;
	v11 =	vld [tilespmem:s22+$0x4000];
	s26 =	simm.s32 @!p1 $0x0;
	s30 =	spop (v2sf);
	s24 =	sor.u32 s24, s29  }
0xd5: {  	v39 =	vld [tilespmem:s22+$0x4020];
	s29 =	sand.u32 $0xFFFFFF80, s0;
	s0 =	simm.s32 @!p1 $0x0;
	s31 =	sshra.s32 s2, $0x1  }
0xd6: {  	v40 =	vld [tilespmem:s23+$0x4020];
	s22 =	sand.u32 $0x40, s2;
	s26 =	sshll.u32 s26, $0x6;
	s0 =	simm.s32 @p1 $0x1  }
0xd7: {  	s25 =	spop (v2sf);
	(v2sf) =	vpush v10, $0x3;
	v10 =	vld [tilespmem:s23+$0x4000];
	s21 =	sor.u32 s21, s29;
	s2 =	sshra.s32 s26, $0x1  }
0xd8: {  	v41 =	vld [tilespmem:s24+$0x4000];
	p1 =	sgt.s32 s20, $0x6;
	s26 =	sand.u32 $0x40, s26;
	s30 =	simm.s32 @!p2 $0x0  }
0xd9: {  	v42 =	vld [tilespmem:s24+$0x4020];
	[smem:$0x7FD] =	sst s0;
	s0 =	sand.u32 $0xFFFFFF80, s31;
	s23 =	sand.u32 $0xFFFFFF80, s2  }
0xda: {  	s28 =	simm.s32 @!p1 $0x0;
	v16 =	vld [tilespmem:s21+$0x4000];
	s31 =	sshll.u32 s30, $0x6;
	s22 =	sor.u32 s22, s0;
	v11 =	vmax.bf16 v11, v8;
	v12 =	vmax.bf16 v39, v8  }
0xdb: {  	v17 =	vld [tilespmem:s21+$0x4020];
	s28 =	sshll.u32 s28, $0x6;
	s0 =	simm.s32 @!p0 $0x0;
	s21 =	sor.u32 s26, s23;
	v11 =	vpsel !p0, $0xF14AF14A, v11;
	v12 =	vpsel !p0, $0xF14AF14A, v12  }
0xdc: {  	s2 =	sshra.s32 s31, $0x1;
	s0 =	simm.s32 @p0 $0x1;
	s26 =	sshra.s32 s28, $0x1;
	v18 =	vld [tilespmem:s22+$0x4000];
	v10 =	vmax.bf16 v11, v10;
	v13 =	vmax.bf16 v12, v40  }
0xdd: {  	s29 =	sand.u32 $0x40, s28;
	v43 =	vld [tilespmem:s22+$0x4020];
	s23 =	sand.u32 $0xFFFFFF80, s26;
	v10 =	vpsel p5, v10, v11;
	v11 =	vpsel p5, v13, v12;
	p5 =	sgt.s32 s20, $0x8  }
0xde: {  	v46 =	vld [tilespmem:s21+$0x4000];
	[smem:$0x7FC] =	sst s0;
	s0 =	sor.u32 s29, s23;
	v44 =	vmax.bf16 v10, v41;
	v45 =	vmax.bf16 v11, v42;
	s25 =	simm.s32 @!p5 $0x0  }
0xdf: {  	v47 =	vld [tilespmem:s21+$0x4020];
	s23 =	sand.u32 $0xFFFFFF80, s2;
	s29 =	sand.u32 $0x40, s31;
	v10 =	vpsel p6, v44, v10;
	v11 =	vpsel p6, v45, v11;
	s25 =	sshll.u32 s25, $0x6  }
0xe0: {  	v50 =	vld [tilespmem:s0+$0x4000];
	s21 =	sor.u32 s29, s23;
	s24 =	spop (v2sf);
	v48 =	vmax.bf16 v10, v16;
	v49 =	vmax.bf16 v11, v17;
	s30 =	sshra.s32 s25, $0x1  }
0xe1: {  	v51 =	vld [tilespmem:s0+$0x4020];
	p6 =	sgt.s32 s20, $0x9;
	v10 =	vpsel p4, v48, v10;
	v11 =	vpsel p4, v49, v11;
	s31 =	sand.u32 $0xFFFFFF80, s30;
	s30 =	sld [smem:$0x7FD]  }
0xe2: {  	v53 =	vld [tilespmem:s21+$0x4000];
	s24 =	simm.s32 @!p6 $0x0;
	s0 =	sand.u32 $0x40, s25;
	v52 =	vmax.bf16 v10, v18;
	v12 =	vmax.bf16 v11, v43  }
0xe3: {  	v54 =	vld [tilespmem:s21+$0x4020];
	s26 =	spop (v2sf);
	s24 =	sshll.u32 s24, $0x6;
	s22 =	sor.u32 s0, s31;
	v10 =	vpsel p3, v52, v10;
	v11 =	vpsel p3, v12, v11  }
0xe4: {  	p4 =	sgt.s32 s20, $0xA;
	s2 =	sshra.s32 s24, $0x1;
	v55 =	vld [tilespmem:s22+$0x4000];
	v15 =	vmax.bf16 v10, v46;
	v13 =	vmax.bf16 v11, v47;
	p0 =	seq.s32 s30, $0x1  }
0xe5: {  	s28 =	sand.u32 $0x40, s24;
	s26 =	simm.s32 @!p4 $0x0;
	s23 =	sand.u32 $0xFFFFFF80, s2;
	v56 =	vld [tilespmem:s22+$0x4020];
	v10 =	vpsel p0, v15, v10;
	v11 =	vpsel p0, v13, v11  }
0xe6: {  	s29 =	sshll.u32 s26, $0x6;
	p3 =	sgt.s32 s20, $0xB;
	s21 =	sor.u32 s28, s23;
	v15 =	vmax.bf16 v10, v50;
	v14 =	vmax.bf16 v11, v51  }
0xe7: {  	s31 =	sshra.s32 s29, $0x1;
	s0 =	sand.u32 $0x40, s29;
	s29 =	sadd.s32 $0x3, s20;
	v10 =	vpsel p1, v15, v10;
	v11 =	vpsel p1, v14, v11  }
0xe8: {  	v57 =	vld [tilespmem:s21+$0x4000];
	s22 =	sand.u32 $0xFFFFFF80, s31;
	s31 =	sshra.s32 s29, $0x1F;
	s25 =	spop (v2sf);
	v15 =	vmax.bf16 v10, v53;
	v12 =	vmax.bf16 v11, v54  }
0xe9: {  	v58 =	vld [tilespmem:s21+$0x4020];
	s30 =	sand.u32 $0x3, s29;
	s21 =	sshrl.u32 s31, $0x1E;
	s25 =	simm.s32 @!p3 $0x0;
	v10 =	vpsel p2, v15, v10;
	v11 =	vpsel p2, v12, v11  }
0xea: {  	s23 =	sor.u32 s0, s22;
	s21 =	sadd.s32 s21, s29;
	s2 =	sshll.u32 s25, $0x6;
	v15 =	vmax.bf16 v10, v55;
	v13 =	vmax.bf16 v11, v56  }
0xeb: {  	s25 =	sshra.s32 s2, $0x1;
	p2 =	slt.s32 s29, $0x1;
	v10 =	vpsel p5, v15, v10;
	v11 =	vpsel p5, v13, v11;
	p5 =	sne.s32 s30, $0x0  }
0xec: {  	v59 =	vld [tilespmem:s23+$0x4000];
	s26 =	sand.u32 $0x40, s2;
	s22 =	sand.u32 $0xFFFFFF80, s25;
	p0 =	por !p2, !p5  }
0xed: {  	v60 =	vld [tilespmem:s23+$0x4020];
	s28 =	sor.u32 s26, s22;
	s22 =	simm.s32 $0x1;
	p0 =	por !p0, !p0  }
0xee: {  	s21 =	sshra.s32 s21, $0x2;
	v61 =	vld [tilespmem:s28+$0x4000];
	s22 =	simm.s32 @!p0 $0x0  }
0xef: {  	v62 =	vld [tilespmem:s28+$0x4020];
	s22 =	ssub.s32 s21, s22  }
0xf0: {  	v15 =	vmax.bf16 v10, v57;
	v14 =	vmax.bf16 v11, v58;
	p1 =	slt.s32 s22, $0x4  }
.Ltmp5:
0xf1: {  	v10 =	vpsel p6, v15, v10;
	v11 =	vpsel p6, v14, v11;
	(pc) =	sbr.rel @p1 .LBB2_21-.Ltmp5, $4  }
0xf2: {  	v63 =	vmax.bf16 v10, v59;
	v12 =	vmax.bf16 v11, v60  }
0xf3: {  	v10 =	vpsel p4, v63, v10;
	v12 =	vpsel p4, v12, v11  }
0xf4: {  	v11 =	vmax.bf16 v10, v61;
	v13 =	vmax.bf16 v12, v62  }
0xf5: {  	v11 =	vpsel p3, v11, v10;
	v10 =	vpsel p3, v13, v12  }
0xf6: {  	s22 =	simm.s32 $0xFFFFFFFF  }
0xf7: {  	s22 =	simm.s32 @!p0 $0x0  }
0xf8: {  	s21 =	sadd.s32 s22, s21  }
0xf9: {  	s22 =	sadd.s32 $0xFFFFFFFD, s21  }
0xfa: {  	p0 =	sne.s32 s22, $0x1  }
.Ltmp6:
0xfb: {  	_ = 	snop;
	(pc) =	sbr.rel @!p0 .LBB2_5-.Ltmp6, $3  }
0xfc: {  	_ =	sdelay $0x1  }
0xfd: {  	s23 =	simm.s32 $0x600C  }
0xfe: {  	v12 =	vld [tilespmem:s23+$0x0];
	s21 =	simm.s32 $0xF;
	s22 =	sadd.s32 $0xFFFFFFFF, s22  }
0xff: {  	_ =	sdelay $0x1  }
0x100: {  	p0 =	sne.s32 s22, $0x1  }
.Ltmp7:
0x101: {  	_ = 	snop;
	(pc) =	sbr.rel @!p0 .LBB2_16-.Ltmp7, $4  }
0x102: {  	p1 =	por $0x1, $0x1;
	(v2sf) =	vpush v12, $0x3  }
0x103: {  	s0 =	simm.s32 @!p1 $0x0;
	(v2sf) =	vpush v12, $0x0  }
0x104: {  	s23 =	simm.s32 $0x6010;
	s0 =	simm.s32 @p1 $0x1;
	(v2sf) =	vpush v12, $0x2  }
0x105: {  	[smem:$0x7FB] =	sst s0;
	(v2sf) =	vpush v12, $0x1;
	v12 =	vld [tilespmem:s23+$0x0];
	s23 =	sadd.s32 $0xFFFFFFFF, s22  }
0x106: {  	_ =	sdelay $0x9  }
0x107: {  	p0 =	sne.s32 s23, $0x1  }
0x108: {  	s22 =	simm.s32 $0x6014;
	p4 =	sgt.s32 s20, $0xF;
	s24 =	spop (v2sf);
	(v2sf) =	vpush v12, $0x3  }
0x109: {  	p3 =	sgt.s32 s20, $0xC;
	p1 =	por $0x1, $0x1;
	s25 =	spop (v2sf);
	(v2sf) =	vpush v12, $0x0  }
0x10a: {  	p5 =	sgt.s32 s20, $0xE;
	s0 =	simm.s32 @!p1 $0x0;
	s26 =	spop (v2sf);
	(v2sf) =	vpush v12, $0x2  }
0x10b: {  	s0 =	simm.s32 @p1 $0x1;
	s25 =	simm.s32 @!p3 $0x0;
	s28 =	spop (v2sf);
	(v2sf) =	vpush v12, $0x1  }
0x10c: {  	p6 =	sgt.s32 s20, $0xD;
	[smem:$0x7FA] =	sst s0;
	s25 =	sshll.u32 s25, $0x6  }
0x10d: {  	s24 =	simm.s32 @!p4 $0x0;
	s29 =	sshra.s32 s25, $0x1;
	s28 =	simm.s32 @!p6 $0x0  }
.Ltmp8:
0x10e: {  	s25 =	sand.u32 $0x40, s25;
	s29 =	sand.u32 $0xFFFFFF80, s29;
	(pc) =	sbr.rel @!p0 .LBB2_18-.Ltmp8, $4  }
0x10f: {  	s26 =	simm.s32 @!p5 $0x0;
	s28 =	sshll.u32 s28, $0x6;
	s29 =	sor.u32 s25, s29  }
0x110: {  	v12 =	vld [tilespmem:s22+$0x0];
	s30 =	sshra.s32 s28, $0x1;
	s25 =	sshll.u32 s24, $0x6;
	s31 =	sand.u32 $0x40, s28  }
0x111: {  	s28 =	sshll.u32 s26, $0x6;
	s26 =	sadd.s32 $0xFFFFFFFF, s23;
	s2 =	sand.u32 $0xFFFFFF80, s30;
	v13 =	vld [tilespmem:s29+$0x4000]  }
0x112: {  	v14 =	vmov v11;
	v15 =	vmov v10;
	s23 =	simm.s32 $0xF;
	v16 =	vld [tilespmem:s29+$0x4020];
	s29 =	sshra.s32 s28, $0x1;
	s24 =	sor.u32 s31, s2  }
.LBB2_19:
0x113: {  	p0 =	sne.s32 s26, $0x1;
	s29 =	sand.u32 $0xFFFFFF80, s29;
	s28 =	sand.u32 $0x40, s28  }
0x114: {  	p1 =	por p5, p5;
	s23 =	sadd.s32 $0x4, s23;
	s31 =	sand.u32 $0x40, s25  }
0x115: {  	s0 =	simm.s32 @!p0 $0x0;
	s30 =	sor.u32 s28, s29;
	s28 =	sshra.s32 s25, $0x1  }
0x116: {  	s29 =	sadd.s32 $0xFFFFFFFF, s23;
	s2 =	sadd.s32 $0xFFFFFFFD, s23;
	s0 =	simm.s32 @p0 $0x1;
	v19 =	vld [tilespmem:s30+$0x4000]  }
0x117: {  	(v2sf) =	vpush v12, $0x3;
	p0 =	por p6, p6;
	s28 =	sand.u32 $0xFFFFFF80, s28;
	v20 =	vld [tilespmem:s30+$0x4020];
	s30 =	spop (v2sf)  }
0x118: {  	v17 =	vld [tilespmem:s24+$0x4000];
	(v2sf) =	vpush v12, $0x0;
	p5 =	slt.s32 s29, s20;
	[smem:$0x7F9] =	sst s0;
	s29 =	spop (v2sf)  }
0x119: {  	v18 =	vld [tilespmem:s24+$0x4020];
	v13 =	vmax.bf16 v14, v13;
	v16 =	vmax.bf16 v15, v16;
	(v2sf) =	vpush v12, $0x2;
	s0 =	sor.u32 s31, s28;
	s28 =	sadd.s32 $0xFFFFFFFE, s23;
	s24 =	spop (v2sf)  }
0x11a: {  	(v2sf) =	vpush v12, $0x1;
	v12 =	vpsel p3, v13, v14;
	v13 =	vpsel p3, v16, v15;
	p3 =	slt.s32 s2, s20;
	p6 =	slt.s32 s28, s20;
	s28 =	spop (v2sf)  }
0x11b: {  	s29 =	simm.s32 @!p3 $0x0;
	s28 =	simm.s32 @!p6 $0x0  }
0x11c: {  	s31 =	sshll.u32 s29, $0x6;
	s28 =	sshll.u32 s28, $0x6  }
0x11d: {  	v21 =	vld [tilespmem:s0+$0x4000];
	s29 =	sshra.s32 s31, $0x1;
	s25 =	sand.u32 $0x40, s31;
	s31 =	sshra.s32 s28, $0x1  }
0x11e: {  	v14 =	vld [tilespmem:s0+$0x4020];
	s24 =	simm.s32 @!p5 $0x0;
	s2 =	sand.u32 $0x40, s28;
	s0 =	sand.u32 $0xFFFFFF80, s31  }
0x11f: {  	s28 =	sshll.u32 s24, $0x6;
	s24 =	sor.u32 s2, s0;
	s0 =	sld [smem:$0x7F9]  }
0x120: {  	_ = 	snop  }
0x121: {  	v15 =	vmax.bf16 v12, v17;
	v16 =	vmax.bf16 v13, v18  }
0x122: {  	v12 =	vpsel p0, v15, v12;
	v13 =	vpsel p0, v16, v13;
	p0 =	seq.s32 s0, $0x1  }
.Ltmp9:
0x123: {  	_ = 	snop;
	(pc) =	sbr.rel @p0 .LBB2_19-.Ltmp9, $4  }
0x124: {  	s22 =	sadd.s32 $0x4, s22;
	v15 =	vmax.bf16 v12, v19;
	v16 =	vmax.bf16 v13, v20;
	s29 =	sand.u32 $0xFFFFFF80, s29  }
0x125: {  	p2 =	por p4, p4;
	p4 =	slt.s32 s23, s20;
	v15 =	vpsel p1, v15, v12;
	v16 =	vpsel p1, v16, v13;
	v12 =	vld [tilespmem:s22+$0x0];
	s29 =	sor.u32 s25, s29  }
0x126: {  	s30 =	simm.s32 @!p4 $0x0;
	v17 =	vmax.bf16 v15, v21;
	v18 =	vmax.bf16 v16, v14;
	v13 =	vld [tilespmem:s29+$0x4000]  }
0x127: {  	s26 =	sadd.s32 $0xFFFFFFFF, s26;
	s25 =	sshll.u32 s30, $0x6;
	v14 =	vpsel p2, v17, v15;
	v15 =	vpsel p2, v18, v16;
	v16 =	vld [tilespmem:s29+$0x4020];
	s29 =	sshra.s32 s28, $0x1  }
.Ltmp10:
0x128: {  	_ = 	snop;
	(pc) =	sbr.rel .LBB2_20-.Ltmp10, $1  }
0x129: {  	_ =	sdelay $0x3  }
.LBB2_16:
.Ltmp11:
0x12a: {  	(pc) =	sbr.rel .LBB2_20-.Ltmp11, $4  }
0x12b: {  	p0 =	por $0x0, $0x0  }
0x12c: {  	s0 =	simm.s32 @!p0 $0x0  }
0x12d: {  	s0 =	simm.s32 @p0 $0x1  }
0x12e: {  	s23 =	simm.s32 $0xF;
	v14 =	vmov v11;
	v15 =	vmov v10;
	[smem:$0x7FA] =	sst s0  }
.LBB2_18:
.Ltmp12:
0x12f: {  	(pc) =	sbr.rel .LBB2_20-.Ltmp12, $2  }
0x130: {  	_ =	sdelay $0x2  }
0x131: {  	s23 =	simm.s32 $0xF;
	v14 =	vmov v11;
	v15 =	vmov v10  }
.LBB2_6:
0x132: {  	p0 =	sgt.s32 s18, $0x7F  }
.Ltmp13:
0x133: {  	_ = 	snop;
	(pc) =	sbr.rel @p0 .LBB2_10-.Ltmp13, $1  }
0x134: {  	_ =	sdelay $0x3  }
.LBB2_7:
0x135: {  	p0 =	sne.s32 s18, $0x7F  }
.Ltmp14:
0x136: {  	_ = 	snop;
	(pc) =	sbr.rel @!p0 .LBB2_9-.Ltmp14, $4  }
0x137: {  	s19 =	sshll.u32 s18, $0x8;
	s0 =	sshll.u32 s18, $0x6  }
0x138: {  	s2 =	sand.u32 $0x100, s19;
	s0 =	sshra.s32 s0, $0x1  }
0x139: {  	s0 =	sand.u32 $0xFFFFFF80, s0;
	s2 =	sshrl.u32 s2, $0x2  }
0x13a: {  	s18 =	sadd.s32 $0x1, s18;
	s20 =	sor.u32 s2, s0  }
.LBB2_8:
0x13b: {  	p0 =	sne.s32 s18, $0x7F  }
0x13c: {  	[tilespmem:s20+$0x5000] =	vst v9;
	s19 =	sadd.s32 $0x100, s19;
	s0 =	smov.u32 s18;
	s18 =	sadd.s32 $0x1, s18  }
.Ltmp15:
0x13d: {  	[tilespmem:s20+$0x5020] =	vst v9;
	(pc) =	sbr.rel @p0 .LBB2_8-.Ltmp15, $4  }
0x13e: {  	s0 =	sshll.u32 s0, $0x6  }
0x13f: {  	s2 =	sand.u32 $0x100, s19;
	s0 =	sshra.s32 s0, $0x1  }
0x140: {  	s2 =	sshrl.u32 s2, $0x2;
	s0 =	sand.u32 $0xFFFFFF80, s0  }
0x141: {  	s20 =	sor.u32 s2, s0  }
.LBB2_9:
0x142: {  	[tilespmem:s20+$0x5000] =	vst v9  }
0x143: {  	[tilespmem:s20+$0x5020] =	vst v9  }
.LBB2_10:
0x144: {  	[hbm4b:s6+s1] =	stream.linear.scatter [tilespmem:s16], [sflag:$0x1], $0x1000, $0x38;
	[tilespmem:$0x6180] =	vst v63  }
0x145: {  	_ =	swait.ge [sflag:s12], $0x1000  }
0x146: {  	[sflag:s12] =	ssyncset.done $0x0  }
0x147: {  	[sflag:s12] =	ssyncadd.s32 $0xFFFFF000  }
0x148: {  	[tilespmem:s1], [sflag:$0x1] =	stream.linear.gather [hbm4b:s7+s1], $0x4000, $0x38;
	[tilespmem:$0x6180] =	vst v63  }
0x149: {  	_ =	swait.ge [sflag:s12], $0x4000  }
0x14a: {  	[sflag:s12] =	ssyncset.done $0x0  }
0x14b: {  	[sflag:s12] =	ssyncadd.s32 $0xFFFFC000  }
0x14c: {  	[tilespmem:s13], [sflag:$0x1] =	stream.linear.gather [hbm4b:s8+s1], $0x1000, $0x38;
	[tilespmem:$0x6180] =	vst v63  }
0x14d: {  	_ =	swait.ge [sflag:s12], $0x1000  }
0x14e: {  	[sflag:s12] =	ssyncset.done $0x0  }
0x14f: {  	[sflag:s12] =	ssyncadd.s32 $0xFFFFF000  }
0x150: {  	[tilespmem:s14], [sflag:$0x1] =	stream.linear.gather [hbm4b:s9+s1], $0x80, $0x38;
	[tilespmem:$0x6180] =	vst v63  }
0x151: {  	_ =	swait.ge [sflag:s12], $0x80  }
0x152: {  	[sflag:s12] =	ssyncset.done $0x0  }
0x153: {  	[sflag:s12] =	ssyncadd.s32 $0xFFFFFF80  }
0x154: {  	v10 =	vld [tilespmem:$0x6100];
	_ =	sdelay $0x4  }
0x155: {  	(v2sf) =	vpush v10, $0x0;
	_ =	sdelay $0xe  }
0x156: {  	s18 =	spop (v2sf)  }
0x157: {  	p0 =	slt.s32 s18, $0x1  }
.Ltmp16:
0x158: {  	_ = 	snop;
	(pc) =	sbr.rel @p0 .LBB2_23-.Ltmp16, $1  }
0x159: {  	_ =	sdelay $0x3  }
.Ltmp17:
0x15a: {  	v10 =	vbroadcast v10, $0x0;
	(pc) =	sbr.rel .LBB2_12-.Ltmp17, $4  }
0x15b: {  	_ = 	snop  }
0x15c: {  	vm0 =	vgt.s32 v10, v1;
	vm1 =	vgt.s32 v10, v2  }
0x15d: {  	vm2 =	vgt.s32 v10, v3;
	vm3 =	vgt.s32 v10, v4;
	vm4 =	vgt.s32 v10, v5  }
0x15e: {  	s19 =	simm.s32 $0x0;
	vm5 =	vgt.s32 v10, v6;
	vm6 =	vgt.s32 v10, v7;
	vm7 =	vgt.s32 v10, v0  }
.LBB2_14:
0x15f: {  	p0 =	por $0x0, $0x0  }
0x160: {  	s0 =	simm.s32 @!p0 $0x0  }
0x161: {  	s0 =	simm.s32 @p0 $0x1;
	p0 =	por $0x0, $0x0  }
0x162: {  	[smem:$0x7E9] =	sst s0;
	s0 =	simm.s32 @!p0 $0x0  }
0x163: {  	s0 =	simm.s32 @p0 $0x1  }
0x164: {  	s23 =	simm.s32 $0xF;
	v14 =	vmov v11;
	v15 =	vmov v10;
	[smem:$0x7EA] =	sst s0  }
.LBB2_33:
0x165: {  	s0 =	sld [smem:$0x7E9];
	_ =	sdelay $0x1  }
0x166: {  	s30 =	sld [smem:$0x7EA]  }
0x167: {  	p2 =	seq.s32 s0, $0x1  }
0x168: {  	s22 =	simm.s32 $0xF;
	s0 =	sadd.s32 @p2 $0x4, s23  }
0x169: {  	p1 =	seq.s32 s30, $0x1;
	s22 =	smov.u32 @p2 s0  }
0x16a: {  	s0 =	sadd.s32 @p1 $0xFFFFFFFD, s22  }
0x16b: {  	p0 =	slt.s32 @p1 s0, s20  }
0x16c: {  	s0 =	simm.s32 @!p0 $0x0  }
0x16d: {  	s0 =	simm.s32 @p0 $0x1  }
0x16e: {  	[smem:$0x7E2] =	sst s0  }
0x16f: {  	s31 =	sld [smem:$0x7E2];
	_ =	sdelay $0x2  }
0x170: {  	s2 =	spop @p1 (v2sf);
	p0 =	seq.s32 s31, $0x1  }
0x171: {  	s26 =	sadd.s32 @p1 $0xFFFFFFFE, s22;
	s0 =	spop @p1 (v2sf);
	p0 =	por !p0, !p1  }
0x172: {  	s0 =	simm.s32 @p0 $0x0;
	p0 =	slt.s32 @p1 s26, s20  }
0x173: {  	s26 =	simm.s32 @!p0 $0x0  }
0x174: {  	s26 =	simm.s32 @p0 $0x1;
	p0 =	slt.s32 @p1 s22, s20  }
0x175: {  	[smem:$0x7E1] =	sst s26;
	s26 =	simm.s32 @!p0 $0x0  }
0x176: {  	s26 =	simm.s32 @p0 $0x1  }
0x177: {  	[smem:$0x7DF] =	sst s26  }
0x178: {  	s23 =	sadd.s32 @p1 $0xFFFFFFFF, s22;
	s26 =	sld [smem:$0x7DF]  }
0x179: {  	p0 =	slt.s32 @p1 s23, s20  }
0x17a: {  	s23 =	simm.s32 @!p0 $0x0  }
0x17b: {  	s23 =	simm.s32 @p0 $0x1;
	p0 =	seq.s32 s26, $0x1;
	s26 =	sld [smem:$0x7E1]  }
0x17c: {  	p0 =	por !p0, !p1  }
0x17d: {  	[smem:$0x7E0] =	sst s23;
	s23 =	simm.s32 @!p0 $0x0  }
0x17e: {  	s23 =	simm.s32 @p0 $0x1;
	p0 =	seq.s32 s26, $0x1  }
0x17f: {  	[smem:$0x7DC] =	sst s23;
	p0 =	por !p0, !p1  }
0x180: {  	s23 =	simm.s32 @!p0 $0x0;
	s26 =	sld [smem:$0x7DC]  }
0x181: {  	s23 =	simm.s32 @p0 $0x1  }
0x182: {  	[smem:$0x7DD] =	sst s23  }
0x183: {  	p0 =	seq.s32 s26, $0x1;
	s26 =	sld [smem:$0x7DD]  }
0x184: {  	p4 =	por @p2 p4, p4  }
0x185: {  	p4 =	por !p4, !p2;
	s30 =	spop @p1 (v2sf);
	s22 =	sadd.s32 @p1 $0x4, s22  }
0x186: {  	s2 =	simm.s32 @p0 $0x0;
	p0 =	seq.s32 s26, $0x1;
	s26 =	sld [smem:$0x7E0]  }
0x187: {  	s31 =	spop @p1 (v2sf);
	s0 =	sshll.u32 @p1 s0, $0x6;
	s21 =	smov.u32 @p1 s22  }
0x188: {  	s22 =	sadd.s32 $0xFFFFFFFF, s21;
	s23 =	sand.u32 @p2 $0xFFFFFF80, s29;
	s2 =	sshll.u32 @p1 s2, $0x6  }
0x189: {  	s31 =	simm.s32 @p0 $0x0;
	p0 =	seq.s32 s26, $0x1;
	s26 =	sand.u32 @p2 $0x40, s28  }
0x18a: {  	s2 =	smov.u32 @p1 s2;
	p0 =	por !p0, !p1;
	s23 =	sor.u32 @p2 s26, s23  }
0x18b: {  	s26 =	sshra.s32 @p2 s25, $0x1;
	s25 =	sand.u32 @p2 $0x40, s25;
	s30 =	simm.s32 @p0 $0x0;
	v18 =	vld @p2 [tilespmem:s23+$0x4000]  }
0x18c: {  	s26 =	sand.u32 @p2 $0xFFFFFF80, s26;
	p0 =	por @p2 p5, p5;
	v19 =	vld @p2 [tilespmem:s23+$0x4020];
	s23 =	simm.s32 @!p4 $0x0  }
0x18d: {  	s28 =	simm.s32 @!p0 $0x0;
	s25 =	sor.u32 @p2 s25, s26;
	s26 =	sshra.s32 @p1 s0, $0x1  }
0x18e: {  	s0 =	sand.u32 @p1 $0x40, s0;
	s29 =	sshll.u32 @p1 s30, $0x6;
	s23 =	simm.s32 @p4 $0x1  }
0x18f: {  	s28 =	simm.s32 @p0 $0x1;
	p0 =	por @p2 p6, p6;
	[smem:$0x7E5] =	sst s23  }
0x190: {  	s26 =	sand.u32 @p1 $0xFFFFFF80, s26;
	[smem:$0x7DE] =	sst s28;
	p0 =	por !p0, !p2  }
0x191: {  	s28 =	sshll.u32 @p1 s31, $0x6;
	s0 =	sor.u32 @p1 s0, s26;
	s30 =	simm.s32 @!p0 $0x0  }
0x192: {  	s26 =	sshra.s32 @p1 s28, $0x1;
	s31 =	sld [smem:$0x7DE];
	s30 =	simm.s32 @p0 $0x1  }
0x193: {  	(v2sf) =	vpush v12, $0x3;
	s28 =	sand.u32 @p1 $0x40, s28;
	s26 =	sand.u32 @p1 $0xFFFFFF80, s26;
	[smem:$0x7E3] =	sst s30  }
0x194: {  	p5 =	por !p3, !p2;
	s26 =	sor.u32 @p1 s28, s26;
	s30 =	sld [smem:$0x7DF]  }
0x195: {  	(v2sf) =	vpush v12, $0x0;
	s28 =	sshra.s32 @p1 s29, $0x1;
	p6 =	seq.s32 s31, $0x1;
	s31 =	sld [smem:$0x7E0]  }
0x196: {  	v17 =	vld @p2 [tilespmem:s24+$0x4020];
	(v2sf) =	vpush v12, $0x2;
	s26 =	smov.u32 @p1 s26;
	s28 =	smov.u32 @p1 s28;
	p0 =	por !p6, !p2  }
0x197: {  	(v2sf) =	vpush v12, $0x1;
	v12 =	vld @p2 [tilespmem:s24+$0x4000];
	s24 =	simm.s32 @!p0 $0x0;
	p6 =	seq.s32 s30, $0x1;
	s30 =	sld [smem:$0x7E1]  }
0x198: {  	s24 =	simm.s32 @p0 $0x1;
	p3 =	seq.s32 s31, $0x1;
	s31 =	sld [smem:$0x7E2]  }
0x199: {  	s23 =	sand.u32 @p1 $0xFFFFFF80, s28;
	p6 =	por @!p1 p0, p0;
	[smem:$0x7E4] =	sst s24  }
0x19a: {  	s24 =	smov.u32 @p1 s29;
	p3 =	por @!p1 p0, p0;
	p6 =	por @p1 p6, p6  }
0x19b: {  	v13 =	vmax.bf16 @p2 v14, v13;
	v16 =	vmax.bf16 @p2 v15, v16;
	s29 =	sld [smem:$0x7E3];
	p0 =	seq.s32 s30, $0x1;
	s24 =	sand.u32 @p1 $0x40, s24  }
0x19c: {  	v13 =	vpsel p5, v14, v13;
	v14 =	vpsel p5, v15, v16;
	s28 =	simm.s32 @!p6 $0x0;
	p5 =	por @p1 p3, p3;
	s30 =	sld [smem:$0x7E4]  }
0x19d: {  	v20 =	vld @p2 [tilespmem:s25+$0x4000];
	p0 =	por @!p1 p0, p0;
	p4 =	seq.s32 s31, $0x1;
	s28 =	simm.s32 @p6 $0x1  }
0x19e: {  	v15 =	vld @p2 [tilespmem:s25+$0x4020];
	s25 =	simm.s32 @!p5 $0x0;
	s23 =	sor.u32 @p1 s24, s23;
	s24 =	sshra.s32 @p1 s2, $0x1  }
0x19f: {  	s2 =	sand.u32 @p1 $0x40, s2;
	s31 =	sadd.s32 $0xFFFFFFFD, s21;
	[smem:$0x7E7] =	sst s28  }
0x1a0: {  	s25 =	simm.s32 @p5 $0x1;
	p3 =	seq.s32 s29, $0x1;
	s29 =	sld [smem:$0x7E5]  }
0x1a1: {  	v12 =	vmax.bf16 @p2 v13, v12;
	v16 =	vmax.bf16 @p2 v14, v17;
	v17 =	vld @p1 [tilespmem:s0+$0x4020];
	p4 =	por @!p1 p0, p0;
	p6 =	por @p1 p0, p0;
	[smem:$0x7E6] =	sst s25  }
0x1a2: {  	v12 =	vpsel p3, v13, v12;
	v13 =	vld @p1 [tilespmem:s0+$0x4000];
	v14 =	vpsel p3, v14, v16;
	s0 =	sand.u32 @p1 $0xFFFFFF80, s24;
	p5 =	seq.s32 s30, $0x1;
	s24 =	spop (v2sf)  }
0x1a3: {  	s25 =	sadd.s32 $0xFFFFFFFE, s21;
	p3 =	por !p4, !p1;
	p4 =	slt.s32 s21, s20;
	v16 =	vmax.bf16 @p2 v12, v18;
	v18 =	vmax.bf16 @p2 v14, v19  }
0x1a4: {  	p6 =	por !p6, !p1;
	s28 =	spop (v2sf);
	v19 =	vld @p1 [tilespmem:s23+$0x4020];
	v12 =	vpsel p5, v12, v16;
	v14 =	vpsel p5, v14, v18;
	p5 =	slt.s32 s31, s20  }
0x1a5: {  	s0 =	sor.u32 @p1 s2, s0;
	v18 =	vld @p1 [tilespmem:s26+$0x4000];
	p0 =	seq.s32 s29, $0x1;
	v16 =	vmax.bf16 @p2 v12, v20;
	s28 =	simm.s32 @!p5 $0x0  }
0x1a6: {  	s24 =	simm.s32 @!p4 $0x0;
	s2 =	spop (v2sf);
	v15 =	vmax.bf16 @p2 v14, v15;
	v12 =	vpsel p0, v12, v16;
	v16 =	vld @p1 [tilespmem:s26+$0x4020];
	s30 =	sshll.u32 s28, $0x6  }
0x1a7: {  	v17 =	vpsel p1, v17, v0;
	v14 =	vpsel p0, v14, v15;
	v15 =	vld @p1 [tilespmem:s23+$0x4000];
	s23 =	spop (v2sf);
	p0 =	slt.s32 s25, s20;
	s25 =	sshll.u32 s24, $0x6  }
0x1a8: {  	v12 =	vpsel p2, v12, v11;
	v14 =	vpsel p2, v14, v10;
	v13 =	vpsel p1, v13, v0;
	s31 =	sshra.s32 s30, $0x1;
	s23 =	simm.s32 @!p0 $0x0;
	s28 =	sand.u32 $0x40, s30  }
0x1a9: {  	v20 =	vld @p1 [tilespmem:s0+$0x4000];
	p2 =	slt.s32 s22, s20;
	v13 =	vmax.bf16 @p1 v12, v13;
	v17 =	vmax.bf16 @p1 v14, v17;
	s26 =	sand.u32 $0xFFFFFF80, s31;
	s31 =	sld [smem:$0x7E6]  }
0x1aa: {  	s29 =	sshll.u32 s23, $0x6;
	s2 =	simm.s32 @!p2 $0x0;
	v12 =	vpsel p3, v12, v13;
	v13 =	vpsel p3, v14, v17;
	v14 =	vld @p1 [tilespmem:s0+$0x4020];
	s0 =	sor.u32 s28, s26  }
0x1ab: {  	s30 =	sshra.s32 s29, $0x1;
	s21 =	sand.u32 $0x40, s29;
	s26 =	sld [smem:$0x7E7];
	v17 =	vmax.bf16 @p1 v12, v18;
	v16 =	vmax.bf16 @p1 v13, v16  }
0x1ac: {  	s2 =	sshll.u32 s2, $0x6;
	v53 =	vld [tilespmem:s0+$0x4000];
	s20 =	sand.u32 $0xFFFFFF80, s30;
	v12 =	vpsel p6, v12, v17;
	v13 =	vpsel p6, v13, v16;
	p6 =	seq.s32 s31, $0x1  }
0x1ad: {  	v54 =	vld [tilespmem:s0+$0x4020];
	s23 =	sshra.s32 s2, $0x1;
	s21 =	sor.u32 s21, s20;
	v15 =	vmax.bf16 @p1 v12, v15;
	v17 =	vmax.bf16 @p1 v13, v19;
	p3 =	por !p6, !p1  }
0x1ae: {  	s2 =	sand.u32 $0x40, s2;
	s20 =	sand.u32 $0xFFFFFF80, s23;
	v55 =	vld [tilespmem:s21+$0x4000];
	p6 =	seq.s32 s26, $0x1;
	v12 =	vpsel p3, v12, v15;
	v13 =	vpsel p3, v13, v17  }
0x1af: {  	s29 =	sshra.s32 s25, $0x1;
	v56 =	vld [tilespmem:s21+$0x4020];
	s28 =	sor.u32 s2, s20;
	p3 =	por !p6, !p1;
	v17 =	vmax.bf16 @p1 v12, v20;
	v14 =	vmax.bf16 @p1 v13, v14  }
0x1b0: {  	s30 =	sand.u32 $0x40, s25;
	s2 =	sand.u32 $0xFFFFFF80, s29;
	v57 =	vld [tilespmem:s28+$0x4000];
	v12 =	vpsel p3, v12, v17;
	v13 =	vpsel p3, v13, v14  }
0x1b1: {  	v58 =	vld [tilespmem:s28+$0x4020];
	s31 =	sor.u32 s30, s2;
	v11 =	vpsel p1, v12, v11;
	v10 =	vpsel p1, v13, v10  }
0x1b2: {  	v61 =	vld [tilespmem:s31+$0x4000];
	v59 =	vmax.bf16 v11, v53;
	v60 =	vmax.bf16 v10, v54  }
0x1b3: {  	v62 =	vld [tilespmem:s31+$0x4020];
	v11 =	vpsel p5, v59, v11;
	v10 =	vpsel p5, v60, v10  }
0x1b4: {  	p3 =	por p0, p0;
	v15 =	vmax.bf16 v11, v55;
	v16 =	vmax.bf16 v10, v56  }
0x1b5: {  	v11 =	vpsel p3, v15, v11;
	v10 =	vpsel p3, v16, v10  }
0x1b6: {  	p5 =	por p2, p2;
	v14 =	vmax.bf16 v11, v57;
	v12 =	vmax.bf16 v10, v58  }
0x1b7: {  	v11 =	vpsel p5, v14, v11;
	v10 =	vpsel p5, v12, v10  }
0x1b8: {  	p6 =	por p4, p4;
	v63 =	vmax.bf16 v11, v61;
	v13 =	vmax.bf16 v10, v62  }
0x1b9: {  	v11 =	vpsel p6, v63, v11;
	v10 =	vpsel p6, v13, v10  }
.LBB2_34:
0x1ba: {  	s0 =	sshrl.u32 s19, $0x1;
	s2 =	sshll.u32 s19, $0x7  }
0x1bb: {  	s2 =	sand.u32 $0x80, s2;
	s20 =	sand.u32 $0x1, s0;
	s0 =	sshll.u32 s0, $0x7  }
0x1bc: {  	s0 =	sand.u32 $0xFFFFFF00, s0;
	s2 =	sor.u32 s2, s20  }
0x1bd: {  	s0 =	sor.u32 s0, s2  }
0x1be: {  	s2 =	sshra.s32 s0, $0x1  }
0x1bf: {  	v12 =	vld [tilespmem:s2+$0x4000]  }
0x1c0: {  	s31 =	sld [smem:$0x7EB];
	_ =	sdelay $0x2  }
0x1c1: {  	p0 =	seq.s32 s31, $0x1  }
0x1c2: {  	s0 =	sor.u32 $0x40, s0;
	v11 =	vpsel p0, v11, v12  }
0x1c3: {  	s0 =	sshra.s32 s0, $0x1;
	[tilespmem:s2+$0x5000] =	vst v11  }
0x1c4: {  	v11 =	vld [tilespmem:s0+$0x4000];
	_ =	sdelay $0x3  }
0x1c5: {  	s19 =	sadd.s32 $0x1, s19  }
0x1c6: {  	v10 =	vpsel p0, v10, v11;
	p0 =	seq.s32 s19, s18  }
.Ltmp18:
0x1c7: {  	_ = 	snop;
	(pc) =	sbr.rel @p0 .LBB2_22-.Ltmp18, $2  }
0x1c8: {  	_ =	sdelay $0x2  }
0x1c9: {  	[tilespmem:s0+$0x5000] =	vst v10  }
.LBB2_12:
0x1ca: {  	s0 =	sshll.u32 s19, $0x9  }
0x1cb: {  	s0 =	sshra.s32 s0, $0x2  }
0x1cc: {  	v10 =	vld [tilespmem:s0+$0x0]  }
0x1cd: {  	v11 =	vld [tilespmem:s0+$0x10]  }
0x1ce: {  	v12 =	vld [tilespmem:s0+$0x20]  }
0x1cf: {  	v13 =	vld [tilespmem:s0+$0x30]  }
0x1d0: {  	v15 =	vld [tilespmem:s0+$0x50];
	_ =	sdelay $0x2  }
0x1d1: {  	v14 =	vld [tilespmem:s0+$0x40];
	vm8 =	vlt.f32 v10, $0.0e+00;
	vm9 =	vgt.f32 v10, $0.0e+00  }
0x1d2: {  	vm14 =	vlt.f32 v11, $0.0e+00;
	vm10 =	vgt.f32 v11, $0.0e+00;
	vm11 =	vgt.f32 v12, $0.0e+00  }
0x1d3: {  	v10 =	vld [tilespmem:s0+$0x60];
	vm12 =	vlt.f32 v13, $0.0e+00;
	vm13 =	vgt.f32 v13, $0.0e+00;
	vm15 =	vgt.f32 v15, $0.0e+00  }
0x1d4: {  	vm8 =	vmor vm9, vm8;
	vm9 =	vmor vm10, vm14;
	vm10 =	vlt.f32 v12, $0.0e+00  }
0x1d5: {  	vm14 =	vlt.f32 v15, $0.0e+00;
	vm8 =	vmand vm7, vm8;
	vm10 =	vmor vm11, vm10  }
0x1d6: {  	vm11 =	vmor vm13, vm12;
	vm12 =	vlt.f32 v14, $0.0e+00;
	vm13 =	vgt.f32 v14, $0.0e+00  }
0x1d7: {  	vm9 =	vmand vm6, vm9;
	vm12 =	vmor vm13, vm12;
	vm13 =	vmor vm15, vm14  }
0x1d8: {  	vm14 =	vlt.f32 v10, $0.0e+00;
	vm15 =	vgt.f32 v10, $0.0e+00;
	v10 =	vmpcnt.ones.xlane vm8  }
0x1d9: {  	vm10 =	vmand vm5, vm10;
	v11 =	vmpcnt.ones.xlane vm9;
	vm11 =	vmand vm4, vm11  }
0x1da: {  	vm12 =	vmand vm3, vm12;
	(v2sf) =	vpush v10, $0x0;
	v10 =	vmpcnt.ones.xlane vm10  }
0x1db: {  	vm13 =	vmand vm2, vm13;
	(v2sf) =	vpush v11, $0x0;
	v11 =	vmpcnt.ones.xlane vm11  }
0x1dc: {  	vm14 =	vmor vm15, vm14;
	(v2sf) =	vpush v10, $0x0;
	v10 =	vmpcnt.ones.xlane vm12  }
0x1dd: {  	vm14 =	vmand vm1, vm14;
	(v2sf) =	vpush v11, $0x0;
	v11 =	vmpcnt.ones.xlane vm13  }
0x1de: {  	(v2sf) =	vpush v10, $0x0;
	v10 =	vmpcnt.ones.xlane vm14  }
0x1df: {  	(v2sf) =	vpush v11, $0x0  }
0x1e0: {  	(v2sf) =	vpush v10, $0x0;
	_ =	sdelay $0x8  }
0x1e1: {  	v10 =	vld [tilespmem:s0+$0x70];
	s21 =	spop (v2sf)  }
0x1e2: {  	[tilespmem:s15+$0x0] =	vst.msk vm8, v0;
	s2 =	spop (v2sf)  }
0x1e3: {  	[tilespmem:s21+$0x6000] =	vst.msk vm9, v7;
	s20 =	spop (v2sf);
	s0 =	sadd.s32 s21, s2  }
0x1e4: {  	[tilespmem:s0+$0x6000] =	vst.msk vm10, v6;
	s22 =	spop (v2sf);
	s0 =	sadd.s32 s20, s0  }
0x1e5: {  	s23 =	spop (v2sf);
	[tilespmem:s0+$0x6000] =	vst.msk vm11, v5;
	s0 =	sadd.s32 s22, s0  }
0x1e6: {  	vm8 =	vlt.f32 v10, $0.0e+00;
	vm15 =	vgt.f32 v10, $0.0e+00;
	[tilespmem:s0+$0x6000] =	vst.msk vm12, v4;
	s24 =	spop (v2sf);
	s0 =	sadd.s32 s23, s0  }
0x1e7: {  	vm8 =	vmor vm15, vm8;
	[tilespmem:s0+$0x6000] =	vst.msk vm13, v3;
	s25 =	spop (v2sf);
	s0 =	sadd.s32 s24, s0  }
0x1e8: {  	vm8 =	vmand vm0, vm8;
	[tilespmem:s0+$0x6000] =	vst.msk vm14, v2;
	s0 =	sadd.s32 s25, s0  }
0x1e9: {  	v11 =	vmpcnt.ones.xlane vm8;
	[tilespmem:s0+$0x6000] =	vst.msk vm8, v1  }
0x1ea: {  	v10 =	vld [tilespmem:$0x6000]  }
0x1eb: {  	(v2sf) =	vpush v11, $0x0;
	_ =	sdelay $0x2  }
0x1ec: {  	v11 =	vld [tilespmem:$0x6004]  }
0x1ed: {  	(v2sf) =	vpush v10, $0x0  }
0x1ee: {  	(v2sf) =	vpush v10, $0x1  }
0x1ef: {  	(v2sf) =	vpush v10, $0x2  }
0x1f0: {  	(v2sf) =	vpush v10, $0x3  }
0x1f1: {  	(v2sf) =	vpush v11, $0x0;
	_ =	sdelay $0x1  }
0x1f2: {  	(v2sf) =	vpush v11, $0x1;
	_ =	sdelay $0x1  }
0x1f3: {  	v10 =	vld [tilespmem:$0x6008]  }
0x1f4: {  	(v2sf) =	vpush v11, $0x2;
	_ =	sdelay $0x1  }
0x1f5: {  	s26 =	spop (v2sf);
	(v2sf) =	vpush v11, $0x3  }
0x1f6: {  	s20 =	sadd.s32 s26, s0  }
0x1f7: {  	p0 =	sgt.s32 s20, $0x0;
	(v2sf) =	vpush v10, $0x0  }
0x1f8: {  	p5 =	sgt.s32 s20, $0x1;
	p6 =	sgt.s32 s20, $0x2;
	p4 =	sgt.s32 s20, $0x3  }
0x1f9: {  	p3 =	sgt.s32 s20, $0x4;
	p1 =	sgt.s32 s20, $0x5;
	s21 =	spop (v2sf)  }
0x1fa: {  	p2 =	sgt.s32 s20, $0x7;
	s22 =	spop (v2sf);
	s21 =	simm.s32 @!p0 $0x0  }
0x1fb: {  	s23 =	spop (v2sf);
	s21 =	sshll.u32 s21, $0x6;
	s22 =	simm.s32 @!p5 $0x0  }
0x1fc: {  	s0 =	spop (v2sf);
	s26 =	sshra.s32 s21, $0x1;
	s21 =	sand.u32 $0x40, s21  }
0x1fd: {  	s22 =	sshll.u32 s22, $0x6;
	s23 =	simm.s32 @!p6 $0x0;
	s2 =	spop (v2sf)  }
0x1fe: {  	s26 =	sand.u32 $0xFFFFFF80, s26;
	s28 =	sshra.s32 s22, $0x1;
	s22 =	sand.u32 $0x40, s22  }
0x1ff: {  	s23 =	sshll.u32 s23, $0x6;
	s0 =	simm.s32 @!p4 $0x0;
	s24 =	spop (v2sf)  }
0x200: {  	s21 =	sor.u32 s21, s26;
	s26 =	sand.u32 $0xFFFFFF80, s28;
	s29 =	sshra.s32 s23, $0x1  }
0x201: {  	(v2sf) =	vpush v10, $0x1;
	s23 =	sand.u32 $0x40, s23;
	s0 =	sshll.u32 s0, $0x6;
	s2 =	simm.s32 @!p3 $0x0  }
0x202: {  	s25 =	spop (v2sf);
	s22 =	sor.u32 s22, s26;
	s26 =	sand.u32 $0xFFFFFF80, s29  }
0x203: {  	s30 =	sshra.s32 s0, $0x1;
	v11 =	vld [tilespmem:s21+$0x4000];
	s0 =	sand.u32 $0x40, s0;
	s2 =	sshll.u32 s2, $0x6  }
0x204: {  	(v2sf) =	vpush v10, $0x2;
	v39 =	vld [tilespmem:s21+$0x4020];
	s21 =	simm.s32 @!p1 $0x0;
	s24 =	simm.s32 @!p1 $0x0;
	s28 =	spop (v2sf)  }
0x205: {  	s23 =	sor.u32 s23, s26;
	s26 =	sand.u32 $0xFFFFFF80, s30;
	s21 =	simm.s32 @p1 $0x1;
	v40 =	vld [tilespmem:s22+$0x4020]  }
0x206: {  	s31 =	sshra.s32 s2, $0x1;
	[smem:$0x7EC] =	sst s21;
	s21 =	spop (v2sf);
	(v2sf) =	vpush v10, $0x3;
	v10 =	vld [tilespmem:s22+$0x4000]  }
0x207: {  	s2 =	sand.u32 $0x40, s2;
	s24 =	sshll.u32 s24, $0x6;
	p1 =	sgt.s32 s20, $0x6;
	v41 =	vld [tilespmem:s23+$0x4000]  }
0x208: {  	s0 =	sor.u32 s0, s26;
	s29 =	sand.u32 $0xFFFFFF80, s31;
	s30 =	sshra.s32 s24, $0x1;
	v42 =	vld [tilespmem:s23+$0x4020]  }
0x209: {  	s25 =	simm.s32 @!p1 $0x0;
	s24 =	sand.u32 $0x40, s24;
	s28 =	simm.s32 @!p2 $0x0;
	v16 =	vld [tilespmem:s0+$0x4000]  }
0x20a: {  	s2 =	sor.u32 s2, s29;
	s22 =	sand.u32 $0xFFFFFF80, s30;
	v17 =	vld [tilespmem:s0+$0x4020];
	s0 =	simm.s32 @!p0 $0x0;
	v11 =	vmax.bf16 v11, v8;
	v12 =	vmax.bf16 v39, v8  }
0x20b: {  	s25 =	sshll.u32 s25, $0x6;
	s26 =	sshll.u32 s28, $0x6;
	s0 =	simm.s32 @p0 $0x1;
	v11 =	vpsel !p0, $0xF14AF14A, v11;
	v12 =	vpsel !p0, $0xF14AF14A, v12  }
0x20c: {  	s31 =	sor.u32 s24, s22;
	s24 =	sshra.s32 s25, $0x1;
	v18 =	vld [tilespmem:s2+$0x4000];
	s25 =	sand.u32 $0x40, s25;
	v10 =	vmax.bf16 v11, v10;
	v13 =	vmax.bf16 v12, v40  }
0x20d: {  	v43 =	vld [tilespmem:s2+$0x4020];
	s29 =	sshra.s32 s26, $0x1;
	s30 =	sand.u32 $0x40, s26;
	v10 =	vpsel p5, v10, v11;
	v11 =	vpsel p5, v13, v12;
	p5 =	sgt.s32 s20, $0x8  }
0x20e: {  	[smem:$0x7EB] =	sst s0;
	s22 =	sand.u32 $0xFFFFFF80, s24;
	v46 =	vld [tilespmem:s31+$0x4000];
	v44 =	vmax.bf16 v10, v41;
	v45 =	vmax.bf16 v11, v42;
	s21 =	simm.s32 @!p5 $0x0  }
0x20f: {  	v47 =	vld [tilespmem:s31+$0x4020];
	s28 =	sor.u32 s25, s22;
	s22 =	sand.u32 $0xFFFFFF80, s29;
	v10 =	vpsel p6, v44, v10;
	v11 =	vpsel p6, v45, v11;
	s21 =	sshll.u32 s21, $0x6  }
0x210: {  	v50 =	vld [tilespmem:s28+$0x4000];
	s0 =	sor.u32 s30, s22;
	s23 =	spop (v2sf);
	v48 =	vmax.bf16 v10, v16;
	v49 =	vmax.bf16 v11, v17;
	s31 =	sshra.s32 s21, $0x1  }
0x211: {  	v51 =	vld [tilespmem:s28+$0x4020];
	p6 =	sgt.s32 s20, $0x9;
	v10 =	vpsel p4, v48, v10;
	v11 =	vpsel p4, v49, v11;
	s22 =	sand.u32 $0xFFFFFF80, s31;
	s31 =	sld [smem:$0x7EC]  }
0x212: {  	v53 =	vld [tilespmem:s0+$0x4000];
	s23 =	simm.s32 @!p6 $0x0;
	s21 =	sand.u32 $0x40, s21;
	v52 =	vmax.bf16 v10, v18;
	v12 =	vmax.bf16 v11, v43  }
0x213: {  	v54 =	vld [tilespmem:s0+$0x4020];
	s24 =	spop (v2sf);
	s25 =	sshll.u32 s23, $0x6;
	s2 =	sor.u32 s21, s22;
	v10 =	vpsel p3, v52, v10;
	v11 =	vpsel p3, v12, v11  }
0x214: {  	p4 =	sgt.s32 s20, $0xA;
	s26 =	sshra.s32 s25, $0x1;
	v55 =	vld [tilespmem:s2+$0x4000];
	v15 =	vmax.bf16 v10, v46;
	v13 =	vmax.bf16 v11, v47;
	p0 =	seq.s32 s31, $0x1  }
0x215: {  	s29 =	sand.u32 $0x40, s25;
	s24 =	simm.s32 @!p4 $0x0;
	s28 =	sand.u32 $0xFFFFFF80, s26;
	v56 =	vld [tilespmem:s2+$0x4020];
	v10 =	vpsel p0, v15, v10;
	v11 =	vpsel p0, v13, v11  }
0x216: {  	s30 =	sshll.u32 s24, $0x6;
	p3 =	sgt.s32 s20, $0xB;
	s0 =	sor.u32 s29, s28;
	v15 =	vmax.bf16 v10, v50;
	v14 =	vmax.bf16 v11, v51  }
0x217: {  	s21 =	sshra.s32 s30, $0x1;
	s22 =	sand.u32 $0x40, s30;
	s29 =	sadd.s32 $0x3, s20;
	v10 =	vpsel p1, v15, v10;
	v11 =	vpsel p1, v14, v11  }
0x218: {  	v57 =	vld [tilespmem:s0+$0x4000];
	s2 =	sand.u32 $0xFFFFFF80, s21;
	s31 =	sshra.s32 s29, $0x1F;
	s23 =	spop (v2sf);
	v15 =	vmax.bf16 v10, v53;
	v12 =	vmax.bf16 v11, v54  }
0x219: {  	v58 =	vld [tilespmem:s0+$0x4020];
	s30 =	sand.u32 $0x3, s29;
	s0 =	sshrl.u32 s31, $0x1E;
	s23 =	simm.s32 @!p3 $0x0;
	v10 =	vpsel p2, v15, v10;
	v11 =	vpsel p2, v12, v11  }
0x21a: {  	s24 =	sor.u32 s22, s2;
	s0 =	sadd.s32 s0, s29;
	s23 =	sshll.u32 s23, $0x6;
	v15 =	vmax.bf16 v10, v55;
	v13 =	vmax.bf16 v11, v56  }
0x21b: {  	s25 =	sshra.s32 s23, $0x1;
	p2 =	slt.s32 s29, $0x1;
	v10 =	vpsel p5, v15, v10;
	v11 =	vpsel p5, v13, v11;
	p5 =	sne.s32 s30, $0x0  }
0x21c: {  	v59 =	vld [tilespmem:s24+$0x4000];
	s26 =	sand.u32 $0x40, s23;
	s2 =	sand.u32 $0xFFFFFF80, s25;
	p0 =	por !p2, !p5  }
0x21d: {  	v60 =	vld [tilespmem:s24+$0x4020];
	s28 =	sor.u32 s26, s2;
	s2 =	simm.s32 $0x1;
	p0 =	por !p0, !p0  }
0x21e: {  	s21 =	sshra.s32 s0, $0x2;
	v61 =	vld [tilespmem:s28+$0x4000];
	s2 =	simm.s32 @!p0 $0x0  }
0x21f: {  	v62 =	vld [tilespmem:s28+$0x4020];
	s0 =	ssub.s32 s21, s2  }
0x220: {  	v15 =	vmax.bf16 v10, v57;
	v14 =	vmax.bf16 v11, v58;
	p1 =	slt.s32 s0, $0x4  }
.Ltmp19:
0x221: {  	v10 =	vpsel p6, v15, v10;
	v11 =	vpsel p6, v14, v11;
	(pc) =	sbr.rel @p1 .LBB2_34-.Ltmp19, $4  }
0x222: {  	v63 =	vmax.bf16 v10, v59;
	v12 =	vmax.bf16 v11, v60  }
0x223: {  	v10 =	vpsel p4, v63, v10;
	v12 =	vpsel p4, v12, v11  }
0x224: {  	v11 =	vmax.bf16 v10, v61;
	v13 =	vmax.bf16 v12, v62  }
0x225: {  	v11 =	vpsel p3, v11, v10;
	v10 =	vpsel p3, v13, v12  }
0x226: {  	s0 =	simm.s32 $0xFFFFFFFF  }
0x227: {  	s0 =	simm.s32 @!p0 $0x0  }
0x228: {  	s0 =	sadd.s32 s0, s21  }
0x229: {  	s0 =	sadd.s32 $0xFFFFFFFD, s0  }
0x22a: {  	p0 =	sne.s32 s0, $0x1  }
.Ltmp20:
0x22b: {  	_ = 	snop;
	(pc) =	sbr.rel @!p0 .LBB2_14-.Ltmp20, $3  }
0x22c: {  	_ =	sdelay $0x1  }
0x22d: {  	s2 =	simm.s32 $0x600C  }
0x22e: {  	v12 =	vld [tilespmem:s2+$0x0];
	s21 =	simm.s32 $0xF;
	s22 =	sadd.s32 $0xFFFFFFFF, s0  }
0x22f: {  	_ =	sdelay $0x3  }
0x230: {  	p0 =	sne.s32 s22, $0x1;
	(v2sf) =	vpush v12, $0x3  }
.Ltmp21:
0x231: {  	(v2sf) =	vpush v12, $0x0;
	(pc) =	sbr.rel @!p0 .LBB2_29-.Ltmp21, $4  }
0x232: {  	s0 =	simm.s32 $0x6010;
	p1 =	por $0x1, $0x1;
	(v2sf) =	vpush v12, $0x2  }
0x233: {  	(v2sf) =	vpush v12, $0x1;
	v12 =	vld [tilespmem:s0+$0x0];
	s0 =	simm.s32 @!p1 $0x0  }
0x234: {  	s0 =	simm.s32 @p1 $0x1  }
0x235: {  	s23 =	sadd.s32 $0xFFFFFFFF, s22;
	[smem:$0x7EA] =	sst s0  }
0x236: {  	_ =	sdelay $0x8  }
0x237: {  	s0 =	spop (v2sf);
	(v2sf) =	vpush v12, $0x3  }
0x238: {  	p0 =	sne.s32 s23, $0x1;
	s22 =	simm.s32 $0x6014;
	p4 =	sgt.s32 s20, $0xF  }
0x239: {  	p3 =	sgt.s32 s20, $0xC;
	p5 =	sgt.s32 s20, $0xE;
	s2 =	spop (v2sf)  }
0x23a: {  	p6 =	sgt.s32 s20, $0xD;
	p1 =	por $0x1, $0x1;
	(v2sf) =	vpush v12, $0x0;
	s2 =	simm.s32 @!p3 $0x0  }
0x23b: {  	s0 =	simm.s32 @!p4 $0x0;
	s24 =	spop (v2sf);
	s2 =	sshll.u32 s2, $0x6  }
0x23c: {  	s25 =	spop (v2sf);
	s24 =	simm.s32 @!p5 $0x0;
	s26 =	sshra.s32 s2, $0x1  }
0x23d: {  	(v2sf) =	vpush v12, $0x2;
	s25 =	simm.s32 @!p6 $0x0;
	s2 =	sand.u32 $0x40, s2;
	s26 =	sand.u32 $0xFFFFFF80, s26  }
.Ltmp22:
0x23e: {  	(v2sf) =	vpush v12, $0x1;
	s28 =	sshll.u32 s25, $0x6;
	s25 =	sshll.u32 s0, $0x6;
	(pc) =	sbr.rel @!p0 .LBB2_31-.Ltmp22, $4  }
0x23f: {  	s0 =	simm.s32 @!p1 $0x0;
	s2 =	sor.u32 s2, s26;
	s30 =	sshra.s32 s28, $0x1  }
0x240: {  	v12 =	vld [tilespmem:s22+$0x0];
	s29 =	sand.u32 $0x40, s28;
	s28 =	sshll.u32 s24, $0x6;
	s26 =	sadd.s32 $0xFFFFFFFF, s23  }
0x241: {  	s0 =	simm.s32 @p1 $0x1;
	s23 =	simm.s32 $0xF;
	s31 =	sand.u32 $0xFFFFFF80, s30;
	v13 =	vld [tilespmem:s2+$0x4000]  }
0x242: {  	v14 =	vmov v11;
	v15 =	vmov v10;
	v16 =	vld [tilespmem:s2+$0x4020];
	[smem:$0x7E9] =	sst s0;
	s24 =	sor.u32 s29, s31;
	s29 =	sshra.s32 s28, $0x1  }
.LBB2_32:
0x243: {  	p0 =	sne.s32 s26, $0x1;
	s31 =	sand.u32 $0xFFFFFF80, s29;
	s2 =	sand.u32 $0x40, s28  }
0x244: {  	p2 =	por p4, p4;
	p1 =	por p5, p5;
	s0 =	simm.s32 @!p0 $0x0  }
0x245: {  	s30 =	sshra.s32 s25, $0x1;
	s23 =	sadd.s32 $0x4, s23;
	s0 =	simm.s32 @p0 $0x1  }
0x246: {  	v17 =	vld [tilespmem:s24+$0x4000];
	s28 =	spop (v2sf);
	p0 =	por p6, p6;
	[smem:$0x7E8] =	sst s0  }
0x247: {  	v18 =	vld [tilespmem:s24+$0x4020];
	(v2sf) =	vpush v12, $0x3;
	s0 =	sor.u32 s2, s31;
	s2 =	sand.u32 $0xFFFFFF80, s30;
	s31 =	sand.u32 $0x40, s25  }
0x248: {  	(v2sf) =	vpush v12, $0x0;
	s25 =	sadd.s32 $0xFFFFFFFF, s23;
	s30 =	sadd.s32 $0xFFFFFFFD, s23;
	s24 =	sor.u32 s31, s2  }
0x249: {  	v13 =	vmax.bf16 v14, v13;
	v16 =	vmax.bf16 v15, v16;
	(v2sf) =	vpush v12, $0x2;
	v19 =	vld [tilespmem:s0+$0x4000];
	s31 =	sadd.s32 $0xFFFFFFFE, s23;
	p5 =	slt.s32 s25, s20;
	s25 =	spop (v2sf)  }
0x24a: {  	(v2sf) =	vpush v12, $0x1;
	v12 =	vpsel p3, v13, v14;
	v13 =	vpsel p3, v16, v15;
	v20 =	vld [tilespmem:s0+$0x4020];
	p3 =	slt.s32 s30, s20;
	p6 =	slt.s32 s31, s20;
	s31 =	sld [smem:$0x7E8]  }
0x24b: {  	s22 =	sadd.s32 $0x4, s22;
	p4 =	slt.s32 s23, s20;
	v21 =	vld [tilespmem:s24+$0x4000];
	s25 =	simm.s32 @!p3 $0x0  }
0x24c: {  	s28 =	simm.s32 @!p4 $0x0;
	v14 =	vld [tilespmem:s24+$0x4020];
	s0 =	spop (v2sf);
	v15 =	vmax.bf16 v12, v17;
	v16 =	vmax.bf16 v13, v18;
	s30 =	sshll.u32 s25, $0x6  }
0x24d: {  	s24 =	spop (v2sf);
	v12 =	vpsel p0, v15, v12;
	v13 =	vpsel p0, v16, v13;
	s0 =	simm.s32 @!p5 $0x0;
	p0 =	seq.s32 s31, $0x1  }
.Ltmp23:
0x24e: {  	s25 =	sshra.s32 s30, $0x1;
	s24 =	simm.s32 @!p6 $0x0;
	(pc) =	sbr.rel @p0 .LBB2_32-.Ltmp23, $4  }
0x24f: {  	s2 =	sand.u32 $0x40, s30;
	s25 =	sand.u32 $0xFFFFFF80, s25;
	s24 =	sshll.u32 s24, $0x6;
	v15 =	vmax.bf16 v12, v19;
	v16 =	vmax.bf16 v13, v20  }
0x250: {  	s2 =	sor.u32 s2, s25;
	s29 =	sshra.s32 s24, $0x1;
	s25 =	sshll.u32 s28, $0x6;
	v15 =	vpsel p1, v15, v12;
	v16 =	vpsel p1, v16, v13;
	v12 =	vld [tilespmem:s22+$0x0]  }
0x251: {  	s24 =	sand.u32 $0x40, s24;
	s28 =	sshll.u32 s0, $0x6;
	v13 =	vld [tilespmem:s2+$0x4000];
	s29 =	sand.u32 $0xFFFFFF80, s29;
	v17 =	vmax.bf16 v15, v21;
	v18 =	vmax.bf16 v16, v14  }
0x252: {  	s26 =	sadd.s32 $0xFFFFFFFF, s26;
	s24 =	sor.u32 s24, s29;
	s29 =	sshra.s32 s28, $0x1;
	v14 =	vpsel p2, v17, v15;
	v15 =	vpsel p2, v18, v16;
	v16 =	vld [tilespmem:s2+$0x4020]  }
.Ltmp24:
0x253: {  	_ = 	snop;
	(pc) =	sbr.rel .LBB2_33-.Ltmp24, $1  }
0x254: {  	_ =	sdelay $0x3  }
.LBB2_29:
.Ltmp25:
0x255: {  	(pc) =	sbr.rel .LBB2_33-.Ltmp25, $4  }
0x256: {  	p0 =	por $0x0, $0x0  }
0x257: {  	s0 =	simm.s32 @!p0 $0x0  }
0x258: {  	s0 =	simm.s32 @p0 $0x1  }
0x259: {  	s23 =	simm.s32 $0xF;
	v14 =	vmov v11;
	v15 =	vmov v10;
	[smem:$0x7E9] =	sst s0  }
.LBB2_31:
.Ltmp26:
0x25a: {  	(pc) =	sbr.rel .LBB2_33-.Ltmp26, $2  }
0x25b: {  	_ =	sdelay $0x2  }
0x25c: {  	s23 =	simm.s32 $0xF;
	v14 =	vmov v11;
	v15 =	vmov v10  }
.LBB2_22:
0x25d: {  	p0 =	sgt.s32 s18, $0x7F  }
.Ltmp27:
0x25e: {  	_ = 	snop;
	(pc) =	sbr.rel @p0 .LBB2_26-.Ltmp27, $1  }
0x25f: {  	_ =	sdelay $0x3  }
.LBB2_23:
0x260: {  	p0 =	sne.s32 s18, $0x7F  }
.Ltmp28:
0x261: {  	_ = 	snop;
	(pc) =	sbr.rel @!p0 .LBB2_25-.Ltmp28, $4  }
0x262: {  	s19 =	sshll.u32 s18, $0x8;
	s0 =	sshll.u32 s18, $0x6  }
0x263: {  	s2 =	sand.u32 $0x100, s19;
	s0 =	sshra.s32 s0, $0x1  }
0x264: {  	s0 =	sand.u32 $0xFFFFFF80, s0;
	s2 =	sshrl.u32 s2, $0x2  }
0x265: {  	s18 =	sadd.s32 $0x1, s18;
	s20 =	sor.u32 s2, s0  }
.LBB2_24:
0x266: {  	p0 =	sne.s32 s18, $0x7F  }
0x267: {  	[tilespmem:s20+$0x5000] =	vst v9;
	s19 =	sadd.s32 $0x100, s19;
	s0 =	smov.u32 s18;
	s18 =	sadd.s32 $0x1, s18  }
.Ltmp29:
0x268: {  	[tilespmem:s20+$0x5020] =	vst v9;
	(pc) =	sbr.rel @p0 .LBB2_24-.Ltmp29, $4  }
0x269: {  	s0 =	sshll.u32 s0, $0x6  }
0x26a: {  	s2 =	sand.u32 $0x100, s19;
	s0 =	sshra.s32 s0, $0x1  }
0x26b: {  	s2 =	sshrl.u32 s2, $0x2;
	s0 =	sand.u32 $0xFFFFFF80, s0  }
0x26c: {  	s20 =	sor.u32 s2, s0  }
.Ltmp30:
0x26d: {  	_ = 	snop;
	(pc) =	sbr.rel .LBB2_25-.Ltmp30, $1  }
0x26e: {  	_ =	sdelay $0x3  }
.LBB2_27:
0x26f: {  	_ =	sfence.sel $0x180000  }
0x270: {  	[bflag:$0x0] =	sbarrier.arrive $0xFFFF  }
0x271: {  	_ =	strace $0x90000047  }
0x272: {  	s0 =	stileid.u32;
	[bflag:$0x2] =	sbarrier.arrive $0xFFFF  }
0x273: {  	p0 =	sne.s32 s0, $0x0;
	s0 =	rddreg [dreg:$0x3]  }
0x274: {  	s0 =	sadd.s32 @!p0 $0x100000, s0  }
0x275: {  	[sflag:s0] =	ssyncadd.tile.s32 @!p0 $0x1;
	_ =	shalt  }
.Lfunc_end2:
_tile_overlayer_lowered:
.L_overlay_start_2:
0x276: {  	(tag) =	ssettag $0x2  }
0x277: {  	s0 =	rddreg [dreg:$0x0];
	s2 =	stileid.u32  }
0x278: {  	s1 =	rddreg [dreg:$0x1];
	p0 =	sne.s32 s2, $0x0  }
0x279: {  	s3 =	rddreg [dreg:$0x2];
	[bflag:$0x3] =	sbarrier.arrive $0xFFFF;
	s2 =	simm.s32 @!p0 $0x1C01  }
0x27a: {  	[timem:s3], [sflag:s2] =	dma.local @!p0 [hbm:s0], s1  }
0x27b: {  	s0 =	simm.s32 @!p0 $0x1  }
0x27c: {  	_ =	swait.ge @!p0 [sflag:s0], s1  }
0x27d: {  	s1 =	ssub.s32 @!p0 $0x0, s1;
	[sflag:s0] =	ssyncset.done @!p0 $0x0  }
0x27e: {  	[sflag:s0] =	ssyncadd.s32 @!p0 s1  }
0x27f: {  	[bflag:$0x3] =	sbarrier.arrive $0xFFFF  }
0x280: {  	_ =	shalt  }

</sc_bundles>
